<compile_context>
chip_gen: v7x
topology: tpu7x:2x2x1
jax: 0.10.2.dev20260603
libtpu: 0.0.44.dev20260713+nightly
codegen_flags: <defaults>
</compile_context>

<pallas_src>
import functools

import jax
import jax.numpy as jnp
from jax import lax
from jax.experimental import pallas as pl
from jax.experimental.pallas import tpu as pltpu
from jax.experimental.pallas import tpu_sc as plsc

LANES = 16
DIM = 64
N1 = 128
N2 = 80
NPAD = N1 + N2
NCHUNK = NPAD // LANES


def _build_sc_call(B):
    info = plsc.get_sparse_core_info()
    NC, NS = info.num_cores, info.num_subcores
    NW = NC * NS
    assert B % NW == 0
    bpw = B // NW

    mesh = plsc.VectorSubcoreMesh(core_axis_name="c", subcore_axis_name="s")

    @functools.partial(
        pl.kernel,
        out_type=jax.ShapeDtypeStruct((B, DIM), jnp.float32),
        mesh=mesh,
        compiler_params=pltpu.CompilerParams(use_tc_tiling_on_sc=False,
                                             needs_layout_passes=False),
        scratch_types=[
            pltpu.VMEM((bpw * NPAD,), jnp.int32),
            pltpu.VMEM((bpw * NPAD,), jnp.int32),
            pltpu.VMEM((2, N1, DIM), jnp.float32),
            pltpu.VMEM((2, N2, DIM), jnp.float32),
            pltpu.VMEM((2, LANES), jnp.float32),
            pltpu.VMEM((bpw, DIM), jnp.float32),
            pltpu.SemaphoreType.DMA((2,)),
            pltpu.SemaphoreType.DMA((2,)),
        ],
    )
    def sc_embed(ids_hbm, mask_hbm, table_hbm, out_hbm,
                 ids_v, mask_v, rows1, rows2, denom_v, out_v, sem1, sem2):
        wid = lax.axis_index("s") * NC + lax.axis_index("c")
        flat0 = wid * (bpw * NPAD)
        pltpu.sync_copy(ids_hbm.at[pl.ds(flat0, bpw * NPAD)], ids_v)
        pltpu.sync_copy(mask_hbm.at[pl.ds(flat0, bpw * NPAD)], mask_v)

        def prep(b, slot):
            base = b * NPAD
            cnt = jnp.zeros((LANES,), jnp.int32)
            for j in range(NCHUNK):
                cnt = cnt + mask_v[pl.ds(base + j * LANES, LANES)]
            total = jnp.sum(cnt).astype(jnp.float32)
            denom_v[slot, :] = jnp.maximum(
                jnp.broadcast_to(total, (LANES,)), 1.0)
            pltpu.async_copy(table_hbm.at[ids_v.at[pl.ds(base, N1)]],
                             rows1.at[slot], sem1.at[slot])
            pltpu.async_copy(table_hbm.at[ids_v.at[pl.ds(base + N1, N2)]],
                             rows2.at[slot], sem2.at[slot])

        def accum(b, slot):
            base = b * NPAD
            pltpu.make_async_copy(table_hbm.at[ids_v.at[pl.ds(base, N1)]],
                                  rows1.at[slot], sem1.at[slot]).wait()
            pltpu.make_async_copy(
                table_hbm.at[ids_v.at[pl.ds(base + N1, N2)]],
                rows2.at[slot], sem2.at[slot]).wait()

            def group_body(rows_ref, off):
                def body(g, acc):
                    mf = mask_v[pl.ds(base + off + g * LANES, LANES)].astype(
                        jnp.float32)
                    i0 = g * LANES
                    for r in range(LANES):
                        m = jnp.broadcast_to(mf[r], (LANES,))
                        acc = tuple(
                            acc[j]
                            + rows_ref[slot, i0 + r, pl.ds(j * LANES, LANES)]
                            * m
                            for j in range(DIM // LANES))
                    return acc
                return body

            zeros = tuple(jnp.zeros((LANES,), jnp.float32)
                          for _ in range(DIM // LANES))
            acc = lax.fori_loop(0, N1 // LANES, group_body(rows1, 0), zeros)
            acc = lax.fori_loop(0, N2 // LANES, group_body(rows2, N1), acc)
            d = denom_v[slot, :]
            for j in range(DIM // LANES):
                out_v[b, pl.ds(j * LANES, LANES)] = acc[j] / d

        prep(0, 0)

        def pair_body(k, _):
            prep(2 * k + 1, 1)
            accum(2 * k, 0)

            @pl.when(k < bpw // 2 - 1)
            def _():
                prep(2 * k + 2, 0)

            accum(2 * k + 1, 1)
            return _

        lax.fori_loop(0, bpw // 2, pair_body, None)
        pltpu.sync_copy(out_v, out_hbm.at[pl.ds(wid * bpw, bpw)])

    return sc_embed


def kernel(input_ids, attention_mask, table):
    B, L = input_ids.shape
    V = table.shape[0]
    pad = NPAD - L
    dummy = (jnp.arange(B, dtype=jnp.int32)[:, None] * pad
             + jnp.arange(pad, dtype=jnp.int32)[None, :]) % V
    ids_flat = jnp.concatenate(
        [input_ids.astype(jnp.int32), dummy], axis=1).reshape(-1)
    mask_flat = jnp.pad(attention_mask.astype(jnp.int32),
                        ((0, 0), (0, pad))).reshape(-1)
    sc = _build_sc_call(B)
    return sc(ids_flat, mask_flat, table)

# --- scband reference (transcript-rebuilt; emitter-appended) ---
"""Pipeline reference for scband-text-embedder-30477087933047 (READ-ONLY COPY).

The authoritative reference and input builder live on the scoring server;
editing this copy changes nothing except your own understanding.
"""

import jax, jax.numpy as jnp
import numpy as np

VOCAB = 1000000
DIM = 64
B = 4096
L = 200
PAD = 0


def setup_inputs(seed: int = 0) -> dict:
    key = jax.random.key(seed)
    k1, k2, k3 = jax.random.split(key, 3)
    input_ids = jax.random.randint(k1, (B, L), 0, VOCAB, dtype=jnp.int64 if jax.config.read('jax_enable_x64') else jnp.int32)
    attention_mask = jax.random.randint(k2, (B, L), 0, 2, dtype=jnp.int32)
    table = jax.random.normal(k3, (VOCAB, DIM), dtype=jnp.float32)
    # nn.Embedding with padding_idx zeros that row
    table = table.at[PAD].set(0.0)
    return {"input_ids": input_ids, "attention_mask": attention_mask, "table": table}


def reference(input_ids, attention_mask, table):
    # embedding lookup
    token_embeddings = jnp.take(table, input_ids, axis=0)  # (B, L, DIM)
    # masked mean pooling over sequence dimension
    mask = attention_mask[..., None].astype(jnp.float32)  # (B, L, 1)
    masked_embeddings = token_embeddings * mask
    denom = jnp.clip(jnp.sum(mask, axis=1), 1.0, None)  # (B, 1)
    sentence_embedding = jnp.sum(masked_embeddings, axis=1) / denom
    sentence_embedding = jnp.nan_to_num(sentence_embedding, nan=0.0)
    return sentence_embedding

if __name__ == "__main__":
    import jax
    _d = setup_inputs()
    print(jax.jit(kernel)(*tuple(_d.values())))

</pallas_src>

<mosaic_0001>
#map = affine_map<(d0, d1) -> (0)>
#map1 = affine_map<(d0, d1) -> (0, 0)>
module attributes {stable_mosaic.version = 14 : i64} {
  func.func @sc_embed(%arg0: i32, %arg1: i32, %arg2: memref<851968xi32, #tpu.memory_space<hbm>>, %arg3: memref<851968xi32, #tpu.memory_space<hbm>>, %arg4: memref<1000000x64xf32, #tpu.memory_space<hbm>>, %arg5: memref<4096x64xf32, #tpu.memory_space<hbm>>, %arg6: memref<26624xi32, #tpu.memory_space<vmem>>, %arg7: memref<26624xi32, #tpu.memory_space<vmem>>, %arg8: memref<2x128x64xf32, #tpu.memory_space<vmem>>, %arg9: memref<2x80x64xf32, #tpu.memory_space<vmem>>, %arg10: memref<2x16xf32, #tpu.memory_space<vmem>>, %arg11: memref<128x64xf32, #tpu.memory_space<vmem>>, %arg12: memref<2x!tpu.dma_semaphore, #tpu.memory_space<semaphore_mem>>, %arg13: memref<2x!tpu.dma_semaphore, #tpu.memory_space<semaphore_mem>>) attributes {dimension_semantics = [#tpu.dimension_semantics<core_parallel>, #tpu.dimension_semantics<subcore_parallel>], iteration_bounds = array<i64: 2, 16>, scalar_prefetch = 0 : i64, scratch_operands = 8 : i64, tpu.core_type = #tpu.core_type<sc_vector_subcore>, window_params = [{transform_indices = #map}, {transform_indices = #map}, {transform_indices = #map1}, {transform_indices = #map1}]} {
    %mul3A = arith.constant 2 : i32
    %mul3A_0 = arith.muli %arg1, %mul3A : i32
    %add3A = arith.addi %mul3A_0, %arg0 : i32
    %mul3A_1 = arith.constant 26624 : i32
    %mul3A_2 = arith.muli %add3A, %mul3A_1 : i32
    "tpu.region"() ({
      %run_scoped3A = tpu.sem_alloc : memref<!tpu.dma_semaphore, #tpu.memory_space<semaphore_mem>>
      %dma_start3A_82 = tpu.memref_slice %arg2[%mul3A_2] : memref<851968xi32, #tpu.memory_space<hbm>> -> memref<26624xi32, #tpu.memory_space<hbm>>
      %dma_start3A_83 = tpu.memref_slice %arg2[%mul3A_2] : memref<851968xi32, #tpu.memory_space<hbm>> -> memref<26624xi32, #tpu.memory_space<hbm>>
      tpu.enqueue_dma source(%dma_start3A_83 : memref<26624xi32, #tpu.memory_space<hbm>>) target(%arg6 : memref<26624xi32, #tpu.memory_space<vmem>>) target_semaphore(%run_scoped3A : memref<!tpu.dma_semaphore, #tpu.memory_space<semaphore_mem>>)
      %dma_wait3A = tpu.memref_slice %arg2[%mul3A_2] : memref<851968xi32, #tpu.memory_space<hbm>> -> memref<26624xi32, #tpu.memory_space<hbm>>
      %dma_wait3A_84 = tpu.memref_slice %arg2[%mul3A_2] : memref<851968xi32, #tpu.memory_space<hbm>> -> memref<26624xi32, #tpu.memory_space<hbm>>
      tpu.wait_dma2 semaphore(%run_scoped3A : memref<!tpu.dma_semaphore, #tpu.memory_space<semaphore_mem>>) src(%dma_wait3A_84 : memref<26624xi32, #tpu.memory_space<hbm>>) dst(%arg6 : memref<26624xi32, #tpu.memory_space<vmem>>)
      tpu.yield
    }) : () -> ()
    "tpu.region"() ({
      %run_scoped3A = tpu.sem_alloc : memref<!tpu.dma_semaphore, #tpu.memory_space<semaphore_mem>>
      %dma_start3A_82 = tpu.memref_slice %arg3[%mul3A_2] : memref<851968xi32, #tpu.memory_space<hbm>> -> memref<26624xi32, #tpu.memory_space<hbm>>
      %dma_start3A_83 = tpu.memref_slice %arg3[%mul3A_2] : memref<851968xi32, #tpu.memory_space<hbm>> -> memref<26624xi32, #tpu.memory_space<hbm>>
      tpu.enqueue_dma source(%dma_start3A_83 : memref<26624xi32, #tpu.memory_space<hbm>>) target(%arg7 : memref<26624xi32, #tpu.memory_space<vmem>>) target_semaphore(%run_scoped3A : memref<!tpu.dma_semaphore, #tpu.memory_space<semaphore_mem>>)
      %dma_wait3A = tpu.memref_slice %arg3[%mul3A_2] : memref<851968xi32, #tpu.memory_space<hbm>> -> memref<26624xi32, #tpu.memory_space<hbm>>
      %dma_wait3A_84 = tpu.memref_slice %arg3[%mul3A_2] : memref<851968xi32, #tpu.memory_space<hbm>> -> memref<26624xi32, #tpu.memory_space<hbm>>
      tpu.wait_dma2 semaphore(%run_scoped3A : memref<!tpu.dma_semaphore, #tpu.memory_space<semaphore_mem>>) src(%dma_wait3A_84 : memref<26624xi32, #tpu.memory_space<hbm>>) dst(%arg7 : memref<26624xi32, #tpu.memory_space<vmem>>)
      tpu.yield
    }) : () -> ()
    %broadcast_in_dim3A = arith.constant 0 : i32
    %broadcast_in_dim3A_3 = vector.broadcast %broadcast_in_dim3A : i32 to vector<16xi32>
    %get3A = arith.constant 0 : index
    %get3A_4 = tpu.vector_load %arg7[%get3A] {strides = array<i32>} : memref<26624xi32, #tpu.memory_space<vmem>>, vector<16xi32>,
    %add3A_5 = arith.addi %broadcast_in_dim3A_3, %get3A_4 : vector<16xi32>
    %get3A_6 = arith.constant 16 : index
    %get3A_7 = tpu.vector_load %arg7[%get3A_6] {strides = array<i32>} : memref<26624xi32, #tpu.memory_space<vmem>>, vector<16xi32>,
    %add3A_8 = arith.addi %add3A_5, %get3A_7 : vector<16xi32>
    %get3A_9 = arith.constant 32 : index
    %get3A_10 = tpu.vector_load %arg7[%get3A_9] {strides = array<i32>} : memref<26624xi32, #tpu.memory_space<vmem>>, vector<16xi32>,
    %add3A_11 = arith.addi %add3A_8, %get3A_10 : vector<16xi32>
    %get3A_12 = arith.constant 48 : index
    %get3A_13 = tpu.vector_load %arg7[%get3A_12] {strides = array<i32>} : memref<26624xi32, #tpu.memory_space<vmem>>, vector<16xi32>,
    %add3A_14 = arith.addi %add3A_11, %get3A_13 : vector<16xi32>
    %get3A_15 = arith.constant 64 : index
    %get3A_16 = tpu.vector_load %arg7[%get3A_15] {strides = array<i32>} : memref<26624xi32, #tpu.memory_space<vmem>>, vector<16xi32>,
    %add3A_17 = arith.addi %add3A_14, %get3A_16 : vector<16xi32>
    %get3A_18 = arith.constant 80 : index
    %get3A_19 = tpu.vector_load %arg7[%get3A_18] {strides = array<i32>} : memref<26624xi32, #tpu.memory_space<vmem>>, vector<16xi32>,
    %add3A_20 = arith.addi %add3A_17, %get3A_19 : vector<16xi32>
    %get3A_21 = arith.constant 96 : index
    %get3A_22 = tpu.vector_load %arg7[%get3A_21] {strides = array<i32>} : memref<26624xi32, #tpu.memory_space<vmem>>, vector<16xi32>,
    %add3A_23 = arith.addi %add3A_20, %get3A_22 : vector<16xi32>
    %get3A_24 = arith.constant 112 : index
    %get3A_25 = tpu.vector_load %arg7[%get3A_24] {strides = array<i32>} : memref<26624xi32, #tpu.memory_space<vmem>>, vector<16xi32>,
    %add3A_26 = arith.addi %add3A_23, %get3A_25 : vector<16xi32>
    %get3A_27 = arith.constant 128 : index
    %get3A_28 = tpu.vector_load %arg7[%get3A_27] {strides = array<i32>} : memref<26624xi32, #tpu.memory_space<vmem>>, vector<16xi32>,
    %add3A_29 = arith.addi %add3A_26, %get3A_28 : vector<16xi32>
    %get3A_30 = arith.constant 144 : index
    %get3A_31 = tpu.vector_load %arg7[%get3A_30] {strides = array<i32>} : memref<26624xi32, #tpu.memory_space<vmem>>, vector<16xi32>,
    %add3A_32 = arith.addi %add3A_29, %get3A_31 : vector<16xi32>
    %get3A_33 = arith.constant 160 : index
    %get3A_34 = tpu.vector_load %arg7[%get3A_33] {strides = array<i32>} : memref<26624xi32, #tpu.memory_space<vmem>>, vector<16xi32>,
    %add3A_35 = arith.addi %add3A_32, %get3A_34 : vector<16xi32>
    %get3A_36 = arith.constant 176 : index
    %get3A_37 = tpu.vector_load %arg7[%get3A_36] {strides = array<i32>} : memref<26624xi32, #tpu.memory_space<vmem>>, vector<16xi32>,
    %add3A_38 = arith.addi %add3A_35, %get3A_37 : vector<16xi32>
    %get3A_39 = arith.constant 192 : index
    %get3A_40 = tpu.vector_load %arg7[%get3A_39] {strides = array<i32>} : memref<26624xi32, #tpu.memory_space<vmem>>, vector<16xi32>,
    %add3A_41 = arith.addi %add3A_38, %get3A_40 : vector<16xi32>
    %reduce_sum3A = arith.constant true
    %reduce_sum3A_42 = vector.broadcast %reduce_sum3A : i1 to vector<16xi1>
    %reduce_sum3A_43 = tpu.scan <sum>, %add3A_41 masked %reduce_sum3A_42 : vector<16xi32>, vector<16xi1> -> vector<16xi32>
    %reduce_sum3A_44 = vector.extract %reduce_sum3A_43[15] : i32 from vector<16xi32>
    %convert_element_type3A = arith.sitofp %reduce_sum3A_44 : i32 to f32
    %broadcast_in_dim3A_45 = vector.broadcast %convert_element_type3A : f32 to vector<16xf32>
    %max3A = arith.constant 1.000000e+00 : f32
    %max3A_46 = vector.broadcast %max3A : f32 to vector<16xf32>
    %max3A_47 = arith.maximumf %broadcast_in_dim3A_45, %max3A_46 : vector<16xf32>
    %swap3A = arith.constant 0 : i32
    %swap3A_48 = arith.index_cast %swap3A : i32 to index
    %swap3A_49 = arith.constant 0 : index
    %swap3A_50 = tpu.vector_load %arg10[%swap3A_48, %swap3A_49] {strides = array<i32>} : memref<2x16xf32, #tpu.memory_space<vmem>>, vector<16xf32>,
    tpu.vector_store %arg10[%swap3A_48, %swap3A_49], %max3A_47 {strides = array<i32>} : memref<2x16xf32, #tpu.memory_space<vmem>>, vector<16xf32>,
    %dma_start3A = arith.constant 0 : i32
    %dma_start3A_51 = arith.constant 0 : i32
    %dma_start3A_52 = arith.constant 0 : i32
    %dma_start3A_53 = arith.constant 0 : i32
    %dma_start3A_54 = tpu.memref_slice %arg8[%dma_start3A, %dma_start3A_52, %dma_start3A_53] : memref<2x128x64xf32, #tpu.memory_space<vmem>> -> memref<1x128x64xf32, #tpu.memory_space<vmem>>
    %dma_start3A_55 = tpu.memref_squeeze %dma_start3A_54 : memref<1x128x64xf32, #tpu.memory_space<vmem>> -> memref<128x64xf32, #tpu.memory_space<vmem>>
    %dma_start3A_56 = arith.constant 0 : i32
    %dma_start3A_57 = tpu.memref_slice %arg6[%dma_start3A_56] : memref<26624xi32, #tpu.memory_space<vmem>> -> memref<128xi32, #tpu.memory_space<vmem>>
    %dma_start3A_58 = arith.constant 0 : i32
    %dma_start3A_59 = arith.constant 0 : i32
    %dma_start3A_60 = tpu.memref_slice %arg4[%dma_start3A_58, %dma_start3A_59] : memref<1000000x64xf32, #tpu.memory_space<hbm>> -> memref<1000000x64xf32, #tpu.memory_space<hbm>>
    %dma_start3A_61 = tpu.memref_slice %arg12[%dma_start3A_51] : memref<2x!tpu.dma_semaphore, #tpu.memory_space<semaphore_mem>> -> memref<1x!tpu.dma_semaphore, #tpu.memory_space<semaphore_mem>>
    %dma_start3A_62 = tpu.memref_squeeze %dma_start3A_61 : memref<1x!tpu.dma_semaphore, #tpu.memory_space<semaphore_mem>> -> memref<!tpu.dma_semaphore, #tpu.memory_space<semaphore_mem>>
    tpu.enqueue_indirect_dma source(%dma_start3A_60 : memref<1000000x64xf32, #tpu.memory_space<hbm>>) target(%dma_start3A_55 : memref<128x64xf32, #tpu.memory_space<vmem>>) offsets(%dma_start3A_57 : memref<128xi32, #tpu.memory_space<vmem>>) semaphore(%dma_start3A_62 : memref<!tpu.dma_semaphore, #tpu.memory_space<semaphore_mem>>)
    %dma_start3A_63 = arith.constant 0 : i32
    %dma_start3A_64 = arith.constant 0 : i32
    %dma_start3A_65 = arith.constant 0 : i32
    %dma_start3A_66 = arith.constant 0 : i32
    %dma_start3A_67 = tpu.memref_slice %arg9[%dma_start3A_63, %dma_start3A_65, %dma_start3A_66] : memref<2x80x64xf32, #tpu.memory_space<vmem>> -> memref<1x80x64xf32, #tpu.memory_space<vmem>>
    %dma_start3A_68 = tpu.memref_squeeze %dma_start3A_67 : memref<1x80x64xf32, #tpu.memory_space<vmem>> -> memref<80x64xf32, #tpu.memory_space<vmem>>
    %dma_start3A_69 = arith.constant 128 : i32
    %dma_start3A_70 = tpu.memref_slice %arg6[%dma_start3A_69] : memref<26624xi32, #tpu.memory_space<vmem>> -> memref<80xi32, #tpu.memory_space<vmem>>
    %dma_start3A_71 = arith.constant 0 : i32
    %dma_start3A_72 = arith.constant 0 : i32
    %dma_start3A_73 = tpu.memref_slice %arg4[%dma_start3A_71, %dma_start3A_72] : memref<1000000x64xf32, #tpu.memory_space<hbm>> -> memref<1000000x64xf32, #tpu.memory_space<hbm>>
    %dma_start3A_74 = tpu.memref_slice %arg13[%dma_start3A_64] : memref<2x!tpu.dma_semaphore, #tpu.memory_space<semaphore_mem>> -> memref<1x!tpu.dma_semaphore, #tpu.memory_space<semaphore_mem>>
    %dma_start3A_75 = tpu.memref_squeeze %dma_start3A_74 : memref<1x!tpu.dma_semaphore, #tpu.memory_space<semaphore_mem>> -> memref<!tpu.dma_semaphore, #tpu.memory_space<semaphore_mem>>
    tpu.enqueue_indirect_dma source(%dma_start3A_73 : memref<1000000x64xf32, #tpu.memory_space<hbm>>) target(%dma_start3A_68 : memref<80x64xf32, #tpu.memory_space<vmem>>) offsets(%dma_start3A_70 : memref<80xi32, #tpu.memory_space<vmem>>) semaphore(%dma_start3A_75 : memref<!tpu.dma_semaphore, #tpu.memory_space<semaphore_mem>>)
    %scan3A = arith.constant 0 : i32
    %scan3A_76 = arith.constant 64 : i32
    %scan3A_77 = arith.addi %scan3A, %scan3A_76 : i32
    %scan3A_78 = arith.constant 1 : i32
    scf.for %scan3A_82 = %scan3A to %scan3A_77 step %scan3A_78  : i32 {
      %mul3A_83 = arith.constant 2 : i32
      %mul3A_84 = arith.muli %mul3A_83, %scan3A_82 : i32
      %add3A_85 = arith.constant 1 : i32
      %add3A_86 = arith.addi %mul3A_84, %add3A_85 : i32
      %mul3A_87 = arith.constant 208 : i32
      %mul3A_88 = arith.muli %add3A_86, %mul3A_87 : i32
      %broadcast_in_dim3A_89 = arith.constant 0 : i32
      %broadcast_in_dim3A_90 = vector.broadcast %broadcast_in_dim3A_89 : i32 to vector<16xi32>
      %add3A_91 = arith.constant 0 : i32
      %add3A_92 = arith.addi %mul3A_88, %add3A_91 : i32
      %get3A_93 = arith.index_cast %add3A_92 : i32 to index
      %get3A_94 = tpu.vector_load %arg7[%get3A_93] {strides = array<i32>} : memref<26624xi32, #tpu.memory_space<vmem>>, vector<16xi32>,
      %add3A_95 = arith.addi %broadcast_in_dim3A_90, %get3A_94 : vector<16xi32>
      %add3A_96 = arith.constant 16 : i32
      %add3A_97 = arith.addi %mul3A_88, %add3A_96 : i32
      %get3A_98 = arith.index_cast %add3A_97 : i32 to index
      %get3A_99 = tpu.vector_load %arg7[%get3A_98] {strides = array<i32>} : memref<26624xi32, #tpu.memory_space<vmem>>, vector<16xi32>,
      %add3A_100 = arith.addi %add3A_95, %get3A_99 : vector<16xi32>
      %add3A_101 = arith.constant 32 : i32
      %add3A_102 = arith.addi %mul3A_88, %add3A_101 : i32
      %get3A_103 = arith.index_cast %add3A_102 : i32 to index
      %get3A_104 = tpu.vector_load %arg7[%get3A_103] {strides = array<i32>} : memref<26624xi32, #tpu.memory_space<vmem>>, vector<16xi32>,
      %add3A_105 = arith.addi %add3A_100, %get3A_104 : vector<16xi32>
      %add3A_106 = arith.constant 48 : i32
      %add3A_107 = arith.addi %mul3A_88, %add3A_106 : i32
      %get3A_108 = arith.index_cast %add3A_107 : i32 to index
      %get3A_109 = tpu.vector_load %arg7[%get3A_108] {strides = array<i32>} : memref<26624xi32, #tpu.memory_space<vmem>>, vector<16xi32>,
      %add3A_110 = arith.addi %add3A_105, %get3A_109 : vector<16xi32>
      %add3A_111 = arith.constant 64 : i32
      %add3A_112 = arith.addi %mul3A_88, %add3A_111 : i32
      %get3A_113 = arith.index_cast %add3A_112 : i32 to index
      %get3A_114 = tpu.vector_load %arg7[%get3A_113] {strides = array<i32>} : memref<26624xi32, #tpu.memory_space<vmem>>, vector<16xi32>,
      %add3A_115 = arith.addi %add3A_110, %get3A_114 : vector<16xi32>
      %add3A_116 = arith.constant 80 : i32
      %add3A_117 = arith.addi %mul3A_88, %add3A_116 : i32
      %get3A_118 = arith.index_cast %add3A_117 : i32 to index
      %get3A_119 = tpu.vector_load %arg7[%get3A_118] {strides = array<i32>} : memref<26624xi32, #tpu.memory_space<vmem>>, vector<16xi32>,
      %add3A_120 = arith.addi %add3A_115, %get3A_119 : vector<16xi32>
      %add3A_121 = arith.constant 96 : i32
      %add3A_122 = arith.addi %mul3A_88, %add3A_121 : i32
      %get3A_123 = arith.index_cast %add3A_122 : i32 to index
      %get3A_124 = tpu.vector_load %arg7[%get3A_123] {strides = array<i32>} : memref<26624xi32, #tpu.memory_space<vmem>>, vector<16xi32>,
      %add3A_125 = arith.addi %add3A_120, %get3A_124 : vector<16xi32>
      %add3A_126 = arith.constant 112 : i32
      %add3A_127 = arith.addi %mul3A_88, %add3A_126 : i32
      %get3A_128 = arith.index_cast %add3A_127 : i32 to index
      %get3A_129 = tpu.vector_load %arg7[%get3A_128] {strides = array<i32>} : memref<26624xi32, #tpu.memory_space<vmem>>, vector<16xi32>,
      %add3A_130 = arith.addi %add3A_125, %get3A_129 : vector<16xi32>
      %add3A_131 = arith.constant 128 : i32
      %add3A_132 = arith.addi %mul3A_88, %add3A_131 : i32
      %get3A_133 = arith.index_cast %add3A_132 : i32 to index
      %get3A_134 = tpu.vector_load %arg7[%get3A_133] {strides = array<i32>} : memref<26624xi32, #tpu.memory_space<vmem>>, vector<16xi32>,
      %add3A_135 = arith.addi %add3A_130, %get3A_134 : vector<16xi32>
      %add3A_136 = arith.constant 144 : i32
      %add3A_137 = arith.addi %mul3A_88, %add3A_136 : i32
      %get3A_138 = arith.index_cast %add3A_137 : i32 to index
      %get3A_139 = tpu.vector_load %arg7[%get3A_138] {strides = array<i32>} : memref<26624xi32, #tpu.memory_space<vmem>>, vector<16xi32>,
      %add3A_140 = arith.addi %add3A_135, %get3A_139 : vector<16xi32>
      %add3A_141 = arith.constant 160 : i32
      %add3A_142 = arith.addi %mul3A_88, %add3A_141 : i32
      %get3A_143 = arith.index_cast %add3A_142 : i32 to index
      %get3A_144 = tpu.vector_load %arg7[%get3A_143] {strides = array<i32>} : memref<26624xi32, #tpu.memory_space<vmem>>, vector<16xi32>,
      %add3A_145 = arith.addi %add3A_140, %get3A_144 : vector<16xi32>
      %add3A_146 = arith.constant 176 : i32
      %add3A_147 = arith.addi %mul3A_88, %add3A_146 : i32
      %get3A_148 = arith.index_cast %add3A_147 : i32 to index
      %get3A_149 = tpu.vector_load %arg7[%get3A_148] {strides = array<i32>} : memref<26624xi32, #tpu.memory_space<vmem>>, vector<16xi32>,
      %add3A_150 = arith.addi %add3A_145, %get3A_149 : vector<16xi32>
      %add3A_151 = arith.constant 192 : i32
      %add3A_152 = arith.addi %mul3A_88, %add3A_151 : i32
      %get3A_153 = arith.index_cast %add3A_152 : i32 to index
      %get3A_154 = tpu.vector_load %arg7[%get3A_153] {strides = array<i32>} : memref<26624xi32, #tpu.memory_space<vmem>>, vector<16xi32>,
      %add3A_155 = arith.addi %add3A_150, %get3A_154 : vector<16xi32>
      %reduce_sum3A_156 = arith.constant true
      %reduce_sum3A_157 = vector.broadcast %reduce_sum3A_156 : i1 to vector<16xi1>
      %reduce_sum3A_158 = tpu.scan <sum>, %add3A_155 masked %reduce_sum3A_157 : vector<16xi32>, vector<16xi1> -> vector<16xi32>
      %reduce_sum3A_159 = vector.extract %reduce_sum3A_158[15] : i32 from vector<16xi32>
      %convert_element_type3A_160 = arith.sitofp %reduce_sum3A_159 : i32 to f32
      %broadcast_in_dim3A_161 = vector.broadcast %convert_element_type3A_160 : f32 to vector<16xf32>
      %max3A_162 = arith.constant 1.000000e+00 : f32
      %max3A_163 = vector.broadcast %max3A_162 : f32 to vector<16xf32>
      %max3A_164 = arith.maximumf %broadcast_in_dim3A_161, %max3A_163 : vector<16xf32>
      %swap3A_165 = arith.constant 1 : i32
      %swap3A_166 = arith.index_cast %swap3A_165 : i32 to index
      %swap3A_167 = arith.constant 0 : index
      %swap3A_168 = tpu.vector_load %arg10[%swap3A_166, %swap3A_167] {strides = array<i32>} : memref<2x16xf32, #tpu.memory_space<vmem>>, vector<16xf32>,
      tpu.vector_store %arg10[%swap3A_166, %swap3A_167], %max3A_164 {strides = array<i32>} : memref<2x16xf32, #tpu.memory_space<vmem>>, vector<16xf32>,
      %dma_start3A_169 = arith.constant 1 : i32
      %dma_start3A_170 = arith.constant 1 : i32
      %dma_start3A_171 = arith.constant 0 : i32
      %dma_start3A_172 = arith.constant 0 : i32
      %dma_start3A_173 = tpu.memref_slice %arg8[%dma_start3A_169, %dma_start3A_171, %dma_start3A_172] : memref<2x128x64xf32, #tpu.memory_space<vmem>> -> memref<1x128x64xf32, #tpu.memory_space<vmem>>
      %dma_start3A_174 = tpu.memref_squeeze %dma_start3A_173 : memref<1x128x64xf32, #tpu.memory_space<vmem>> -> memref<128x64xf32, #tpu.memory_space<vmem>>
      %dma_start3A_175 = tpu.memref_slice %arg6[%mul3A_88] : memref<26624xi32, #tpu.memory_space<vmem>> -> memref<128xi32, #tpu.memory_space<vmem>>
      %dma_start3A_176 = arith.constant 0 : i32
      %dma_start3A_177 = arith.constant 0 : i32
      %dma_start3A_178 = tpu.memref_slice %arg4[%dma_start3A_176, %dma_start3A_177] : memref<1000000x64xf32, #tpu.memory_space<hbm>> -> memref<1000000x64xf32, #tpu.memory_space<hbm>>
      %dma_start3A_179 = tpu.memref_slice %arg12[%dma_start3A_170] : memref<2x!tpu.dma_semaphore, #tpu.memory_space<semaphore_mem>> -> memref<1x!tpu.dma_semaphore, #tpu.memory_space<semaphore_mem>>
      %dma_start3A_180 = tpu.memref_squeeze %dma_start3A_179 : memref<1x!tpu.dma_semaphore, #tpu.memory_space<semaphore_mem>> -> memref<!tpu.dma_semaphore, #tpu.memory_space<semaphore_mem>>
      tpu.enqueue_indirect_dma source(%dma_start3A_178 : memref<1000000x64xf32, #tpu.memory_space<hbm>>) target(%dma_start3A_174 : memref<128x64xf32, #tpu.memory_space<vmem>>) offsets(%dma_start3A_175 : memref<128xi32, #tpu.memory_space<vmem>>) semaphore(%dma_start3A_180 : memref<!tpu.dma_semaphore, #tpu.memory_space<semaphore_mem>>)
      %add3A_181 = arith.constant 128 : i32
      %add3A_182 = arith.addi %mul3A_88, %add3A_181 : i32
      %dma_start3A_183 = arith.constant 1 : i32
      %dma_start3A_184 = arith.constant 1 : i32
      %dma_start3A_185 = arith.constant 0 : i32
      %dma_start3A_186 = arith.constant 0 : i32
      %dma_start3A_187 = tpu.memref_slice %arg9[%dma_start3A_183, %dma_start3A_185, %dma_start3A_186] : memref<2x80x64xf32, #tpu.memory_space<vmem>> -> memref<1x80x64xf32, #tpu.memory_space<vmem>>
      %dma_start3A_188 = tpu.memref_squeeze %dma_start3A_187 : memref<1x80x64xf32, #tpu.memory_space<vmem>> -> memref<80x64xf32, #tpu.memory_space<vmem>>
      %dma_start3A_189 = tpu.memref_slice %arg6[%add3A_182] : memref<26624xi32, #tpu.memory_space<vmem>> -> memref<80xi32, #tpu.memory_space<vmem>>
      %dma_start3A_190 = arith.constant 0 : i32
      %dma_start3A_191 = arith.constant 0 : i32
      %dma_start3A_192 = tpu.memref_slice %arg4[%dma_start3A_190, %dma_start3A_191] : memref<1000000x64xf32, #tpu.memory_space<hbm>> -> memref<1000000x64xf32, #tpu.memory_space<hbm>>
      %dma_start3A_193 = tpu.memref_slice %arg13[%dma_start3A_184] : memref<2x!tpu.dma_semaphore, #tpu.memory_space<semaphore_mem>> -> memref<1x!tpu.dma_semaphore, #tpu.memory_space<semaphore_mem>>
      %dma_start3A_194 = tpu.memref_squeeze %dma_start3A_193 : memref<1x!tpu.dma_semaphore, #tpu.memory_space<semaphore_mem>> -> memref<!tpu.dma_semaphore, #tpu.memory_space<semaphore_mem>>
      tpu.enqueue_indirect_dma source(%dma_start3A_192 : memref<1000000x64xf32, #tpu.memory_space<hbm>>) target(%dma_start3A_188 : memref<80x64xf32, #tpu.memory_space<vmem>>) offsets(%dma_start3A_189 : memref<80xi32, #tpu.memory_space<vmem>>) semaphore(%dma_start3A_194 : memref<!tpu.dma_semaphore, #tpu.memory_space<semaphore_mem>>)
      %mul3A_195 = arith.constant 2 : i32
      %mul3A_196 = arith.muli %mul3A_195, %scan3A_82 : i32
      %mul3A_197 = arith.constant 208 : i32
      %mul3A_198 = arith.muli %mul3A_196, %mul3A_197 : i32
      %dma_wait3A = arith.constant 0 : i32
      %dma_wait3A_199 = arith.constant 0 : i32
      %dma_wait3A_200 = arith.constant 0 : i32
      %dma_wait3A_201 = arith.constant 0 : i32
      %dma_wait3A_202 = tpu.memref_slice %arg8[%dma_wait3A, %dma_wait3A_200, %dma_wait3A_201] : memref<2x128x64xf32, #tpu.memory_space<vmem>> -> memref<1x128x64xf32, #tpu.memory_space<vmem>>
      %dma_wait3A_203 = tpu.memref_squeeze %dma_wait3A_202 : memref<1x128x64xf32, #tpu.memory_space<vmem>> -> memref<128x64xf32, #tpu.memory_space<vmem>>
      %dma_wait3A_204 = tpu.memref_slice %arg6[%mul3A_198] : memref<26624xi32, #tpu.memory_space<vmem>> -> memref<128xi32, #tpu.memory_space<vmem>>
      %dma_wait3A_205 = arith.constant 0 : i32
      %dma_wait3A_206 = arith.constant 0 : i32
      %dma_wait3A_207 = tpu.memref_slice %arg4[%dma_wait3A_205, %dma_wait3A_206] : memref<1000000x64xf32, #tpu.memory_space<hbm>> -> memref<1000000x64xf32, #tpu.memory_space<hbm>>
      %dma_wait3A_208 = tpu.memref_slice %arg12[%dma_wait3A_199] : memref<2x!tpu.dma_semaphore, #tpu.memory_space<semaphore_mem>> -> memref<1x!tpu.dma_semaphore, #tpu.memory_space<semaphore_mem>>
      %dma_wait3A_209 = tpu.memref_squeeze %dma_wait3A_208 : memref<1x!tpu.dma_semaphore, #tpu.memory_space<semaphore_mem>> -> memref<!tpu.dma_semaphore, #tpu.memory_space<semaphore_mem>>
      tpu.wait_indirect_dma semaphore(%dma_wait3A_209 : memref<!tpu.dma_semaphore, #tpu.memory_space<semaphore_mem>>) src(%dma_wait3A_207 : memref<1000000x64xf32, #tpu.memory_space<hbm>>) dst(%dma_wait3A_203 : memref<128x64xf32, #tpu.memory_space<vmem>>)
      %add3A_210 = arith.constant 128 : i32
      %add3A_211 = arith.addi %mul3A_198, %add3A_210 : i32
      %dma_wait3A_212 = arith.constant 0 : i32
      %dma_wait3A_213 = arith.constant 0 : i32
      %dma_wait3A_214 = arith.constant 0 : i32
      %dma_wait3A_215 = arith.constant 0 : i32
      %dma_wait3A_216 = tpu.memref_slice %arg9[%dma_wait3A_212, %dma_wait3A_214, %dma_wait3A_215] : memref<2x80x64xf32, #tpu.memory_space<vmem>> -> memref<1x80x64xf32, #tpu.memory_space<vmem>>
      %dma_wait3A_217 = tpu.memref_squeeze %dma_wait3A_216 : memref<1x80x64xf32, #tpu.memory_space<vmem>> -> memref<80x64xf32, #tpu.memory_space<vmem>>
      %dma_wait3A_218 = tpu.memref_slice %arg6[%add3A_211] : memref<26624xi32, #tpu.memory_space<vmem>> -> memref<80xi32, #tpu.memory_space<vmem>>
      %dma_wait3A_219 = arith.constant 0 : i32
      %dma_wait3A_220 = arith.constant 0 : i32
      %dma_wait3A_221 = tpu.memref_slice %arg4[%dma_wait3A_219, %dma_wait3A_220] : memref<1000000x64xf32, #tpu.memory_space<hbm>> -> memref<1000000x64xf32, #tpu.memory_space<hbm>>
      %dma_wait3A_222 = tpu.memref_slice %arg13[%dma_wait3A_213] : memref<2x!tpu.dma_semaphore, #tpu.memory_space<semaphore_mem>> -> memref<1x!tpu.dma_semaphore, #tpu.memory_space<semaphore_mem>>
      %dma_wait3A_223 = tpu.memref_squeeze %dma_wait3A_222 : memref<1x!tpu.dma_semaphore, #tpu.memory_space<semaphore_mem>> -> memref<!tpu.dma_semaphore, #tpu.memory_space<semaphore_mem>>
      tpu.wait_indirect_dma semaphore(%dma_wait3A_223 : memref<!tpu.dma_semaphore, #tpu.memory_space<semaphore_mem>>) src(%dma_wait3A_221 : memref<1000000x64xf32, #tpu.memory_space<hbm>>) dst(%dma_wait3A_217 : memref<80x64xf32, #tpu.memory_space<vmem>>)
      %broadcast_in_dim3A_224 = arith.constant 0.000000e+00 : f32
      %broadcast_in_dim3A_225 = vector.broadcast %broadcast_in_dim3A_224 : f32 to vector<16xf32>
      %broadcast_in_dim3A_226 = arith.constant 0.000000e+00 : f32
      %broadcast_in_dim3A_227 = vector.broadcast %broadcast_in_dim3A_226 : f32 to vector<16xf32>
      %broadcast_in_dim3A_228 = arith.constant 0.000000e+00 : f32
      %broadcast_in_dim3A_229 = vector.broadcast %broadcast_in_dim3A_228 : f32 to vector<16xf32>
      %broadcast_in_dim3A_230 = arith.constant 0.000000e+00 : f32
      %broadcast_in_dim3A_231 = vector.broadcast %broadcast_in_dim3A_230 : f32 to vector<16xf32>
      %scan3A_232 = arith.constant 0 : i32
      %scan3A_233 = arith.constant 8 : i32
      %scan3A_234 = arith.addi %scan3A_232, %scan3A_233 : i32
      %scan3A_235 = arith.constant 1 : i32
      %scan3A_236:4 = scf.for %scan3A_338 = %scan3A_232 to %scan3A_234 step %scan3A_235 iter_args(%scan3A_339 = %broadcast_in_dim3A_225, %scan3A_340 = %broadcast_in_dim3A_227, %scan3A_341 = %broadcast_in_dim3A_229, %scan3A_342 = %broadcast_in_dim3A_231) -> (vector<16xf32>, vector<16xf32>, vector<16xf32>, vector<16xf32>)  : i32 {
        %add3A_343 = arith.constant 0 : i32
        %add3A_344 = arith.addi %mul3A_198, %add3A_343 : i32
        %mul3A_345 = arith.constant 16 : i32
        %mul3A_346 = arith.muli %scan3A_338, %mul3A_345 : i32
        %add3A_347 = arith.addi %add3A_344, %mul3A_346 : i32
        %get3A_348 = arith.index_cast %add3A_347 : i32 to index
        %get3A_349 = tpu.vector_load %arg7[%get3A_348] {strides = array<i32>} : memref<26624xi32, #tpu.memory_space<vmem>>, vector<16xi32>,
        %convert_element_type3A_350 = arith.sitofp %get3A_349 : vector<16xi32> to vector<16xf32>
        %mul3A_351 = arith.constant 16 : i32
        %mul3A_352 = arith.muli %scan3A_338, %mul3A_351 : i32
        %slice3A = vector.extract_strided_slice %convert_element_type3A_350 {offsets = [0], sizes = [1], strides = [1]} : vector<16xf32> to vector<1xf32>
        %squeeze3A = vector.extract %slice3A[0] : f32 from vector<1xf32>
        %broadcast_in_dim3A_353 = vector.broadcast %squeeze3A : f32 to vector<16xf32>
        %add3A_354 = arith.constant 0 : i32
        %add3A_355 = arith.addi %mul3A_352, %add3A_354 : i32
        %get3A_356 = arith.constant 0 : i32
        %get3A_357 = arith.index_cast %get3A_356 : i32 to index
        %get3A_358 = arith.index_cast %add3A_355 : i32 to index
        %get3A_359 = arith.constant 0 : index
        %get3A_360 = tpu.vector_load %arg8[%get3A_357, %get3A_358, %get3A_359] {strides = array<i32>} : memref<2x128x64xf32, #tpu.memory_space<vmem>>, vector<16xf32>,
        %mul3A_361 = arith.mulf %get3A_360, %broadcast_in_dim3A_353 : vector<16xf32>
        %add3A_362 = arith.addf %scan3A_339, %mul3A_361 : vector<16xf32>
        %add3A_363 = arith.constant 0 : i32
        %add3A_364 = arith.addi %mul3A_352, %add3A_363 : i32
        %get3A_365 = arith.constant 0 : i32
        %get3A_366 = arith.index_cast %get3A_365 : i32 to index
        %get3A_367 = arith.index_cast %add3A_364 : i32 to index
        %get3A_368 = arith.constant 16 : index
        %get3A_369 = tpu.vector_load %arg8[%get3A_366, %get3A_367, %get3A_368] {strides = array<i32>} : memref<2x128x64xf32, #tpu.memory_space<vmem>>, vector<16xf32>,
        %mul3A_370 = arith.mulf %get3A_369, %broadcast_in_dim3A_353 : vector<16xf32>
        %add3A_371 = arith.addf %scan3A_340, %mul3A_370 : vector<16xf32>
        %add3A_372 = arith.constant 0 : i32
        %add3A_373 = arith.addi %mul3A_352, %add3A_372 : i32
        %get3A_374 = arith.constant 0 : i32
        %get3A_375 = arith.index_cast %get3A_374 : i32 to index
        %get3A_376 = arith.index_cast %add3A_373 : i32 to index
        %get3A_377 = arith.constant 32 : index
        %get3A_378 = tpu.vector_load %arg8[%get3A_375, %get3A_376, %get3A_377] {strides = array<i32>} : memref<2x128x64xf32, #tpu.memory_space<vmem>>, vector<16xf32>,
        %mul3A_379 = arith.mulf %get3A_378, %broadcast_in_dim3A_353 : vector<16xf32>
        %add3A_380 = arith.addf %scan3A_341, %mul3A_379 : vector<16xf32>
        %add3A_381 = arith.constant 0 : i32
        %add3A_382 = arith.addi %mul3A_352, %add3A_381 : i32
        %get3A_383 = arith.constant 0 : i32
        %get3A_384 = arith.index_cast %get3A_383 : i32 to index
        %get3A_385 = arith.index_cast %add3A_382 : i32 to index
        %get3A_386 = arith.constant 48 : index
        %get3A_387 = tpu.vector_load %arg8[%get3A_384, %get3A_385, %get3A_386] {strides = array<i32>} : memref<2x128x64xf32, #tpu.memory_space<vmem>>, vector<16xf32>,
        %mul3A_388 = arith.mulf %get3A_387, %broadcast_in_dim3A_353 : vector<16xf32>
        %add3A_389 = arith.addf %scan3A_342, %mul3A_388 : vector<16xf32>
        %slice3A_390 = vector.extract_strided_slice %convert_element_type3A_350 {offsets = [1], sizes = [1], strides = [1]} : vector<16xf32> to vector<1xf32>
        %squeeze3A_391 = vector.extract %slice3A_390[0] : f32 from vector<1xf32>
        %broadcast_in_dim3A_392 = vector.broadcast %squeeze3A_391 : f32 to vector<16xf32>
        %add3A_393 = arith.constant 1 : i32
        %add3A_394 = arith.addi %mul3A_352, %add3A_393 : i32
        %get3A_395 = arith.constant 0 : i32
        %get3A_396 = arith.index_cast %get3A_395 : i32 to index
        %get3A_397 = arith.index_cast %add3A_394 : i32 to index
        %get3A_398 = arith.constant 0 : index
        %get3A_399 = tpu.vector_load %arg8[%get3A_396, %get3A_397, %get3A_398] {strides = array<i32>} : memref<2x128x64xf32, #tpu.memory_space<vmem>>, vector<16xf32>,
        %mul3A_400 = arith.mulf %get3A_399, %broadcast_in_dim3A_392 : vector<16xf32>
        %add3A_401 = arith.addf %add3A_362, %mul3A_400 : vector<16xf32>
        %add3A_402 = arith.constant 1 : i32
        %add3A_403 = arith.addi %mul3A_352, %add3A_402 : i32
        %get3A_404 = arith.constant 0 : i32
        %get3A_405 = arith.index_cast %get3A_404 : i32 to index
        %get3A_406 = arith.index_cast %add3A_403 : i32 to index
        %get3A_407 = arith.constant 16 : index
        %get3A_408 = tpu.vector_load %arg8[%get3A_405, %get3A_406, %get3A_407] {strides = array<i32>} : memref<2x128x64xf32, #tpu.memory_space<vmem>>, vector<16xf32>,
        %mul3A_409 = arith.mulf %get3A_408, %broadcast_in_dim3A_392 : vector<16xf32>
        %add3A_410 = arith.addf %add3A_371, %mul3A_409 : vector<16xf32>
        %add3A_411 = arith.constant 1 : i32
        %add3A_412 = arith.addi %mul3A_352, %add3A_411 : i32
        %get3A_413 = arith.constant 0 : i32
        %get3A_414 = arith.index_cast %get3A_413 : i32 to index
        %get3A_415 = arith.index_cast %add3A_412 : i32 to index
        %get3A_416 = arith.constant 32 : index
        %get3A_417 = tpu.vector_load %arg8[%get3A_414, %get3A_415, %get3A_416] {strides = array<i32>} : memref<2x128x64xf32, #tpu.memory_space<vmem>>, vector<16xf32>,
        %mul3A_418 = arith.mulf %get3A_417, %broadcast_in_dim3A_392 : vector<16xf32>
        %add3A_419 = arith.addf %add3A_380, %mul3A_418 : vector<16xf32>
        %add3A_420 = arith.constant 1 : i32
        %add3A_421 = arith.addi %mul3A_352, %add3A_420 : i32
        %get3A_422 = arith.constant 0 : i32
        %get3A_423 = arith.index_cast %get3A_422 : i32 to index
        %get3A_424 = arith.index_cast %add3A_421 : i32 to index
        %get3A_425 = arith.constant 48 : index
        %get3A_426 = tpu.vector_load %arg8[%get3A_423, %get3A_424, %get3A_425] {strides = array<i32>} : memref<2x128x64xf32, #tpu.memory_space<vmem>>, vector<16xf32>,
        %mul3A_427 = arith.mulf %get3A_426, %broadcast_in_dim3A_392 : vector<16xf32>
        %add3A_428 = arith.addf %add3A_389, %mul3A_427 : vector<16xf32>
        %slice3A_429 = vector.extract_strided_slice %convert_element_type3A_350 {offsets = [2], sizes = [1], strides = [1]} : vector<16xf32> to vector<1xf32>
        %squeeze3A_430 = vector.extract %slice3A_429[0] : f32 from vector<1xf32>
        %broadcast_in_dim3A_431 = vector.broadcast %squeeze3A_430 : f32 to vector<16xf32>
        %add3A_432 = arith.constant 2 : i32
        %add3A_433 = arith.addi %mul3A_352, %add3A_432 : i32
        %get3A_434 = arith.constant 0 : i32
        %get3A_435 = arith.index_cast %get3A_434 : i32 to index
        %get3A_436 = arith.index_cast %add3A_433 : i32 to index
        %get3A_437 = arith.constant 0 : index
        %get3A_438 = tpu.vector_load %arg8[%get3A_435, %get3A_436, %get3A_437] {strides = array<i32>} : memref<2x128x64xf32, #tpu.memory_space<vmem>>, vector<16xf32>,
        %mul3A_439 = arith.mulf %get3A_438, %broadcast_in_dim3A_431 : vector<16xf32>
        %add3A_440 = arith.addf %add3A_401, %mul3A_439 : vector<16xf32>
        %add3A_441 = arith.constant 2 : i32
        %add3A_442 = arith.addi %mul3A_352, %add3A_441 : i32
        %get3A_443 = arith.constant 0 : i32
        %get3A_444 = arith.index_cast %get3A_443 : i32 to index
        %get3A_445 = arith.index_cast %add3A_442 : i32 to index
        %get3A_446 = arith.constant 16 : index
        %get3A_447 = tpu.vector_load %arg8[%get3A_444, %get3A_445, %get3A_446] {strides = array<i32>} : memref<2x128x64xf32, #tpu.memory_space<vmem>>, vector<16xf32>,
        %mul3A_448 = arith.mulf %get3A_447, %broadcast_in_dim3A_431 : vector<16xf32>
        %add3A_449 = arith.addf %add3A_410, %mul3A_448 : vector<16xf32>
        %add3A_450 = arith.constant 2 : i32
        %add3A_451 = arith.addi %mul3A_352, %add3A_450 : i32
        %get3A_452 = arith.constant 0 : i32
        %get3A_453 = arith.index_cast %get3A_452 : i32 to index
        %get3A_454 = arith.index_cast %add3A_451 : i32 to index
        %get3A_455 = arith.constant 32 : index
        %get3A_456 = tpu.vector_load %arg8[%get3A_453, %get3A_454, %get3A_455] {strides = array<i32>} : memref<2x128x64xf32, #tpu.memory_space<vmem>>, vector<16xf32>,
        %mul3A_457 = arith.mulf %get3A_456, %broadcast_in_dim3A_431 : vector<16xf32>
        %add3A_458 = arith.addf %add3A_419, %mul3A_457 : vector<16xf32>
        %add3A_459 = arith.constant 2 : i32
        %add3A_460 = arith.addi %mul3A_352, %add3A_459 : i32
        %get3A_461 = arith.constant 0 : i32
        %get3A_462 = arith.index_cast %get3A_461 : i32 to index
        %get3A_463 = arith.index_cast %add3A_460 : i32 to index
        %get3A_464 = arith.constant 48 : index
        %get3A_465 = tpu.vector_load %arg8[%get3A_462, %get3A_463, %get3A_464] {strides = array<i32>} : memref<2x128x64xf32, #tpu.memory_space<vmem>>, vector<16xf32>,
        %mul3A_466 = arith.mulf %get3A_465, %broadcast_in_dim3A_431 : vector<16xf32>
        %add3A_467 = arith.addf %add3A_428, %mul3A_466 : vector<16xf32>
        %slice3A_468 = vector.extract_strided_slice %convert_element_type3A_350 {offsets = [3], sizes = [1], strides = [1]} : vector<16xf32> to vector<1xf32>
        %squeeze3A_469 = vector.extract %slice3A_468[0] : f32 from vector<1xf32>
        %broadcast_in_dim3A_470 = vector.broadcast %squeeze3A_469 : f32 to vector<16xf32>
        %add3A_471 = arith.constant 3 : i32
        %add3A_472 = arith.addi %mul3A_352, %add3A_471 : i32
        %get3A_473 = arith.constant 0 : i32
        %get3A_474 = arith.index_cast %get3A_473 : i32 to index
        %get3A_475 = arith.index_cast %add3A_472 : i32 to index
        %get3A_476 = arith.constant 0 : index
        %get3A_477 = tpu.vector_load %arg8[%get3A_474, %get3A_475, %get3A_476] {strides = array<i32>} : memref<2x128x64xf32, #tpu.memory_space<vmem>>, vector<16xf32>,
        %mul3A_478 = arith.mulf %get3A_477, %broadcast_in_dim3A_470 : vector<16xf32>
        %add3A_479 = arith.addf %add3A_440, %mul3A_478 : vector<16xf32>
        %add3A_480 = arith.constant 3 : i32
        %add3A_481 = arith.addi %mul3A_352, %add3A_480 : i32
        %get3A_482 = arith.constant 0 : i32
        %get3A_483 = arith.index_cast %get3A_482 : i32 to index
        %get3A_484 = arith.index_cast %add3A_481 : i32 to index
        %get3A_485 = arith.constant 16 : index
        %get3A_486 = tpu.vector_load %arg8[%get3A_483, %get3A_484, %get3A_485] {strides = array<i32>} : memref<2x128x64xf32, #tpu.memory_space<vmem>>, vector<16xf32>,
        %mul3A_487 = arith.mulf %get3A_486, %broadcast_in_dim3A_470 : vector<16xf32>
        %add3A_488 = arith.addf %add3A_449, %mul3A_487 : vector<16xf32>
        %add3A_489 = arith.constant 3 : i32
        %add3A_490 = arith.addi %mul3A_352, %add3A_489 : i32
        %get3A_491 = arith.constant 0 : i32
        %get3A_492 = arith.index_cast %get3A_491 : i32 to index
        %get3A_493 = arith.index_cast %add3A_490 : i32 to index
        %get3A_494 = arith.constant 32 : index
        %get3A_495 = tpu.vector_load %arg8[%get3A_492, %get3A_493, %get3A_494] {strides = array<i32>} : memref<2x128x64xf32, #tpu.memory_space<vmem>>, vector<16xf32>,
        %mul3A_496 = arith.mulf %get3A_495, %broadcast_in_dim3A_470 : vector<16xf32>
        %add3A_497 = arith.addf %add3A_458, %mul3A_496 : vector<16xf32>
        %add3A_498 = arith.constant 3 : i32
        %add3A_499 = arith.addi %mul3A_352, %add3A_498 : i32
        %get3A_500 = arith.constant 0 : i32
        %get3A_501 = arith.index_cast %get3A_500 : i32 to index
        %get3A_502 = arith.index_cast %add3A_499 : i32 to index
        %get3A_503 = arith.constant 48 : index
        %get3A_504 = tpu.vector_load %arg8[%get3A_501, %get3A_502, %get3A_503] {strides = array<i32>} : memref<2x128x64xf32, #tpu.memory_space<vmem>>, vector<16xf32>,
        %mul3A_505 = arith.mulf %get3A_504, %broadcast_in_dim3A_470 : vector<16xf32>
        %add3A_506 = arith.addf %add3A_467, %mul3A_505 : vector<16xf32>
        %slice3A_507 = vector.extract_strided_slice %convert_element_type3A_350 {offsets = [4], sizes = [1], strides = [1]} : vector<16xf32> to vector<1xf32>
        %squeeze3A_508 = vector.extract %slice3A_507[0] : f32 from vector<1xf32>
        %broadcast_in_dim3A_509 = vector.broadcast %squeeze3A_508 : f32 to vector<16xf32>
        %add3A_510 = arith.constant 4 : i32
        %add3A_511 = arith.addi %mul3A_352, %add3A_510 : i32
        %get3A_512 = arith.constant 0 : i32
        %get3A_513 = arith.index_cast %get3A_512 : i32 to index
        %get3A_514 = arith.index_cast %add3A_511 : i32 to index
        %get3A_515 = arith.constant 0 : index
        %get3A_516 = tpu.vector_load %arg8[%get3A_513, %get3A_514, %get3A_515] {strides = array<i32>} : memref<2x128x64xf32, #tpu.memory_space<vmem>>, vector<16xf32>,
        %mul3A_517 = arith.mulf %get3A_516, %broadcast_in_dim3A_509 : vector<16xf32>
        %add3A_518 = arith.addf %add3A_479, %mul3A_517 : vector<16xf32>
        %add3A_519 = arith.constant 4 : i32
        %add3A_520 = arith.addi %mul3A_352, %add3A_519 : i32
        %get3A_521 = arith.constant 0 : i32
        %get3A_522 = arith.index_cast %get3A_521 : i32 to index
        %get3A_523 = arith.index_cast %add3A_520 : i32 to index
        %get3A_524 = arith.constant 16 : index
        %get3A_525 = tpu.vector_load %arg8[%get3A_522, %get3A_523, %get3A_524] {strides = array<i32>} : memref<2x128x64xf32, #tpu.memory_space<vmem>>, vector<16xf32>,
        %mul3A_526 = arith.mulf %get3A_525, %broadcast_in_dim3A_509 : vector<16xf32>
        %add3A_527 = arith.addf %add3A_488, %mul3A_526 : vector<16xf32>
        %add3A_528 = arith.constant 4 : i32
        %add3A_529 = arith.addi %mul3A_352, %add3A_528 : i32
        %get3A_530 = arith.constant 0 : i32
        %get3A_531 = arith.index_cast %get3A_530 : i32 to index
        %get3A_532 = arith.index_cast %add3A_529 : i32 to index
        %get3A_533 = arith.constant 32 : index
        %get3A_534 = tpu.vector_load %arg8[%get3A_531, %get3A_532, %get3A_533] {strides = array<i32>} : memref<2x128x64xf32, #tpu.memory_space<vmem>>, vector<16xf32>,
        %mul3A_535 = arith.mulf %get3A_534, %broadcast_in_dim3A_509 : vector<16xf32>
        %add3A_536 = arith.addf %add3A_497, %mul3A_535 : vector<16xf32>
        %add3A_537 = arith.constant 4 : i32
        %add3A_538 = arith.addi %mul3A_352, %add3A_537 : i32
        %get3A_539 = arith.constant 0 : i32
        %get3A_540 = arith.index_cast %get3A_539 : i32 to index
        %get3A_541 = arith.index_cast %add3A_538 : i32 to index
        %get3A_542 = arith.constant 48 : index
        %get3A_543 = tpu.vector_load %arg8[%get3A_540, %get3A_541, %get3A_542] {strides = array<i32>} : memref<2x128x64xf32, #tpu.memory_space<vmem>>, vector<16xf32>,
        %mul3A_544 = arith.mulf %get3A_543, %broadcast_in_dim3A_509 : vector<16xf32>
        %add3A_545 = arith.addf %add3A_506, %mul3A_544 : vector<16xf32>
        %slice3A_546 = vector.extract_strided_slice %convert_element_type3A_350 {offsets = [5], sizes = [1], strides = [1]} : vector<16xf32> to vector<1xf32>
        %squeeze3A_547 = vector.extract %slice3A_546[0] : f32 from vector<1xf32>
        %broadcast_in_dim3A_548 = vector.broadcast %squeeze3A_547 : f32 to vector<16xf32>
        %add3A_549 = arith.constant 5 : i32
        %add3A_550 = arith.addi %mul3A_352, %add3A_549 : i32
        %get3A_551 = arith.constant 0 : i32
        %get3A_552 = arith.index_cast %get3A_551 : i32 to index
        %get3A_553 = arith.index_cast %add3A_550 : i32 to index
        %get3A_554 = arith.constant 0 : index
        %get3A_555 = tpu.vector_load %arg8[%get3A_552, %get3A_553, %get3A_554] {strides = array<i32>} : memref<2x128x64xf32, #tpu.memory_space<vmem>>, vector<16xf32>,
        %mul3A_556 = arith.mulf %get3A_555, %broadcast_in_dim3A_548 : vector<16xf32>
        %add3A_557 = arith.addf %add3A_518, %mul3A_556 : vector<16xf32>
        %add3A_558 = arith.constant 5 : i32
        %add3A_559 = arith.addi %mul3A_352, %add3A_558 : i32
        %get3A_560 = arith.constant 0 : i32
        %get3A_561 = arith.index_cast %get3A_560 : i32 to index
        %get3A_562 = arith.index_cast %add3A_559 : i32 to index
        %get3A_563 = arith.constant 16 : index
        %get3A_564 = tpu.vector_load %arg8[%get3A_561, %get3A_562, %get3A_563] {strides = array<i32>} : memref<2x128x64xf32, #tpu.memory_space<vmem>>, vector<16xf32>,
        %mul3A_565 = arith.mulf %get3A_564, %broadcast_in_dim3A_548 : vector<16xf32>
        %add3A_566 = arith.addf %add3A_527, %mul3A_565 : vector<16xf32>
        %add3A_567 = arith.constant 5 : i32
        %add3A_568 = arith.addi %mul3A_352, %add3A_567 : i32
        %get3A_569 = arith.constant 0 : i32
        %get3A_570 = arith.index_cast %get3A_569 : i32 to index
        %get3A_571 = arith.index_cast %add3A_568 : i32 to index
        %get3A_572 = arith.constant 32 : index
        %get3A_573 = tpu.vector_load %arg8[%get3A_570, %get3A_571, %get3A_572] {strides = array<i32>} : memref<2x128x64xf32, #tpu.memory_space<vmem>>, vector<16xf32>,
        %mul3A_574 = arith.mulf %get3A_573, %broadcast_in_dim3A_548 : vector<16xf32>
        %add3A_575 = arith.addf %add3A_536, %mul3A_574 : vector<16xf32>
        %add3A_576 = arith.constant 5 : i32
        %add3A_577 = arith.addi %mul3A_352, %add3A_576 : i32
        %get3A_578 = arith.constant 0 : i32
        %get3A_579 = arith.index_cast %get3A_578 : i32 to index
        %get3A_580 = arith.index_cast %add3A_577 : i32 to index
        %get3A_581 = arith.constant 48 : index
        %get3A_582 = tpu.vector_load %arg8[%get3A_579, %get3A_580, %get3A_581] {strides = array<i32>} : memref<2x128x64xf32, #tpu.memory_space<vmem>>, vector<16xf32>,
        %mul3A_583 = arith.mulf %get3A_582, %broadcast_in_dim3A_548 : vector<16xf32>
        %add3A_584 = arith.addf %add3A_545, %mul3A_583 : vector<16xf32>
        %slice3A_585 = vector.extract_strided_slice %convert_element_type3A_350 {offsets = [6], sizes = [1], strides = [1]} : vector<16xf32> to vector<1xf32>
        %squeeze3A_586 = vector.extract %slice3A_585[0] : f32 from vector<1xf32>
        %broadcast_in_dim3A_587 = vector.broadcast %squeeze3A_586 : f32 to vector<16xf32>
        %add3A_588 = arith.constant 6 : i32
        %add3A_589 = arith.addi %mul3A_352, %add3A_588 : i32
        %get3A_590 = arith.constant 0 : i32
        %get3A_591 = arith.index_cast %get3A_590 : i32 to index
        %get3A_592 = arith.index_cast %add3A_589 : i32 to index
        %get3A_593 = arith.constant 0 : index
        %get3A_594 = tpu.vector_load %arg8[%get3A_591, %get3A_592, %get3A_593] {strides = array<i32>} : memref<2x128x64xf32, #tpu.memory_space<vmem>>, vector<16xf32>,
        %mul3A_595 = arith.mulf %get3A_594, %broadcast_in_dim3A_587 : vector<16xf32>
        %add3A_596 = arith.addf %add3A_557, %mul3A_595 : vector<16xf32>
        %add3A_597 = arith.constant 6 : i32
        %add3A_598 = arith.addi %mul3A_352, %add3A_597 : i32
        %get3A_599 = arith.constant 0 : i32
        %get3A_600 = arith.index_cast %get3A_599 : i32 to index
        %get3A_601 = arith.index_cast %add3A_598 : i32 to index
        %get3A_602 = arith.constant 16 : index
        %get3A_603 = tpu.vector_load %arg8[%get3A_600, %get3A_601, %get3A_602] {strides = array<i32>} : memref<2x128x64xf32, #tpu.memory_space<vmem>>, vector<16xf32>,
        %mul3A_604 = arith.mulf %get3A_603, %broadcast_in_dim3A_587 : vector<16xf32>
        %add3A_605 = arith.addf %add3A_566, %mul3A_604 : vector<16xf32>
        %add3A_606 = arith.constant 6 : i32
        %add3A_607 = arith.addi %mul3A_352, %add3A_606 : i32
        %get3A_608 = arith.constant 0 : i32
        %get3A_609 = arith.index_cast %get3A_608 : i32 to index
        %get3A_610 = arith.index_cast %add3A_607 : i32 to index
        %get3A_611 = arith.constant 32 : index
        %get3A_612 = tpu.vector_load %arg8[%get3A_609, %get3A_610, %get3A_611] {strides = array<i32>} : memref<2x128x64xf32, #tpu.memory_space<vmem>>, vector<16xf32>,
        %mul3A_613 = arith.mulf %get3A_612, %broadcast_in_dim3A_587 : vector<16xf32>
        %add3A_614 = arith.addf %add3A_575, %mul3A_613 : vector<16xf32>
        %add3A_615 = arith.constant 6 : i32
        %add3A_616 = arith.addi %mul3A_352, %add3A_615 : i32
        %get3A_617 = arith.constant 0 : i32
        %get3A_618 = arith.index_cast %get3A_617 : i32 to index
        %get3A_619 = arith.index_cast %add3A_616 : i32 to index
        %get3A_620 = arith.constant 48 : index
        %get3A_621 = tpu.vector_load %arg8[%get3A_618, %get3A_619, %get3A_620] {strides = array<i32>} : memref<2x128x64xf32, #tpu.memory_space<vmem>>, vector<16xf32>,
        %mul3A_622 = arith.mulf %get3A_621, %broadcast_in_dim3A_587 : vector<16xf32>
        %add3A_623 = arith.addf %add3A_584, %mul3A_622 : vector<16xf32>
        %slice3A_624 = vector.extract_strided_slice %convert_element_type3A_350 {offsets = [7], sizes = [1], strides = [1]} : vector<16xf32> to vector<1xf32>
        %squeeze3A_625 = vector.extract %slice3A_624[0] : f32 from vector<1xf32>
        %broadcast_in_dim3A_626 = vector.broadcast %squeeze3A_625 : f32 to vector<16xf32>
        %add3A_627 = arith.constant 7 : i32
        %add3A_628 = arith.addi %mul3A_352, %add3A_627 : i32
        %get3A_629 = arith.constant 0 : i32
        %get3A_630 = arith.index_cast %get3A_629 : i32 to index
        %get3A_631 = arith.index_cast %add3A_628 : i32 to index
        %get3A_632 = arith.constant 0 : index
        %get3A_633 = tpu.vector_load %arg8[%get3A_630, %get3A_631, %get3A_632] {strides = array<i32>} : memref<2x128x64xf32, #tpu.memory_space<vmem>>, vector<16xf32>,
        %mul3A_634 = arith.mulf %get3A_633, %broadcast_in_dim3A_626 : vector<16xf32>
        %add3A_635 = arith.addf %add3A_596, %mul3A_634 : vector<16xf32>
        %add3A_636 = arith.constant 7 : i32
        %add3A_637 = arith.addi %mul3A_352, %add3A_636 : i32
        %get3A_638 = arith.constant 0 : i32
        %get3A_639 = arith.index_cast %get3A_638 : i32 to index
        %get3A_640 = arith.index_cast %add3A_637 : i32 to index
        %get3A_641 = arith.constant 16 : index
        %get3A_642 = tpu.vector_load %arg8[%get3A_639, %get3A_640, %get3A_641] {strides = array<i32>} : memref<2x128x64xf32, #tpu.memory_space<vmem>>, vector<16xf32>,
        %mul3A_643 = arith.mulf %get3A_642, %broadcast_in_dim3A_626 : vector<16xf32>
        %add3A_644 = arith.addf %add3A_605, %mul3A_643 : vector<16xf32>
        %add3A_645 = arith.constant 7 : i32
        %add3A_646 = arith.addi %mul3A_352, %add3A_645 : i32
        %get3A_647 = arith.constant 0 : i32
        %get3A_648 = arith.index_cast %get3A_647 : i32 to index
        %get3A_649 = arith.index_cast %add3A_646 : i32 to index
        %get3A_650 = arith.constant 32 : index
        %get3A_651 = tpu.vector_load %arg8[%get3A_648, %get3A_649, %get3A_650] {strides = array<i32>} : memref<2x128x64xf32, #tpu.memory_space<vmem>>, vector<16xf32>,
        %mul3A_652 = arith.mulf %get3A_651, %broadcast_in_dim3A_626 : vector<16xf32>
        %add3A_653 = arith.addf %add3A_614, %mul3A_652 : vector<16xf32>
        %add3A_654 = arith.constant 7 : i32
        %add3A_655 = arith.addi %mul3A_352, %add3A_654 : i32
        %get3A_656 = arith.constant 0 : i32
        %get3A_657 = arith.index_cast %get3A_656 : i32 to index
        %get3A_658 = arith.index_cast %add3A_655 : i32 to index
        %get3A_659 = arith.constant 48 : index
        %get3A_660 = tpu.vector_load %arg8[%get3A_657, %get3A_658, %get3A_659] {strides = array<i32>} : memref<2x128x64xf32, #tpu.memory_space<vmem>>, vector<16xf32>,
        %mul3A_661 = arith.mulf %get3A_660, %broadcast_in_dim3A_626 : vector<16xf32>
        %add3A_662 = arith.addf %add3A_623, %mul3A_661 : vector<16xf32>
        %slice3A_663 = vector.extract_strided_slice %convert_element_type3A_350 {offsets = [8], sizes = [1], strides = [1]} : vector<16xf32> to vector<1xf32>
        %squeeze3A_664 = vector.extract %slice3A_663[0] : f32 from vector<1xf32>
        %broadcast_in_dim3A_665 = vector.broadcast %squeeze3A_664 : f32 to vector<16xf32>
        %add3A_666 = arith.constant 8 : i32
        %add3A_667 = arith.addi %mul3A_352, %add3A_666 : i32
        %get3A_668 = arith.constant 0 : i32
        %get3A_669 = arith.index_cast %get3A_668 : i32 to index
        %get3A_670 = arith.index_cast %add3A_667 : i32 to index
        %get3A_671 = arith.constant 0 : index
        %get3A_672 = tpu.vector_load %arg8[%get3A_669, %get3A_670, %get3A_671] {strides = array<i32>} : memref<2x128x64xf32, #tpu.memory_space<vmem>>, vector<16xf32>,
        %mul3A_673 = arith.mulf %get3A_672, %broadcast_in_dim3A_665 : vector<16xf32>
        %add3A_674 = arith.addf %add3A_635, %mul3A_673 : vector<16xf32>
        %add3A_675 = arith.constant 8 : i32
        %add3A_676 = arith.addi %mul3A_352, %add3A_675 : i32
        %get3A_677 = arith.constant 0 : i32
        %get3A_678 = arith.index_cast %get3A_677 : i32 to index
        %get3A_679 = arith.index_cast %add3A_676 : i32 to index
        %get3A_680 = arith.constant 16 : index
        %get3A_681 = tpu.vector_load %arg8[%get3A_678, %get3A_679, %get3A_680] {strides = array<i32>} : memref<2x128x64xf32, #tpu.memory_space<vmem>>, vector<16xf32>,
        %mul3A_682 = arith.mulf %get3A_681, %broadcast_in_dim3A_665 : vector<16xf32>
        %add3A_683 = arith.addf %add3A_644, %mul3A_682 : vector<16xf32>
        %add3A_684 = arith.constant 8 : i32
        %add3A_685 = arith.addi %mul3A_352, %add3A_684 : i32
        %get3A_686 = arith.constant 0 : i32
        %get3A_687 = arith.index_cast %get3A_686 : i32 to index
        %get3A_688 = arith.index_cast %add3A_685 : i32 to index
        %get3A_689 = arith.constant 32 : index
        %get3A_690 = tpu.vector_load %arg8[%get3A_687, %get3A_688, %get3A_689] {strides = array<i32>} : memref<2x128x64xf32, #tpu.memory_space<vmem>>, vector<16xf32>,
        %mul3A_691 = arith.mulf %get3A_690, %broadcast_in_dim3A_665 : vector<16xf32>
        %add3A_692 = arith.addf %add3A_653, %mul3A_691 : vector<16xf32>
        %add3A_693 = arith.constant 8 : i32
        %add3A_694 = arith.addi %mul3A_352, %add3A_693 : i32
        %get3A_695 = arith.constant 0 : i32
        %get3A_696 = arith.index_cast %get3A_695 : i32 to index
        %get3A_697 = arith.index_cast %add3A_694 : i32 to index
        %get3A_698 = arith.constant 48 : index
        %get3A_699 = tpu.vector_load %arg8[%get3A_696, %get3A_697, %get3A_698] {strides = array<i32>} : memref<2x128x64xf32, #tpu.memory_space<vmem>>, vector<16xf32>,
        %mul3A_700 = arith.mulf %get3A_699, %broadcast_in_dim3A_665 : vector<16xf32>
        %add3A_701 = arith.addf %add3A_662, %mul3A_700 : vector<16xf32>
        %slice3A_702 = vector.extract_strided_slice %convert_element_type3A_350 {offsets = [9], sizes = [1], strides = [1]} : vector<16xf32> to vector<1xf32>
        %squeeze3A_703 = vector.extract %slice3A_702[0] : f32 from vector<1xf32>
        %broadcast_in_dim3A_704 = vector.broadcast %squeeze3A_703 : f32 to vector<16xf32>
        %add3A_705 = arith.constant 9 : i32
        %add3A_706 = arith.addi %mul3A_352, %add3A_705 : i32
        %get3A_707 = arith.constant 0 : i32
        %get3A_708 = arith.index_cast %get3A_707 : i32 to index
        %get3A_709 = arith.index_cast %add3A_706 : i32 to index
        %get3A_710 = arith.constant 0 : index
        %get3A_711 = tpu.vector_load %arg8[%get3A_708, %get3A_709, %get3A_710] {strides = array<i32>} : memref<2x128x64xf32, #tpu.memory_space<vmem>>, vector<16xf32>,
        %mul3A_712 = arith.mulf %get3A_711, %broadcast_in_dim3A_704 : vector<16xf32>
        %add3A_713 = arith.addf %add3A_674, %mul3A_712 : vector<16xf32>
        %add3A_714 = arith.constant 9 : i32
        %add3A_715 = arith.addi %mul3A_352, %add3A_714 : i32
        %get3A_716 = arith.constant 0 : i32
        %get3A_717 = arith.index_cast %get3A_716 : i32 to index
        %get3A_718 = arith.index_cast %add3A_715 : i32 to index
        %get3A_719 = arith.constant 16 : index
        %get3A_720 = tpu.vector_load %arg8[%get3A_717, %get3A_718, %get3A_719] {strides = array<i32>} : memref<2x128x64xf32, #tpu.memory_space<vmem>>, vector<16xf32>,
        %mul3A_721 = arith.mulf %get3A_720, %broadcast_in_dim3A_704 : vector<16xf32>
        %add3A_722 = arith.addf %add3A_683, %mul3A_721 : vector<16xf32>
        %add3A_723 = arith.constant 9 : i32
        %add3A_724 = arith.addi %mul3A_352, %add3A_723 : i32
        %get3A_725 = arith.constant 0 : i32
        %get3A_726 = arith.index_cast %get3A_725 : i32 to index
        %get3A_727 = arith.index_cast %add3A_724 : i32 to index
        %get3A_728 = arith.constant 32 : index
        %get3A_729 = tpu.vector_load %arg8[%get3A_726, %get3A_727, %get3A_728] {strides = array<i32>} : memref<2x128x64xf32, #tpu.memory_space<vmem>>, vector<16xf32>,
        %mul3A_730 = arith.mulf %get3A_729, %broadcast_in_dim3A_704 : vector<16xf32>
        %add3A_731 = arith.addf %add3A_692, %mul3A_730 : vector<16xf32>
        %add3A_732 = arith.constant 9 : i32
        %add3A_733 = arith.addi %mul3A_352, %add3A_732 : i32
        %get3A_734 = arith.constant 0 : i32
        %get3A_735 = arith.index_cast %get3A_734 : i32 to index
        %get3A_736 = arith.index_cast %add3A_733 : i32 to index
        %get3A_737 = arith.constant 48 : index
        %get3A_738 = tpu.vector_load %arg8[%get3A_735, %get3A_736, %get3A_737] {strides = array<i32>} : memref<2x128x64xf32, #tpu.memory_space<vmem>>, vector<16xf32>,
        %mul3A_739 = arith.mulf %get3A_738, %broadcast_in_dim3A_704 : vector<16xf32>
        %add3A_740 = arith.addf %add3A_701, %mul3A_739 : vector<16xf32>
        %slice3A_741 = vector.extract_strided_slice %convert_element_type3A_350 {offsets = [10], sizes = [1], strides = [1]} : vector<16xf32> to vector<1xf32>
        %squeeze3A_742 = vector.extract %slice3A_741[0] : f32 from vector<1xf32>
        %broadcast_in_dim3A_743 = vector.broadcast %squeeze3A_742 : f32 to vector<16xf32>
        %add3A_744 = arith.constant 10 : i32
        %add3A_745 = arith.addi %mul3A_352, %add3A_744 : i32
        %get3A_746 = arith.constant 0 : i32
        %get3A_747 = arith.index_cast %get3A_746 : i32 to index
        %get3A_748 = arith.index_cast %add3A_745 : i32 to index
        %get3A_749 = arith.constant 0 : index
        %get3A_750 = tpu.vector_load %arg8[%get3A_747, %get3A_748, %get3A_749] {strides = array<i32>} : memref<2x128x64xf32, #tpu.memory_space<vmem>>, vector<16xf32>,
        %mul3A_751 = arith.mulf %get3A_750, %broadcast_in_dim3A_743 : vector<16xf32>
        %add3A_752 = arith.addf %add3A_713, %mul3A_751 : vector<16xf32>
        %add3A_753 = arith.constant 10 : i32
        %add3A_754 = arith.addi %mul3A_352, %add3A_753 : i32
        %get3A_755 = arith.constant 0 : i32
        %get3A_756 = arith.index_cast %get3A_755 : i32 to index
        %get3A_757 = arith.index_cast %add3A_754 : i32 to index
        %get3A_758 = arith.constant 16 : index
        %get3A_759 = tpu.vector_load %arg8[%get3A_756, %get3A_757, %get3A_758] {strides = array<i32>} : memref<2x128x64xf32, #tpu.memory_space<vmem>>, vector<16xf32>,
        %mul3A_760 = arith.mulf %get3A_759, %broadcast_in_dim3A_743 : vector<16xf32>
        %add3A_761 = arith.addf %add3A_722, %mul3A_760 : vector<16xf32>
        %add3A_762 = arith.constant 10 : i32
        %add3A_763 = arith.addi %mul3A_352, %add3A_762 : i32
        %get3A_764 = arith.constant 0 : i32
        %get3A_765 = arith.index_cast %get3A_764 : i32 to index
        %get3A_766 = arith.index_cast %add3A_763 : i32 to index
        %get3A_767 = arith.constant 32 : index
        %get3A_768 = tpu.vector_load %arg8[%get3A_765, %get3A_766, %get3A_767] {strides = array<i32>} : memref<2x128x64xf32, #tpu.memory_space<vmem>>, vector<16xf32>,
        %mul3A_769 = arith.mulf %get3A_768, %broadcast_in_dim3A_743 : vector<16xf32>
        %add3A_770 = arith.addf %add3A_731, %mul3A_769 : vector<16xf32>
        %add3A_771 = arith.constant 10 : i32
        %add3A_772 = arith.addi %mul3A_352, %add3A_771 : i32
        %get3A_773 = arith.constant 0 : i32
        %get3A_774 = arith.index_cast %get3A_773 : i32 to index
        %get3A_775 = arith.index_cast %add3A_772 : i32 to index
        %get3A_776 = arith.constant 48 : index
        %get3A_777 = tpu.vector_load %arg8[%get3A_774, %get3A_775, %get3A_776] {strides = array<i32>} : memref<2x128x64xf32, #tpu.memory_space<vmem>>, vector<16xf32>,
        %mul3A_778 = arith.mulf %get3A_777, %broadcast_in_dim3A_743 : vector<16xf32>
        %add3A_779 = arith.addf %add3A_740, %mul3A_778 : vector<16xf32>
        %slice3A_780 = vector.extract_strided_slice %convert_element_type3A_350 {offsets = [11], sizes = [1], strides = [1]} : vector<16xf32> to vector<1xf32>
        %squeeze3A_781 = vector.extract %slice3A_780[0] : f32 from vector<1xf32>
        %broadcast_in_dim3A_782 = vector.broadcast %squeeze3A_781 : f32 to vector<16xf32>
        %add3A_783 = arith.constant 11 : i32
        %add3A_784 = arith.addi %mul3A_352, %add3A_783 : i32
        %get3A_785 = arith.constant 0 : i32
        %get3A_786 = arith.index_cast %get3A_785 : i32 to index
        %get3A_787 = arith.index_cast %add3A_784 : i32 to index
        %get3A_788 = arith.constant 0 : index
        %get3A_789 = tpu.vector_load %arg8[%get3A_786, %get3A_787, %get3A_788] {strides = array<i32>} : memref<2x128x64xf32, #tpu.memory_space<vmem>>, vector<16xf32>,
        %mul3A_790 = arith.mulf %get3A_789, %broadcast_in_dim3A_782 : vector<16xf32>
        %add3A_791 = arith.addf %add3A_752, %mul3A_790 : vector<16xf32>
        %add3A_792 = arith.constant 11 : i32
        %add3A_793 = arith.addi %mul3A_352, %add3A_792 : i32
        %get3A_794 = arith.constant 0 : i32
        %get3A_795 = arith.index_cast %get3A_794 : i32 to index
        %get3A_796 = arith.index_cast %add3A_793 : i32 to index
        %get3A_797 = arith.constant 16 : index
        %get3A_798 = tpu.vector_load %arg8[%get3A_795, %get3A_796, %get3A_797] {strides = array<i32>} : memref<2x128x64xf32, #tpu.memory_space<vmem>>, vector<16xf32>,
        %mul3A_799 = arith.mulf %get3A_798, %broadcast_in_dim3A_782 : vector<16xf32>
        %add3A_800 = arith.addf %add3A_761, %mul3A_799 : vector<16xf32>
        %add3A_801 = arith.constant 11 : i32
        %add3A_802 = arith.addi %mul3A_352, %add3A_801 : i32
        %get3A_803 = arith.constant 0 : i32
        %get3A_804 = arith.index_cast %get3A_803 : i32 to index
        %get3A_805 = arith.index_cast %add3A_802 : i32 to index
        %get3A_806 = arith.constant 32 : index
        %get3A_807 = tpu.vector_load %arg8[%get3A_804, %get3A_805, %get3A_806] {strides = array<i32>} : memref<2x128x64xf32, #tpu.memory_space<vmem>>, vector<16xf32>,
        %mul3A_808 = arith.mulf %get3A_807, %broadcast_in_dim3A_782 : vector<16xf32>
        %add3A_809 = arith.addf %add3A_770, %mul3A_808 : vector<16xf32>
        %add3A_810 = arith.constant 11 : i32
        %add3A_811 = arith.addi %mul3A_352, %add3A_810 : i32
        %get3A_812 = arith.constant 0 : i32
        %get3A_813 = arith.index_cast %get3A_812 : i32 to index
        %get3A_814 = arith.index_cast %add3A_811 : i32 to index
        %get3A_815 = arith.constant 48 : index
        %get3A_816 = tpu.vector_load %arg8[%get3A_813, %get3A_814, %get3A_815] {strides = array<i32>} : memref<2x128x64xf32, #tpu.memory_space<vmem>>, vector<16xf32>,
        %mul3A_817 = arith.mulf %get3A_816, %broadcast_in_dim3A_782 : vector<16xf32>
        %add3A_818 = arith.addf %add3A_779, %mul3A_817 : vector<16xf32>
        %slice3A_819 = vector.extract_strided_slice %convert_element_type3A_350 {offsets = [12], sizes = [1], strides = [1]} : vector<16xf32> to vector<1xf32>
        %squeeze3A_820 = vector.extract %slice3A_819[0] : f32 from vector<1xf32>
        %broadcast_in_dim3A_821 = vector.broadcast %squeeze3A_820 : f32 to vector<16xf32>
        %add3A_822 = arith.constant 12 : i32
        %add3A_823 = arith.addi %mul3A_352, %add3A_822 : i32
        %get3A_824 = arith.constant 0 : i32
        %get3A_825 = arith.index_cast %get3A_824 : i32 to index
        %get3A_826 = arith.index_cast %add3A_823 : i32 to index
        %get3A_827 = arith.constant 0 : index
        %get3A_828 = tpu.vector_load %arg8[%get3A_825, %get3A_826, %get3A_827] {strides = array<i32>} : memref<2x128x64xf32, #tpu.memory_space<vmem>>, vector<16xf32>,
        %mul3A_829 = arith.mulf %get3A_828, %broadcast_in_dim3A_821 : vector<16xf32>
        %add3A_830 = arith.addf %add3A_791, %mul3A_829 : vector<16xf32>
        %add3A_831 = arith.constant 12 : i32
        %add3A_832 = arith.addi %mul3A_352, %add3A_831 : i32
        %get3A_833 = arith.constant 0 : i32
        %get3A_834 = arith.index_cast %get3A_833 : i32 to index
        %get3A_835 = arith.index_cast %add3A_832 : i32 to index
        %get3A_836 = arith.constant 16 : index
        %get3A_837 = tpu.vector_load %arg8[%get3A_834, %get3A_835, %get3A_836] {strides = array<i32>} : memref<2x128x64xf32, #tpu.memory_space<vmem>>, vector<16xf32>,
        %mul3A_838 = arith.mulf %get3A_837, %broadcast_in_dim3A_821 : vector<16xf32>
        %add3A_839 = arith.addf %add3A_800, %mul3A_838 : vector<16xf32>
        %add3A_840 = arith.constant 12 : i32
        %add3A_841 = arith.addi %mul3A_352, %add3A_840 : i32
        %get3A_842 = arith.constant 0 : i32
        %get3A_843 = arith.index_cast %get3A_842 : i32 to index
        %get3A_844 = arith.index_cast %add3A_841 : i32 to index
        %get3A_845 = arith.constant 32 : index
        %get3A_846 = tpu.vector_load %arg8[%get3A_843, %get3A_844, %get3A_845] {strides = array<i32>} : memref<2x128x64xf32, #tpu.memory_space<vmem>>, vector<16xf32>,
        %mul3A_847 = arith.mulf %get3A_846, %broadcast_in_dim3A_821 : vector<16xf32>
        %add3A_848 = arith.addf %add3A_809, %mul3A_847 : vector<16xf32>
        %add3A_849 = arith.constant 12 : i32
        %add3A_850 = arith.addi %mul3A_352, %add3A_849 : i32
        %get3A_851 = arith.constant 0 : i32
        %get3A_852 = arith.index_cast %get3A_851 : i32 to index
        %get3A_853 = arith.index_cast %add3A_850 : i32 to index
        %get3A_854 = arith.constant 48 : index
        %get3A_855 = tpu.vector_load %arg8[%get3A_852, %get3A_853, %get3A_854] {strides = array<i32>} : memref<2x128x64xf32, #tpu.memory_space<vmem>>, vector<16xf32>,
        %mul3A_856 = arith.mulf %get3A_855, %broadcast_in_dim3A_821 : vector<16xf32>
        %add3A_857 = arith.addf %add3A_818, %mul3A_856 : vector<16xf32>
        %slice3A_858 = vector.extract_strided_slice %convert_element_type3A_350 {offsets = [13], sizes = [1], strides = [1]} : vector<16xf32> to vector<1xf32>
        %squeeze3A_859 = vector.extract %slice3A_858[0] : f32 from vector<1xf32>
        %broadcast_in_dim3A_860 = vector.broadcast %squeeze3A_859 : f32 to vector<16xf32>
        %add3A_861 = arith.constant 13 : i32
        %add3A_862 = arith.addi %mul3A_352, %add3A_861 : i32
        %get3A_863 = arith.constant 0 : i32
        %get3A_864 = arith.index_cast %get3A_863 : i32 to index
        %get3A_865 = arith.index_cast %add3A_862 : i32 to index
        %get3A_866 = arith.constant 0 : index
        %get3A_867 = tpu.vector_load %arg8[%get3A_864, %get3A_865, %get3A_866] {strides = array<i32>} : memref<2x128x64xf32, #tpu.memory_space<vmem>>, vector<16xf32>,
        %mul3A_868 = arith.mulf %get3A_867, %broadcast_in_dim3A_860 : vector<16xf32>
        %add3A_869 = arith.addf %add3A_830, %mul3A_868 : vector<16xf32>
        %add3A_870 = arith.constant 13 : i32
        %add3A_871 = arith.addi %mul3A_352, %add3A_870 : i32
        %get3A_872 = arith.constant 0 : i32
        %get3A_873 = arith.index_cast %get3A_872 : i32 to index
        %get3A_874 = arith.index_cast %add3A_871 : i32 to index
        %get3A_875 = arith.constant 16 : index
        %get3A_876 = tpu.vector_load %arg8[%get3A_873, %get3A_874, %get3A_875] {strides = array<i32>} : memref<2x128x64xf32, #tpu.memory_space<vmem>>, vector<16xf32>,
        %mul3A_877 = arith.mulf %get3A_876, %broadcast_in_dim3A_860 : vector<16xf32>
        %add3A_878 = arith.addf %add3A_839, %mul3A_877 : vector<16xf32>
        %add3A_879 = arith.constant 13 : i32
        %add3A_880 = arith.addi %mul3A_352, %add3A_879 : i32
        %get3A_881 = arith.constant 0 : i32
        %get3A_882 = arith.index_cast %get3A_881 : i32 to index
        %get3A_883 = arith.index_cast %add3A_880 : i32 to index
        %get3A_884 = arith.constant 32 : index
        %get3A_885 = tpu.vector_load %arg8[%get3A_882, %get3A_883, %get3A_884] {strides = array<i32>} : memref<2x128x64xf32, #tpu.memory_space<vmem>>, vector<16xf32>,
        %mul3A_886 = arith.mulf %get3A_885, %broadcast_in_dim3A_860 : vector<16xf32>
        %add3A_887 = arith.addf %add3A_848, %mul3A_886 : vector<16xf32>
        %add3A_888 = arith.constant 13 : i32
        %add3A_889 = arith.addi %mul3A_352, %add3A_888 : i32
        %get3A_890 = arith.constant 0 : i32
        %get3A_891 = arith.index_cast %get3A_890 : i32 to index
        %get3A_892 = arith.index_cast %add3A_889 : i32 to index
        %get3A_893 = arith.constant 48 : index
        %get3A_894 = tpu.vector_load %arg8[%get3A_891, %get3A_892, %get3A_893] {strides = array<i32>} : memref<2x128x64xf32, #tpu.memory_space<vmem>>, vector<16xf32>,
        %mul3A_895 = arith.mulf %get3A_894, %broadcast_in_dim3A_860 : vector<16xf32>
        %add3A_896 = arith.addf %add3A_857, %mul3A_895 : vector<16xf32>
        %slice3A_897 = vector.extract_strided_slice %convert_element_type3A_350 {offsets = [14], sizes = [1], strides = [1]} : vector<16xf32> to vector<1xf32>
        %squeeze3A_898 = vector.extract %slice3A_897[0] : f32 from vector<1xf32>
        %broadcast_in_dim3A_899 = vector.broadcast %squeeze3A_898 : f32 to vector<16xf32>
        %add3A_900 = arith.constant 14 : i32
        %add3A_901 = arith.addi %mul3A_352, %add3A_900 : i32
        %get3A_902 = arith.constant 0 : i32
        %get3A_903 = arith.index_cast %get3A_902 : i32 to index
        %get3A_904 = arith.index_cast %add3A_901 : i32 to index
        %get3A_905 = arith.constant 0 : index
        %get3A_906 = tpu.vector_load %arg8[%get3A_903, %get3A_904, %get3A_905] {strides = array<i32>} : memref<2x128x64xf32, #tpu.memory_space<vmem>>, vector<16xf32>,
        %mul3A_907 = arith.mulf %get3A_906, %broadcast_in_dim3A_899 : vector<16xf32>
        %add3A_908 = arith.addf %add3A_869, %mul3A_907 : vector<16xf32>
        %add3A_909 = arith.constant 14 : i32
        %add3A_910 = arith.addi %mul3A_352, %add3A_909 : i32
        %get3A_911 = arith.constant 0 : i32
        %get3A_912 = arith.index_cast %get3A_911 : i32 to index
        %get3A_913 = arith.index_cast %add3A_910 : i32 to index
        %get3A_914 = arith.constant 16 : index
        %get3A_915 = tpu.vector_load %arg8[%get3A_912, %get3A_913, %get3A_914] {strides = array<i32>} : memref<2x128x64xf32, #tpu.memory_space<vmem>>, vector<16xf32>,
        %mul3A_916 = arith.mulf %get3A_915, %broadcast_in_dim3A_899 : vector<16xf32>
        %add3A_917 = arith.addf %add3A_878, %mul3A_916 : vector<16xf32>
        %add3A_918 = arith.constant 14 : i32
        %add3A_919 = arith.addi %mul3A_352, %add3A_918 : i32
        %get3A_920 = arith.constant 0 : i32
        %get3A_921 = arith.index_cast %get3A_920 : i32 to index
        %get3A_922 = arith.index_cast %add3A_919 : i32 to index
        %get3A_923 = arith.constant 32 : index
        %get3A_924 = tpu.vector_load %arg8[%get3A_921, %get3A_922, %get3A_923] {strides = array<i32>} : memref<2x128x64xf32, #tpu.memory_space<vmem>>, vector<16xf32>,
        %mul3A_925 = arith.mulf %get3A_924, %broadcast_in_dim3A_899 : vector<16xf32>
        %add3A_926 = arith.addf %add3A_887, %mul3A_925 : vector<16xf32>
        %add3A_927 = arith.constant 14 : i32
        %add3A_928 = arith.addi %mul3A_352, %add3A_927 : i32
        %get3A_929 = arith.constant 0 : i32
        %get3A_930 = arith.index_cast %get3A_929 : i32 to index
        %get3A_931 = arith.index_cast %add3A_928 : i32 to index
        %get3A_932 = arith.constant 48 : index
        %get3A_933 = tpu.vector_load %arg8[%get3A_930, %get3A_931, %get3A_932] {strides = array<i32>} : memref<2x128x64xf32, #tpu.memory_space<vmem>>, vector<16xf32>,
        %mul3A_934 = arith.mulf %get3A_933, %broadcast_in_dim3A_899 : vector<16xf32>
        %add3A_935 = arith.addf %add3A_896, %mul3A_934 : vector<16xf32>
        %slice3A_936 = vector.extract_strided_slice %convert_element_type3A_350 {offsets = [15], sizes = [1], strides = [1]} : vector<16xf32> to vector<1xf32>
        %squeeze3A_937 = vector.extract %slice3A_936[0] : f32 from vector<1xf32>
        %broadcast_in_dim3A_938 = vector.broadcast %squeeze3A_937 : f32 to vector<16xf32>
        %add3A_939 = arith.constant 15 : i32
        %add3A_940 = arith.addi %mul3A_352, %add3A_939 : i32
        %get3A_941 = arith.constant 0 : i32
        %get3A_942 = arith.index_cast %get3A_941 : i32 to index
        %get3A_943 = arith.index_cast %add3A_940 : i32 to index
        %get3A_944 = arith.constant 0 : index
        %get3A_945 = tpu.vector_load %arg8[%get3A_942, %get3A_943, %get3A_944] {strides = array<i32>} : memref<2x128x64xf32, #tpu.memory_space<vmem>>, vector<16xf32>,
        %mul3A_946 = arith.mulf %get3A_945, %broadcast_in_dim3A_938 : vector<16xf32>
        %add3A_947 = arith.addf %add3A_908, %mul3A_946 : vector<16xf32>
        %add3A_948 = arith.constant 15 : i32
        %add3A_949 = arith.addi %mul3A_352, %add3A_948 : i32
        %get3A_950 = arith.constant 0 : i32
        %get3A_951 = arith.index_cast %get3A_950 : i32 to index
        %get3A_952 = arith.index_cast %add3A_949 : i32 to index
        %get3A_953 = arith.constant 16 : index
        %get3A_954 = tpu.vector_load %arg8[%get3A_951, %get3A_952, %get3A_953] {strides = array<i32>} : memref<2x128x64xf32, #tpu.memory_space<vmem>>, vector<16xf32>,
        %mul3A_955 = arith.mulf %get3A_954, %broadcast_in_dim3A_938 : vector<16xf32>
        %add3A_956 = arith.addf %add3A_917, %mul3A_955 : vector<16xf32>
        %add3A_957 = arith.constant 15 : i32
        %add3A_958 = arith.addi %mul3A_352, %add3A_957 : i32
        %get3A_959 = arith.constant 0 : i32
        %get3A_960 = arith.index_cast %get3A_959 : i32 to index
        %get3A_961 = arith.index_cast %add3A_958 : i32 to index
        %get3A_962 = arith.constant 32 : index
        %get3A_963 = tpu.vector_load %arg8[%get3A_960, %get3A_961, %get3A_962] {strides = array<i32>} : memref<2x128x64xf32, #tpu.memory_space<vmem>>, vector<16xf32>,
        %mul3A_964 = arith.mulf %get3A_963, %broadcast_in_dim3A_938 : vector<16xf32>
        %add3A_965 = arith.addf %add3A_926, %mul3A_964 : vector<16xf32>
        %add3A_966 = arith.constant 15 : i32
        %add3A_967 = arith.addi %mul3A_352, %add3A_966 : i32
        %get3A_968 = arith.constant 0 : i32
        %get3A_969 = arith.index_cast %get3A_968 : i32 to index
        %get3A_970 = arith.index_cast %add3A_967 : i32 to index
        %get3A_971 = arith.constant 48 : index
        %get3A_972 = tpu.vector_load %arg8[%get3A_969, %get3A_970, %get3A_971] {strides = array<i32>} : memref<2x128x64xf32, #tpu.memory_space<vmem>>, vector<16xf32>,
        %mul3A_973 = arith.mulf %get3A_972, %broadcast_in_dim3A_938 : vector<16xf32>
        %add3A_974 = arith.addf %add3A_935, %mul3A_973 : vector<16xf32>
        scf.yield %add3A_947, %add3A_956, %add3A_965, %add3A_974 : vector<16xf32>, vector<16xf32>, vector<16xf32>, vector<16xf32>
      }
      %scan3A_237 = arith.constant 8 : i32
      %scan3A_238 = arith.constant 0 : i32
      %scan3A_239 = arith.constant 5 : i32
      %scan3A_240 = arith.addi %scan3A_238, %scan3A_239 : i32
      %scan3A_241 = arith.constant 1 : i32
      %scan3A_242:4 = scf.for %scan3A_338 = %scan3A_238 to %scan3A_240 step %scan3A_241 iter_args(%scan3A_339 = %scan3A_236#0, %scan3A_340 = %scan3A_236#1, %scan3A_341 = %scan3A_236#2, %scan3A_342 = %scan3A_236#3) -> (vector<16xf32>, vector<16xf32>, vector<16xf32>, vector<16xf32>)  : i32 {
        %add3A_343 = arith.constant 128 : i32
        %add3A_344 = arith.addi %mul3A_198, %add3A_343 : i32
        %mul3A_345 = arith.constant 16 : i32
        %mul3A_346 = arith.muli %scan3A_338, %mul3A_345 : i32
        %add3A_347 = arith.addi %add3A_344, %mul3A_346 : i32
        %get3A_348 = arith.index_cast %add3A_347 : i32 to index
        %get3A_349 = tpu.vector_load %arg7[%get3A_348] {strides = array<i32>} : memref<26624xi32, #tpu.memory_space<vmem>>, vector<16xi32>,
        %convert_element_type3A_350 = arith.sitofp %get3A_349 : vector<16xi32> to vector<16xf32>
        %mul3A_351 = arith.constant 16 : i32
        %mul3A_352 = arith.muli %scan3A_338, %mul3A_351 : i32
        %slice3A = vector.extract_strided_slice %convert_element_type3A_350 {offsets = [0], sizes = [1], strides = [1]} : vector<16xf32> to vector<1xf32>
        %squeeze3A = vector.extract %slice3A[0] : f32 from vector<1xf32>
        %broadcast_in_dim3A_353 = vector.broadcast %squeeze3A : f32 to vector<16xf32>
        %add3A_354 = arith.constant 0 : i32
        %add3A_355 = arith.addi %mul3A_352, %add3A_354 : i32
        %get3A_356 = arith.constant 0 : i32
        %get3A_357 = arith.index_cast %get3A_356 : i32 to index
        %get3A_358 = arith.index_cast %add3A_355 : i32 to index
        %get3A_359 = arith.constant 0 : index
        %get3A_360 = tpu.vector_load %arg9[%get3A_357, %get3A_358, %get3A_359] {strides = array<i32>} : memref<2x80x64xf32, #tpu.memory_space<vmem>>, vector<16xf32>,
        %mul3A_361 = arith.mulf %get3A_360, %broadcast_in_dim3A_353 : vector<16xf32>
        %add3A_362 = arith.addf %scan3A_339, %mul3A_361 : vector<16xf32>
        %add3A_363 = arith.constant 0 : i32
        %add3A_364 = arith.addi %mul3A_352, %add3A_363 : i32
        %get3A_365 = arith.constant 0 : i32
        %get3A_366 = arith.index_cast %get3A_365 : i32 to index
        %get3A_367 = arith.index_cast %add3A_364 : i32 to index
        %get3A_368 = arith.constant 16 : index
        %get3A_369 = tpu.vector_load %arg9[%get3A_366, %get3A_367, %get3A_368] {strides = array<i32>} : memref<2x80x64xf32, #tpu.memory_space<vmem>>, vector<16xf32>,
        %mul3A_370 = arith.mulf %get3A_369, %broadcast_in_dim3A_353 : vector<16xf32>
        %add3A_371 = arith.addf %scan3A_340, %mul3A_370 : vector<16xf32>
        %add3A_372 = arith.constant 0 : i32
        %add3A_373 = arith.addi %mul3A_352, %add3A_372 : i32
        %get3A_374 = arith.constant 0 : i32
        %get3A_375 = arith.index_cast %get3A_374 : i32 to index
        %get3A_376 = arith.index_cast %add3A_373 : i32 to index
        %get3A_377 = arith.constant 32 : index
        %get3A_378 = tpu.vector_load %arg9[%get3A_375, %get3A_376, %get3A_377] {strides = array<i32>} : memref<2x80x64xf32, #tpu.memory_space<vmem>>, vector<16xf32>,
        %mul3A_379 = arith.mulf %get3A_378, %broadcast_in_dim3A_353 : vector<16xf32>
        %add3A_380 = arith.addf %scan3A_341, %mul3A_379 : vector<16xf32>
        %add3A_381 = arith.constant 0 : i32
        %add3A_382 = arith.addi %mul3A_352, %add3A_381 : i32
        %get3A_383 = arith.constant 0 : i32
        %get3A_384 = arith.index_cast %get3A_383 : i32 to index
        %get3A_385 = arith.index_cast %add3A_382 : i32 to index
        %get3A_386 = arith.constant 48 : index
        %get3A_387 = tpu.vector_load %arg9[%get3A_384, %get3A_385, %get3A_386] {strides = array<i32>} : memref<2x80x64xf32, #tpu.memory_space<vmem>>, vector<16xf32>,
        %mul3A_388 = arith.mulf %get3A_387, %broadcast_in_dim3A_353 : vector<16xf32>
        %add3A_389 = arith.addf %scan3A_342, %mul3A_388 : vector<16xf32>
        %slice3A_390 = vector.extract_strided_slice %convert_element_type3A_350 {offsets = [1], sizes = [1], strides = [1]} : vector<16xf32> to vector<1xf32>
        %squeeze3A_391 = vector.extract %slice3A_390[0] : f32 from vector<1xf32>
        %broadcast_in_dim3A_392 = vector.broadcast %squeeze3A_391 : f32 to vector<16xf32>
        %add3A_393 = arith.constant 1 : i32
        %add3A_394 = arith.addi %mul3A_352, %add3A_393 : i32
        %get3A_395 = arith.constant 0 : i32
        %get3A_396 = arith.index_cast %get3A_395 : i32 to index
        %get3A_397 = arith.index_cast %add3A_394 : i32 to index
        %get3A_398 = arith.constant 0 : index
        %get3A_399 = tpu.vector_load %arg9[%get3A_396, %get3A_397, %get3A_398] {strides = array<i32>} : memref<2x80x64xf32, #tpu.memory_space<vmem>>, vector<16xf32>,
        %mul3A_400 = arith.mulf %get3A_399, %broadcast_in_dim3A_392 : vector<16xf32>
        %add3A_401 = arith.addf %add3A_362, %mul3A_400 : vector<16xf32>
        %add3A_402 = arith.constant 1 : i32
        %add3A_403 = arith.addi %mul3A_352, %add3A_402 : i32
        %get3A_404 = arith.constant 0 : i32
        %get3A_405 = arith.index_cast %get3A_404 : i32 to index
        %get3A_406 = arith.index_cast %add3A_403 : i32 to index
        %get3A_407 = arith.constant 16 : index
        %get3A_408 = tpu.vector_load %arg9[%get3A_405, %get3A_406, %get3A_407] {strides = array<i32>} : memref<2x80x64xf32, #tpu.memory_space<vmem>>, vector<16xf32>,
        %mul3A_409 = arith.mulf %get3A_408, %broadcast_in_dim3A_392 : vector<16xf32>
        %add3A_410 = arith.addf %add3A_371, %mul3A_409 : vector<16xf32>
        %add3A_411 = arith.constant 1 : i32
        %add3A_412 = arith.addi %mul3A_352, %add3A_411 : i32
        %get3A_413 = arith.constant 0 : i32
        %get3A_414 = arith.index_cast %get3A_413 : i32 to index
        %get3A_415 = arith.index_cast %add3A_412 : i32 to index
        %get3A_416 = arith.constant 32 : index
        %get3A_417 = tpu.vector_load %arg9[%get3A_414, %get3A_415, %get3A_416] {strides = array<i32>} : memref<2x80x64xf32, #tpu.memory_space<vmem>>, vector<16xf32>,
        %mul3A_418 = arith.mulf %get3A_417, %broadcast_in_dim3A_392 : vector<16xf32>
        %add3A_419 = arith.addf %add3A_380, %mul3A_418 : vector<16xf32>
        %add3A_420 = arith.constant 1 : i32
        %add3A_421 = arith.addi %mul3A_352, %add3A_420 : i32
        %get3A_422 = arith.constant 0 : i32
        %get3A_423 = arith.index_cast %get3A_422 : i32 to index
        %get3A_424 = arith.index_cast %add3A_421 : i32 to index
        %get3A_425 = arith.constant 48 : index
        %get3A_426 = tpu.vector_load %arg9[%get3A_423, %get3A_424, %get3A_425] {strides = array<i32>} : memref<2x80x64xf32, #tpu.memory_space<vmem>>, vector<16xf32>,
        %mul3A_427 = arith.mulf %get3A_426, %broadcast_in_dim3A_392 : vector<16xf32>
        %add3A_428 = arith.addf %add3A_389, %mul3A_427 : vector<16xf32>
        %slice3A_429 = vector.extract_strided_slice %convert_element_type3A_350 {offsets = [2], sizes = [1], strides = [1]} : vector<16xf32> to vector<1xf32>
        %squeeze3A_430 = vector.extract %slice3A_429[0] : f32 from vector<1xf32>
        %broadcast_in_dim3A_431 = vector.broadcast %squeeze3A_430 : f32 to vector<16xf32>
        %add3A_432 = arith.constant 2 : i32
        %add3A_433 = arith.addi %mul3A_352, %add3A_432 : i32
        %get3A_434 = arith.constant 0 : i32
        %get3A_435 = arith.index_cast %get3A_434 : i32 to index
        %get3A_436 = arith.index_cast %add3A_433 : i32 to index
        %get3A_437 = arith.constant 0 : index
        %get3A_438 = tpu.vector_load %arg9[%get3A_435, %get3A_436, %get3A_437] {strides = array<i32>} : memref<2x80x64xf32, #tpu.memory_space<vmem>>, vector<16xf32>,
        %mul3A_439 = arith.mulf %get3A_438, %broadcast_in_dim3A_431 : vector<16xf32>
        %add3A_440 = arith.addf %add3A_401, %mul3A_439 : vector<16xf32>
        %add3A_441 = arith.constant 2 : i32
        %add3A_442 = arith.addi %mul3A_352, %add3A_441 : i32
        %get3A_443 = arith.constant 0 : i32
        %get3A_444 = arith.index_cast %get3A_443 : i32 to index
        %get3A_445 = arith.index_cast %add3A_442 : i32 to index
        %get3A_446 = arith.constant 16 : index
        %get3A_447 = tpu.vector_load %arg9[%get3A_444, %get3A_445, %get3A_446] {strides = array<i32>} : memref<2x80x64xf32, #tpu.memory_space<vmem>>, vector<16xf32>,
        %mul3A_448 = arith.mulf %get3A_447, %broadcast_in_dim3A_431 : vector<16xf32>
        %add3A_449 = arith.addf %add3A_410, %mul3A_448 : vector<16xf32>
        %add3A_450 = arith.constant 2 : i32
        %add3A_451 = arith.addi %mul3A_352, %add3A_450 : i32
        %get3A_452 = arith.constant 0 : i32
        %get3A_453 = arith.index_cast %get3A_452 : i32 to index
        %get3A_454 = arith.index_cast %add3A_451 : i32 to index
        %get3A_455 = arith.constant 32 : index
        %get3A_456 = tpu.vector_load %arg9[%get3A_453, %get3A_454, %get3A_455] {strides = array<i32>} : memref<2x80x64xf32, #tpu.memory_space<vmem>>, vector<16xf32>,
        %mul3A_457 = arith.mulf %get3A_456, %broadcast_in_dim3A_431 : vector<16xf32>
        %add3A_458 = arith.addf %add3A_419, %mul3A_457 : vector<16xf32>
        %add3A_459 = arith.constant 2 : i32
        %add3A_460 = arith.addi %mul3A_352, %add3A_459 : i32
        %get3A_461 = arith.constant 0 : i32
        %get3A_462 = arith.index_cast %get3A_461 : i32 to index
        %get3A_463 = arith.index_cast %add3A_460 : i32 to index
        %get3A_464 = arith.constant 48 : index
        %get3A_465 = tpu.vector_load %arg9[%get3A_462, %get3A_463, %get3A_464] {strides = array<i32>} : memref<2x80x64xf32, #tpu.memory_space<vmem>>, vector<16xf32>,
        %mul3A_466 = arith.mulf %get3A_465, %broadcast_in_dim3A_431 : vector<16xf32>
        %add3A_467 = arith.addf %add3A_428, %mul3A_466 : vector<16xf32>
        %slice3A_468 = vector.extract_strided_slice %convert_element_type3A_350 {offsets = [3], sizes = [1], strides = [1]} : vector<16xf32> to vector<1xf32>
        %squeeze3A_469 = vector.extract %slice3A_468[0] : f32 from vector<1xf32>
        %broadcast_in_dim3A_470 = vector.broadcast %squeeze3A_469 : f32 to vector<16xf32>
        %add3A_471 = arith.constant 3 : i32
        %add3A_472 = arith.addi %mul3A_352, %add3A_471 : i32
        %get3A_473 = arith.constant 0 : i32
        %get3A_474 = arith.index_cast %get3A_473 : i32 to index
        %get3A_475 = arith.index_cast %add3A_472 : i32 to index
        %get3A_476 = arith.constant 0 : index
        %get3A_477 = tpu.vector_load %arg9[%get3A_474, %get3A_475, %get3A_476] {strides = array<i32>} : memref<2x80x64xf32, #tpu.memory_space<vmem>>, vector<16xf32>,
        %mul3A_478 = arith.mulf %get3A_477, %broadcast_in_dim3A_470 : vector<16xf32>
        %add3A_479 = arith.addf %add3A_440, %mul3A_478 : vector<16xf32>
        %add3A_480 = arith.constant 3 : i32
        %add3A_481 = arith.addi %mul3A_352, %add3A_480 : i32
        %get3A_482 = arith.constant 0 : i32
        %get3A_483 = arith.index_cast %get3A_482 : i32 to index
        %get3A_484 = arith.index_cast %add3A_481 : i32 to index
        %get3A_485 = arith.constant 16 : index
        %get3A_486 = tpu.vector_load %arg9[%get3A_483, %get3A_484, %get3A_485] {strides = array<i32>} : memref<2x80x64xf32, #tpu.memory_space<vmem>>, vector<16xf32>,
        %mul3A_487 = arith.mulf %get3A_486, %broadcast_in_dim3A_470 : vector<16xf32>
        %add3A_488 = arith.addf %add3A_449, %mul3A_487 : vector<16xf32>
        %add3A_489 = arith.constant 3 : i32
        %add3A_490 = arith.addi %mul3A_352, %add3A_489 : i32
        %get3A_491 = arith.constant 0 : i32
        %get3A_492 = arith.index_cast %get3A_491 : i32 to index
        %get3A_493 = arith.index_cast %add3A_490 : i32 to index
        %get3A_494 = arith.constant 32 : index
        %get3A_495 = tpu.vector_load %arg9[%get3A_492, %get3A_493, %get3A_494] {strides = array<i32>} : memref<2x80x64xf32, #tpu.memory_space<vmem>>, vector<16xf32>,
        %mul3A_496 = arith.mulf %get3A_495, %broadcast_in_dim3A_470 : vector<16xf32>
        %add3A_497 = arith.addf %add3A_458, %mul3A_496 : vector<16xf32>
        %add3A_498 = arith.constant 3 : i32
        %add3A_499 = arith.addi %mul3A_352, %add3A_498 : i32
        %get3A_500 = arith.constant 0 : i32
        %get3A_501 = arith.index_cast %get3A_500 : i32 to index
        %get3A_502 = arith.index_cast %add3A_499 : i32 to index
        %get3A_503 = arith.constant 48 : index
        %get3A_504 = tpu.vector_load %arg9[%get3A_501, %get3A_502, %get3A_503] {strides = array<i32>} : memref<2x80x64xf32, #tpu.memory_space<vmem>>, vector<16xf32>,
        %mul3A_505 = arith.mulf %get3A_504, %broadcast_in_dim3A_470 : vector<16xf32>
        %add3A_506 = arith.addf %add3A_467, %mul3A_505 : vector<16xf32>
        %slice3A_507 = vector.extract_strided_slice %convert_element_type3A_350 {offsets = [4], sizes = [1], strides = [1]} : vector<16xf32> to vector<1xf32>
        %squeeze3A_508 = vector.extract %slice3A_507[0] : f32 from vector<1xf32>
        %broadcast_in_dim3A_509 = vector.broadcast %squeeze3A_508 : f32 to vector<16xf32>
        %add3A_510 = arith.constant 4 : i32
        %add3A_511 = arith.addi %mul3A_352, %add3A_510 : i32
        %get3A_512 = arith.constant 0 : i32
        %get3A_513 = arith.index_cast %get3A_512 : i32 to index
        %get3A_514 = arith.index_cast %add3A_511 : i32 to index
        %get3A_515 = arith.constant 0 : index
        %get3A_516 = tpu.vector_load %arg9[%get3A_513, %get3A_514, %get3A_515] {strides = array<i32>} : memref<2x80x64xf32, #tpu.memory_space<vmem>>, vector<16xf32>,
        %mul3A_517 = arith.mulf %get3A_516, %broadcast_in_dim3A_509 : vector<16xf32>
        %add3A_518 = arith.addf %add3A_479, %mul3A_517 : vector<16xf32>
        %add3A_519 = arith.constant 4 : i32
        %add3A_520 = arith.addi %mul3A_352, %add3A_519 : i32
        %get3A_521 = arith.constant 0 : i32
        %get3A_522 = arith.index_cast %get3A_521 : i32 to index
        %get3A_523 = arith.index_cast %add3A_520 : i32 to index
        %get3A_524 = arith.constant 16 : index
        %get3A_525 = tpu.vector_load %arg9[%get3A_522, %get3A_523, %get3A_524] {strides = array<i32>} : memref<2x80x64xf32, #tpu.memory_space<vmem>>, vector<16xf32>,
        %mul3A_526 = arith.mulf %get3A_525, %broadcast_in_dim3A_509 : vector<16xf32>
        %add3A_527 = arith.addf %add3A_488, %mul3A_526 : vector<16xf32>
        %add3A_528 = arith.constant 4 : i32
        %add3A_529 = arith.addi %mul3A_352, %add3A_528 : i32
        %get3A_530 = arith.constant 0 : i32
        %get3A_531 = arith.index_cast %get3A_530 : i32 to index
        %get3A_532 = arith.index_cast %add3A_529 : i32 to index
        %get3A_533 = arith.constant 32 : index
        %get3A_534 = tpu.vector_load %arg9[%get3A_531, %get3A_532, %get3A_533] {strides = array<i32>} : memref<2x80x64xf32, #tpu.memory_space<vmem>>, vector<16xf32>,
        %mul3A_535 = arith.mulf %get3A_534, %broadcast_in_dim3A_509 : vector<16xf32>
        %add3A_536 = arith.addf %add3A_497, %mul3A_535 : vector<16xf32>
        %add3A_537 = arith.constant 4 : i32
        %add3A_538 = arith.addi %mul3A_352, %add3A_537 : i32
        %get3A_539 = arith.constant 0 : i32
        %get3A_540 = arith.index_cast %get3A_539 : i32 to index
        %get3A_541 = arith.index_cast %add3A_538 : i32 to index
        %get3A_542 = arith.constant 48 : index
        %get3A_543 = tpu.vector_load %arg9[%get3A_540, %get3A_541, %get3A_542] {strides = array<i32>} : memref<2x80x64xf32, #tpu.memory_space<vmem>>, vector<16xf32>,
        %mul3A_544 = arith.mulf %get3A_543, %broadcast_in_dim3A_509 : vector<16xf32>
        %add3A_545 = arith.addf %add3A_506, %mul3A_544 : vector<16xf32>
        %slice3A_546 = vector.extract_strided_slice %convert_element_type3A_350 {offsets = [5], sizes = [1], strides = [1]} : vector<16xf32> to vector<1xf32>
        %squeeze3A_547 = vector.extract %slice3A_546[0] : f32 from vector<1xf32>
        %broadcast_in_dim3A_548 = vector.broadcast %squeeze3A_547 : f32 to vector<16xf32>
        %add3A_549 = arith.constant 5 : i32
        %add3A_550 = arith.addi %mul3A_352, %add3A_549 : i32
        %get3A_551 = arith.constant 0 : i32
        %get3A_552 = arith.index_cast %get3A_551 : i32 to index
        %get3A_553 = arith.index_cast %add3A_550 : i32 to index
        %get3A_554 = arith.constant 0 : index
        %get3A_555 = tpu.vector_load %arg9[%get3A_552, %get3A_553, %get3A_554] {strides = array<i32>} : memref<2x80x64xf32, #tpu.memory_space<vmem>>, vector<16xf32>,
        %mul3A_556 = arith.mulf %get3A_555, %broadcast_in_dim3A_548 : vector<16xf32>
        %add3A_557 = arith.addf %add3A_518, %mul3A_556 : vector<16xf32>
        %add3A_558 = arith.constant 5 : i32
        %add3A_559 = arith.addi %mul3A_352, %add3A_558 : i32
        %get3A_560 = arith.constant 0 : i32
        %get3A_561 = arith.index_cast %get3A_560 : i32 to index
        %get3A_562 = arith.index_cast %add3A_559 : i32 to index
        %get3A_563 = arith.constant 16 : index
        %get3A_564 = tpu.vector_load %arg9[%get3A_561, %get3A_562, %get3A_563] {strides = array<i32>} : memref<2x80x64xf32, #tpu.memory_space<vmem>>, vector<16xf32>,
        %mul3A_565 = arith.mulf %get3A_564, %broadcast_in_dim3A_548 : vector<16xf32>
        %add3A_566 = arith.addf %add3A_527, %mul3A_565 : vector<16xf32>
        %add3A_567 = arith.constant 5 : i32
        %add3A_568 = arith.addi %mul3A_352, %add3A_567 : i32
        %get3A_569 = arith.constant 0 : i32
        %get3A_570 = arith.index_cast %get3A_569 : i32 to index
        %get3A_571 = arith.index_cast %add3A_568 : i32 to index
        %get3A_572 = arith.constant 32 : index
        %get3A_573 = tpu.vector_load %arg9[%get3A_570, %get3A_571, %get3A_572] {strides = array<i32>} : memref<2x80x64xf32, #tpu.memory_space<vmem>>, vector<16xf32>,
        %mul3A_574 = arith.mulf %get3A_573, %broadcast_in_dim3A_548 : vector<16xf32>
        %add3A_575 = arith.addf %add3A_536, %mul3A_574 : vector<16xf32>
        %add3A_576 = arith.constant 5 : i32
        %add3A_577 = arith.addi %mul3A_352, %add3A_576 : i32
        %get3A_578 = arith.constant 0 : i32
        %get3A_579 = arith.index_cast %get3A_578 : i32 to index
        %get3A_580 = arith.index_cast %add3A_577 : i32 to index
        %get3A_581 = arith.constant 48 : index
        %get3A_582 = tpu.vector_load %arg9[%get3A_579, %get3A_580, %get3A_581] {strides = array<i32>} : memref<2x80x64xf32, #tpu.memory_space<vmem>>, vector<16xf32>,
        %mul3A_583 = arith.mulf %get3A_582, %broadcast_in_dim3A_548 : vector<16xf32>
        %add3A_584 = arith.addf %add3A_545, %mul3A_583 : vector<16xf32>
        %slice3A_585 = vector.extract_strided_slice %convert_element_type3A_350 {offsets = [6], sizes = [1], strides = [1]} : vector<16xf32> to vector<1xf32>
        %squeeze3A_586 = vector.extract %slice3A_585[0] : f32 from vector<1xf32>
        %broadcast_in_dim3A_587 = vector.broadcast %squeeze3A_586 : f32 to vector<16xf32>
        %add3A_588 = arith.constant 6 : i32
        %add3A_589 = arith.addi %mul3A_352, %add3A_588 : i32
        %get3A_590 = arith.constant 0 : i32
        %get3A_591 = arith.index_cast %get3A_590 : i32 to index
        %get3A_592 = arith.index_cast %add3A_589 : i32 to index
        %get3A_593 = arith.constant 0 : index
        %get3A_594 = tpu.vector_load %arg9[%get3A_591, %get3A_592, %get3A_593] {strides = array<i32>} : memref<2x80x64xf32, #tpu.memory_space<vmem>>, vector<16xf32>,
        %mul3A_595 = arith.mulf %get3A_594, %broadcast_in_dim3A_587 : vector<16xf32>
        %add3A_596 = arith.addf %add3A_557, %mul3A_595 : vector<16xf32>
        %add3A_597 = arith.constant 6 : i32
        %add3A_598 = arith.addi %mul3A_352, %add3A_597 : i32
        %get3A_599 = arith.constant 0 : i32
        %get3A_600 = arith.index_cast %get3A_599 : i32 to index
        %get3A_601 = arith.index_cast %add3A_598 : i32 to index
        %get3A_602 = arith.constant 16 : index
        %get3A_603 = tpu.vector_load %arg9[%get3A_600, %get3A_601, %get3A_602] {strides = array<i32>} : memref<2x80x64xf32, #tpu.memory_space<vmem>>, vector<16xf32>,
        %mul3A_604 = arith.mulf %get3A_603, %broadcast_in_dim3A_587 : vector<16xf32>
        %add3A_605 = arith.addf %add3A_566, %mul3A_604 : vector<16xf32>
        %add3A_606 = arith.constant 6 : i32
        %add3A_607 = arith.addi %mul3A_352, %add3A_606 : i32
        %get3A_608 = arith.constant 0 : i32
        %get3A_609 = arith.index_cast %get3A_608 : i32 to index
        %get3A_610 = arith.index_cast %add3A_607 : i32 to index
        %get3A_611 = arith.constant 32 : index
        %get3A_612 = tpu.vector_load %arg9[%get3A_609, %get3A_610, %get3A_611] {strides = array<i32>} : memref<2x80x64xf32, #tpu.memory_space<vmem>>, vector<16xf32>,
        %mul3A_613 = arith.mulf %get3A_612, %broadcast_in_dim3A_587 : vector<16xf32>
        %add3A_614 = arith.addf %add3A_575, %mul3A_613 : vector<16xf32>
        %add3A_615 = arith.constant 6 : i32
        %add3A_616 = arith.addi %mul3A_352, %add3A_615 : i32
        %get3A_617 = arith.constant 0 : i32
        %get3A_618 = arith.index_cast %get3A_617 : i32 to index
        %get3A_619 = arith.index_cast %add3A_616 : i32 to index
        %get3A_620 = arith.constant 48 : index
        %get3A_621 = tpu.vector_load %arg9[%get3A_618, %get3A_619, %get3A_620] {strides = array<i32>} : memref<2x80x64xf32, #tpu.memory_space<vmem>>, vector<16xf32>,
        %mul3A_622 = arith.mulf %get3A_621, %broadcast_in_dim3A_587 : vector<16xf32>
        %add3A_623 = arith.addf %add3A_584, %mul3A_622 : vector<16xf32>
        %slice3A_624 = vector.extract_strided_slice %convert_element_type3A_350 {offsets = [7], sizes = [1], strides = [1]} : vector<16xf32> to vector<1xf32>
        %squeeze3A_625 = vector.extract %slice3A_624[0] : f32 from vector<1xf32>
        %broadcast_in_dim3A_626 = vector.broadcast %squeeze3A_625 : f32 to vector<16xf32>
        %add3A_627 = arith.constant 7 : i32
        %add3A_628 = arith.addi %mul3A_352, %add3A_627 : i32
        %get3A_629 = arith.constant 0 : i32
        %get3A_630 = arith.index_cast %get3A_629 : i32 to index
        %get3A_631 = arith.index_cast %add3A_628 : i32 to index
        %get3A_632 = arith.constant 0 : index
        %get3A_633 = tpu.vector_load %arg9[%get3A_630, %get3A_631, %get3A_632] {strides = array<i32>} : memref<2x80x64xf32, #tpu.memory_space<vmem>>, vector<16xf32>,
        %mul3A_634 = arith.mulf %get3A_633, %broadcast_in_dim3A_626 : vector<16xf32>
        %add3A_635 = arith.addf %add3A_596, %mul3A_634 : vector<16xf32>
        %add3A_636 = arith.constant 7 : i32
        %add3A_637 = arith.addi %mul3A_352, %add3A_636 : i32
        %get3A_638 = arith.constant 0 : i32
        %get3A_639 = arith.index_cast %get3A_638 : i32 to index
        %get3A_640 = arith.index_cast %add3A_637 : i32 to index
        %get3A_641 = arith.constant 16 : index
        %get3A_642 = tpu.vector_load %arg9[%get3A_639, %get3A_640, %get3A_641] {strides = array<i32>} : memref<2x80x64xf32, #tpu.memory_space<vmem>>, vector<16xf32>,
        %mul3A_643 = arith.mulf %get3A_642, %broadcast_in_dim3A_626 : vector<16xf32>
        %add3A_644 = arith.addf %add3A_605, %mul3A_643 : vector<16xf32>
        %add3A_645 = arith.constant 7 : i32
        %add3A_646 = arith.addi %mul3A_352, %add3A_645 : i32
        %get3A_647 = arith.constant 0 : i32
        %get3A_648 = arith.index_cast %get3A_647 : i32 to index
        %get3A_649 = arith.index_cast %add3A_646 : i32 to index
        %get3A_650 = arith.constant 32 : index
        %get3A_651 = tpu.vector_load %arg9[%get3A_648, %get3A_649, %get3A_650] {strides = array<i32>} : memref<2x80x64xf32, #tpu.memory_space<vmem>>, vector<16xf32>,
        %mul3A_652 = arith.mulf %get3A_651, %broadcast_in_dim3A_626 : vector<16xf32>
        %add3A_653 = arith.addf %add3A_614, %mul3A_652 : vector<16xf32>
        %add3A_654 = arith.constant 7 : i32
        %add3A_655 = arith.addi %mul3A_352, %add3A_654 : i32
        %get3A_656 = arith.constant 0 : i32
        %get3A_657 = arith.index_cast %get3A_656 : i32 to index
        %get3A_658 = arith.index_cast %add3A_655 : i32 to index
        %get3A_659 = arith.constant 48 : index
        %get3A_660 = tpu.vector_load %arg9[%get3A_657, %get3A_658, %get3A_659] {strides = array<i32>} : memref<2x80x64xf32, #tpu.memory_space<vmem>>, vector<16xf32>,
        %mul3A_661 = arith.mulf %get3A_660, %broadcast_in_dim3A_626 : vector<16xf32>
        %add3A_662 = arith.addf %add3A_623, %mul3A_661 : vector<16xf32>
        %slice3A_663 = vector.extract_strided_slice %convert_element_type3A_350 {offsets = [8], sizes = [1], strides = [1]} : vector<16xf32> to vector<1xf32>
        %squeeze3A_664 = vector.extract %slice3A_663[0] : f32 from vector<1xf32>
        %broadcast_in_dim3A_665 = vector.broadcast %squeeze3A_664 : f32 to vector<16xf32>
        %add3A_666 = arith.constant 8 : i32
        %add3A_667 = arith.addi %mul3A_352, %add3A_666 : i32
        %get3A_668 = arith.constant 0 : i32
        %get3A_669 = arith.index_cast %get3A_668 : i32 to index
        %get3A_670 = arith.index_cast %add3A_667 : i32 to index
        %get3A_671 = arith.constant 0 : index
        %get3A_672 = tpu.vector_load %arg9[%get3A_669, %get3A_670, %get3A_671] {strides = array<i32>} : memref<2x80x64xf32, #tpu.memory_space<vmem>>, vector<16xf32>,
        %mul3A_673 = arith.mulf %get3A_672, %broadcast_in_dim3A_665 : vector<16xf32>
        %add3A_674 = arith.addf %add3A_635, %mul3A_673 : vector<16xf32>
        %add3A_675 = arith.constant 8 : i32
        %add3A_676 = arith.addi %mul3A_352, %add3A_675 : i32
        %get3A_677 = arith.constant 0 : i32
        %get3A_678 = arith.index_cast %get3A_677 : i32 to index
        %get3A_679 = arith.index_cast %add3A_676 : i32 to index
        %get3A_680 = arith.constant 16 : index
        %get3A_681 = tpu.vector_load %arg9[%get3A_678, %get3A_679, %get3A_680] {strides = array<i32>} : memref<2x80x64xf32, #tpu.memory_space<vmem>>, vector<16xf32>,
        %mul3A_682 = arith.mulf %get3A_681, %broadcast_in_dim3A_665 : vector<16xf32>
        %add3A_683 = arith.addf %add3A_644, %mul3A_682 : vector<16xf32>
        %add3A_684 = arith.constant 8 : i32
        %add3A_685 = arith.addi %mul3A_352, %add3A_684 : i32
        %get3A_686 = arith.constant 0 : i32
        %get3A_687 = arith.index_cast %get3A_686 : i32 to index
        %get3A_688 = arith.index_cast %add3A_685 : i32 to index
        %get3A_689 = arith.constant 32 : index
        %get3A_690 = tpu.vector_load %arg9[%get3A_687, %get3A_688, %get3A_689] {strides = array<i32>} : memref<2x80x64xf32, #tpu.memory_space<vmem>>, vector<16xf32>,
        %mul3A_691 = arith.mulf %get3A_690, %broadcast_in_dim3A_665 : vector<16xf32>
        %add3A_692 = arith.addf %add3A_653, %mul3A_691 : vector<16xf32>
        %add3A_693 = arith.constant 8 : i32
        %add3A_694 = arith.addi %mul3A_352, %add3A_693 : i32
        %get3A_695 = arith.constant 0 : i32
        %get3A_696 = arith.index_cast %get3A_695 : i32 to index
        %get3A_697 = arith.index_cast %add3A_694 : i32 to index
        %get3A_698 = arith.constant 48 : index
        %get3A_699 = tpu.vector_load %arg9[%get3A_696, %get3A_697, %get3A_698] {strides = array<i32>} : memref<2x80x64xf32, #tpu.memory_space<vmem>>, vector<16xf32>,
        %mul3A_700 = arith.mulf %get3A_699, %broadcast_in_dim3A_665 : vector<16xf32>
        %add3A_701 = arith.addf %add3A_662, %mul3A_700 : vector<16xf32>
        %slice3A_702 = vector.extract_strided_slice %convert_element_type3A_350 {offsets = [9], sizes = [1], strides = [1]} : vector<16xf32> to vector<1xf32>
        %squeeze3A_703 = vector.extract %slice3A_702[0] : f32 from vector<1xf32>
        %broadcast_in_dim3A_704 = vector.broadcast %squeeze3A_703 : f32 to vector<16xf32>
        %add3A_705 = arith.constant 9 : i32
        %add3A_706 = arith.addi %mul3A_352, %add3A_705 : i32
        %get3A_707 = arith.constant 0 : i32
        %get3A_708 = arith.index_cast %get3A_707 : i32 to index
        %get3A_709 = arith.index_cast %add3A_706 : i32 to index
        %get3A_710 = arith.constant 0 : index
        %get3A_711 = tpu.vector_load %arg9[%get3A_708, %get3A_709, %get3A_710] {strides = array<i32>} : memref<2x80x64xf32, #tpu.memory_space<vmem>>, vector<16xf32>,
        %mul3A_712 = arith.mulf %get3A_711, %broadcast_in_dim3A_704 : vector<16xf32>
        %add3A_713 = arith.addf %add3A_674, %mul3A_712 : vector<16xf32>
        %add3A_714 = arith.constant 9 : i32
        %add3A_715 = arith.addi %mul3A_352, %add3A_714 : i32
        %get3A_716 = arith.constant 0 : i32
        %get3A_717 = arith.index_cast %get3A_716 : i32 to index
        %get3A_718 = arith.index_cast %add3A_715 : i32 to index
        %get3A_719 = arith.constant 16 : index
        %get3A_720 = tpu.vector_load %arg9[%get3A_717, %get3A_718, %get3A_719] {strides = array<i32>} : memref<2x80x64xf32, #tpu.memory_space<vmem>>, vector<16xf32>,
        %mul3A_721 = arith.mulf %get3A_720, %broadcast_in_dim3A_704 : vector<16xf32>
        %add3A_722 = arith.addf %add3A_683, %mul3A_721 : vector<16xf32>
        %add3A_723 = arith.constant 9 : i32
        %add3A_724 = arith.addi %mul3A_352, %add3A_723 : i32
        %get3A_725 = arith.constant 0 : i32
        %get3A_726 = arith.index_cast %get3A_725 : i32 to index
        %get3A_727 = arith.index_cast %add3A_724 : i32 to index
        %get3A_728 = arith.constant 32 : index
        %get3A_729 = tpu.vector_load %arg9[%get3A_726, %get3A_727, %get3A_728] {strides = array<i32>} : memref<2x80x64xf32, #tpu.memory_space<vmem>>, vector<16xf32>,
        %mul3A_730 = arith.mulf %get3A_729, %broadcast_in_dim3A_704 : vector<16xf32>
        %add3A_731 = arith.addf %add3A_692, %mul3A_730 : vector<16xf32>
        %add3A_732 = arith.constant 9 : i32
        %add3A_733 = arith.addi %mul3A_352, %add3A_732 : i32
        %get3A_734 = arith.constant 0 : i32
        %get3A_735 = arith.index_cast %get3A_734 : i32 to index
        %get3A_736 = arith.index_cast %add3A_733 : i32 to index
        %get3A_737 = arith.constant 48 : index
        %get3A_738 = tpu.vector_load %arg9[%get3A_735, %get3A_736, %get3A_737] {strides = array<i32>} : memref<2x80x64xf32, #tpu.memory_space<vmem>>, vector<16xf32>,
        %mul3A_739 = arith.mulf %get3A_738, %broadcast_in_dim3A_704 : vector<16xf32>
        %add3A_740 = arith.addf %add3A_701, %mul3A_739 : vector<16xf32>
        %slice3A_741 = vector.extract_strided_slice %convert_element_type3A_350 {offsets = [10], sizes = [1], strides = [1]} : vector<16xf32> to vector<1xf32>
        %squeeze3A_742 = vector.extract %slice3A_741[0] : f32 from vector<1xf32>
        %broadcast_in_dim3A_743 = vector.broadcast %squeeze3A_742 : f32 to vector<16xf32>
        %add3A_744 = arith.constant 10 : i32
        %add3A_745 = arith.addi %mul3A_352, %add3A_744 : i32
        %get3A_746 = arith.constant 0 : i32
        %get3A_747 = arith.index_cast %get3A_746 : i32 to index
        %get3A_748 = arith.index_cast %add3A_745 : i32 to index
        %get3A_749 = arith.constant 0 : index
        %get3A_750 = tpu.vector_load %arg9[%get3A_747, %get3A_748, %get3A_749] {strides = array<i32>} : memref<2x80x64xf32, #tpu.memory_space<vmem>>, vector<16xf32>,
        %mul3A_751 = arith.mulf %get3A_750, %broadcast_in_dim3A_743 : vector<16xf32>
        %add3A_752 = arith.addf %add3A_713, %mul3A_751 : vector<16xf32>
        %add3A_753 = arith.constant 10 : i32
        %add3A_754 = arith.addi %mul3A_352, %add3A_753 : i32
        %get3A_755 = arith.constant 0 : i32
        %get3A_756 = arith.index_cast %get3A_755 : i32 to index
        %get3A_757 = arith.index_cast %add3A_754 : i32 to index
        %get3A_758 = arith.constant 16 : index
        %get3A_759 = tpu.vector_load %arg9[%get3A_756, %get3A_757, %get3A_758] {strides = array<i32>} : memref<2x80x64xf32, #tpu.memory_space<vmem>>, vector<16xf32>,
        %mul3A_760 = arith.mulf %get3A_759, %broadcast_in_dim3A_743 : vector<16xf32>
        %add3A_761 = arith.addf %add3A_722, %mul3A_760 : vector<16xf32>
        %add3A_762 = arith.constant 10 : i32
        %add3A_763 = arith.addi %mul3A_352, %add3A_762 : i32
        %get3A_764 = arith.constant 0 : i32
        %get3A_765 = arith.index_cast %get3A_764 : i32 to index
        %get3A_766 = arith.index_cast %add3A_763 : i32 to index
        %get3A_767 = arith.constant 32 : index
        %get3A_768 = tpu.vector_load %arg9[%get3A_765, %get3A_766, %get3A_767] {strides = array<i32>} : memref<2x80x64xf32, #tpu.memory_space<vmem>>, vector<16xf32>,
        %mul3A_769 = arith.mulf %get3A_768, %broadcast_in_dim3A_743 : vector<16xf32>
        %add3A_770 = arith.addf %add3A_731, %mul3A_769 : vector<16xf32>
        %add3A_771 = arith.constant 10 : i32
        %add3A_772 = arith.addi %mul3A_352, %add3A_771 : i32
        %get3A_773 = arith.constant 0 : i32
        %get3A_774 = arith.index_cast %get3A_773 : i32 to index
        %get3A_775 = arith.index_cast %add3A_772 : i32 to index
        %get3A_776 = arith.constant 48 : index
        %get3A_777 = tpu.vector_load %arg9[%get3A_774, %get3A_775, %get3A_776] {strides = array<i32>} : memref<2x80x64xf32, #tpu.memory_space<vmem>>, vector<16xf32>,
        %mul3A_778 = arith.mulf %get3A_777, %broadcast_in_dim3A_743 : vector<16xf32>
        %add3A_779 = arith.addf %add3A_740, %mul3A_778 : vector<16xf32>
        %slice3A_780 = vector.extract_strided_slice %convert_element_type3A_350 {offsets = [11], sizes = [1], strides = [1]} : vector<16xf32> to vector<1xf32>
        %squeeze3A_781 = vector.extract %slice3A_780[0] : f32 from vector<1xf32>
        %broadcast_in_dim3A_782 = vector.broadcast %squeeze3A_781 : f32 to vector<16xf32>
        %add3A_783 = arith.constant 11 : i32
        %add3A_784 = arith.addi %mul3A_352, %add3A_783 : i32
        %get3A_785 = arith.constant 0 : i32
        %get3A_786 = arith.index_cast %get3A_785 : i32 to index
        %get3A_787 = arith.index_cast %add3A_784 : i32 to index
        %get3A_788 = arith.constant 0 : index
        %get3A_789 = tpu.vector_load %arg9[%get3A_786, %get3A_787, %get3A_788] {strides = array<i32>} : memref<2x80x64xf32, #tpu.memory_space<vmem>>, vector<16xf32>,
        %mul3A_790 = arith.mulf %get3A_789, %broadcast_in_dim3A_782 : vector<16xf32>
        %add3A_791 = arith.addf %add3A_752, %mul3A_790 : vector<16xf32>
        %add3A_792 = arith.constant 11 : i32
        %add3A_793 = arith.addi %mul3A_352, %add3A_792 : i32
        %get3A_794 = arith.constant 0 : i32
        %get3A_795 = arith.index_cast %get3A_794 : i32 to index
        %get3A_796 = arith.index_cast %add3A_793 : i32 to index
        %get3A_797 = arith.constant 16 : index
        %get3A_798 = tpu.vector_load %arg9[%get3A_795, %get3A_796, %get3A_797] {strides = array<i32>} : memref<2x80x64xf32, #tpu.memory_space<vmem>>, vector<16xf32>,
        %mul3A_799 = arith.mulf %get3A_798, %broadcast_in_dim3A_782 : vector<16xf32>
        %add3A_800 = arith.addf %add3A_761, %mul3A_799 : vector<16xf32>
        %add3A_801 = arith.constant 11 : i32
        %add3A_802 = arith.addi %mul3A_352, %add3A_801 : i32
        %get3A_803 = arith.constant 0 : i32
        %get3A_804 = arith.index_cast %get3A_803 : i32 to index
        %get3A_805 = arith.index_cast %add3A_802 : i32 to index
        %get3A_806 = arith.constant 32 : index
        %get3A_807 = tpu.vector_load %arg9[%get3A_804, %get3A_805, %get3A_806] {strides = array<i32>} : memref<2x80x64xf32, #tpu.memory_space<vmem>>, vector<16xf32>,
        %mul3A_808 = arith.mulf %get3A_807, %broadcast_in_dim3A_782 : vector<16xf32>
        %add3A_809 = arith.addf %add3A_770, %mul3A_808 : vector<16xf32>
        %add3A_810 = arith.constant 11 : i32
        %add3A_811 = arith.addi %mul3A_352, %add3A_810 : i32
        %get3A_812 = arith.constant 0 : i32
        %get3A_813 = arith.index_cast %get3A_812 : i32 to index
        %get3A_814 = arith.index_cast %add3A_811 : i32 to index
        %get3A_815 = arith.constant 48 : index
        %get3A_816 = tpu.vector_load %arg9[%get3A_813, %get3A_814, %get3A_815] {strides = array<i32>} : memref<2x80x64xf32, #tpu.memory_space<vmem>>, vector<16xf32>,
        %mul3A_817 = arith.mulf %get3A_816, %broadcast_in_dim3A_782 : vector<16xf32>
        %add3A_818 = arith.addf %add3A_779, %mul3A_817 : vector<16xf32>
        %slice3A_819 = vector.extract_strided_slice %convert_element_type3A_350 {offsets = [12], sizes = [1], strides = [1]} : vector<16xf32> to vector<1xf32>
        %squeeze3A_820 = vector.extract %slice3A_819[0] : f32 from vector<1xf32>
        %broadcast_in_dim3A_821 = vector.broadcast %squeeze3A_820 : f32 to vector<16xf32>
        %add3A_822 = arith.constant 12 : i32
        %add3A_823 = arith.addi %mul3A_352, %add3A_822 : i32
        %get3A_824 = arith.constant 0 : i32
        %get3A_825 = arith.index_cast %get3A_824 : i32 to index
        %get3A_826 = arith.index_cast %add3A_823 : i32 to index
        %get3A_827 = arith.constant 0 : index
        %get3A_828 = tpu.vector_load %arg9[%get3A_825, %get3A_826, %get3A_827] {strides = array<i32>} : memref<2x80x64xf32, #tpu.memory_space<vmem>>, vector<16xf32>,
        %mul3A_829 = arith.mulf %get3A_828, %broadcast_in_dim3A_821 : vector<16xf32>
        %add3A_830 = arith.addf %add3A_791, %mul3A_829 : vector<16xf32>
        %add3A_831 = arith.constant 12 : i32
        %add3A_832 = arith.addi %mul3A_352, %add3A_831 : i32
        %get3A_833 = arith.constant 0 : i32
        %get3A_834 = arith.index_cast %get3A_833 : i32 to index
        %get3A_835 = arith.index_cast %add3A_832 : i32 to index
        %get3A_836 = arith.constant 16 : index
        %get3A_837 = tpu.vector_load %arg9[%get3A_834, %get3A_835, %get3A_836] {strides = array<i32>} : memref<2x80x64xf32, #tpu.memory_space<vmem>>, vector<16xf32>,
        %mul3A_838 = arith.mulf %get3A_837, %broadcast_in_dim3A_821 : vector<16xf32>
        %add3A_839 = arith.addf %add3A_800, %mul3A_838 : vector<16xf32>
        %add3A_840 = arith.constant 12 : i32
        %add3A_841 = arith.addi %mul3A_352, %add3A_840 : i32
        %get3A_842 = arith.constant 0 : i32
        %get3A_843 = arith.index_cast %get3A_842 : i32 to index
        %get3A_844 = arith.index_cast %add3A_841 : i32 to index
        %get3A_845 = arith.constant 32 : index
        %get3A_846 = tpu.vector_load %arg9[%get3A_843, %get3A_844, %get3A_845] {strides = array<i32>} : memref<2x80x64xf32, #tpu.memory_space<vmem>>, vector<16xf32>,
        %mul3A_847 = arith.mulf %get3A_846, %broadcast_in_dim3A_821 : vector<16xf32>
        %add3A_848 = arith.addf %add3A_809, %mul3A_847 : vector<16xf32>
        %add3A_849 = arith.constant 12 : i32
        %add3A_850 = arith.addi %mul3A_352, %add3A_849 : i32
        %get3A_851 = arith.constant 0 : i32
        %get3A_852 = arith.index_cast %get3A_851 : i32 to index
        %get3A_853 = arith.index_cast %add3A_850 : i32 to index
        %get3A_854 = arith.constant 48 : index
        %get3A_855 = tpu.vector_load %arg9[%get3A_852, %get3A_853, %get3A_854] {strides = array<i32>} : memref<2x80x64xf32, #tpu.memory_space<vmem>>, vector<16xf32>,
        %mul3A_856 = arith.mulf %get3A_855, %broadcast_in_dim3A_821 : vector<16xf32>
        %add3A_857 = arith.addf %add3A_818, %mul3A_856 : vector<16xf32>
        %slice3A_858 = vector.extract_strided_slice %convert_element_type3A_350 {offsets = [13], sizes = [1], strides = [1]} : vector<16xf32> to vector<1xf32>
        %squeeze3A_859 = vector.extract %slice3A_858[0] : f32 from vector<1xf32>
        %broadcast_in_dim3A_860 = vector.broadcast %squeeze3A_859 : f32 to vector<16xf32>
        %add3A_861 = arith.constant 13 : i32
        %add3A_862 = arith.addi %mul3A_352, %add3A_861 : i32
        %get3A_863 = arith.constant 0 : i32
        %get3A_864 = arith.index_cast %get3A_863 : i32 to index
        %get3A_865 = arith.index_cast %add3A_862 : i32 to index
        %get3A_866 = arith.constant 0 : index
        %get3A_867 = tpu.vector_load %arg9[%get3A_864, %get3A_865, %get3A_866] {strides = array<i32>} : memref<2x80x64xf32, #tpu.memory_space<vmem>>, vector<16xf32>,
        %mul3A_868 = arith.mulf %get3A_867, %broadcast_in_dim3A_860 : vector<16xf32>
        %add3A_869 = arith.addf %add3A_830, %mul3A_868 : vector<16xf32>
        %add3A_870 = arith.constant 13 : i32
        %add3A_871 = arith.addi %mul3A_352, %add3A_870 : i32
        %get3A_872 = arith.constant 0 : i32
        %get3A_873 = arith.index_cast %get3A_872 : i32 to index
        %get3A_874 = arith.index_cast %add3A_871 : i32 to index
        %get3A_875 = arith.constant 16 : index
        %get3A_876 = tpu.vector_load %arg9[%get3A_873, %get3A_874, %get3A_875] {strides = array<i32>} : memref<2x80x64xf32, #tpu.memory_space<vmem>>, vector<16xf32>,
        %mul3A_877 = arith.mulf %get3A_876, %broadcast_in_dim3A_860 : vector<16xf32>
        %add3A_878 = arith.addf %add3A_839, %mul3A_877 : vector<16xf32>
        %add3A_879 = arith.constant 13 : i32
        %add3A_880 = arith.addi %mul3A_352, %add3A_879 : i32
        %get3A_881 = arith.constant 0 : i32
        %get3A_882 = arith.index_cast %get3A_881 : i32 to index
        %get3A_883 = arith.index_cast %add3A_880 : i32 to index
        %get3A_884 = arith.constant 32 : index
        %get3A_885 = tpu.vector_load %arg9[%get3A_882, %get3A_883, %get3A_884] {strides = array<i32>} : memref<2x80x64xf32, #tpu.memory_space<vmem>>, vector<16xf32>,
        %mul3A_886 = arith.mulf %get3A_885, %broadcast_in_dim3A_860 : vector<16xf32>
        %add3A_887 = arith.addf %add3A_848, %mul3A_886 : vector<16xf32>
        %add3A_888 = arith.constant 13 : i32
        %add3A_889 = arith.addi %mul3A_352, %add3A_888 : i32
        %get3A_890 = arith.constant 0 : i32
        %get3A_891 = arith.index_cast %get3A_890 : i32 to index
        %get3A_892 = arith.index_cast %add3A_889 : i32 to index
        %get3A_893 = arith.constant 48 : index
        %get3A_894 = tpu.vector_load %arg9[%get3A_891, %get3A_892, %get3A_893] {strides = array<i32>} : memref<2x80x64xf32, #tpu.memory_space<vmem>>, vector<16xf32>,
        %mul3A_895 = arith.mulf %get3A_894, %broadcast_in_dim3A_860 : vector<16xf32>
        %add3A_896 = arith.addf %add3A_857, %mul3A_895 : vector<16xf32>
        %slice3A_897 = vector.extract_strided_slice %convert_element_type3A_350 {offsets = [14], sizes = [1], strides = [1]} : vector<16xf32> to vector<1xf32>
        %squeeze3A_898 = vector.extract %slice3A_897[0] : f32 from vector<1xf32>
        %broadcast_in_dim3A_899 = vector.broadcast %squeeze3A_898 : f32 to vector<16xf32>
        %add3A_900 = arith.constant 14 : i32
        %add3A_901 = arith.addi %mul3A_352, %add3A_900 : i32
        %get3A_902 = arith.constant 0 : i32
        %get3A_903 = arith.index_cast %get3A_902 : i32 to index
        %get3A_904 = arith.index_cast %add3A_901 : i32 to index
        %get3A_905 = arith.constant 0 : index
        %get3A_906 = tpu.vector_load %arg9[%get3A_903, %get3A_904, %get3A_905] {strides = array<i32>} : memref<2x80x64xf32, #tpu.memory_space<vmem>>, vector<16xf32>,
        %mul3A_907 = arith.mulf %get3A_906, %broadcast_in_dim3A_899 : vector<16xf32>
        %add3A_908 = arith.addf %add3A_869, %mul3A_907 : vector<16xf32>
        %add3A_909 = arith.constant 14 : i32
        %add3A_910 = arith.addi %mul3A_352, %add3A_909 : i32
        %get3A_911 = arith.constant 0 : i32
        %get3A_912 = arith.index_cast %get3A_911 : i32 to index
        %get3A_913 = arith.index_cast %add3A_910 : i32 to index
        %get3A_914 = arith.constant 16 : index
        %get3A_915 = tpu.vector_load %arg9[%get3A_912, %get3A_913, %get3A_914] {strides = array<i32>} : memref<2x80x64xf32, #tpu.memory_space<vmem>>, vector<16xf32>,
        %mul3A_916 = arith.mulf %get3A_915, %broadcast_in_dim3A_899 : vector<16xf32>
        %add3A_917 = arith.addf %add3A_878, %mul3A_916 : vector<16xf32>
        %add3A_918 = arith.constant 14 : i32
        %add3A_919 = arith.addi %mul3A_352, %add3A_918 : i32
        %get3A_920 = arith.constant 0 : i32
        %get3A_921 = arith.index_cast %get3A_920 : i32 to index
        %get3A_922 = arith.index_cast %add3A_919 : i32 to index
        %get3A_923 = arith.constant 32 : index
        %get3A_924 = tpu.vector_load %arg9[%get3A_921, %get3A_922, %get3A_923] {strides = array<i32>} : memref<2x80x64xf32, #tpu.memory_space<vmem>>, vector<16xf32>,
        %mul3A_925 = arith.mulf %get3A_924, %broadcast_in_dim3A_899 : vector<16xf32>
        %add3A_926 = arith.addf %add3A_887, %mul3A_925 : vector<16xf32>
        %add3A_927 = arith.constant 14 : i32
        %add3A_928 = arith.addi %mul3A_352, %add3A_927 : i32
        %get3A_929 = arith.constant 0 : i32
        %get3A_930 = arith.index_cast %get3A_929 : i32 to index
        %get3A_931 = arith.index_cast %add3A_928 : i32 to index
        %get3A_932 = arith.constant 48 : index
        %get3A_933 = tpu.vector_load %arg9[%get3A_930, %get3A_931, %get3A_932] {strides = array<i32>} : memref<2x80x64xf32, #tpu.memory_space<vmem>>, vector<16xf32>,
        %mul3A_934 = arith.mulf %get3A_933, %broadcast_in_dim3A_899 : vector<16xf32>
        %add3A_935 = arith.addf %add3A_896, %mul3A_934 : vector<16xf32>
        %slice3A_936 = vector.extract_strided_slice %convert_element_type3A_350 {offsets = [15], sizes = [1], strides = [1]} : vector<16xf32> to vector<1xf32>
        %squeeze3A_937 = vector.extract %slice3A_936[0] : f32 from vector<1xf32>
        %broadcast_in_dim3A_938 = vector.broadcast %squeeze3A_937 : f32 to vector<16xf32>
        %add3A_939 = arith.constant 15 : i32
        %add3A_940 = arith.addi %mul3A_352, %add3A_939 : i32
        %get3A_941 = arith.constant 0 : i32
        %get3A_942 = arith.index_cast %get3A_941 : i32 to index
        %get3A_943 = arith.index_cast %add3A_940 : i32 to index
        %get3A_944 = arith.constant 0 : index
        %get3A_945 = tpu.vector_load %arg9[%get3A_942, %get3A_943, %get3A_944] {strides = array<i32>} : memref<2x80x64xf32, #tpu.memory_space<vmem>>, vector<16xf32>,
        %mul3A_946 = arith.mulf %get3A_945, %broadcast_in_dim3A_938 : vector<16xf32>
        %add3A_947 = arith.addf %add3A_908, %mul3A_946 : vector<16xf32>
        %add3A_948 = arith.constant 15 : i32
        %add3A_949 = arith.addi %mul3A_352, %add3A_948 : i32
        %get3A_950 = arith.constant 0 : i32
        %get3A_951 = arith.index_cast %get3A_950 : i32 to index
        %get3A_952 = arith.index_cast %add3A_949 : i32 to index
        %get3A_953 = arith.constant 16 : index
        %get3A_954 = tpu.vector_load %arg9[%get3A_951, %get3A_952, %get3A_953] {strides = array<i32>} : memref<2x80x64xf32, #tpu.memory_space<vmem>>, vector<16xf32>,
        %mul3A_955 = arith.mulf %get3A_954, %broadcast_in_dim3A_938 : vector<16xf32>
        %add3A_956 = arith.addf %add3A_917, %mul3A_955 : vector<16xf32>
        %add3A_957 = arith.constant 15 : i32
        %add3A_958 = arith.addi %mul3A_352, %add3A_957 : i32
        %get3A_959 = arith.constant 0 : i32
        %get3A_960 = arith.index_cast %get3A_959 : i32 to index
        %get3A_961 = arith.index_cast %add3A_958 : i32 to index
        %get3A_962 = arith.constant 32 : index
        %get3A_963 = tpu.vector_load %arg9[%get3A_960, %get3A_961, %get3A_962] {strides = array<i32>} : memref<2x80x64xf32, #tpu.memory_space<vmem>>, vector<16xf32>,
        %mul3A_964 = arith.mulf %get3A_963, %broadcast_in_dim3A_938 : vector<16xf32>
        %add3A_965 = arith.addf %add3A_926, %mul3A_964 : vector<16xf32>
        %add3A_966 = arith.constant 15 : i32
        %add3A_967 = arith.addi %mul3A_352, %add3A_966 : i32
        %get3A_968 = arith.constant 0 : i32
        %get3A_969 = arith.index_cast %get3A_968 : i32 to index
        %get3A_970 = arith.index_cast %add3A_967 : i32 to index
        %get3A_971 = arith.constant 48 : index
        %get3A_972 = tpu.vector_load %arg9[%get3A_969, %get3A_970, %get3A_971] {strides = array<i32>} : memref<2x80x64xf32, #tpu.memory_space<vmem>>, vector<16xf32>,
        %mul3A_973 = arith.mulf %get3A_972, %broadcast_in_dim3A_938 : vector<16xf32>
        %add3A_974 = arith.addf %add3A_935, %mul3A_973 : vector<16xf32>
        scf.yield %add3A_947, %add3A_956, %add3A_965, %add3A_974 : vector<16xf32>, vector<16xf32>, vector<16xf32>, vector<16xf32>
      }
      %scan3A_243 = arith.constant 5 : i32
      %get3A_244 = arith.constant 0 : i32
      %get3A_245 = arith.index_cast %get3A_244 : i32 to index
      %get3A_246 = arith.constant 0 : index
      %get3A_247 = tpu.vector_load %arg10[%get3A_245, %get3A_246] {strides = array<i32>} : memref<2x16xf32, #tpu.memory_space<vmem>>, vector<16xf32>,
      %div3A = arith.divf %scan3A_242#0, %get3A_247 : vector<16xf32>
      %swap3A_248 = arith.index_cast %mul3A_196 : i32 to index
      %swap3A_249 = arith.constant 0 : index
      %swap3A_250 = tpu.vector_load %arg11[%swap3A_248, %swap3A_249] {strides = array<i32>} : memref<128x64xf32, #tpu.memory_space<vmem>>, vector<16xf32>,
      tpu.vector_store %arg11[%swap3A_248, %swap3A_249], %div3A {strides = array<i32>} : memref<128x64xf32, #tpu.memory_space<vmem>>, vector<16xf32>,
      %div3A_251 = arith.divf %scan3A_242#1, %get3A_247 : vector<16xf32>
      %swap3A_252 = arith.index_cast %mul3A_196 : i32 to index
      %swap3A_253 = arith.constant 16 : index
      %swap3A_254 = tpu.vector_load %arg11[%swap3A_252, %swap3A_253] {strides = array<i32>} : memref<128x64xf32, #tpu.memory_space<vmem>>, vector<16xf32>,
      tpu.vector_store %arg11[%swap3A_252, %swap3A_253], %div3A_251 {strides = array<i32>} : memref<128x64xf32, #tpu.memory_space<vmem>>, vector<16xf32>,
      %div3A_255 = arith.divf %scan3A_242#2, %get3A_247 : vector<16xf32>
      %swap3A_256 = arith.index_cast %mul3A_196 : i32 to index
      %swap3A_257 = arith.constant 32 : index
      %swap3A_258 = tpu.vector_load %arg11[%swap3A_256, %swap3A_257] {strides = array<i32>} : memref<128x64xf32, #tpu.memory_space<vmem>>, vector<16xf32>,
      tpu.vector_store %arg11[%swap3A_256, %swap3A_257], %div3A_255 {strides = array<i32>} : memref<128x64xf32, #tpu.memory_space<vmem>>, vector<16xf32>,
      %div3A_259 = arith.divf %scan3A_242#3, %get3A_247 : vector<16xf32>
      %swap3A_260 = arith.index_cast %mul3A_196 : i32 to index
      %swap3A_261 = arith.constant 48 : index
      %swap3A_262 = tpu.vector_load %arg11[%swap3A_260, %swap3A_261] {strides = array<i32>} : memref<128x64xf32, #tpu.memory_space<vmem>>, vector<16xf32>,
      tpu.vector_store %arg11[%swap3A_260, %swap3A_261], %div3A_259 {strides = array<i32>} : memref<128x64xf32, #tpu.memory_space<vmem>>, vector<16xf32>,
      %lt3A = arith.constant 63 : i32
      %lt3A_263 = arith.cmpi slt, %scan3A_82, %lt3A : i32
      %convert_element_type3A_264 = arith.extui %lt3A_263 : i1 to i32
      %cond3A = arith.constant 0 : i32
      %cond3A_265 = arith.cmpi ne, %convert_element_type3A_264, %cond3A : i32
      scf.if %cond3A_265 {
        %mul3A_338 = arith.constant 2 : i32
        %mul3A_339 = arith.muli %mul3A_338, %scan3A_82 : i32
        %add3A_340 = arith.constant 2 : i32
        %add3A_341 = arith.addi %mul3A_339, %add3A_340 : i32
        %mul3A_342 = arith.constant 208 : i32
        %mul3A_343 = arith.muli %add3A_341, %mul3A_342 : i32
        %broadcast_in_dim3A_344 = arith.constant 0 : i32
        %broadcast_in_dim3A_345 = vector.broadcast %broadcast_in_dim3A_344 : i32 to vector<16xi32>
        %add3A_346 = arith.constant 0 : i32
        %add3A_347 = arith.addi %mul3A_343, %add3A_346 : i32
        %get3A_348 = arith.index_cast %add3A_347 : i32 to index
        %get3A_349 = tpu.vector_load %arg7[%get3A_348] {strides = array<i32>} : memref<26624xi32, #tpu.memory_space<vmem>>, vector<16xi32>,
        %add3A_350 = arith.addi %broadcast_in_dim3A_345, %get3A_349 : vector<16xi32>
        %add3A_351 = arith.constant 16 : i32
        %add3A_352 = arith.addi %mul3A_343, %add3A_351 : i32
        %get3A_353 = arith.index_cast %add3A_352 : i32 to index
        %get3A_354 = tpu.vector_load %arg7[%get3A_353] {strides = array<i32>} : memref<26624xi32, #tpu.memory_space<vmem>>, vector<16xi32>,
        %add3A_355 = arith.addi %add3A_350, %get3A_354 : vector<16xi32>
        %add3A_356 = arith.constant 32 : i32
        %add3A_357 = arith.addi %mul3A_343, %add3A_356 : i32
        %get3A_358 = arith.index_cast %add3A_357 : i32 to index
        %get3A_359 = tpu.vector_load %arg7[%get3A_358] {strides = array<i32>} : memref<26624xi32, #tpu.memory_space<vmem>>, vector<16xi32>,
        %add3A_360 = arith.addi %add3A_355, %get3A_359 : vector<16xi32>
        %add3A_361 = arith.constant 48 : i32
        %add3A_362 = arith.addi %mul3A_343, %add3A_361 : i32
        %get3A_363 = arith.index_cast %add3A_362 : i32 to index
        %get3A_364 = tpu.vector_load %arg7[%get3A_363] {strides = array<i32>} : memref<26624xi32, #tpu.memory_space<vmem>>, vector<16xi32>,
        %add3A_365 = arith.addi %add3A_360, %get3A_364 : vector<16xi32>
        %add3A_366 = arith.constant 64 : i32
        %add3A_367 = arith.addi %mul3A_343, %add3A_366 : i32
        %get3A_368 = arith.index_cast %add3A_367 : i32 to index
        %get3A_369 = tpu.vector_load %arg7[%get3A_368] {strides = array<i32>} : memref<26624xi32, #tpu.memory_space<vmem>>, vector<16xi32>,
        %add3A_370 = arith.addi %add3A_365, %get3A_369 : vector<16xi32>
        %add3A_371 = arith.constant 80 : i32
        %add3A_372 = arith.addi %mul3A_343, %add3A_371 : i32
        %get3A_373 = arith.index_cast %add3A_372 : i32 to index
        %get3A_374 = tpu.vector_load %arg7[%get3A_373] {strides = array<i32>} : memref<26624xi32, #tpu.memory_space<vmem>>, vector<16xi32>,
        %add3A_375 = arith.addi %add3A_370, %get3A_374 : vector<16xi32>
        %add3A_376 = arith.constant 96 : i32
        %add3A_377 = arith.addi %mul3A_343, %add3A_376 : i32
        %get3A_378 = arith.index_cast %add3A_377 : i32 to index
        %get3A_379 = tpu.vector_load %arg7[%get3A_378] {strides = array<i32>} : memref<26624xi32, #tpu.memory_space<vmem>>, vector<16xi32>,
        %add3A_380 = arith.addi %add3A_375, %get3A_379 : vector<16xi32>
        %add3A_381 = arith.constant 112 : i32
        %add3A_382 = arith.addi %mul3A_343, %add3A_381 : i32
        %get3A_383 = arith.index_cast %add3A_382 : i32 to index
        %get3A_384 = tpu.vector_load %arg7[%get3A_383] {strides = array<i32>} : memref<26624xi32, #tpu.memory_space<vmem>>, vector<16xi32>,
        %add3A_385 = arith.addi %add3A_380, %get3A_384 : vector<16xi32>
        %add3A_386 = arith.constant 128 : i32
        %add3A_387 = arith.addi %mul3A_343, %add3A_386 : i32
        %get3A_388 = arith.index_cast %add3A_387 : i32 to index
        %get3A_389 = tpu.vector_load %arg7[%get3A_388] {strides = array<i32>} : memref<26624xi32, #tpu.memory_space<vmem>>, vector<16xi32>,
        %add3A_390 = arith.addi %add3A_385, %get3A_389 : vector<16xi32>
        %add3A_391 = arith.constant 144 : i32
        %add3A_392 = arith.addi %mul3A_343, %add3A_391 : i32
        %get3A_393 = arith.index_cast %add3A_392 : i32 to index
        %get3A_394 = tpu.vector_load %arg7[%get3A_393] {strides = array<i32>} : memref<26624xi32, #tpu.memory_space<vmem>>, vector<16xi32>,
        %add3A_395 = arith.addi %add3A_390, %get3A_394 : vector<16xi32>
        %add3A_396 = arith.constant 160 : i32
        %add3A_397 = arith.addi %mul3A_343, %add3A_396 : i32
        %get3A_398 = arith.index_cast %add3A_397 : i32 to index
        %get3A_399 = tpu.vector_load %arg7[%get3A_398] {strides = array<i32>} : memref<26624xi32, #tpu.memory_space<vmem>>, vector<16xi32>,
        %add3A_400 = arith.addi %add3A_395, %get3A_399 : vector<16xi32>
        %add3A_401 = arith.constant 176 : i32
        %add3A_402 = arith.addi %mul3A_343, %add3A_401 : i32
        %get3A_403 = arith.index_cast %add3A_402 : i32 to index
        %get3A_404 = tpu.vector_load %arg7[%get3A_403] {strides = array<i32>} : memref<26624xi32, #tpu.memory_space<vmem>>, vector<16xi32>,
        %add3A_405 = arith.addi %add3A_400, %get3A_404 : vector<16xi32>
        %add3A_406 = arith.constant 192 : i32
        %add3A_407 = arith.addi %mul3A_343, %add3A_406 : i32
        %get3A_408 = arith.index_cast %add3A_407 : i32 to index
        %get3A_409 = tpu.vector_load %arg7[%get3A_408] {strides = array<i32>} : memref<26624xi32, #tpu.memory_space<vmem>>, vector<16xi32>,
        %add3A_410 = arith.addi %add3A_405, %get3A_409 : vector<16xi32>
        %reduce_sum3A_411 = arith.constant true
        %reduce_sum3A_412 = vector.broadcast %reduce_sum3A_411 : i1 to vector<16xi1>
        %reduce_sum3A_413 = tpu.scan <sum>, %add3A_410 masked %reduce_sum3A_412 : vector<16xi32>, vector<16xi1> -> vector<16xi32>
        %reduce_sum3A_414 = vector.extract %reduce_sum3A_413[15] : i32 from vector<16xi32>
        %convert_element_type3A_415 = arith.sitofp %reduce_sum3A_414 : i32 to f32
        %broadcast_in_dim3A_416 = vector.broadcast %convert_element_type3A_415 : f32 to vector<16xf32>
        %max3A_417 = arith.constant 1.000000e+00 : f32
        %max3A_418 = vector.broadcast %max3A_417 : f32 to vector<16xf32>
        %max3A_419 = arith.maximumf %broadcast_in_dim3A_416, %max3A_418 : vector<16xf32>
        %swap3A_420 = arith.constant 0 : i32
        %swap3A_421 = arith.index_cast %swap3A_420 : i32 to index
        %swap3A_422 = arith.constant 0 : index
        %swap3A_423 = tpu.vector_load %arg10[%swap3A_421, %swap3A_422] {strides = array<i32>} : memref<2x16xf32, #tpu.memory_space<vmem>>, vector<16xf32>,
        tpu.vector_store %arg10[%swap3A_421, %swap3A_422], %max3A_419 {strides = array<i32>} : memref<2x16xf32, #tpu.memory_space<vmem>>, vector<16xf32>,
        %dma_start3A_424 = arith.constant 0 : i32
        %dma_start3A_425 = arith.constant 0 : i32
        %dma_start3A_426 = arith.constant 0 : i32
        %dma_start3A_427 = arith.constant 0 : i32
        %dma_start3A_428 = tpu.memref_slice %arg8[%dma_start3A_424, %dma_start3A_426, %dma_start3A_427] : memref<2x128x64xf32, #tpu.memory_space<vmem>> -> memref<1x128x64xf32, #tpu.memory_space<vmem>>
        %dma_start3A_429 = tpu.memref_squeeze %dma_start3A_428 : memref<1x128x64xf32, #tpu.memory_space<vmem>> -> memref<128x64xf32, #tpu.memory_space<vmem>>
        %dma_start3A_430 = tpu.memref_slice %arg6[%mul3A_343] : memref<26624xi32, #tpu.memory_space<vmem>> -> memref<128xi32, #tpu.memory_space<vmem>>
        %dma_start3A_431 = arith.constant 0 : i32
        %dma_start3A_432 = arith.constant 0 : i32
        %dma_start3A_433 = tpu.memref_slice %arg4[%dma_start3A_431, %dma_start3A_432] : memref<1000000x64xf32, #tpu.memory_space<hbm>> -> memref<1000000x64xf32, #tpu.memory_space<hbm>>
        %dma_start3A_434 = tpu.memref_slice %arg12[%dma_start3A_425] : memref<2x!tpu.dma_semaphore, #tpu.memory_space<semaphore_mem>> -> memref<1x!tpu.dma_semaphore, #tpu.memory_space<semaphore_mem>>
        %dma_start3A_435 = tpu.memref_squeeze %dma_start3A_434 : memref<1x!tpu.dma_semaphore, #tpu.memory_space<semaphore_mem>> -> memref<!tpu.dma_semaphore, #tpu.memory_space<semaphore_mem>>
        tpu.enqueue_indirect_dma source(%dma_start3A_433 : memref<1000000x64xf32, #tpu.memory_space<hbm>>) target(%dma_start3A_429 : memref<128x64xf32, #tpu.memory_space<vmem>>) offsets(%dma_start3A_430 : memref<128xi32, #tpu.memory_space<vmem>>) semaphore(%dma_start3A_435 : memref<!tpu.dma_semaphore, #tpu.memory_space<semaphore_mem>>)
        %add3A_436 = arith.constant 128 : i32
        %add3A_437 = arith.addi %mul3A_343, %add3A_436 : i32
        %dma_start3A_438 = arith.constant 0 : i32
        %dma_start3A_439 = arith.constant 0 : i32
        %dma_start3A_440 = arith.constant 0 : i32
        %dma_start3A_441 = arith.constant 0 : i32
        %dma_start3A_442 = tpu.memref_slice %arg9[%dma_start3A_438, %dma_start3A_440, %dma_start3A_441] : memref<2x80x64xf32, #tpu.memory_space<vmem>> -> memref<1x80x64xf32, #tpu.memory_space<vmem>>
        %dma_start3A_443 = tpu.memref_squeeze %dma_start3A_442 : memref<1x80x64xf32, #tpu.memory_space<vmem>> -> memref<80x64xf32, #tpu.memory_space<vmem>>
        %dma_start3A_444 = tpu.memref_slice %arg6[%add3A_437] : memref<26624xi32, #tpu.memory_space<vmem>> -> memref<80xi32, #tpu.memory_space<vmem>>
        %dma_start3A_445 = arith.constant 0 : i32
        %dma_start3A_446 = arith.constant 0 : i32
        %dma_start3A_447 = tpu.memref_slice %arg4[%dma_start3A_445, %dma_start3A_446] : memref<1000000x64xf32, #tpu.memory_space<hbm>> -> memref<1000000x64xf32, #tpu.memory_space<hbm>>
        %dma_start3A_448 = tpu.memref_slice %arg13[%dma_start3A_439] : memref<2x!tpu.dma_semaphore, #tpu.memory_space<semaphore_mem>> -> memref<1x!tpu.dma_semaphore, #tpu.memory_space<semaphore_mem>>
        %dma_start3A_449 = tpu.memref_squeeze %dma_start3A_448 : memref<1x!tpu.dma_semaphore, #tpu.memory_space<semaphore_mem>> -> memref<!tpu.dma_semaphore, #tpu.memory_space<semaphore_mem>>
        tpu.enqueue_indirect_dma source(%dma_start3A_447 : memref<1000000x64xf32, #tpu.memory_space<hbm>>) target(%dma_start3A_443 : memref<80x64xf32, #tpu.memory_space<vmem>>) offsets(%dma_start3A_444 : memref<80xi32, #tpu.memory_space<vmem>>) semaphore(%dma_start3A_449 : memref<!tpu.dma_semaphore, #tpu.memory_space<semaphore_mem>>)
      } else {
      }
      %mul3A_266 = arith.constant 2 : i32
      %mul3A_267 = arith.muli %mul3A_266, %scan3A_82 : i32
      %add3A_268 = arith.constant 1 : i32
      %add3A_269 = arith.addi %mul3A_267, %add3A_268 : i32
      %mul3A_270 = arith.constant 208 : i32
      %mul3A_271 = arith.muli %add3A_269, %mul3A_270 : i32
      %dma_wait3A_272 = arith.constant 1 : i32
      %dma_wait3A_273 = arith.constant 1 : i32
      %dma_wait3A_274 = arith.constant 0 : i32
      %dma_wait3A_275 = arith.constant 0 : i32
      %dma_wait3A_276 = tpu.memref_slice %arg8[%dma_wait3A_272, %dma_wait3A_274, %dma_wait3A_275] : memref<2x128x64xf32, #tpu.memory_space<vmem>> -> memref<1x128x64xf32, #tpu.memory_space<vmem>>
      %dma_wait3A_277 = tpu.memref_squeeze %dma_wait3A_276 : memref<1x128x64xf32, #tpu.memory_space<vmem>> -> memref<128x64xf32, #tpu.memory_space<vmem>>
      %dma_wait3A_278 = tpu.memref_slice %arg6[%mul3A_271] : memref<26624xi32, #tpu.memory_space<vmem>> -> memref<128xi32, #tpu.memory_space<vmem>>
      %dma_wait3A_279 = arith.constant 0 : i32
      %dma_wait3A_280 = arith.constant 0 : i32
      %dma_wait3A_281 = tpu.memref_slice %arg4[%dma_wait3A_279, %dma_wait3A_280] : memref<1000000x64xf32, #tpu.memory_space<hbm>> -> memref<1000000x64xf32, #tpu.memory_space<hbm>>
      %dma_wait3A_282 = tpu.memref_slice %arg12[%dma_wait3A_273] : memref<2x!tpu.dma_semaphore, #tpu.memory_space<semaphore_mem>> -> memref<1x!tpu.dma_semaphore, #tpu.memory_space<semaphore_mem>>
      %dma_wait3A_283 = tpu.memref_squeeze %dma_wait3A_282 : memref<1x!tpu.dma_semaphore, #tpu.memory_space<semaphore_mem>> -> memref<!tpu.dma_semaphore, #tpu.memory_space<semaphore_mem>>
      tpu.wait_indirect_dma semaphore(%dma_wait3A_283 : memref<!tpu.dma_semaphore, #tpu.memory_space<semaphore_mem>>) src(%dma_wait3A_281 : memref<1000000x64xf32, #tpu.memory_space<hbm>>) dst(%dma_wait3A_277 : memref<128x64xf32, #tpu.memory_space<vmem>>)
      %add3A_284 = arith.constant 128 : i32
      %add3A_285 = arith.addi %mul3A_271, %add3A_284 : i32
      %dma_wait3A_286 = arith.constant 1 : i32
      %dma_wait3A_287 = arith.constant 1 : i32
      %dma_wait3A_288 = arith.constant 0 : i32
      %dma_wait3A_289 = arith.constant 0 : i32
      %dma_wait3A_290 = tpu.memref_slice %arg9[%dma_wait3A_286, %dma_wait3A_288, %dma_wait3A_289] : memref<2x80x64xf32, #tpu.memory_space<vmem>> -> memref<1x80x64xf32, #tpu.memory_space<vmem>>
      %dma_wait3A_291 = tpu.memref_squeeze %dma_wait3A_290 : memref<1x80x64xf32, #tpu.memory_space<vmem>> -> memref<80x64xf32, #tpu.memory_space<vmem>>
      %dma_wait3A_292 = tpu.memref_slice %arg6[%add3A_285] : memref<26624xi32, #tpu.memory_space<vmem>> -> memref<80xi32, #tpu.memory_space<vmem>>
      %dma_wait3A_293 = arith.constant 0 : i32
      %dma_wait3A_294 = arith.constant 0 : i32
      %dma_wait3A_295 = tpu.memref_slice %arg4[%dma_wait3A_293, %dma_wait3A_294] : memref<1000000x64xf32, #tpu.memory_space<hbm>> -> memref<1000000x64xf32, #tpu.memory_space<hbm>>
      %dma_wait3A_296 = tpu.memref_slice %arg13[%dma_wait3A_287] : memref<2x!tpu.dma_semaphore, #tpu.memory_space<semaphore_mem>> -> memref<1x!tpu.dma_semaphore, #tpu.memory_space<semaphore_mem>>
      %dma_wait3A_297 = tpu.memref_squeeze %dma_wait3A_296 : memref<1x!tpu.dma_semaphore, #tpu.memory_space<semaphore_mem>> -> memref<!tpu.dma_semaphore, #tpu.memory_space<semaphore_mem>>
      tpu.wait_indirect_dma semaphore(%dma_wait3A_297 : memref<!tpu.dma_semaphore, #tpu.memory_space<semaphore_mem>>) src(%dma_wait3A_295 : memref<1000000x64xf32, #tpu.memory_space<hbm>>) dst(%dma_wait3A_291 : memref<80x64xf32, #tpu.memory_space<vmem>>)
      %broadcast_in_dim3A_298 = arith.constant 0.000000e+00 : f32
      %broadcast_in_dim3A_299 = vector.broadcast %broadcast_in_dim3A_298 : f32 to vector<16xf32>
      %broadcast_in_dim3A_300 = arith.constant 0.000000e+00 : f32
      %broadcast_in_dim3A_301 = vector.broadcast %broadcast_in_dim3A_300 : f32 to vector<16xf32>
      %broadcast_in_dim3A_302 = arith.constant 0.000000e+00 : f32
      %broadcast_in_dim3A_303 = vector.broadcast %broadcast_in_dim3A_302 : f32 to vector<16xf32>
      %broadcast_in_dim3A_304 = arith.constant 0.000000e+00 : f32
      %broadcast_in_dim3A_305 = vector.broadcast %broadcast_in_dim3A_304 : f32 to vector<16xf32>
      %scan3A_306 = arith.constant 0 : i32
      %scan3A_307 = arith.constant 8 : i32
      %scan3A_308 = arith.addi %scan3A_306, %scan3A_307 : i32
      %scan3A_309 = arith.constant 1 : i32
      %scan3A_310:4 = scf.for %scan3A_338 = %scan3A_306 to %scan3A_308 step %scan3A_309 iter_args(%scan3A_339 = %broadcast_in_dim3A_299, %scan3A_340 = %broadcast_in_dim3A_301, %scan3A_341 = %broadcast_in_dim3A_303, %scan3A_342 = %broadcast_in_dim3A_305) -> (vector<16xf32>, vector<16xf32>, vector<16xf32>, vector<16xf32>)  : i32 {
        %add3A_343 = arith.constant 0 : i32
        %add3A_344 = arith.addi %mul3A_271, %add3A_343 : i32
        %mul3A_345 = arith.constant 16 : i32
        %mul3A_346 = arith.muli %scan3A_338, %mul3A_345 : i32
        %add3A_347 = arith.addi %add3A_344, %mul3A_346 : i32
        %get3A_348 = arith.index_cast %add3A_347 : i32 to index
        %get3A_349 = tpu.vector_load %arg7[%get3A_348] {strides = array<i32>} : memref<26624xi32, #tpu.memory_space<vmem>>, vector<16xi32>,
        %convert_element_type3A_350 = arith.sitofp %get3A_349 : vector<16xi32> to vector<16xf32>
        %mul3A_351 = arith.constant 16 : i32
        %mul3A_352 = arith.muli %scan3A_338, %mul3A_351 : i32
        %slice3A = vector.extract_strided_slice %convert_element_type3A_350 {offsets = [0], sizes = [1], strides = [1]} : vector<16xf32> to vector<1xf32>
        %squeeze3A = vector.extract %slice3A[0] : f32 from vector<1xf32>
        %broadcast_in_dim3A_353 = vector.broadcast %squeeze3A : f32 to vector<16xf32>
        %add3A_354 = arith.constant 0 : i32
        %add3A_355 = arith.addi %mul3A_352, %add3A_354 : i32
        %get3A_356 = arith.constant 1 : i32
        %get3A_357 = arith.index_cast %get3A_356 : i32 to index
        %get3A_358 = arith.index_cast %add3A_355 : i32 to index
        %get3A_359 = arith.constant 0 : index
        %get3A_360 = tpu.vector_load %arg8[%get3A_357, %get3A_358, %get3A_359] {strides = array<i32>} : memref<2x128x64xf32, #tpu.memory_space<vmem>>, vector<16xf32>,
        %mul3A_361 = arith.mulf %get3A_360, %broadcast_in_dim3A_353 : vector<16xf32>
        %add3A_362 = arith.addf %scan3A_339, %mul3A_361 : vector<16xf32>
        %add3A_363 = arith.constant 0 : i32
        %add3A_364 = arith.addi %mul3A_352, %add3A_363 : i32
        %get3A_365 = arith.constant 1 : i32
        %get3A_366 = arith.index_cast %get3A_365 : i32 to index
        %get3A_367 = arith.index_cast %add3A_364 : i32 to index
        %get3A_368 = arith.constant 16 : index
        %get3A_369 = tpu.vector_load %arg8[%get3A_366, %get3A_367, %get3A_368] {strides = array<i32>} : memref<2x128x64xf32, #tpu.memory_space<vmem>>, vector<16xf32>,
        %mul3A_370 = arith.mulf %get3A_369, %broadcast_in_dim3A_353 : vector<16xf32>
        %add3A_371 = arith.addf %scan3A_340, %mul3A_370 : vector<16xf32>
        %add3A_372 = arith.constant 0 : i32
        %add3A_373 = arith.addi %mul3A_352, %add3A_372 : i32
        %get3A_374 = arith.constant 1 : i32
        %get3A_375 = arith.index_cast %get3A_374 : i32 to index
        %get3A_376 = arith.index_cast %add3A_373 : i32 to index
        %get3A_377 = arith.constant 32 : index
        %get3A_378 = tpu.vector_load %arg8[%get3A_375, %get3A_376, %get3A_377] {strides = array<i32>} : memref<2x128x64xf32, #tpu.memory_space<vmem>>, vector<16xf32>,
        %mul3A_379 = arith.mulf %get3A_378, %broadcast_in_dim3A_353 : vector<16xf32>
        %add3A_380 = arith.addf %scan3A_341, %mul3A_379 : vector<16xf32>
        %add3A_381 = arith.constant 0 : i32
        %add3A_382 = arith.addi %mul3A_352, %add3A_381 : i32
        %get3A_383 = arith.constant 1 : i32
        %get3A_384 = arith.index_cast %get3A_383 : i32 to index
        %get3A_385 = arith.index_cast %add3A_382 : i32 to index
        %get3A_386 = arith.constant 48 : index
        %get3A_387 = tpu.vector_load %arg8[%get3A_384, %get3A_385, %get3A_386] {strides = array<i32>} : memref<2x128x64xf32, #tpu.memory_space<vmem>>, vector<16xf32>,
        %mul3A_388 = arith.mulf %get3A_387, %broadcast_in_dim3A_353 : vector<16xf32>
        %add3A_389 = arith.addf %scan3A_342, %mul3A_388 : vector<16xf32>
        %slice3A_390 = vector.extract_strided_slice %convert_element_type3A_350 {offsets = [1], sizes = [1], strides = [1]} : vector<16xf32> to vector<1xf32>
        %squeeze3A_391 = vector.extract %slice3A_390[0] : f32 from vector<1xf32>
        %broadcast_in_dim3A_392 = vector.broadcast %squeeze3A_391 : f32 to vector<16xf32>
        %add3A_393 = arith.constant 1 : i32
        %add3A_394 = arith.addi %mul3A_352, %add3A_393 : i32
        %get3A_395 = arith.constant 1 : i32
        %get3A_396 = arith.index_cast %get3A_395 : i32 to index
        %get3A_397 = arith.index_cast %add3A_394 : i32 to index
        %get3A_398 = arith.constant 0 : index
        %get3A_399 = tpu.vector_load %arg8[%get3A_396, %get3A_397, %get3A_398] {strides = array<i32>} : memref<2x128x64xf32, #tpu.memory_space<vmem>>, vector<16xf32>,
        %mul3A_400 = arith.mulf %get3A_399, %broadcast_in_dim3A_392 : vector<16xf32>
        %add3A_401 = arith.addf %add3A_362, %mul3A_400 : vector<16xf32>
        %add3A_402 = arith.constant 1 : i32
        %add3A_403 = arith.addi %mul3A_352, %add3A_402 : i32
        %get3A_404 = arith.constant 1 : i32
        %get3A_405 = arith.index_cast %get3A_404 : i32 to index
        %get3A_406 = arith.index_cast %add3A_403 : i32 to index
        %get3A_407 = arith.constant 16 : index
        %get3A_408 = tpu.vector_load %arg8[%get3A_405, %get3A_406, %get3A_407] {strides = array<i32>} : memref<2x128x64xf32, #tpu.memory_space<vmem>>, vector<16xf32>,
        %mul3A_409 = arith.mulf %get3A_408, %broadcast_in_dim3A_392 : vector<16xf32>
        %add3A_410 = arith.addf %add3A_371, %mul3A_409 : vector<16xf32>
        %add3A_411 = arith.constant 1 : i32
        %add3A_412 = arith.addi %mul3A_352, %add3A_411 : i32
        %get3A_413 = arith.constant 1 : i32
        %get3A_414 = arith.index_cast %get3A_413 : i32 to index
        %get3A_415 = arith.index_cast %add3A_412 : i32 to index
        %get3A_416 = arith.constant 32 : index
        %get3A_417 = tpu.vector_load %arg8[%get3A_414, %get3A_415, %get3A_416] {strides = array<i32>} : memref<2x128x64xf32, #tpu.memory_space<vmem>>, vector<16xf32>,
        %mul3A_418 = arith.mulf %get3A_417, %broadcast_in_dim3A_392 : vector<16xf32>
        %add3A_419 = arith.addf %add3A_380, %mul3A_418 : vector<16xf32>
        %add3A_420 = arith.constant 1 : i32
        %add3A_421 = arith.addi %mul3A_352, %add3A_420 : i32
        %get3A_422 = arith.constant 1 : i32
        %get3A_423 = arith.index_cast %get3A_422 : i32 to index
        %get3A_424 = arith.index_cast %add3A_421 : i32 to index
        %get3A_425 = arith.constant 48 : index
        %get3A_426 = tpu.vector_load %arg8[%get3A_423, %get3A_424, %get3A_425] {strides = array<i32>} : memref<2x128x64xf32, #tpu.memory_space<vmem>>, vector<16xf32>,
        %mul3A_427 = arith.mulf %get3A_426, %broadcast_in_dim3A_392 : vector<16xf32>
        %add3A_428 = arith.addf %add3A_389, %mul3A_427 : vector<16xf32>
        %slice3A_429 = vector.extract_strided_slice %convert_element_type3A_350 {offsets = [2], sizes = [1], strides = [1]} : vector<16xf32> to vector<1xf32>
        %squeeze3A_430 = vector.extract %slice3A_429[0] : f32 from vector<1xf32>
        %broadcast_in_dim3A_431 = vector.broadcast %squeeze3A_430 : f32 to vector<16xf32>
        %add3A_432 = arith.constant 2 : i32
        %add3A_433 = arith.addi %mul3A_352, %add3A_432 : i32
        %get3A_434 = arith.constant 1 : i32
        %get3A_435 = arith.index_cast %get3A_434 : i32 to index
        %get3A_436 = arith.index_cast %add3A_433 : i32 to index
        %get3A_437 = arith.constant 0 : index
        %get3A_438 = tpu.vector_load %arg8[%get3A_435, %get3A_436, %get3A_437] {strides = array<i32>} : memref<2x128x64xf32, #tpu.memory_space<vmem>>, vector<16xf32>,
        %mul3A_439 = arith.mulf %get3A_438, %broadcast_in_dim3A_431 : vector<16xf32>
        %add3A_440 = arith.addf %add3A_401, %mul3A_439 : vector<16xf32>
        %add3A_441 = arith.constant 2 : i32
        %add3A_442 = arith.addi %mul3A_352, %add3A_441 : i32
        %get3A_443 = arith.constant 1 : i32
        %get3A_444 = arith.index_cast %get3A_443 : i32 to index
        %get3A_445 = arith.index_cast %add3A_442 : i32 to index
        %get3A_446 = arith.constant 16 : index
        %get3A_447 = tpu.vector_load %arg8[%get3A_444, %get3A_445, %get3A_446] {strides = array<i32>} : memref<2x128x64xf32, #tpu.memory_space<vmem>>, vector<16xf32>,
        %mul3A_448 = arith.mulf %get3A_447, %broadcast_in_dim3A_431 : vector<16xf32>
        %add3A_449 = arith.addf %add3A_410, %mul3A_448 : vector<16xf32>
        %add3A_450 = arith.constant 2 : i32
        %add3A_451 = arith.addi %mul3A_352, %add3A_450 : i32
        %get3A_452 = arith.constant 1 : i32
        %get3A_453 = arith.index_cast %get3A_452 : i32 to index
        %get3A_454 = arith.index_cast %add3A_451 : i32 to index
        %get3A_455 = arith.constant 32 : index
        %get3A_456 = tpu.vector_load %arg8[%get3A_453, %get3A_454, %get3A_455] {strides = array<i32>} : memref<2x128x64xf32, #tpu.memory_space<vmem>>, vector<16xf32>,
        %mul3A_457 = arith.mulf %get3A_456, %broadcast_in_dim3A_431 : vector<16xf32>
        %add3A_458 = arith.addf %add3A_419, %mul3A_457 : vector<16xf32>
        %add3A_459 = arith.constant 2 : i32
        %add3A_460 = arith.addi %mul3A_352, %add3A_459 : i32
        %get3A_461 = arith.constant 1 : i32
        %get3A_462 = arith.index_cast %get3A_461 : i32 to index
        %get3A_463 = arith.index_cast %add3A_460 : i32 to index
        %get3A_464 = arith.constant 48 : index
        %get3A_465 = tpu.vector_load %arg8[%get3A_462, %get3A_463, %get3A_464] {strides = array<i32>} : memref<2x128x64xf32, #tpu.memory_space<vmem>>, vector<16xf32>,
        %mul3A_466 = arith.mulf %get3A_465, %broadcast_in_dim3A_431 : vector<16xf32>
        %add3A_467 = arith.addf %add3A_428, %mul3A_466 : vector<16xf32>
        %slice3A_468 = vector.extract_strided_slice %convert_element_type3A_350 {offsets = [3], sizes = [1], strides = [1]} : vector<16xf32> to vector<1xf32>
        %squeeze3A_469 = vector.extract %slice3A_468[0] : f32 from vector<1xf32>
        %broadcast_in_dim3A_470 = vector.broadcast %squeeze3A_469 : f32 to vector<16xf32>
        %add3A_471 = arith.constant 3 : i32
        %add3A_472 = arith.addi %mul3A_352, %add3A_471 : i32
        %get3A_473 = arith.constant 1 : i32
        %get3A_474 = arith.index_cast %get3A_473 : i32 to index
        %get3A_475 = arith.index_cast %add3A_472 : i32 to index
        %get3A_476 = arith.constant 0 : index
        %get3A_477 = tpu.vector_load %arg8[%get3A_474, %get3A_475, %get3A_476] {strides = array<i32>} : memref<2x128x64xf32, #tpu.memory_space<vmem>>, vector<16xf32>,
        %mul3A_478 = arith.mulf %get3A_477, %broadcast_in_dim3A_470 : vector<16xf32>
        %add3A_479 = arith.addf %add3A_440, %mul3A_478 : vector<16xf32>
        %add3A_480 = arith.constant 3 : i32
        %add3A_481 = arith.addi %mul3A_352, %add3A_480 : i32
        %get3A_482 = arith.constant 1 : i32
        %get3A_483 = arith.index_cast %get3A_482 : i32 to index
        %get3A_484 = arith.index_cast %add3A_481 : i32 to index
        %get3A_485 = arith.constant 16 : index
        %get3A_486 = tpu.vector_load %arg8[%get3A_483, %get3A_484, %get3A_485] {strides = array<i32>} : memref<2x128x64xf32, #tpu.memory_space<vmem>>, vector<16xf32>,
        %mul3A_487 = arith.mulf %get3A_486, %broadcast_in_dim3A_470 : vector<16xf32>
        %add3A_488 = arith.addf %add3A_449, %mul3A_487 : vector<16xf32>
        %add3A_489 = arith.constant 3 : i32
        %add3A_490 = arith.addi %mul3A_352, %add3A_489 : i32
        %get3A_491 = arith.constant 1 : i32
        %get3A_492 = arith.index_cast %get3A_491 : i32 to index
        %get3A_493 = arith.index_cast %add3A_490 : i32 to index
        %get3A_494 = arith.constant 32 : index
        %get3A_495 = tpu.vector_load %arg8[%get3A_492, %get3A_493, %get3A_494] {strides = array<i32>} : memref<2x128x64xf32, #tpu.memory_space<vmem>>, vector<16xf32>,
        %mul3A_496 = arith.mulf %get3A_495, %broadcast_in_dim3A_470 : vector<16xf32>
        %add3A_497 = arith.addf %add3A_458, %mul3A_496 : vector<16xf32>
        %add3A_498 = arith.constant 3 : i32
        %add3A_499 = arith.addi %mul3A_352, %add3A_498 : i32
        %get3A_500 = arith.constant 1 : i32
        %get3A_501 = arith.index_cast %get3A_500 : i32 to index
        %get3A_502 = arith.index_cast %add3A_499 : i32 to index
        %get3A_503 = arith.constant 48 : index
        %get3A_504 = tpu.vector_load %arg8[%get3A_501, %get3A_502, %get3A_503] {strides = array<i32>} : memref<2x128x64xf32, #tpu.memory_space<vmem>>, vector<16xf32>,
        %mul3A_505 = arith.mulf %get3A_504, %broadcast_in_dim3A_470 : vector<16xf32>
        %add3A_506 = arith.addf %add3A_467, %mul3A_505 : vector<16xf32>
        %slice3A_507 = vector.extract_strided_slice %convert_element_type3A_350 {offsets = [4], sizes = [1], strides = [1]} : vector<16xf32> to vector<1xf32>
        %squeeze3A_508 = vector.extract %slice3A_507[0] : f32 from vector<1xf32>
        %broadcast_in_dim3A_509 = vector.broadcast %squeeze3A_508 : f32 to vector<16xf32>
        %add3A_510 = arith.constant 4 : i32
        %add3A_511 = arith.addi %mul3A_352, %add3A_510 : i32
        %get3A_512 = arith.constant 1 : i32
        %get3A_513 = arith.index_cast %get3A_512 : i32 to index
        %get3A_514 = arith.index_cast %add3A_511 : i32 to index
        %get3A_515 = arith.constant 0 : index
        %get3A_516 = tpu.vector_load %arg8[%get3A_513, %get3A_514, %get3A_515] {strides = array<i32>} : memref<2x128x64xf32, #tpu.memory_space<vmem>>, vector<16xf32>,
        %mul3A_517 = arith.mulf %get3A_516, %broadcast_in_dim3A_509 : vector<16xf32>
        %add3A_518 = arith.addf %add3A_479, %mul3A_517 : vector<16xf32>
        %add3A_519 = arith.constant 4 : i32
        %add3A_520 = arith.addi %mul3A_352, %add3A_519 : i32
        %get3A_521 = arith.constant 1 : i32
        %get3A_522 = arith.index_cast %get3A_521 : i32 to index
        %get3A_523 = arith.index_cast %add3A_520 : i32 to index
        %get3A_524 = arith.constant 16 : index
        %get3A_525 = tpu.vector_load %arg8[%get3A_522, %get3A_523, %get3A_524] {strides = array<i32>} : memref<2x128x64xf32, #tpu.memory_space<vmem>>, vector<16xf32>,
        %mul3A_526 = arith.mulf %get3A_525, %broadcast_in_dim3A_509 : vector<16xf32>
        %add3A_527 = arith.addf %add3A_488, %mul3A_526 : vector<16xf32>
        %add3A_528 = arith.constant 4 : i32
        %add3A_529 = arith.addi %mul3A_352, %add3A_528 : i32
        %get3A_530 = arith.constant 1 : i32
        %get3A_531 = arith.index_cast %get3A_530 : i32 to index
        %get3A_532 = arith.index_cast %add3A_529 : i32 to index
        %get3A_533 = arith.constant 32 : index
        %get3A_534 = tpu.vector_load %arg8[%get3A_531, %get3A_532, %get3A_533] {strides = array<i32>} : memref<2x128x64xf32, #tpu.memory_space<vmem>>, vector<16xf32>,
        %mul3A_535 = arith.mulf %get3A_534, %broadcast_in_dim3A_509 : vector<16xf32>
        %add3A_536 = arith.addf %add3A_497, %mul3A_535 : vector<16xf32>
        %add3A_537 = arith.constant 4 : i32
        %add3A_538 = arith.addi %mul3A_352, %add3A_537 : i32
        %get3A_539 = arith.constant 1 : i32
        %get3A_540 = arith.index_cast %get3A_539 : i32 to index
        %get3A_541 = arith.index_cast %add3A_538 : i32 to index
        %get3A_542 = arith.constant 48 : index
        %get3A_543 = tpu.vector_load %arg8[%get3A_540, %get3A_541, %get3A_542] {strides = array<i32>} : memref<2x128x64xf32, #tpu.memory_space<vmem>>, vector<16xf32>,
        %mul3A_544 = arith.mulf %get3A_543, %broadcast_in_dim3A_509 : vector<16xf32>
        %add3A_545 = arith.addf %add3A_506, %mul3A_544 : vector<16xf32>
        %slice3A_546 = vector.extract_strided_slice %convert_element_type3A_350 {offsets = [5], sizes = [1], strides = [1]} : vector<16xf32> to vector<1xf32>
        %squeeze3A_547 = vector.extract %slice3A_546[0] : f32 from vector<1xf32>
        %broadcast_in_dim3A_548 = vector.broadcast %squeeze3A_547 : f32 to vector<16xf32>
        %add3A_549 = arith.constant 5 : i32
        %add3A_550 = arith.addi %mul3A_352, %add3A_549 : i32
        %get3A_551 = arith.constant 1 : i32
        %get3A_552 = arith.index_cast %get3A_551 : i32 to index
        %get3A_553 = arith.index_cast %add3A_550 : i32 to index
        %get3A_554 = arith.constant 0 : index
        %get3A_555 = tpu.vector_load %arg8[%get3A_552, %get3A_553, %get3A_554] {strides = array<i32>} : memref<2x128x64xf32, #tpu.memory_space<vmem>>, vector<16xf32>,
        %mul3A_556 = arith.mulf %get3A_555, %broadcast_in_dim3A_548 : vector<16xf32>
        %add3A_557 = arith.addf %add3A_518, %mul3A_556 : vector<16xf32>
        %add3A_558 = arith.constant 5 : i32
        %add3A_559 = arith.addi %mul3A_352, %add3A_558 : i32
        %get3A_560 = arith.constant 1 : i32
        %get3A_561 = arith.index_cast %get3A_560 : i32 to index
        %get3A_562 = arith.index_cast %add3A_559 : i32 to index
        %get3A_563 = arith.constant 16 : index
        %get3A_564 = tpu.vector_load %arg8[%get3A_561, %get3A_562, %get3A_563] {strides = array<i32>} : memref<2x128x64xf32, #tpu.memory_space<vmem>>, vector<16xf32>,
        %mul3A_565 = arith.mulf %get3A_564, %broadcast_in_dim3A_548 : vector<16xf32>
        %add3A_566 = arith.addf %add3A_527, %mul3A_565 : vector<16xf32>
        %add3A_567 = arith.constant 5 : i32
        %add3A_568 = arith.addi %mul3A_352, %add3A_567 : i32
        %get3A_569 = arith.constant 1 : i32
        %get3A_570 = arith.index_cast %get3A_569 : i32 to index
        %get3A_571 = arith.index_cast %add3A_568 : i32 to index
        %get3A_572 = arith.constant 32 : index
        %get3A_573 = tpu.vector_load %arg8[%get3A_570, %get3A_571, %get3A_572] {strides = array<i32>} : memref<2x128x64xf32, #tpu.memory_space<vmem>>, vector<16xf32>,
        %mul3A_574 = arith.mulf %get3A_573, %broadcast_in_dim3A_548 : vector<16xf32>
        %add3A_575 = arith.addf %add3A_536, %mul3A_574 : vector<16xf32>
        %add3A_576 = arith.constant 5 : i32
        %add3A_577 = arith.addi %mul3A_352, %add3A_576 : i32
        %get3A_578 = arith.constant 1 : i32
        %get3A_579 = arith.index_cast %get3A_578 : i32 to index
        %get3A_580 = arith.index_cast %add3A_577 : i32 to index
        %get3A_581 = arith.constant 48 : index
        %get3A_582 = tpu.vector_load %arg8[%get3A_579, %get3A_580, %get3A_581] {strides = array<i32>} : memref<2x128x64xf32, #tpu.memory_space<vmem>>, vector<16xf32>,
        %mul3A_583 = arith.mulf %get3A_582, %broadcast_in_dim3A_548 : vector<16xf32>
        %add3A_584 = arith.addf %add3A_545, %mul3A_583 : vector<16xf32>
        %slice3A_585 = vector.extract_strided_slice %convert_element_type3A_350 {offsets = [6], sizes = [1], strides = [1]} : vector<16xf32> to vector<1xf32>
        %squeeze3A_586 = vector.extract %slice3A_585[0] : f32 from vector<1xf32>
        %broadcast_in_dim3A_587 = vector.broadcast %squeeze3A_586 : f32 to vector<16xf32>
        %add3A_588 = arith.constant 6 : i32
        %add3A_589 = arith.addi %mul3A_352, %add3A_588 : i32
        %get3A_590 = arith.constant 1 : i32
        %get3A_591 = arith.index_cast %get3A_590 : i32 to index
        %get3A_592 = arith.index_cast %add3A_589 : i32 to index
        %get3A_593 = arith.constant 0 : index
        %get3A_594 = tpu.vector_load %arg8[%get3A_591, %get3A_592, %get3A_593] {strides = array<i32>} : memref<2x128x64xf32, #tpu.memory_space<vmem>>, vector<16xf32>,
        %mul3A_595 = arith.mulf %get3A_594, %broadcast_in_dim3A_587 : vector<16xf32>
        %add3A_596 = arith.addf %add3A_557, %mul3A_595 : vector<16xf32>
        %add3A_597 = arith.constant 6 : i32
        %add3A_598 = arith.addi %mul3A_352, %add3A_597 : i32
        %get3A_599 = arith.constant 1 : i32
        %get3A_600 = arith.index_cast %get3A_599 : i32 to index
        %get3A_601 = arith.index_cast %add3A_598 : i32 to index
        %get3A_602 = arith.constant 16 : index
        %get3A_603 = tpu.vector_load %arg8[%get3A_600, %get3A_601, %get3A_602] {strides = array<i32>} : memref<2x128x64xf32, #tpu.memory_space<vmem>>, vector<16xf32>,
        %mul3A_604 = arith.mulf %get3A_603, %broadcast_in_dim3A_587 : vector<16xf32>
        %add3A_605 = arith.addf %add3A_566, %mul3A_604 : vector<16xf32>
        %add3A_606 = arith.constant 6 : i32
        %add3A_607 = arith.addi %mul3A_352, %add3A_606 : i32
        %get3A_608 = arith.constant 1 : i32
        %get3A_609 = arith.index_cast %get3A_608 : i32 to index
        %get3A_610 = arith.index_cast %add3A_607 : i32 to index
        %get3A_611 = arith.constant 32 : index
        %get3A_612 = tpu.vector_load %arg8[%get3A_609, %get3A_610, %get3A_611] {strides = array<i32>} : memref<2x128x64xf32, #tpu.memory_space<vmem>>, vector<16xf32>,
        %mul3A_613 = arith.mulf %get3A_612, %broadcast_in_dim3A_587 : vector<16xf32>
        %add3A_614 = arith.addf %add3A_575, %mul3A_613 : vector<16xf32>
        %add3A_615 = arith.constant 6 : i32
        %add3A_616 = arith.addi %mul3A_352, %add3A_615 : i32
        %get3A_617 = arith.constant 1 : i32
        %get3A_618 = arith.index_cast %get3A_617 : i32 to index
        %get3A_619 = arith.index_cast %add3A_616 : i32 to index
        %get3A_620 = arith.constant 48 : index
        %get3A_621 = tpu.vector_load %arg8[%get3A_618, %get3A_619, %get3A_620] {strides = array<i32>} : memref<2x128x64xf32, #tpu.memory_space<vmem>>, vector<16xf32>,
        %mul3A_622 = arith.mulf %get3A_621, %broadcast_in_dim3A_587 : vector<16xf32>
        %add3A_623 = arith.addf %add3A_584, %mul3A_622 : vector<16xf32>
        %slice3A_624 = vector.extract_strided_slice %convert_element_type3A_350 {offsets = [7], sizes = [1], strides = [1]} : vector<16xf32> to vector<1xf32>
        %squeeze3A_625 = vector.extract %slice3A_624[0] : f32 from vector<1xf32>
        %broadcast_in_dim3A_626 = vector.broadcast %squeeze3A_625 : f32 to vector<16xf32>
        %add3A_627 = arith.constant 7 : i32
        %add3A_628 = arith.addi %mul3A_352, %add3A_627 : i32
        %get3A_629 = arith.constant 1 : i32
        %get3A_630 = arith.index_cast %get3A_629 : i32 to index
        %get3A_631 = arith.index_cast %add3A_628 : i32 to index
        %get3A_632 = arith.constant 0 : index
        %get3A_633 = tpu.vector_load %arg8[%get3A_630, %get3A_631, %get3A_632] {strides = array<i32>} : memref<2x128x64xf32, #tpu.memory_space<vmem>>, vector<16xf32>,
        %mul3A_634 = arith.mulf %get3A_633, %broadcast_in_dim3A_626 : vector<16xf32>
        %add3A_635 = arith.addf %add3A_596, %mul3A_634 : vector<16xf32>
        %add3A_636 = arith.constant 7 : i32
        %add3A_637 = arith.addi %mul3A_352, %add3A_636 : i32
        %get3A_638 = arith.constant 1 : i32
        %get3A_639 = arith.index_cast %get3A_638 : i32 to index
        %get3A_640 = arith.index_cast %add3A_637 : i32 to index
        %get3A_641 = arith.constant 16 : index
        %get3A_642 = tpu.vector_load %arg8[%get3A_639, %get3A_640, %get3A_641] {strides = array<i32>} : memref<2x128x64xf32, #tpu.memory_space<vmem>>, vector<16xf32>,
        %mul3A_643 = arith.mulf %get3A_642, %broadcast_in_dim3A_626 : vector<16xf32>
        %add3A_644 = arith.addf %add3A_605, %mul3A_643 : vector<16xf32>
        %add3A_645 = arith.constant 7 : i32
        %add3A_646 = arith.addi %mul3A_352, %add3A_645 : i32
        %get3A_647 = arith.constant 1 : i32
        %get3A_648 = arith.index_cast %get3A_647 : i32 to index
        %get3A_649 = arith.index_cast %add3A_646 : i32 to index
        %get3A_650 = arith.constant 32 : index
        %get3A_651 = tpu.vector_load %arg8[%get3A_648, %get3A_649, %get3A_650] {strides = array<i32>} : memref<2x128x64xf32, #tpu.memory_space<vmem>>, vector<16xf32>,
        %mul3A_652 = arith.mulf %get3A_651, %broadcast_in_dim3A_626 : vector<16xf32>
        %add3A_653 = arith.addf %add3A_614, %mul3A_652 : vector<16xf32>
        %add3A_654 = arith.constant 7 : i32
        %add3A_655 = arith.addi %mul3A_352, %add3A_654 : i32
        %get3A_656 = arith.constant 1 : i32
        %get3A_657 = arith.index_cast %get3A_656 : i32 to index
        %get3A_658 = arith.index_cast %add3A_655 : i32 to index
        %get3A_659 = arith.constant 48 : index
        %get3A_660 = tpu.vector_load %arg8[%get3A_657, %get3A_658, %get3A_659] {strides = array<i32>} : memref<2x128x64xf32, #tpu.memory_space<vmem>>, vector<16xf32>,
        %mul3A_661 = arith.mulf %get3A_660, %broadcast_in_dim3A_626 : vector<16xf32>
        %add3A_662 = arith.addf %add3A_623, %mul3A_661 : vector<16xf32>
        %slice3A_663 = vector.extract_strided_slice %convert_element_type3A_350 {offsets = [8], sizes = [1], strides = [1]} : vector<16xf32> to vector<1xf32>
        %squeeze3A_664 = vector.extract %slice3A_663[0] : f32 from vector<1xf32>
        %broadcast_in_dim3A_665 = vector.broadcast %squeeze3A_664 : f32 to vector<16xf32>
        %add3A_666 = arith.constant 8 : i32
        %add3A_667 = arith.addi %mul3A_352, %add3A_666 : i32
        %get3A_668 = arith.constant 1 : i32
        %get3A_669 = arith.index_cast %get3A_668 : i32 to index
        %get3A_670 = arith.index_cast %add3A_667 : i32 to index
        %get3A_671 = arith.constant 0 : index
        %get3A_672 = tpu.vector_load %arg8[%get3A_669, %get3A_670, %get3A_671] {strides = array<i32>} : memref<2x128x64xf32, #tpu.memory_space<vmem>>, vector<16xf32>,
        %mul3A_673 = arith.mulf %get3A_672, %broadcast_in_dim3A_665 : vector<16xf32>
        %add3A_674 = arith.addf %add3A_635, %mul3A_673 : vector<16xf32>
        %add3A_675 = arith.constant 8 : i32
        %add3A_676 = arith.addi %mul3A_352, %add3A_675 : i32
        %get3A_677 = arith.constant 1 : i32
        %get3A_678 = arith.index_cast %get3A_677 : i32 to index
        %get3A_679 = arith.index_cast %add3A_676 : i32 to index
        %get3A_680 = arith.constant 16 : index
        %get3A_681 = tpu.vector_load %arg8[%get3A_678, %get3A_679, %get3A_680] {strides = array<i32>} : memref<2x128x64xf32, #tpu.memory_space<vmem>>, vector<16xf32>,
        %mul3A_682 = arith.mulf %get3A_681, %broadcast_in_dim3A_665 : vector<16xf32>
        %add3A_683 = arith.addf %add3A_644, %mul3A_682 : vector<16xf32>
        %add3A_684 = arith.constant 8 : i32
        %add3A_685 = arith.addi %mul3A_352, %add3A_684 : i32
        %get3A_686 = arith.constant 1 : i32
        %get3A_687 = arith.index_cast %get3A_686 : i32 to index
        %get3A_688 = arith.index_cast %add3A_685 : i32 to index
        %get3A_689 = arith.constant 32 : index
        %get3A_690 = tpu.vector_load %arg8[%get3A_687, %get3A_688, %get3A_689] {strides = array<i32>} : memref<2x128x64xf32, #tpu.memory_space<vmem>>, vector<16xf32>,
        %mul3A_691 = arith.mulf %get3A_690, %broadcast_in_dim3A_665 : vector<16xf32>
        %add3A_692 = arith.addf %add3A_653, %mul3A_691 : vector<16xf32>
        %add3A_693 = arith.constant 8 : i32
        %add3A_694 = arith.addi %mul3A_352, %add3A_693 : i32
        %get3A_695 = arith.constant 1 : i32
        %get3A_696 = arith.index_cast %get3A_695 : i32 to index
        %get3A_697 = arith.index_cast %add3A_694 : i32 to index
        %get3A_698 = arith.constant 48 : index
        %get3A_699 = tpu.vector_load %arg8[%get3A_696, %get3A_697, %get3A_698] {strides = array<i32>} : memref<2x128x64xf32, #tpu.memory_space<vmem>>, vector<16xf32>,
        %mul3A_700 = arith.mulf %get3A_699, %broadcast_in_dim3A_665 : vector<16xf32>
        %add3A_701 = arith.addf %add3A_662, %mul3A_700 : vector<16xf32>
        %slice3A_702 = vector.extract_strided_slice %convert_element_type3A_350 {offsets = [9], sizes = [1], strides = [1]} : vector<16xf32> to vector<1xf32>
        %squeeze3A_703 = vector.extract %slice3A_702[0] : f32 from vector<1xf32>
        %broadcast_in_dim3A_704 = vector.broadcast %squeeze3A_703 : f32 to vector<16xf32>
        %add3A_705 = arith.constant 9 : i32
        %add3A_706 = arith.addi %mul3A_352, %add3A_705 : i32
        %get3A_707 = arith.constant 1 : i32
        %get3A_708 = arith.index_cast %get3A_707 : i32 to index
        %get3A_709 = arith.index_cast %add3A_706 : i32 to index
        %get3A_710 = arith.constant 0 : index
        %get3A_711 = tpu.vector_load %arg8[%get3A_708, %get3A_709, %get3A_710] {strides = array<i32>} : memref<2x128x64xf32, #tpu.memory_space<vmem>>, vector<16xf32>,
        %mul3A_712 = arith.mulf %get3A_711, %broadcast_in_dim3A_704 : vector<16xf32>
        %add3A_713 = arith.addf %add3A_674, %mul3A_712 : vector<16xf32>
        %add3A_714 = arith.constant 9 : i32
        %add3A_715 = arith.addi %mul3A_352, %add3A_714 : i32
        %get3A_716 = arith.constant 1 : i32
        %get3A_717 = arith.index_cast %get3A_716 : i32 to index
        %get3A_718 = arith.index_cast %add3A_715 : i32 to index
        %get3A_719 = arith.constant 16 : index
        %get3A_720 = tpu.vector_load %arg8[%get3A_717, %get3A_718, %get3A_719] {strides = array<i32>} : memref<2x128x64xf32, #tpu.memory_space<vmem>>, vector<16xf32>,
        %mul3A_721 = arith.mulf %get3A_720, %broadcast_in_dim3A_704 : vector<16xf32>
        %add3A_722 = arith.addf %add3A_683, %mul3A_721 : vector<16xf32>
        %add3A_723 = arith.constant 9 : i32
        %add3A_724 = arith.addi %mul3A_352, %add3A_723 : i32
        %get3A_725 = arith.constant 1 : i32
        %get3A_726 = arith.index_cast %get3A_725 : i32 to index
        %get3A_727 = arith.index_cast %add3A_724 : i32 to index
        %get3A_728 = arith.constant 32 : index
        %get3A_729 = tpu.vector_load %arg8[%get3A_726, %get3A_727, %get3A_728] {strides = array<i32>} : memref<2x128x64xf32, #tpu.memory_space<vmem>>, vector<16xf32>,
        %mul3A_730 = arith.mulf %get3A_729, %broadcast_in_dim3A_704 : vector<16xf32>
        %add3A_731 = arith.addf %add3A_692, %mul3A_730 : vector<16xf32>
        %add3A_732 = arith.constant 9 : i32
        %add3A_733 = arith.addi %mul3A_352, %add3A_732 : i32
        %get3A_734 = arith.constant 1 : i32
        %get3A_735 = arith.index_cast %get3A_734 : i32 to index
        %get3A_736 = arith.index_cast %add3A_733 : i32 to index
        %get3A_737 = arith.constant 48 : index
        %get3A_738 = tpu.vector_load %arg8[%get3A_735, %get3A_736, %get3A_737] {strides = array<i32>} : memref<2x128x64xf32, #tpu.memory_space<vmem>>, vector<16xf32>,
        %mul3A_739 = arith.mulf %get3A_738, %broadcast_in_dim3A_704 : vector<16xf32>
        %add3A_740 = arith.addf %add3A_701, %mul3A_739 : vector<16xf32>
        %slice3A_741 = vector.extract_strided_slice %convert_element_type3A_350 {offsets = [10], sizes = [1], strides = [1]} : vector<16xf32> to vector<1xf32>
        %squeeze3A_742 = vector.extract %slice3A_741[0] : f32 from vector<1xf32>
        %broadcast_in_dim3A_743 = vector.broadcast %squeeze3A_742 : f32 to vector<16xf32>
        %add3A_744 = arith.constant 10 : i32
        %add3A_745 = arith.addi %mul3A_352, %add3A_744 : i32
        %get3A_746 = arith.constant 1 : i32
        %get3A_747 = arith.index_cast %get3A_746 : i32 to index
        %get3A_748 = arith.index_cast %add3A_745 : i32 to index
        %get3A_749 = arith.constant 0 : index
        %get3A_750 = tpu.vector_load %arg8[%get3A_747, %get3A_748, %get3A_749] {strides = array<i32>} : memref<2x128x64xf32, #tpu.memory_space<vmem>>, vector<16xf32>,
        %mul3A_751 = arith.mulf %get3A_750, %broadcast_in_dim3A_743 : vector<16xf32>
        %add3A_752 = arith.addf %add3A_713, %mul3A_751 : vector<16xf32>
        %add3A_753 = arith.constant 10 : i32
        %add3A_754 = arith.addi %mul3A_352, %add3A_753 : i32
        %get3A_755 = arith.constant 1 : i32
        %get3A_756 = arith.index_cast %get3A_755 : i32 to index
        %get3A_757 = arith.index_cast %add3A_754 : i32 to index
        %get3A_758 = arith.constant 16 : index
        %get3A_759 = tpu.vector_load %arg8[%get3A_756, %get3A_757, %get3A_758] {strides = array<i32>} : memref<2x128x64xf32, #tpu.memory_space<vmem>>, vector<16xf32>,
        %mul3A_760 = arith.mulf %get3A_759, %broadcast_in_dim3A_743 : vector<16xf32>
        %add3A_761 = arith.addf %add3A_722, %mul3A_760 : vector<16xf32>
        %add3A_762 = arith.constant 10 : i32
        %add3A_763 = arith.addi %mul3A_352, %add3A_762 : i32
        %get3A_764 = arith.constant 1 : i32
        %get3A_765 = arith.index_cast %get3A_764 : i32 to index
        %get3A_766 = arith.index_cast %add3A_763 : i32 to index
        %get3A_767 = arith.constant 32 : index
        %get3A_768 = tpu.vector_load %arg8[%get3A_765, %get3A_766, %get3A_767] {strides = array<i32>} : memref<2x128x64xf32, #tpu.memory_space<vmem>>, vector<16xf32>,
        %mul3A_769 = arith.mulf %get3A_768, %broadcast_in_dim3A_743 : vector<16xf32>
        %add3A_770 = arith.addf %add3A_731, %mul3A_769 : vector<16xf32>
        %add3A_771 = arith.constant 10 : i32
        %add3A_772 = arith.addi %mul3A_352, %add3A_771 : i32
        %get3A_773 = arith.constant 1 : i32
        %get3A_774 = arith.index_cast %get3A_773 : i32 to index
        %get3A_775 = arith.index_cast %add3A_772 : i32 to index
        %get3A_776 = arith.constant 48 : index
        %get3A_777 = tpu.vector_load %arg8[%get3A_774, %get3A_775, %get3A_776] {strides = array<i32>} : memref<2x128x64xf32, #tpu.memory_space<vmem>>, vector<16xf32>,
        %mul3A_778 = arith.mulf %get3A_777, %broadcast_in_dim3A_743 : vector<16xf32>
        %add3A_779 = arith.addf %add3A_740, %mul3A_778 : vector<16xf32>
        %slice3A_780 = vector.extract_strided_slice %convert_element_type3A_350 {offsets = [11], sizes = [1], strides = [1]} : vector<16xf32> to vector<1xf32>
        %squeeze3A_781 = vector.extract %slice3A_780[0] : f32 from vector<1xf32>
        %broadcast_in_dim3A_782 = vector.broadcast %squeeze3A_781 : f32 to vector<16xf32>
        %add3A_783 = arith.constant 11 : i32
        %add3A_784 = arith.addi %mul3A_352, %add3A_783 : i32
        %get3A_785 = arith.constant 1 : i32
        %get3A_786 = arith.index_cast %get3A_785 : i32 to index
        %get3A_787 = arith.index_cast %add3A_784 : i32 to index
        %get3A_788 = arith.constant 0 : index
        %get3A_789 = tpu.vector_load %arg8[%get3A_786, %get3A_787, %get3A_788] {strides = array<i32>} : memref<2x128x64xf32, #tpu.memory_space<vmem>>, vector<16xf32>,
        %mul3A_790 = arith.mulf %get3A_789, %broadcast_in_dim3A_782 : vector<16xf32>
        %add3A_791 = arith.addf %add3A_752, %mul3A_790 : vector<16xf32>
        %add3A_792 = arith.constant 11 : i32
        %add3A_793 = arith.addi %mul3A_352, %add3A_792 : i32
        %get3A_794 = arith.constant 1 : i32
        %get3A_795 = arith.index_cast %get3A_794 : i32 to index
        %get3A_796 = arith.index_cast %add3A_793 : i32 to index
        %get3A_797 = arith.constant 16 : index
        %get3A_798 = tpu.vector_load %arg8[%get3A_795, %get3A_796, %get3A_797] {strides = array<i32>} : memref<2x128x64xf32, #tpu.memory_space<vmem>>, vector<16xf32>,
        %mul3A_799 = arith.mulf %get3A_798, %broadcast_in_dim3A_782 : vector<16xf32>
        %add3A_800 = arith.addf %add3A_761, %mul3A_799 : vector<16xf32>
        %add3A_801 = arith.constant 11 : i32
        %add3A_802 = arith.addi %mul3A_352, %add3A_801 : i32
        %get3A_803 = arith.constant 1 : i32
        %get3A_804 = arith.index_cast %get3A_803 : i32 to index
        %get3A_805 = arith.index_cast %add3A_802 : i32 to index
        %get3A_806 = arith.constant 32 : index
        %get3A_807 = tpu.vector_load %arg8[%get3A_804, %get3A_805, %get3A_806] {strides = array<i32>} : memref<2x128x64xf32, #tpu.memory_space<vmem>>, vector<16xf32>,
        %mul3A_808 = arith.mulf %get3A_807, %broadcast_in_dim3A_782 : vector<16xf32>
        %add3A_809 = arith.addf %add3A_770, %mul3A_808 : vector<16xf32>
        %add3A_810 = arith.constant 11 : i32
        %add3A_811 = arith.addi %mul3A_352, %add3A_810 : i32
        %get3A_812 = arith.constant 1 : i32
        %get3A_813 = arith.index_cast %get3A_812 : i32 to index
        %get3A_814 = arith.index_cast %add3A_811 : i32 to index
        %get3A_815 = arith.constant 48 : index
        %get3A_816 = tpu.vector_load %arg8[%get3A_813, %get3A_814, %get3A_815] {strides = array<i32>} : memref<2x128x64xf32, #tpu.memory_space<vmem>>, vector<16xf32>,
        %mul3A_817 = arith.mulf %get3A_816, %broadcast_in_dim3A_782 : vector<16xf32>
        %add3A_818 = arith.addf %add3A_779, %mul3A_817 : vector<16xf32>
        %slice3A_819 = vector.extract_strided_slice %convert_element_type3A_350 {offsets = [12], sizes = [1], strides = [1]} : vector<16xf32> to vector<1xf32>
        %squeeze3A_820 = vector.extract %slice3A_819[0] : f32 from vector<1xf32>
        %broadcast_in_dim3A_821 = vector.broadcast %squeeze3A_820 : f32 to vector<16xf32>
        %add3A_822 = arith.constant 12 : i32
        %add3A_823 = arith.addi %mul3A_352, %add3A_822 : i32
        %get3A_824 = arith.constant 1 : i32
        %get3A_825 = arith.index_cast %get3A_824 : i32 to index
        %get3A_826 = arith.index_cast %add3A_823 : i32 to index
        %get3A_827 = arith.constant 0 : index
        %get3A_828 = tpu.vector_load %arg8[%get3A_825, %get3A_826, %get3A_827] {strides = array<i32>} : memref<2x128x64xf32, #tpu.memory_space<vmem>>, vector<16xf32>,
        %mul3A_829 = arith.mulf %get3A_828, %broadcast_in_dim3A_821 : vector<16xf32>
        %add3A_830 = arith.addf %add3A_791, %mul3A_829 : vector<16xf32>
        %add3A_831 = arith.constant 12 : i32
        %add3A_832 = arith.addi %mul3A_352, %add3A_831 : i32
        %get3A_833 = arith.constant 1 : i32
        %get3A_834 = arith.index_cast %get3A_833 : i32 to index
        %get3A_835 = arith.index_cast %add3A_832 : i32 to index
        %get3A_836 = arith.constant 16 : index
        %get3A_837 = tpu.vector_load %arg8[%get3A_834, %get3A_835, %get3A_836] {strides = array<i32>} : memref<2x128x64xf32, #tpu.memory_space<vmem>>, vector<16xf32>,
        %mul3A_838 = arith.mulf %get3A_837, %broadcast_in_dim3A_821 : vector<16xf32>
        %add3A_839 = arith.addf %add3A_800, %mul3A_838 : vector<16xf32>
        %add3A_840 = arith.constant 12 : i32
        %add3A_841 = arith.addi %mul3A_352, %add3A_840 : i32
        %get3A_842 = arith.constant 1 : i32
        %get3A_843 = arith.index_cast %get3A_842 : i32 to index
        %get3A_844 = arith.index_cast %add3A_841 : i32 to index
        %get3A_845 = arith.constant 32 : index
        %get3A_846 = tpu.vector_load %arg8[%get3A_843, %get3A_844, %get3A_845] {strides = array<i32>} : memref<2x128x64xf32, #tpu.memory_space<vmem>>, vector<16xf32>,
        %mul3A_847 = arith.mulf %get3A_846, %broadcast_in_dim3A_821 : vector<16xf32>
        %add3A_848 = arith.addf %add3A_809, %mul3A_847 : vector<16xf32>
        %add3A_849 = arith.constant 12 : i32
        %add3A_850 = arith.addi %mul3A_352, %add3A_849 : i32
        %get3A_851 = arith.constant 1 : i32
        %get3A_852 = arith.index_cast %get3A_851 : i32 to index
        %get3A_853 = arith.index_cast %add3A_850 : i32 to index
        %get3A_854 = arith.constant 48 : index
        %get3A_855 = tpu.vector_load %arg8[%get3A_852, %get3A_853, %get3A_854] {strides = array<i32>} : memref<2x128x64xf32, #tpu.memory_space<vmem>>, vector<16xf32>,
        %mul3A_856 = arith.mulf %get3A_855, %broadcast_in_dim3A_821 : vector<16xf32>
        %add3A_857 = arith.addf %add3A_818, %mul3A_856 : vector<16xf32>
        %slice3A_858 = vector.extract_strided_slice %convert_element_type3A_350 {offsets = [13], sizes = [1], strides = [1]} : vector<16xf32> to vector<1xf32>
        %squeeze3A_859 = vector.extract %slice3A_858[0] : f32 from vector<1xf32>
        %broadcast_in_dim3A_860 = vector.broadcast %squeeze3A_859 : f32 to vector<16xf32>
        %add3A_861 = arith.constant 13 : i32
        %add3A_862 = arith.addi %mul3A_352, %add3A_861 : i32
        %get3A_863 = arith.constant 1 : i32
        %get3A_864 = arith.index_cast %get3A_863 : i32 to index
        %get3A_865 = arith.index_cast %add3A_862 : i32 to index
        %get3A_866 = arith.constant 0 : index
        %get3A_867 = tpu.vector_load %arg8[%get3A_864, %get3A_865, %get3A_866] {strides = array<i32>} : memref<2x128x64xf32, #tpu.memory_space<vmem>>, vector<16xf32>,
        %mul3A_868 = arith.mulf %get3A_867, %broadcast_in_dim3A_860 : vector<16xf32>
        %add3A_869 = arith.addf %add3A_830, %mul3A_868 : vector<16xf32>
        %add3A_870 = arith.constant 13 : i32
        %add3A_871 = arith.addi %mul3A_352, %add3A_870 : i32
        %get3A_872 = arith.constant 1 : i32
        %get3A_873 = arith.index_cast %get3A_872 : i32 to index
        %get3A_874 = arith.index_cast %add3A_871 : i32 to index
        %get3A_875 = arith.constant 16 : index
        %get3A_876 = tpu.vector_load %arg8[%get3A_873, %get3A_874, %get3A_875] {strides = array<i32>} : memref<2x128x64xf32, #tpu.memory_space<vmem>>, vector<16xf32>,
        %mul3A_877 = arith.mulf %get3A_876, %broadcast_in_dim3A_860 : vector<16xf32>
        %add3A_878 = arith.addf %add3A_839, %mul3A_877 : vector<16xf32>
        %add3A_879 = arith.constant 13 : i32
        %add3A_880 = arith.addi %mul3A_352, %add3A_879 : i32
        %get3A_881 = arith.constant 1 : i32
        %get3A_882 = arith.index_cast %get3A_881 : i32 to index
        %get3A_883 = arith.index_cast %add3A_880 : i32 to index
        %get3A_884 = arith.constant 32 : index
        %get3A_885 = tpu.vector_load %arg8[%get3A_882, %get3A_883, %get3A_884] {strides = array<i32>} : memref<2x128x64xf32, #tpu.memory_space<vmem>>, vector<16xf32>,
        %mul3A_886 = arith.mulf %get3A_885, %broadcast_in_dim3A_860 : vector<16xf32>
        %add3A_887 = arith.addf %add3A_848, %mul3A_886 : vector<16xf32>
        %add3A_888 = arith.constant 13 : i32
        %add3A_889 = arith.addi %mul3A_352, %add3A_888 : i32
        %get3A_890 = arith.constant 1 : i32
        %get3A_891 = arith.index_cast %get3A_890 : i32 to index
        %get3A_892 = arith.index_cast %add3A_889 : i32 to index
        %get3A_893 = arith.constant 48 : index
        %get3A_894 = tpu.vector_load %arg8[%get3A_891, %get3A_892, %get3A_893] {strides = array<i32>} : memref<2x128x64xf32, #tpu.memory_space<vmem>>, vector<16xf32>,
        %mul3A_895 = arith.mulf %get3A_894, %broadcast_in_dim3A_860 : vector<16xf32>
        %add3A_896 = arith.addf %add3A_857, %mul3A_895 : vector<16xf32>
        %slice3A_897 = vector.extract_strided_slice %convert_element_type3A_350 {offsets = [14], sizes = [1], strides = [1]} : vector<16xf32> to vector<1xf32>
        %squeeze3A_898 = vector.extract %slice3A_897[0] : f32 from vector<1xf32>
        %broadcast_in_dim3A_899 = vector.broadcast %squeeze3A_898 : f32 to vector<16xf32>
        %add3A_900 = arith.constant 14 : i32
        %add3A_901 = arith.addi %mul3A_352, %add3A_900 : i32
        %get3A_902 = arith.constant 1 : i32
        %get3A_903 = arith.index_cast %get3A_902 : i32 to index
        %get3A_904 = arith.index_cast %add3A_901 : i32 to index
        %get3A_905 = arith.constant 0 : index
        %get3A_906 = tpu.vector_load %arg8[%get3A_903, %get3A_904, %get3A_905] {strides = array<i32>} : memref<2x128x64xf32, #tpu.memory_space<vmem>>, vector<16xf32>,
        %mul3A_907 = arith.mulf %get3A_906, %broadcast_in_dim3A_899 : vector<16xf32>
        %add3A_908 = arith.addf %add3A_869, %mul3A_907 : vector<16xf32>
        %add3A_909 = arith.constant 14 : i32
        %add3A_910 = arith.addi %mul3A_352, %add3A_909 : i32
        %get3A_911 = arith.constant 1 : i32
        %get3A_912 = arith.index_cast %get3A_911 : i32 to index
        %get3A_913 = arith.index_cast %add3A_910 : i32 to index
        %get3A_914 = arith.constant 16 : index
        %get3A_915 = tpu.vector_load %arg8[%get3A_912, %get3A_913, %get3A_914] {strides = array<i32>} : memref<2x128x64xf32, #tpu.memory_space<vmem>>, vector<16xf32>,
        %mul3A_916 = arith.mulf %get3A_915, %broadcast_in_dim3A_899 : vector<16xf32>
        %add3A_917 = arith.addf %add3A_878, %mul3A_916 : vector<16xf32>
        %add3A_918 = arith.constant 14 : i32
        %add3A_919 = arith.addi %mul3A_352, %add3A_918 : i32
        %get3A_920 = arith.constant 1 : i32
        %get3A_921 = arith.index_cast %get3A_920 : i32 to index
        %get3A_922 = arith.index_cast %add3A_919 : i32 to index
        %get3A_923 = arith.constant 32 : index
        %get3A_924 = tpu.vector_load %arg8[%get3A_921, %get3A_922, %get3A_923] {strides = array<i32>} : memref<2x128x64xf32, #tpu.memory_space<vmem>>, vector<16xf32>,
        %mul3A_925 = arith.mulf %get3A_924, %broadcast_in_dim3A_899 : vector<16xf32>
        %add3A_926 = arith.addf %add3A_887, %mul3A_925 : vector<16xf32>
        %add3A_927 = arith.constant 14 : i32
        %add3A_928 = arith.addi %mul3A_352, %add3A_927 : i32
        %get3A_929 = arith.constant 1 : i32
        %get3A_930 = arith.index_cast %get3A_929 : i32 to index
        %get3A_931 = arith.index_cast %add3A_928 : i32 to index
        %get3A_932 = arith.constant 48 : index
        %get3A_933 = tpu.vector_load %arg8[%get3A_930, %get3A_931, %get3A_932] {strides = array<i32>} : memref<2x128x64xf32, #tpu.memory_space<vmem>>, vector<16xf32>,
        %mul3A_934 = arith.mulf %get3A_933, %broadcast_in_dim3A_899 : vector<16xf32>
        %add3A_935 = arith.addf %add3A_896, %mul3A_934 : vector<16xf32>
        %slice3A_936 = vector.extract_strided_slice %convert_element_type3A_350 {offsets = [15], sizes = [1], strides = [1]} : vector<16xf32> to vector<1xf32>
        %squeeze3A_937 = vector.extract %slice3A_936[0] : f32 from vector<1xf32>
        %broadcast_in_dim3A_938 = vector.broadcast %squeeze3A_937 : f32 to vector<16xf32>
        %add3A_939 = arith.constant 15 : i32
        %add3A_940 = arith.addi %mul3A_352, %add3A_939 : i32
        %get3A_941 = arith.constant 1 : i32
        %get3A_942 = arith.index_cast %get3A_941 : i32 to index
        %get3A_943 = arith.index_cast %add3A_940 : i32 to index
        %get3A_944 = arith.constant 0 : index
        %get3A_945 = tpu.vector_load %arg8[%get3A_942, %get3A_943, %get3A_944] {strides = array<i32>} : memref<2x128x64xf32, #tpu.memory_space<vmem>>, vector<16xf32>,
        %mul3A_946 = arith.mulf %get3A_945, %broadcast_in_dim3A_938 : vector<16xf32>
        %add3A_947 = arith.addf %add3A_908, %mul3A_946 : vector<16xf32>
        %add3A_948 = arith.constant 15 : i32
        %add3A_949 = arith.addi %mul3A_352, %add3A_948 : i32
        %get3A_950 = arith.constant 1 : i32
        %get3A_951 = arith.index_cast %get3A_950 : i32 to index
        %get3A_952 = arith.index_cast %add3A_949 : i32 to index
        %get3A_953 = arith.constant 16 : index
        %get3A_954 = tpu.vector_load %arg8[%get3A_951, %get3A_952, %get3A_953] {strides = array<i32>} : memref<2x128x64xf32, #tpu.memory_space<vmem>>, vector<16xf32>,
        %mul3A_955 = arith.mulf %get3A_954, %broadcast_in_dim3A_938 : vector<16xf32>
        %add3A_956 = arith.addf %add3A_917, %mul3A_955 : vector<16xf32>
        %add3A_957 = arith.constant 15 : i32
        %add3A_958 = arith.addi %mul3A_352, %add3A_957 : i32
        %get3A_959 = arith.constant 1 : i32
        %get3A_960 = arith.index_cast %get3A_959 : i32 to index
        %get3A_961 = arith.index_cast %add3A_958 : i32 to index
        %get3A_962 = arith.constant 32 : index
        %get3A_963 = tpu.vector_load %arg8[%get3A_960, %get3A_961, %get3A_962] {strides = array<i32>} : memref<2x128x64xf32, #tpu.memory_space<vmem>>, vector<16xf32>,
        %mul3A_964 = arith.mulf %get3A_963, %broadcast_in_dim3A_938 : vector<16xf32>
        %add3A_965 = arith.addf %add3A_926, %mul3A_964 : vector<16xf32>
        %add3A_966 = arith.constant 15 : i32
        %add3A_967 = arith.addi %mul3A_352, %add3A_966 : i32
        %get3A_968 = arith.constant 1 : i32
        %get3A_969 = arith.index_cast %get3A_968 : i32 to index
        %get3A_970 = arith.index_cast %add3A_967 : i32 to index
        %get3A_971 = arith.constant 48 : index
        %get3A_972 = tpu.vector_load %arg8[%get3A_969, %get3A_970, %get3A_971] {strides = array<i32>} : memref<2x128x64xf32, #tpu.memory_space<vmem>>, vector<16xf32>,
        %mul3A_973 = arith.mulf %get3A_972, %broadcast_in_dim3A_938 : vector<16xf32>
        %add3A_974 = arith.addf %add3A_935, %mul3A_973 : vector<16xf32>
        scf.yield %add3A_947, %add3A_956, %add3A_965, %add3A_974 : vector<16xf32>, vector<16xf32>, vector<16xf32>, vector<16xf32>
      }
      %scan3A_311 = arith.constant 8 : i32
      %scan3A_312 = arith.constant 0 : i32
      %scan3A_313 = arith.constant 5 : i32
      %scan3A_314 = arith.addi %scan3A_312, %scan3A_313 : i32
      %scan3A_315 = arith.constant 1 : i32
      %scan3A_316:4 = scf.for %scan3A_338 = %scan3A_312 to %scan3A_314 step %scan3A_315 iter_args(%scan3A_339 = %scan3A_310#0, %scan3A_340 = %scan3A_310#1, %scan3A_341 = %scan3A_310#2, %scan3A_342 = %scan3A_310#3) -> (vector<16xf32>, vector<16xf32>, vector<16xf32>, vector<16xf32>)  : i32 {
        %add3A_343 = arith.constant 128 : i32
        %add3A_344 = arith.addi %mul3A_271, %add3A_343 : i32
        %mul3A_345 = arith.constant 16 : i32
        %mul3A_346 = arith.muli %scan3A_338, %mul3A_345 : i32
        %add3A_347 = arith.addi %add3A_344, %mul3A_346 : i32
        %get3A_348 = arith.index_cast %add3A_347 : i32 to index
        %get3A_349 = tpu.vector_load %arg7[%get3A_348] {strides = array<i32>} : memref<26624xi32, #tpu.memory_space<vmem>>, vector<16xi32>,
        %convert_element_type3A_350 = arith.sitofp %get3A_349 : vector<16xi32> to vector<16xf32>
        %mul3A_351 = arith.constant 16 : i32
        %mul3A_352 = arith.muli %scan3A_338, %mul3A_351 : i32
        %slice3A = vector.extract_strided_slice %convert_element_type3A_350 {offsets = [0], sizes = [1], strides = [1]} : vector<16xf32> to vector<1xf32>
        %squeeze3A = vector.extract %slice3A[0] : f32 from vector<1xf32>
        %broadcast_in_dim3A_353 = vector.broadcast %squeeze3A : f32 to vector<16xf32>
        %add3A_354 = arith.constant 0 : i32
        %add3A_355 = arith.addi %mul3A_352, %add3A_354 : i32
        %get3A_356 = arith.constant 1 : i32
        %get3A_357 = arith.index_cast %get3A_356 : i32 to index
        %get3A_358 = arith.index_cast %add3A_355 : i32 to index
        %get3A_359 = arith.constant 0 : index
        %get3A_360 = tpu.vector_load %arg9[%get3A_357, %get3A_358, %get3A_359] {strides = array<i32>} : memref<2x80x64xf32, #tpu.memory_space<vmem>>, vector<16xf32>,
        %mul3A_361 = arith.mulf %get3A_360, %broadcast_in_dim3A_353 : vector<16xf32>
        %add3A_362 = arith.addf %scan3A_339, %mul3A_361 : vector<16xf32>
        %add3A_363 = arith.constant 0 : i32
        %add3A_364 = arith.addi %mul3A_352, %add3A_363 : i32
        %get3A_365 = arith.constant 1 : i32
        %get3A_366 = arith.index_cast %get3A_365 : i32 to index
        %get3A_367 = arith.index_cast %add3A_364 : i32 to index
        %get3A_368 = arith.constant 16 : index
        %get3A_369 = tpu.vector_load %arg9[%get3A_366, %get3A_367, %get3A_368] {strides = array<i32>} : memref<2x80x64xf32, #tpu.memory_space<vmem>>, vector<16xf32>,
        %mul3A_370 = arith.mulf %get3A_369, %broadcast_in_dim3A_353 : vector<16xf32>
        %add3A_371 = arith.addf %scan3A_340, %mul3A_370 : vector<16xf32>
        %add3A_372 = arith.constant 0 : i32
        %add3A_373 = arith.addi %mul3A_352, %add3A_372 : i32
        %get3A_374 = arith.constant 1 : i32
        %get3A_375 = arith.index_cast %get3A_374 : i32 to index
        %get3A_376 = arith.index_cast %add3A_373 : i32 to index
        %get3A_377 = arith.constant 32 : index
        %get3A_378 = tpu.vector_load %arg9[%get3A_375, %get3A_376, %get3A_377] {strides = array<i32>} : memref<2x80x64xf32, #tpu.memory_space<vmem>>, vector<16xf32>,
        %mul3A_379 = arith.mulf %get3A_378, %broadcast_in_dim3A_353 : vector<16xf32>
        %add3A_380 = arith.addf %scan3A_341, %mul3A_379 : vector<16xf32>
        %add3A_381 = arith.constant 0 : i32
        %add3A_382 = arith.addi %mul3A_352, %add3A_381 : i32
        %get3A_383 = arith.constant 1 : i32
        %get3A_384 = arith.index_cast %get3A_383 : i32 to index
        %get3A_385 = arith.index_cast %add3A_382 : i32 to index
        %get3A_386 = arith.constant 48 : index
        %get3A_387 = tpu.vector_load %arg9[%get3A_384, %get3A_385, %get3A_386] {strides = array<i32>} : memref<2x80x64xf32, #tpu.memory_space<vmem>>, vector<16xf32>,
        %mul3A_388 = arith.mulf %get3A_387, %broadcast_in_dim3A_353 : vector<16xf32>
        %add3A_389 = arith.addf %scan3A_342, %mul3A_388 : vector<16xf32>
        %slice3A_390 = vector.extract_strided_slice %convert_element_type3A_350 {offsets = [1], sizes = [1], strides = [1]} : vector<16xf32> to vector<1xf32>
        %squeeze3A_391 = vector.extract %slice3A_390[0] : f32 from vector<1xf32>
        %broadcast_in_dim3A_392 = vector.broadcast %squeeze3A_391 : f32 to vector<16xf32>
        %add3A_393 = arith.constant 1 : i32
        %add3A_394 = arith.addi %mul3A_352, %add3A_393 : i32
        %get3A_395 = arith.constant 1 : i32
        %get3A_396 = arith.index_cast %get3A_395 : i32 to index
        %get3A_397 = arith.index_cast %add3A_394 : i32 to index
        %get3A_398 = arith.constant 0 : index
        %get3A_399 = tpu.vector_load %arg9[%get3A_396, %get3A_397, %get3A_398] {strides = array<i32>} : memref<2x80x64xf32, #tpu.memory_space<vmem>>, vector<16xf32>,
        %mul3A_400 = arith.mulf %get3A_399, %broadcast_in_dim3A_392 : vector<16xf32>
        %add3A_401 = arith.addf %add3A_362, %mul3A_400 : vector<16xf32>
        %add3A_402 = arith.constant 1 : i32
        %add3A_403 = arith.addi %mul3A_352, %add3A_402 : i32
        %get3A_404 = arith.constant 1 : i32
        %get3A_405 = arith.index_cast %get3A_404 : i32 to index
        %get3A_406 = arith.index_cast %add3A_403 : i32 to index
        %get3A_407 = arith.constant 16 : index
        %get3A_408 = tpu.vector_load %arg9[%get3A_405, %get3A_406, %get3A_407] {strides = array<i32>} : memref<2x80x64xf32, #tpu.memory_space<vmem>>, vector<16xf32>,
        %mul3A_409 = arith.mulf %get3A_408, %broadcast_in_dim3A_392 : vector<16xf32>
        %add3A_410 = arith.addf %add3A_371, %mul3A_409 : vector<16xf32>
        %add3A_411 = arith.constant 1 : i32
        %add3A_412 = arith.addi %mul3A_352, %add3A_411 : i32
        %get3A_413 = arith.constant 1 : i32
        %get3A_414 = arith.index_cast %get3A_413 : i32 to index
        %get3A_415 = arith.index_cast %add3A_412 : i32 to index
        %get3A_416 = arith.constant 32 : index
        %get3A_417 = tpu.vector_load %arg9[%get3A_414, %get3A_415, %get3A_416] {strides = array<i32>} : memref<2x80x64xf32, #tpu.memory_space<vmem>>, vector<16xf32>,
        %mul3A_418 = arith.mulf %get3A_417, %broadcast_in_dim3A_392 : vector<16xf32>
        %add3A_419 = arith.addf %add3A_380, %mul3A_418 : vector<16xf32>
        %add3A_420 = arith.constant 1 : i32
        %add3A_421 = arith.addi %mul3A_352, %add3A_420 : i32
        %get3A_422 = arith.constant 1 : i32
        %get3A_423 = arith.index_cast %get3A_422 : i32 to index
        %get3A_424 = arith.index_cast %add3A_421 : i32 to index
        %get3A_425 = arith.constant 48 : index
        %get3A_426 = tpu.vector_load %arg9[%get3A_423, %get3A_424, %get3A_425] {strides = array<i32>} : memref<2x80x64xf32, #tpu.memory_space<vmem>>, vector<16xf32>,
        %mul3A_427 = arith.mulf %get3A_426, %broadcast_in_dim3A_392 : vector<16xf32>
        %add3A_428 = arith.addf %add3A_389, %mul3A_427 : vector<16xf32>
        %slice3A_429 = vector.extract_strided_slice %convert_element_type3A_350 {offsets = [2], sizes = [1], strides = [1]} : vector<16xf32> to vector<1xf32>
        %squeeze3A_430 = vector.extract %slice3A_429[0] : f32 from vector<1xf32>
        %broadcast_in_dim3A_431 = vector.broadcast %squeeze3A_430 : f32 to vector<16xf32>
        %add3A_432 = arith.constant 2 : i32
        %add3A_433 = arith.addi %mul3A_352, %add3A_432 : i32
        %get3A_434 = arith.constant 1 : i32
        %get3A_435 = arith.index_cast %get3A_434 : i32 to index
        %get3A_436 = arith.index_cast %add3A_433 : i32 to index
        %get3A_437 = arith.constant 0 : index
        %get3A_438 = tpu.vector_load %arg9[%get3A_435, %get3A_436, %get3A_437] {strides = array<i32>} : memref<2x80x64xf32, #tpu.memory_space<vmem>>, vector<16xf32>,
        %mul3A_439 = arith.mulf %get3A_438, %broadcast_in_dim3A_431 : vector<16xf32>
        %add3A_440 = arith.addf %add3A_401, %mul3A_439 : vector<16xf32>
        %add3A_441 = arith.constant 2 : i32
        %add3A_442 = arith.addi %mul3A_352, %add3A_441 : i32
        %get3A_443 = arith.constant 1 : i32
        %get3A_444 = arith.index_cast %get3A_443 : i32 to index
        %get3A_445 = arith.index_cast %add3A_442 : i32 to index
        %get3A_446 = arith.constant 16 : index
        %get3A_447 = tpu.vector_load %arg9[%get3A_444, %get3A_445, %get3A_446] {strides = array<i32>} : memref<2x80x64xf32, #tpu.memory_space<vmem>>, vector<16xf32>,
        %mul3A_448 = arith.mulf %get3A_447, %broadcast_in_dim3A_431 : vector<16xf32>
        %add3A_449 = arith.addf %add3A_410, %mul3A_448 : vector<16xf32>
        %add3A_450 = arith.constant 2 : i32
        %add3A_451 = arith.addi %mul3A_352, %add3A_450 : i32
        %get3A_452 = arith.constant 1 : i32
        %get3A_453 = arith.index_cast %get3A_452 : i32 to index
        %get3A_454 = arith.index_cast %add3A_451 : i32 to index
        %get3A_455 = arith.constant 32 : index
        %get3A_456 = tpu.vector_load %arg9[%get3A_453, %get3A_454, %get3A_455] {strides = array<i32>} : memref<2x80x64xf32, #tpu.memory_space<vmem>>, vector<16xf32>,
        %mul3A_457 = arith.mulf %get3A_456, %broadcast_in_dim3A_431 : vector<16xf32>
        %add3A_458 = arith.addf %add3A_419, %mul3A_457 : vector<16xf32>
        %add3A_459 = arith.constant 2 : i32
        %add3A_460 = arith.addi %mul3A_352, %add3A_459 : i32
        %get3A_461 = arith.constant 1 : i32
        %get3A_462 = arith.index_cast %get3A_461 : i32 to index
        %get3A_463 = arith.index_cast %add3A_460 : i32 to index
        %get3A_464 = arith.constant 48 : index
        %get3A_465 = tpu.vector_load %arg9[%get3A_462, %get3A_463, %get3A_464] {strides = array<i32>} : memref<2x80x64xf32, #tpu.memory_space<vmem>>, vector<16xf32>,
        %mul3A_466 = arith.mulf %get3A_465, %broadcast_in_dim3A_431 : vector<16xf32>
        %add3A_467 = arith.addf %add3A_428, %mul3A_466 : vector<16xf32>
        %slice3A_468 = vector.extract_strided_slice %convert_element_type3A_350 {offsets = [3], sizes = [1], strides = [1]} : vector<16xf32> to vector<1xf32>
        %squeeze3A_469 = vector.extract %slice3A_468[0] : f32 from vector<1xf32>
        %broadcast_in_dim3A_470 = vector.broadcast %squeeze3A_469 : f32 to vector<16xf32>
        %add3A_471 = arith.constant 3 : i32
        %add3A_472 = arith.addi %mul3A_352, %add3A_471 : i32
        %get3A_473 = arith.constant 1 : i32
        %get3A_474 = arith.index_cast %get3A_473 : i32 to index
        %get3A_475 = arith.index_cast %add3A_472 : i32 to index
        %get3A_476 = arith.constant 0 : index
        %get3A_477 = tpu.vector_load %arg9[%get3A_474, %get3A_475, %get3A_476] {strides = array<i32>} : memref<2x80x64xf32, #tpu.memory_space<vmem>>, vector<16xf32>,
        %mul3A_478 = arith.mulf %get3A_477, %broadcast_in_dim3A_470 : vector<16xf32>
        %add3A_479 = arith.addf %add3A_440, %mul3A_478 : vector<16xf32>
        %add3A_480 = arith.constant 3 : i32
        %add3A_481 = arith.addi %mul3A_352, %add3A_480 : i32
        %get3A_482 = arith.constant 1 : i32
        %get3A_483 = arith.index_cast %get3A_482 : i32 to index
        %get3A_484 = arith.index_cast %add3A_481 : i32 to index
        %get3A_485 = arith.constant 16 : index
        %get3A_486 = tpu.vector_load %arg9[%get3A_483, %get3A_484, %get3A_485] {strides = array<i32>} : memref<2x80x64xf32, #tpu.memory_space<vmem>>, vector<16xf32>,
        %mul3A_487 = arith.mulf %get3A_486, %broadcast_in_dim3A_470 : vector<16xf32>
        %add3A_488 = arith.addf %add3A_449, %mul3A_487 : vector<16xf32>
        %add3A_489 = arith.constant 3 : i32
        %add3A_490 = arith.addi %mul3A_352, %add3A_489 : i32
        %get3A_491 = arith.constant 1 : i32
        %get3A_492 = arith.index_cast %get3A_491 : i32 to index
        %get3A_493 = arith.index_cast %add3A_490 : i32 to index
        %get3A_494 = arith.constant 32 : index
        %get3A_495 = tpu.vector_load %arg9[%get3A_492, %get3A_493, %get3A_494] {strides = array<i32>} : memref<2x80x64xf32, #tpu.memory_space<vmem>>, vector<16xf32>,
        %mul3A_496 = arith.mulf %get3A_495, %broadcast_in_dim3A_470 : vector<16xf32>
        %add3A_497 = arith.addf %add3A_458, %mul3A_496 : vector<16xf32>
        %add3A_498 = arith.constant 3 : i32
        %add3A_499 = arith.addi %mul3A_352, %add3A_498 : i32
        %get3A_500 = arith.constant 1 : i32
        %get3A_501 = arith.index_cast %get3A_500 : i32 to index
        %get3A_502 = arith.index_cast %add3A_499 : i32 to index
        %get3A_503 = arith.constant 48 : index
        %get3A_504 = tpu.vector_load %arg9[%get3A_501, %get3A_502, %get3A_503] {strides = array<i32>} : memref<2x80x64xf32, #tpu.memory_space<vmem>>, vector<16xf32>,
        %mul3A_505 = arith.mulf %get3A_504, %broadcast_in_dim3A_470 : vector<16xf32>
        %add3A_506 = arith.addf %add3A_467, %mul3A_505 : vector<16xf32>
        %slice3A_507 = vector.extract_strided_slice %convert_element_type3A_350 {offsets = [4], sizes = [1], strides = [1]} : vector<16xf32> to vector<1xf32>
        %squeeze3A_508 = vector.extract %slice3A_507[0] : f32 from vector<1xf32>
        %broadcast_in_dim3A_509 = vector.broadcast %squeeze3A_508 : f32 to vector<16xf32>
        %add3A_510 = arith.constant 4 : i32
        %add3A_511 = arith.addi %mul3A_352, %add3A_510 : i32
        %get3A_512 = arith.constant 1 : i32
        %get3A_513 = arith.index_cast %get3A_512 : i32 to index
        %get3A_514 = arith.index_cast %add3A_511 : i32 to index
        %get3A_515 = arith.constant 0 : index
        %get3A_516 = tpu.vector_load %arg9[%get3A_513, %get3A_514, %get3A_515] {strides = array<i32>} : memref<2x80x64xf32, #tpu.memory_space<vmem>>, vector<16xf32>,
        %mul3A_517 = arith.mulf %get3A_516, %broadcast_in_dim3A_509 : vector<16xf32>
        %add3A_518 = arith.addf %add3A_479, %mul3A_517 : vector<16xf32>
        %add3A_519 = arith.constant 4 : i32
        %add3A_520 = arith.addi %mul3A_352, %add3A_519 : i32
        %get3A_521 = arith.constant 1 : i32
        %get3A_522 = arith.index_cast %get3A_521 : i32 to index
        %get3A_523 = arith.index_cast %add3A_520 : i32 to index
        %get3A_524 = arith.constant 16 : index
        %get3A_525 = tpu.vector_load %arg9[%get3A_522, %get3A_523, %get3A_524] {strides = array<i32>} : memref<2x80x64xf32, #tpu.memory_space<vmem>>, vector<16xf32>,
        %mul3A_526 = arith.mulf %get3A_525, %broadcast_in_dim3A_509 : vector<16xf32>
        %add3A_527 = arith.addf %add3A_488, %mul3A_526 : vector<16xf32>
        %add3A_528 = arith.constant 4 : i32
        %add3A_529 = arith.addi %mul3A_352, %add3A_528 : i32
        %get3A_530 = arith.constant 1 : i32
        %get3A_531 = arith.index_cast %get3A_530 : i32 to index
        %get3A_532 = arith.index_cast %add3A_529 : i32 to index
        %get3A_533 = arith.constant 32 : index
        %get3A_534 = tpu.vector_load %arg9[%get3A_531, %get3A_532, %get3A_533] {strides = array<i32>} : memref<2x80x64xf32, #tpu.memory_space<vmem>>, vector<16xf32>,
        %mul3A_535 = arith.mulf %get3A_534, %broadcast_in_dim3A_509 : vector<16xf32>
        %add3A_536 = arith.addf %add3A_497, %mul3A_535 : vector<16xf32>
        %add3A_537 = arith.constant 4 : i32
        %add3A_538 = arith.addi %mul3A_352, %add3A_537 : i32
        %get3A_539 = arith.constant 1 : i32
        %get3A_540 = arith.index_cast %get3A_539 : i32 to index
        %get3A_541 = arith.index_cast %add3A_538 : i32 to index
        %get3A_542 = arith.constant 48 : index
        %get3A_543 = tpu.vector_load %arg9[%get3A_540, %get3A_541, %get3A_542] {strides = array<i32>} : memref<2x80x64xf32, #tpu.memory_space<vmem>>, vector<16xf32>,
        %mul3A_544 = arith.mulf %get3A_543, %broadcast_in_dim3A_509 : vector<16xf32>
        %add3A_545 = arith.addf %add3A_506, %mul3A_544 : vector<16xf32>
        %slice3A_546 = vector.extract_strided_slice %convert_element_type3A_350 {offsets = [5], sizes = [1], strides = [1]} : vector<16xf32> to vector<1xf32>
        %squeeze3A_547 = vector.extract %slice3A_546[0] : f32 from vector<1xf32>
        %broadcast_in_dim3A_548 = vector.broadcast %squeeze3A_547 : f32 to vector<16xf32>
        %add3A_549 = arith.constant 5 : i32
        %add3A_550 = arith.addi %mul3A_352, %add3A_549 : i32
        %get3A_551 = arith.constant 1 : i32
        %get3A_552 = arith.index_cast %get3A_551 : i32 to index
        %get3A_553 = arith.index_cast %add3A_550 : i32 to index
        %get3A_554 = arith.constant 0 : index
        %get3A_555 = tpu.vector_load %arg9[%get3A_552, %get3A_553, %get3A_554] {strides = array<i32>} : memref<2x80x64xf32, #tpu.memory_space<vmem>>, vector<16xf32>,
        %mul3A_556 = arith.mulf %get3A_555, %broadcast_in_dim3A_548 : vector<16xf32>
        %add3A_557 = arith.addf %add3A_518, %mul3A_556 : vector<16xf32>
        %add3A_558 = arith.constant 5 : i32
        %add3A_559 = arith.addi %mul3A_352, %add3A_558 : i32
        %get3A_560 = arith.constant 1 : i32
        %get3A_561 = arith.index_cast %get3A_560 : i32 to index
        %get3A_562 = arith.index_cast %add3A_559 : i32 to index
        %get3A_563 = arith.constant 16 : index
        %get3A_564 = tpu.vector_load %arg9[%get3A_561, %get3A_562, %get3A_563] {strides = array<i32>} : memref<2x80x64xf32, #tpu.memory_space<vmem>>, vector<16xf32>,
        %mul3A_565 = arith.mulf %get3A_564, %broadcast_in_dim3A_548 : vector<16xf32>
        %add3A_566 = arith.addf %add3A_527, %mul3A_565 : vector<16xf32>
        %add3A_567 = arith.constant 5 : i32
        %add3A_568 = arith.addi %mul3A_352, %add3A_567 : i32
        %get3A_569 = arith.constant 1 : i32
        %get3A_570 = arith.index_cast %get3A_569 : i32 to index
        %get3A_571 = arith.index_cast %add3A_568 : i32 to index
        %get3A_572 = arith.constant 32 : index
        %get3A_573 = tpu.vector_load %arg9[%get3A_570, %get3A_571, %get3A_572] {strides = array<i32>} : memref<2x80x64xf32, #tpu.memory_space<vmem>>, vector<16xf32>,
        %mul3A_574 = arith.mulf %get3A_573, %broadcast_in_dim3A_548 : vector<16xf32>
        %add3A_575 = arith.addf %add3A_536, %mul3A_574 : vector<16xf32>
        %add3A_576 = arith.constant 5 : i32
        %add3A_577 = arith.addi %mul3A_352, %add3A_576 : i32
        %get3A_578 = arith.constant 1 : i32
        %get3A_579 = arith.index_cast %get3A_578 : i32 to index
        %get3A_580 = arith.index_cast %add3A_577 : i32 to index
        %get3A_581 = arith.constant 48 : index
        %get3A_582 = tpu.vector_load %arg9[%get3A_579, %get3A_580, %get3A_581] {strides = array<i32>} : memref<2x80x64xf32, #tpu.memory_space<vmem>>, vector<16xf32>,
        %mul3A_583 = arith.mulf %get3A_582, %broadcast_in_dim3A_548 : vector<16xf32>
        %add3A_584 = arith.addf %add3A_545, %mul3A_583 : vector<16xf32>
        %slice3A_585 = vector.extract_strided_slice %convert_element_type3A_350 {offsets = [6], sizes = [1], strides = [1]} : vector<16xf32> to vector<1xf32>
        %squeeze3A_586 = vector.extract %slice3A_585[0] : f32 from vector<1xf32>
        %broadcast_in_dim3A_587 = vector.broadcast %squeeze3A_586 : f32 to vector<16xf32>
        %add3A_588 = arith.constant 6 : i32
        %add3A_589 = arith.addi %mul3A_352, %add3A_588 : i32
        %get3A_590 = arith.constant 1 : i32
        %get3A_591 = arith.index_cast %get3A_590 : i32 to index
        %get3A_592 = arith.index_cast %add3A_589 : i32 to index
        %get3A_593 = arith.constant 0 : index
        %get3A_594 = tpu.vector_load %arg9[%get3A_591, %get3A_592, %get3A_593] {strides = array<i32>} : memref<2x80x64xf32, #tpu.memory_space<vmem>>, vector<16xf32>,
        %mul3A_595 = arith.mulf %get3A_594, %broadcast_in_dim3A_587 : vector<16xf32>
        %add3A_596 = arith.addf %add3A_557, %mul3A_595 : vector<16xf32>
        %add3A_597 = arith.constant 6 : i32
        %add3A_598 = arith.addi %mul3A_352, %add3A_597 : i32
        %get3A_599 = arith.constant 1 : i32
        %get3A_600 = arith.index_cast %get3A_599 : i32 to index
        %get3A_601 = arith.index_cast %add3A_598 : i32 to index
        %get3A_602 = arith.constant 16 : index
        %get3A_603 = tpu.vector_load %arg9[%get3A_600, %get3A_601, %get3A_602] {strides = array<i32>} : memref<2x80x64xf32, #tpu.memory_space<vmem>>, vector<16xf32>,
        %mul3A_604 = arith.mulf %get3A_603, %broadcast_in_dim3A_587 : vector<16xf32>
        %add3A_605 = arith.addf %add3A_566, %mul3A_604 : vector<16xf32>
        %add3A_606 = arith.constant 6 : i32
        %add3A_607 = arith.addi %mul3A_352, %add3A_606 : i32
        %get3A_608 = arith.constant 1 : i32
        %get3A_609 = arith.index_cast %get3A_608 : i32 to index
        %get3A_610 = arith.index_cast %add3A_607 : i32 to index
        %get3A_611 = arith.constant 32 : index
        %get3A_612 = tpu.vector_load %arg9[%get3A_609, %get3A_610, %get3A_611] {strides = array<i32>} : memref<2x80x64xf32, #tpu.memory_space<vmem>>, vector<16xf32>,
        %mul3A_613 = arith.mulf %get3A_612, %broadcast_in_dim3A_587 : vector<16xf32>
        %add3A_614 = arith.addf %add3A_575, %mul3A_613 : vector<16xf32>
        %add3A_615 = arith.constant 6 : i32
        %add3A_616 = arith.addi %mul3A_352, %add3A_615 : i32
        %get3A_617 = arith.constant 1 : i32
        %get3A_618 = arith.index_cast %get3A_617 : i32 to index
        %get3A_619 = arith.index_cast %add3A_616 : i32 to index
        %get3A_620 = arith.constant 48 : index
        %get3A_621 = tpu.vector_load %arg9[%get3A_618, %get3A_619, %get3A_620] {strides = array<i32>} : memref<2x80x64xf32, #tpu.memory_space<vmem>>, vector<16xf32>,
        %mul3A_622 = arith.mulf %get3A_621, %broadcast_in_dim3A_587 : vector<16xf32>
        %add3A_623 = arith.addf %add3A_584, %mul3A_622 : vector<16xf32>
        %slice3A_624 = vector.extract_strided_slice %convert_element_type3A_350 {offsets = [7], sizes = [1], strides = [1]} : vector<16xf32> to vector<1xf32>
        %squeeze3A_625 = vector.extract %slice3A_624[0] : f32 from vector<1xf32>
        %broadcast_in_dim3A_626 = vector.broadcast %squeeze3A_625 : f32 to vector<16xf32>
        %add3A_627 = arith.constant 7 : i32
        %add3A_628 = arith.addi %mul3A_352, %add3A_627 : i32
        %get3A_629 = arith.constant 1 : i32
        %get3A_630 = arith.index_cast %get3A_629 : i32 to index
        %get3A_631 = arith.index_cast %add3A_628 : i32 to index
        %get3A_632 = arith.constant 0 : index
        %get3A_633 = tpu.vector_load %arg9[%get3A_630, %get3A_631, %get3A_632] {strides = array<i32>} : memref<2x80x64xf32, #tpu.memory_space<vmem>>, vector<16xf32>,
        %mul3A_634 = arith.mulf %get3A_633, %broadcast_in_dim3A_626 : vector<16xf32>
        %add3A_635 = arith.addf %add3A_596, %mul3A_634 : vector<16xf32>
        %add3A_636 = arith.constant 7 : i32
        %add3A_637 = arith.addi %mul3A_352, %add3A_636 : i32
        %get3A_638 = arith.constant 1 : i32
        %get3A_639 = arith.index_cast %get3A_638 : i32 to index
        %get3A_640 = arith.index_cast %add3A_637 : i32 to index
        %get3A_641 = arith.constant 16 : index
        %get3A_642 = tpu.vector_load %arg9[%get3A_639, %get3A_640, %get3A_641] {strides = array<i32>} : memref<2x80x64xf32, #tpu.memory_space<vmem>>, vector<16xf32>,
        %mul3A_643 = arith.mulf %get3A_642, %broadcast_in_dim3A_626 : vector<16xf32>
        %add3A_644 = arith.addf %add3A_605, %mul3A_643 : vector<16xf32>
        %add3A_645 = arith.constant 7 : i32
        %add3A_646 = arith.addi %mul3A_352, %add3A_645 : i32
        %get3A_647 = arith.constant 1 : i32
        %get3A_648 = arith.index_cast %get3A_647 : i32 to index
        %get3A_649 = arith.index_cast %add3A_646 : i32 to index
        %get3A_650 = arith.constant 32 : index
        %get3A_651 = tpu.vector_load %arg9[%get3A_648, %get3A_649, %get3A_650] {strides = array<i32>} : memref<2x80x64xf32, #tpu.memory_space<vmem>>, vector<16xf32>,
        %mul3A_652 = arith.mulf %get3A_651, %broadcast_in_dim3A_626 : vector<16xf32>
        %add3A_653 = arith.addf %add3A_614, %mul3A_652 : vector<16xf32>
        %add3A_654 = arith.constant 7 : i32
        %add3A_655 = arith.addi %mul3A_352, %add3A_654 : i32
        %get3A_656 = arith.constant 1 : i32
        %get3A_657 = arith.index_cast %get3A_656 : i32 to index
        %get3A_658 = arith.index_cast %add3A_655 : i32 to index
        %get3A_659 = arith.constant 48 : index
        %get3A_660 = tpu.vector_load %arg9[%get3A_657, %get3A_658, %get3A_659] {strides = array<i32>} : memref<2x80x64xf32, #tpu.memory_space<vmem>>, vector<16xf32>,
        %mul3A_661 = arith.mulf %get3A_660, %broadcast_in_dim3A_626 : vector<16xf32>
        %add3A_662 = arith.addf %add3A_623, %mul3A_661 : vector<16xf32>
        %slice3A_663 = vector.extract_strided_slice %convert_element_type3A_350 {offsets = [8], sizes = [1], strides = [1]} : vector<16xf32> to vector<1xf32>
        %squeeze3A_664 = vector.extract %slice3A_663[0] : f32 from vector<1xf32>
        %broadcast_in_dim3A_665 = vector.broadcast %squeeze3A_664 : f32 to vector<16xf32>
        %add3A_666 = arith.constant 8 : i32
        %add3A_667 = arith.addi %mul3A_352, %add3A_666 : i32
        %get3A_668 = arith.constant 1 : i32
        %get3A_669 = arith.index_cast %get3A_668 : i32 to index
        %get3A_670 = arith.index_cast %add3A_667 : i32 to index
        %get3A_671 = arith.constant 0 : index
        %get3A_672 = tpu.vector_load %arg9[%get3A_669, %get3A_670, %get3A_671] {strides = array<i32>} : memref<2x80x64xf32, #tpu.memory_space<vmem>>, vector<16xf32>,
        %mul3A_673 = arith.mulf %get3A_672, %broadcast_in_dim3A_665 : vector<16xf32>
        %add3A_674 = arith.addf %add3A_635, %mul3A_673 : vector<16xf32>
        %add3A_675 = arith.constant 8 : i32
        %add3A_676 = arith.addi %mul3A_352, %add3A_675 : i32
        %get3A_677 = arith.constant 1 : i32
        %get3A_678 = arith.index_cast %get3A_677 : i32 to index
        %get3A_679 = arith.index_cast %add3A_676 : i32 to index
        %get3A_680 = arith.constant 16 : index
        %get3A_681 = tpu.vector_load %arg9[%get3A_678, %get3A_679, %get3A_680] {strides = array<i32>} : memref<2x80x64xf32, #tpu.memory_space<vmem>>, vector<16xf32>,
        %mul3A_682 = arith.mulf %get3A_681, %broadcast_in_dim3A_665 : vector<16xf32>
        %add3A_683 = arith.addf %add3A_644, %mul3A_682 : vector<16xf32>
        %add3A_684 = arith.constant 8 : i32
        %add3A_685 = arith.addi %mul3A_352, %add3A_684 : i32
        %get3A_686 = arith.constant 1 : i32
        %get3A_687 = arith.index_cast %get3A_686 : i32 to index
        %get3A_688 = arith.index_cast %add3A_685 : i32 to index
        %get3A_689 = arith.constant 32 : index
        %get3A_690 = tpu.vector_load %arg9[%get3A_687, %get3A_688, %get3A_689] {strides = array<i32>} : memref<2x80x64xf32, #tpu.memory_space<vmem>>, vector<16xf32>,
        %mul3A_691 = arith.mulf %get3A_690, %broadcast_in_dim3A_665 : vector<16xf32>
        %add3A_692 = arith.addf %add3A_653, %mul3A_691 : vector<16xf32>
        %add3A_693 = arith.constant 8 : i32
        %add3A_694 = arith.addi %mul3A_352, %add3A_693 : i32
        %get3A_695 = arith.constant 1 : i32
        %get3A_696 = arith.index_cast %get3A_695 : i32 to index
        %get3A_697 = arith.index_cast %add3A_694 : i32 to index
        %get3A_698 = arith.constant 48 : index
        %get3A_699 = tpu.vector_load %arg9[%get3A_696, %get3A_697, %get3A_698] {strides = array<i32>} : memref<2x80x64xf32, #tpu.memory_space<vmem>>, vector<16xf32>,
        %mul3A_700 = arith.mulf %get3A_699, %broadcast_in_dim3A_665 : vector<16xf32>
        %add3A_701 = arith.addf %add3A_662, %mul3A_700 : vector<16xf32>
        %slice3A_702 = vector.extract_strided_slice %convert_element_type3A_350 {offsets = [9], sizes = [1], strides = [1]} : vector<16xf32> to vector<1xf32>
        %squeeze3A_703 = vector.extract %slice3A_702[0] : f32 from vector<1xf32>
        %broadcast_in_dim3A_704 = vector.broadcast %squeeze3A_703 : f32 to vector<16xf32>
        %add3A_705 = arith.constant 9 : i32
        %add3A_706 = arith.addi %mul3A_352, %add3A_705 : i32
        %get3A_707 = arith.constant 1 : i32
        %get3A_708 = arith.index_cast %get3A_707 : i32 to index
        %get3A_709 = arith.index_cast %add3A_706 : i32 to index
        %get3A_710 = arith.constant 0 : index
        %get3A_711 = tpu.vector_load %arg9[%get3A_708, %get3A_709, %get3A_710] {strides = array<i32>} : memref<2x80x64xf32, #tpu.memory_space<vmem>>, vector<16xf32>,
        %mul3A_712 = arith.mulf %get3A_711, %broadcast_in_dim3A_704 : vector<16xf32>
        %add3A_713 = arith.addf %add3A_674, %mul3A_712 : vector<16xf32>
        %add3A_714 = arith.constant 9 : i32
        %add3A_715 = arith.addi %mul3A_352, %add3A_714 : i32
        %get3A_716 = arith.constant 1 : i32
        %get3A_717 = arith.index_cast %get3A_716 : i32 to index
        %get3A_718 = arith.index_cast %add3A_715 : i32 to index
        %get3A_719 = arith.constant 16 : index
        %get3A_720 = tpu.vector_load %arg9[%get3A_717, %get3A_718, %get3A_719] {strides = array<i32>} : memref<2x80x64xf32, #tpu.memory_space<vmem>>, vector<16xf32>,
        %mul3A_721 = arith.mulf %get3A_720, %broadcast_in_dim3A_704 : vector<16xf32>
        %add3A_722 = arith.addf %add3A_683, %mul3A_721 : vector<16xf32>
        %add3A_723 = arith.constant 9 : i32
        %add3A_724 = arith.addi %mul3A_352, %add3A_723 : i32
        %get3A_725 = arith.constant 1 : i32
        %get3A_726 = arith.index_cast %get3A_725 : i32 to index
        %get3A_727 = arith.index_cast %add3A_724 : i32 to index
        %get3A_728 = arith.constant 32 : index
        %get3A_729 = tpu.vector_load %arg9[%get3A_726, %get3A_727, %get3A_728] {strides = array<i32>} : memref<2x80x64xf32, #tpu.memory_space<vmem>>, vector<16xf32>,
        %mul3A_730 = arith.mulf %get3A_729, %broadcast_in_dim3A_704 : vector<16xf32>
        %add3A_731 = arith.addf %add3A_692, %mul3A_730 : vector<16xf32>
        %add3A_732 = arith.constant 9 : i32
        %add3A_733 = arith.addi %mul3A_352, %add3A_732 : i32
        %get3A_734 = arith.constant 1 : i32
        %get3A_735 = arith.index_cast %get3A_734 : i32 to index
        %get3A_736 = arith.index_cast %add3A_733 : i32 to index
        %get3A_737 = arith.constant 48 : index
        %get3A_738 = tpu.vector_load %arg9[%get3A_735, %get3A_736, %get3A_737] {strides = array<i32>} : memref<2x80x64xf32, #tpu.memory_space<vmem>>, vector<16xf32>,
        %mul3A_739 = arith.mulf %get3A_738, %broadcast_in_dim3A_704 : vector<16xf32>
        %add3A_740 = arith.addf %add3A_701, %mul3A_739 : vector<16xf32>
        %slice3A_741 = vector.extract_strided_slice %convert_element_type3A_350 {offsets = [10], sizes = [1], strides = [1]} : vector<16xf32> to vector<1xf32>
        %squeeze3A_742 = vector.extract %slice3A_741[0] : f32 from vector<1xf32>
        %broadcast_in_dim3A_743 = vector.broadcast %squeeze3A_742 : f32 to vector<16xf32>
        %add3A_744 = arith.constant 10 : i32
        %add3A_745 = arith.addi %mul3A_352, %add3A_744 : i32
        %get3A_746 = arith.constant 1 : i32
        %get3A_747 = arith.index_cast %get3A_746 : i32 to index
        %get3A_748 = arith.index_cast %add3A_745 : i32 to index
        %get3A_749 = arith.constant 0 : index
        %get3A_750 = tpu.vector_load %arg9[%get3A_747, %get3A_748, %get3A_749] {strides = array<i32>} : memref<2x80x64xf32, #tpu.memory_space<vmem>>, vector<16xf32>,
        %mul3A_751 = arith.mulf %get3A_750, %broadcast_in_dim3A_743 : vector<16xf32>
        %add3A_752 = arith.addf %add3A_713, %mul3A_751 : vector<16xf32>
        %add3A_753 = arith.constant 10 : i32
        %add3A_754 = arith.addi %mul3A_352, %add3A_753 : i32
        %get3A_755 = arith.constant 1 : i32
        %get3A_756 = arith.index_cast %get3A_755 : i32 to index
        %get3A_757 = arith.index_cast %add3A_754 : i32 to index
        %get3A_758 = arith.constant 16 : index
        %get3A_759 = tpu.vector_load %arg9[%get3A_756, %get3A_757, %get3A_758] {strides = array<i32>} : memref<2x80x64xf32, #tpu.memory_space<vmem>>, vector<16xf32>,
        %mul3A_760 = arith.mulf %get3A_759, %broadcast_in_dim3A_743 : vector<16xf32>
        %add3A_761 = arith.addf %add3A_722, %mul3A_760 : vector<16xf32>
        %add3A_762 = arith.constant 10 : i32
        %add3A_763 = arith.addi %mul3A_352, %add3A_762 : i32
        %get3A_764 = arith.constant 1 : i32
        %get3A_765 = arith.index_cast %get3A_764 : i32 to index
        %get3A_766 = arith.index_cast %add3A_763 : i32 to index
        %get3A_767 = arith.constant 32 : index
        %get3A_768 = tpu.vector_load %arg9[%get3A_765, %get3A_766, %get3A_767] {strides = array<i32>} : memref<2x80x64xf32, #tpu.memory_space<vmem>>, vector<16xf32>,
        %mul3A_769 = arith.mulf %get3A_768, %broadcast_in_dim3A_743 : vector<16xf32>
        %add3A_770 = arith.addf %add3A_731, %mul3A_769 : vector<16xf32>
        %add3A_771 = arith.constant 10 : i32
        %add3A_772 = arith.addi %mul3A_352, %add3A_771 : i32
        %get3A_773 = arith.constant 1 : i32
        %get3A_774 = arith.index_cast %get3A_773 : i32 to index
        %get3A_775 = arith.index_cast %add3A_772 : i32 to index
        %get3A_776 = arith.constant 48 : index
        %get3A_777 = tpu.vector_load %arg9[%get3A_774, %get3A_775, %get3A_776] {strides = array<i32>} : memref<2x80x64xf32, #tpu.memory_space<vmem>>, vector<16xf32>,
        %mul3A_778 = arith.mulf %get3A_777, %broadcast_in_dim3A_743 : vector<16xf32>
        %add3A_779 = arith.addf %add3A_740, %mul3A_778 : vector<16xf32>
        %slice3A_780 = vector.extract_strided_slice %convert_element_type3A_350 {offsets = [11], sizes = [1], strides = [1]} : vector<16xf32> to vector<1xf32>
        %squeeze3A_781 = vector.extract %slice3A_780[0] : f32 from vector<1xf32>
        %broadcast_in_dim3A_782 = vector.broadcast %squeeze3A_781 : f32 to vector<16xf32>
        %add3A_783 = arith.constant 11 : i32
        %add3A_784 = arith.addi %mul3A_352, %add3A_783 : i32
        %get3A_785 = arith.constant 1 : i32
        %get3A_786 = arith.index_cast %get3A_785 : i32 to index
        %get3A_787 = arith.index_cast %add3A_784 : i32 to index
        %get3A_788 = arith.constant 0 : index
        %get3A_789 = tpu.vector_load %arg9[%get3A_786, %get3A_787, %get3A_788] {strides = array<i32>} : memref<2x80x64xf32, #tpu.memory_space<vmem>>, vector<16xf32>,
        %mul3A_790 = arith.mulf %get3A_789, %broadcast_in_dim3A_782 : vector<16xf32>
        %add3A_791 = arith.addf %add3A_752, %mul3A_790 : vector<16xf32>
        %add3A_792 = arith.constant 11 : i32
        %add3A_793 = arith.addi %mul3A_352, %add3A_792 : i32
        %get3A_794 = arith.constant 1 : i32
        %get3A_795 = arith.index_cast %get3A_794 : i32 to index
        %get3A_796 = arith.index_cast %add3A_793 : i32 to index
        %get3A_797 = arith.constant 16 : index
        %get3A_798 = tpu.vector_load %arg9[%get3A_795, %get3A_796, %get3A_797] {strides = array<i32>} : memref<2x80x64xf32, #tpu.memory_space<vmem>>, vector<16xf32>,
        %mul3A_799 = arith.mulf %get3A_798, %broadcast_in_dim3A_782 : vector<16xf32>
        %add3A_800 = arith.addf %add3A_761, %mul3A_799 : vector<16xf32>
        %add3A_801 = arith.constant 11 : i32
        %add3A_802 = arith.addi %mul3A_352, %add3A_801 : i32
        %get3A_803 = arith.constant 1 : i32
        %get3A_804 = arith.index_cast %get3A_803 : i32 to index
        %get3A_805 = arith.index_cast %add3A_802 : i32 to index
        %get3A_806 = arith.constant 32 : index
        %get3A_807 = tpu.vector_load %arg9[%get3A_804, %get3A_805, %get3A_806] {strides = array<i32>} : memref<2x80x64xf32, #tpu.memory_space<vmem>>, vector<16xf32>,
        %mul3A_808 = arith.mulf %get3A_807, %broadcast_in_dim3A_782 : vector<16xf32>
        %add3A_809 = arith.addf %add3A_770, %mul3A_808 : vector<16xf32>
        %add3A_810 = arith.constant 11 : i32
        %add3A_811 = arith.addi %mul3A_352, %add3A_810 : i32
        %get3A_812 = arith.constant 1 : i32
        %get3A_813 = arith.index_cast %get3A_812 : i32 to index
        %get3A_814 = arith.index_cast %add3A_811 : i32 to index
        %get3A_815 = arith.constant 48 : index
        %get3A_816 = tpu.vector_load %arg9[%get3A_813, %get3A_814, %get3A_815] {strides = array<i32>} : memref<2x80x64xf32, #tpu.memory_space<vmem>>, vector<16xf32>,
        %mul3A_817 = arith.mulf %get3A_816, %broadcast_in_dim3A_782 : vector<16xf32>
        %add3A_818 = arith.addf %add3A_779, %mul3A_817 : vector<16xf32>
        %slice3A_819 = vector.extract_strided_slice %convert_element_type3A_350 {offsets = [12], sizes = [1], strides = [1]} : vector<16xf32> to vector<1xf32>
        %squeeze3A_820 = vector.extract %slice3A_819[0] : f32 from vector<1xf32>
        %broadcast_in_dim3A_821 = vector.broadcast %squeeze3A_820 : f32 to vector<16xf32>
        %add3A_822 = arith.constant 12 : i32
        %add3A_823 = arith.addi %mul3A_352, %add3A_822 : i32
        %get3A_824 = arith.constant 1 : i32
        %get3A_825 = arith.index_cast %get3A_824 : i32 to index
        %get3A_826 = arith.index_cast %add3A_823 : i32 to index
        %get3A_827 = arith.constant 0 : index
        %get3A_828 = tpu.vector_load %arg9[%get3A_825, %get3A_826, %get3A_827] {strides = array<i32>} : memref<2x80x64xf32, #tpu.memory_space<vmem>>, vector<16xf32>,
        %mul3A_829 = arith.mulf %get3A_828, %broadcast_in_dim3A_821 : vector<16xf32>
        %add3A_830 = arith.addf %add3A_791, %mul3A_829 : vector<16xf32>
        %add3A_831 = arith.constant 12 : i32
        %add3A_832 = arith.addi %mul3A_352, %add3A_831 : i32
        %get3A_833 = arith.constant 1 : i32
        %get3A_834 = arith.index_cast %get3A_833 : i32 to index
        %get3A_835 = arith.index_cast %add3A_832 : i32 to index
        %get3A_836 = arith.constant 16 : index
        %get3A_837 = tpu.vector_load %arg9[%get3A_834, %get3A_835, %get3A_836] {strides = array<i32>} : memref<2x80x64xf32, #tpu.memory_space<vmem>>, vector<16xf32>,
        %mul3A_838 = arith.mulf %get3A_837, %broadcast_in_dim3A_821 : vector<16xf32>
        %add3A_839 = arith.addf %add3A_800, %mul3A_838 : vector<16xf32>
        %add3A_840 = arith.constant 12 : i32
        %add3A_841 = arith.addi %mul3A_352, %add3A_840 : i32
        %get3A_842 = arith.constant 1 : i32
        %get3A_843 = arith.index_cast %get3A_842 : i32 to index
        %get3A_844 = arith.index_cast %add3A_841 : i32 to index
        %get3A_845 = arith.constant 32 : index
        %get3A_846 = tpu.vector_load %arg9[%get3A_843, %get3A_844, %get3A_845] {strides = array<i32>} : memref<2x80x64xf32, #tpu.memory_space<vmem>>, vector<16xf32>,
        %mul3A_847 = arith.mulf %get3A_846, %broadcast_in_dim3A_821 : vector<16xf32>
        %add3A_848 = arith.addf %add3A_809, %mul3A_847 : vector<16xf32>
        %add3A_849 = arith.constant 12 : i32
        %add3A_850 = arith.addi %mul3A_352, %add3A_849 : i32
        %get3A_851 = arith.constant 1 : i32
        %get3A_852 = arith.index_cast %get3A_851 : i32 to index
        %get3A_853 = arith.index_cast %add3A_850 : i32 to index
        %get3A_854 = arith.constant 48 : index
        %get3A_855 = tpu.vector_load %arg9[%get3A_852, %get3A_853, %get3A_854] {strides = array<i32>} : memref<2x80x64xf32, #tpu.memory_space<vmem>>, vector<16xf32>,
        %mul3A_856 = arith.mulf %get3A_855, %broadcast_in_dim3A_821 : vector<16xf32>
        %add3A_857 = arith.addf %add3A_818, %mul3A_856 : vector<16xf32>
        %slice3A_858 = vector.extract_strided_slice %convert_element_type3A_350 {offsets = [13], sizes = [1], strides = [1]} : vector<16xf32> to vector<1xf32>
        %squeeze3A_859 = vector.extract %slice3A_858[0] : f32 from vector<1xf32>
        %broadcast_in_dim3A_860 = vector.broadcast %squeeze3A_859 : f32 to vector<16xf32>
        %add3A_861 = arith.constant 13 : i32
        %add3A_862 = arith.addi %mul3A_352, %add3A_861 : i32
        %get3A_863 = arith.constant 1 : i32
        %get3A_864 = arith.index_cast %get3A_863 : i32 to index
        %get3A_865 = arith.index_cast %add3A_862 : i32 to index
        %get3A_866 = arith.constant 0 : index
        %get3A_867 = tpu.vector_load %arg9[%get3A_864, %get3A_865, %get3A_866] {strides = array<i32>} : memref<2x80x64xf32, #tpu.memory_space<vmem>>, vector<16xf32>,
        %mul3A_868 = arith.mulf %get3A_867, %broadcast_in_dim3A_860 : vector<16xf32>
        %add3A_869 = arith.addf %add3A_830, %mul3A_868 : vector<16xf32>
        %add3A_870 = arith.constant 13 : i32
        %add3A_871 = arith.addi %mul3A_352, %add3A_870 : i32
        %get3A_872 = arith.constant 1 : i32
        %get3A_873 = arith.index_cast %get3A_872 : i32 to index
        %get3A_874 = arith.index_cast %add3A_871 : i32 to index
        %get3A_875 = arith.constant 16 : index
        %get3A_876 = tpu.vector_load %arg9[%get3A_873, %get3A_874, %get3A_875] {strides = array<i32>} : memref<2x80x64xf32, #tpu.memory_space<vmem>>, vector<16xf32>,
        %mul3A_877 = arith.mulf %get3A_876, %broadcast_in_dim3A_860 : vector<16xf32>
        %add3A_878 = arith.addf %add3A_839, %mul3A_877 : vector<16xf32>
        %add3A_879 = arith.constant 13 : i32
        %add3A_880 = arith.addi %mul3A_352, %add3A_879 : i32
        %get3A_881 = arith.constant 1 : i32
        %get3A_882 = arith.index_cast %get3A_881 : i32 to index
        %get3A_883 = arith.index_cast %add3A_880 : i32 to index
        %get3A_884 = arith.constant 32 : index
        %get3A_885 = tpu.vector_load %arg9[%get3A_882, %get3A_883, %get3A_884] {strides = array<i32>} : memref<2x80x64xf32, #tpu.memory_space<vmem>>, vector<16xf32>,
        %mul3A_886 = arith.mulf %get3A_885, %broadcast_in_dim3A_860 : vector<16xf32>
        %add3A_887 = arith.addf %add3A_848, %mul3A_886 : vector<16xf32>
        %add3A_888 = arith.constant 13 : i32
        %add3A_889 = arith.addi %mul3A_352, %add3A_888 : i32
        %get3A_890 = arith.constant 1 : i32
        %get3A_891 = arith.index_cast %get3A_890 : i32 to index
        %get3A_892 = arith.index_cast %add3A_889 : i32 to index
        %get3A_893 = arith.constant 48 : index
        %get3A_894 = tpu.vector_load %arg9[%get3A_891, %get3A_892, %get3A_893] {strides = array<i32>} : memref<2x80x64xf32, #tpu.memory_space<vmem>>, vector<16xf32>,
        %mul3A_895 = arith.mulf %get3A_894, %broadcast_in_dim3A_860 : vector<16xf32>
        %add3A_896 = arith.addf %add3A_857, %mul3A_895 : vector<16xf32>
        %slice3A_897 = vector.extract_strided_slice %convert_element_type3A_350 {offsets = [14], sizes = [1], strides = [1]} : vector<16xf32> to vector<1xf32>
        %squeeze3A_898 = vector.extract %slice3A_897[0] : f32 from vector<1xf32>
        %broadcast_in_dim3A_899 = vector.broadcast %squeeze3A_898 : f32 to vector<16xf32>
        %add3A_900 = arith.constant 14 : i32
        %add3A_901 = arith.addi %mul3A_352, %add3A_900 : i32
        %get3A_902 = arith.constant 1 : i32
        %get3A_903 = arith.index_cast %get3A_902 : i32 to index
        %get3A_904 = arith.index_cast %add3A_901 : i32 to index
        %get3A_905 = arith.constant 0 : index
        %get3A_906 = tpu.vector_load %arg9[%get3A_903, %get3A_904, %get3A_905] {strides = array<i32>} : memref<2x80x64xf32, #tpu.memory_space<vmem>>, vector<16xf32>,
        %mul3A_907 = arith.mulf %get3A_906, %broadcast_in_dim3A_899 : vector<16xf32>
        %add3A_908 = arith.addf %add3A_869, %mul3A_907 : vector<16xf32>
        %add3A_909 = arith.constant 14 : i32
        %add3A_910 = arith.addi %mul3A_352, %add3A_909 : i32
        %get3A_911 = arith.constant 1 : i32
        %get3A_912 = arith.index_cast %get3A_911 : i32 to index
        %get3A_913 = arith.index_cast %add3A_910 : i32 to index
        %get3A_914 = arith.constant 16 : index
        %get3A_915 = tpu.vector_load %arg9[%get3A_912, %get3A_913, %get3A_914] {strides = array<i32>} : memref<2x80x64xf32, #tpu.memory_space<vmem>>, vector<16xf32>,
        %mul3A_916 = arith.mulf %get3A_915, %broadcast_in_dim3A_899 : vector<16xf32>
        %add3A_917 = arith.addf %add3A_878, %mul3A_916 : vector<16xf32>
        %add3A_918 = arith.constant 14 : i32
        %add3A_919 = arith.addi %mul3A_352, %add3A_918 : i32
        %get3A_920 = arith.constant 1 : i32
        %get3A_921 = arith.index_cast %get3A_920 : i32 to index
        %get3A_922 = arith.index_cast %add3A_919 : i32 to index
        %get3A_923 = arith.constant 32 : index
        %get3A_924 = tpu.vector_load %arg9[%get3A_921, %get3A_922, %get3A_923] {strides = array<i32>} : memref<2x80x64xf32, #tpu.memory_space<vmem>>, vector<16xf32>,
        %mul3A_925 = arith.mulf %get3A_924, %broadcast_in_dim3A_899 : vector<16xf32>
        %add3A_926 = arith.addf %add3A_887, %mul3A_925 : vector<16xf32>
        %add3A_927 = arith.constant 14 : i32
        %add3A_928 = arith.addi %mul3A_352, %add3A_927 : i32
        %get3A_929 = arith.constant 1 : i32
        %get3A_930 = arith.index_cast %get3A_929 : i32 to index
        %get3A_931 = arith.index_cast %add3A_928 : i32 to index
        %get3A_932 = arith.constant 48 : index
        %get3A_933 = tpu.vector_load %arg9[%get3A_930, %get3A_931, %get3A_932] {strides = array<i32>} : memref<2x80x64xf32, #tpu.memory_space<vmem>>, vector<16xf32>,
        %mul3A_934 = arith.mulf %get3A_933, %broadcast_in_dim3A_899 : vector<16xf32>
        %add3A_935 = arith.addf %add3A_896, %mul3A_934 : vector<16xf32>
        %slice3A_936 = vector.extract_strided_slice %convert_element_type3A_350 {offsets = [15], sizes = [1], strides = [1]} : vector<16xf32> to vector<1xf32>
        %squeeze3A_937 = vector.extract %slice3A_936[0] : f32 from vector<1xf32>
        %broadcast_in_dim3A_938 = vector.broadcast %squeeze3A_937 : f32 to vector<16xf32>
        %add3A_939 = arith.constant 15 : i32
        %add3A_940 = arith.addi %mul3A_352, %add3A_939 : i32
        %get3A_941 = arith.constant 1 : i32
        %get3A_942 = arith.index_cast %get3A_941 : i32 to index
        %get3A_943 = arith.index_cast %add3A_940 : i32 to index
        %get3A_944 = arith.constant 0 : index
        %get3A_945 = tpu.vector_load %arg9[%get3A_942, %get3A_943, %get3A_944] {strides = array<i32>} : memref<2x80x64xf32, #tpu.memory_space<vmem>>, vector<16xf32>,
        %mul3A_946 = arith.mulf %get3A_945, %broadcast_in_dim3A_938 : vector<16xf32>
        %add3A_947 = arith.addf %add3A_908, %mul3A_946 : vector<16xf32>
        %add3A_948 = arith.constant 15 : i32
        %add3A_949 = arith.addi %mul3A_352, %add3A_948 : i32
        %get3A_950 = arith.constant 1 : i32
        %get3A_951 = arith.index_cast %get3A_950 : i32 to index
        %get3A_952 = arith.index_cast %add3A_949 : i32 to index
        %get3A_953 = arith.constant 16 : index
        %get3A_954 = tpu.vector_load %arg9[%get3A_951, %get3A_952, %get3A_953] {strides = array<i32>} : memref<2x80x64xf32, #tpu.memory_space<vmem>>, vector<16xf32>,
        %mul3A_955 = arith.mulf %get3A_954, %broadcast_in_dim3A_938 : vector<16xf32>
        %add3A_956 = arith.addf %add3A_917, %mul3A_955 : vector<16xf32>
        %add3A_957 = arith.constant 15 : i32
        %add3A_958 = arith.addi %mul3A_352, %add3A_957 : i32
        %get3A_959 = arith.constant 1 : i32
        %get3A_960 = arith.index_cast %get3A_959 : i32 to index
        %get3A_961 = arith.index_cast %add3A_958 : i32 to index
        %get3A_962 = arith.constant 32 : index
        %get3A_963 = tpu.vector_load %arg9[%get3A_960, %get3A_961, %get3A_962] {strides = array<i32>} : memref<2x80x64xf32, #tpu.memory_space<vmem>>, vector<16xf32>,
        %mul3A_964 = arith.mulf %get3A_963, %broadcast_in_dim3A_938 : vector<16xf32>
        %add3A_965 = arith.addf %add3A_926, %mul3A_964 : vector<16xf32>
        %add3A_966 = arith.constant 15 : i32
        %add3A_967 = arith.addi %mul3A_352, %add3A_966 : i32
        %get3A_968 = arith.constant 1 : i32
        %get3A_969 = arith.index_cast %get3A_968 : i32 to index
        %get3A_970 = arith.index_cast %add3A_967 : i32 to index
        %get3A_971 = arith.constant 48 : index
        %get3A_972 = tpu.vector_load %arg9[%get3A_969, %get3A_970, %get3A_971] {strides = array<i32>} : memref<2x80x64xf32, #tpu.memory_space<vmem>>, vector<16xf32>,
        %mul3A_973 = arith.mulf %get3A_972, %broadcast_in_dim3A_938 : vector<16xf32>
        %add3A_974 = arith.addf %add3A_935, %mul3A_973 : vector<16xf32>
        scf.yield %add3A_947, %add3A_956, %add3A_965, %add3A_974 : vector<16xf32>, vector<16xf32>, vector<16xf32>, vector<16xf32>
      }
      %scan3A_317 = arith.constant 5 : i32
      %get3A_318 = arith.constant 1 : i32
      %get3A_319 = arith.index_cast %get3A_318 : i32 to index
      %get3A_320 = arith.constant 0 : index
      %get3A_321 = tpu.vector_load %arg10[%get3A_319, %get3A_320] {strides = array<i32>} : memref<2x16xf32, #tpu.memory_space<vmem>>, vector<16xf32>,
      %div3A_322 = arith.divf %scan3A_316#0, %get3A_321 : vector<16xf32>
      %swap3A_323 = arith.index_cast %add3A_269 : i32 to index
      %swap3A_324 = arith.constant 0 : index
      %swap3A_325 = tpu.vector_load %arg11[%swap3A_323, %swap3A_324] {strides = array<i32>} : memref<128x64xf32, #tpu.memory_space<vmem>>, vector<16xf32>,
      tpu.vector_store %arg11[%swap3A_323, %swap3A_324], %div3A_322 {strides = array<i32>} : memref<128x64xf32, #tpu.memory_space<vmem>>, vector<16xf32>,
      %div3A_326 = arith.divf %scan3A_316#1, %get3A_321 : vector<16xf32>
      %swap3A_327 = arith.index_cast %add3A_269 : i32 to index
      %swap3A_328 = arith.constant 16 : index
      %swap3A_329 = tpu.vector_load %arg11[%swap3A_327, %swap3A_328] {strides = array<i32>} : memref<128x64xf32, #tpu.memory_space<vmem>>, vector<16xf32>,
      tpu.vector_store %arg11[%swap3A_327, %swap3A_328], %div3A_326 {strides = array<i32>} : memref<128x64xf32, #tpu.memory_space<vmem>>, vector<16xf32>,
      %div3A_330 = arith.divf %scan3A_316#2, %get3A_321 : vector<16xf32>
      %swap3A_331 = arith.index_cast %add3A_269 : i32 to index
      %swap3A_332 = arith.constant 32 : index
      %swap3A_333 = tpu.vector_load %arg11[%swap3A_331, %swap3A_332] {strides = array<i32>} : memref<128x64xf32, #tpu.memory_space<vmem>>, vector<16xf32>,
      tpu.vector_store %arg11[%swap3A_331, %swap3A_332], %div3A_330 {strides = array<i32>} : memref<128x64xf32, #tpu.memory_space<vmem>>, vector<16xf32>,
      %div3A_334 = arith.divf %scan3A_316#3, %get3A_321 : vector<16xf32>
      %swap3A_335 = arith.index_cast %add3A_269 : i32 to index
      %swap3A_336 = arith.constant 48 : index
      %swap3A_337 = tpu.vector_load %arg11[%swap3A_335, %swap3A_336] {strides = array<i32>} : memref<128x64xf32, #tpu.memory_space<vmem>>, vector<16xf32>,
      tpu.vector_store %arg11[%swap3A_335, %swap3A_336], %div3A_334 {strides = array<i32>} : memref<128x64xf32, #tpu.memory_space<vmem>>, vector<16xf32>,
    }
    %scan3A_79 = arith.constant 64 : i32
    %mul3A_80 = arith.constant 128 : i32
    %mul3A_81 = arith.muli %add3A, %mul3A_80 : i32
    "tpu.region"() ({
      %run_scoped3A = tpu.sem_alloc : memref<!tpu.dma_semaphore, #tpu.memory_space<semaphore_mem>>
      %dma_start3A_82 = arith.constant 0 : i32
      %dma_start3A_83 = tpu.memref_slice %arg5[%mul3A_81, %dma_start3A_82] : memref<4096x64xf32, #tpu.memory_space<hbm>> -> memref<128x64xf32, #tpu.memory_space<hbm>>
      %dma_start3A_84 = arith.constant 0 : i32
      %dma_start3A_85 = tpu.memref_slice %arg5[%mul3A_81, %dma_start3A_84] : memref<4096x64xf32, #tpu.memory_space<hbm>> -> memref<128x64xf32, #tpu.memory_space<hbm>>
      tpu.enqueue_dma source(%arg11 : memref<128x64xf32, #tpu.memory_space<vmem>>) target(%dma_start3A_85 : memref<128x64xf32, #tpu.memory_space<hbm>>) target_semaphore(%run_scoped3A : memref<!tpu.dma_semaphore, #tpu.memory_space<semaphore_mem>>)
      %dma_wait3A = arith.constant 0 : i32
      %dma_wait3A_86 = tpu.memref_slice %arg5[%mul3A_81, %dma_wait3A] : memref<4096x64xf32, #tpu.memory_space<hbm>> -> memref<128x64xf32, #tpu.memory_space<hbm>>
      %dma_wait3A_87 = arith.constant 0 : i32
      %dma_wait3A_88 = tpu.memref_slice %arg5[%mul3A_81, %dma_wait3A_87] : memref<4096x64xf32, #tpu.memory_space<hbm>> -> memref<128x64xf32, #tpu.memory_space<hbm>>
      tpu.wait_dma2 semaphore(%run_scoped3A : memref<!tpu.dma_semaphore, #tpu.memory_space<semaphore_mem>>) src(%arg11 : memref<128x64xf32, #tpu.memory_space<vmem>>) dst(%dma_wait3A_88 : memref<128x64xf32, #tpu.memory_space<hbm>>)
      tpu.yield
    }) : () -> ()
    return
  }
}

</mosaic_0001>

<sc_bundles>
// kernel: kernel.3.cloned.1.call-start
scs
__scs_entry_jumppad:
0x0: {  	(pc) =	sbr.rel $0x88, $3  }
0x1: {  	(tag) =	ssettag $0x0;
	lr =	simm.s32 $0x1  }
0x2: {  	[smem:$0x3F9E] =	sst lr;
	_ =	strace $0xD0000000  }
0x3: {  	_ = 	snop  }
0x4: {  	_ = 	snop  }
0x5: {  	_ = 	snop  }
0x6: {  	_ = 	snop  }
0x7: {  	_ = 	snop  }
__scs_overlays_trampoline_lowered:
0x8: {  	[smem:$0x3FAD] =	sst s0  }
0x9: {  	[smem:$0x3FAE] =	sst s1  }
0xa: {  	[smem:$0x3FAF] =	sst s2  }
0xb: {  	[smem:$0x3FB0] =	sst s3  }
0xc: {  	[smem:$0x3FB1] =	sst s4  }
0xd: {  	[smem:$0x3FB2] =	sst s5  }
0xe: {  	[smem:$0x3FB3] =	sst s6  }
0xf: {  	[smem:$0x3FB4] =	sst s7  }
0x10: {  	[smem:$0x3FB5] =	sst s8  }
0x11: {  	[smem:$0x3FB6] =	sst s9;
	s0 =	simm.s32 @!p0 $0x0  }
0x12: {  	s1 =	sld [smem:$0x3F9C];
	s0 =	simm.s32 @p0 $0x1  }
0x13: {  	[smem:$0x3FB7] =	sst s0;
	s0 =	simm.s32 @!p1 $0x0  }
0x14: {  	s2 =	sld [smem:$0x3F9B];
	s0 =	simm.s32 @p1 $0x1  }
0x15: {  	[smem:$0x3FB8] =	sst s0;
	s0 =	simm.s32 @!p2 $0x0  }
0x16: {  	s3 =	sld [smem:$0x3FDB];
	s0 =	simm.s32 @p2 $0x1  }
0x17: {  	s4 =	simm.s32 $0x1BF5;
	[smem:$0x3FBA] =	sst s0  }
0x18: {  	s0 =	sld [smem:$0x3F9D];
	_ =	swait.ge [sflag:s4], $0x0  }
0x19: {  	s7 =	sld [smem:$0x3F9E]  }
0x1a: {  	s8 =	sadd.s32 $0xFFFFE003, lr  }
0x1b: {  	s9 =	sadd.s32 $0xFFFFFEF7, lr;
	s5 =	simm.s32 $0xFFFFFFFF;
	p2 =	slt.u32 s8, $0xFFFFF086  }
0x1c: {  	p1 =	slt.u32 s9, $0xF7A;
	s5 =	simm.s32 @!p2 $0x0  }
0x1d: {  	s5 =	simm.s32 @p1 $0x1;
	p0 =	seq.s32 s7, s2  }
0x1e: {  	s7 =	smul.u32 @!p0 $0xF7A, s2;
	p2 =	seq.s32 @!p0 s5, $0x0  }
0x1f: {  	s9 =	smul.u32 $0xF7A, s1;
	s8 =	simm.s32 @!p0 $0x1BF5;
	p2 =	por !p2, p0  }
0x20: {  	[sflag:s8] =	ssyncset.s32 @!p0 $0xFFFFF086;
	s6 =	sadd.s32 @!p0 s3, s7;
	s7 =	simm.s32 @!p0 $0x108  }
0x21: {  	s3 =	sadd.s32 s3, s9;
	s6 =	sadd.s32 @!p0 $0x88, s6;
	s7 =	simm.s32 @p2 $0x1082  }
0x22: {  	[simem:s7], [sflag:s8] =	dma.local @!p0 [hbm:s6], $0xF7A  }
0x23: {  	s9 =	sor.u32 $0xD0000000, s2;
	s6 =	simm.s32 $0x108;
	_ =	swait.ge @!p0 [sflag:s8], $0x0  }
0x24: {  	s3 =	sadd.s32 $0x88, s3;
	s6 =	simm.s32 @!p1 $0x1082;
	[sflag:s4] =	ssyncset.s32 $0xFFFFF086  }
0x25: {  	[simem:s6], [sflag:s4] =	dma.local [hbm:s3], $0xF7A  }
0x26: {  	[smem:$0x3F9E] =	sst s1;
	(tag) =	ssettag s2;
	_ =	strace s9  }
0x27: {  	s1 =	sld [smem:$0x3FAE]  }
0x28: {  	s2 =	sld [smem:$0x3FAF]  }
0x29: {  	s4 =	sld [smem:$0x3FB1]  }
0x2a: {  	p0 =	seq.s32 s5, $0x0;
	s5 =	sld [smem:$0x3FB2]  }
0x2b: {  	s6 =	sld [smem:$0x3FB3]  }
0x2c: {  	s7 =	sld [smem:$0x3FB4]  }
0x2d: {  	s3 =	simm.s32 $0x108;
	s8 =	sld [smem:$0x3FB5]  }
0x2e: {  	s3 =	simm.s32 @!p0 $0x1082;
	s9 =	sld [smem:$0x3FB6]  }
0x2f: {  	lr =	sadd.s32 s0, s3;
	s0 =	sld [smem:$0x3FAD]  }
0x30: {  	s3 =	sld [smem:$0x3FB0]  }
0x31: {  	[smem:$0x3FB9] =	sst s10  }
0x32: {  	s10 =	sld [smem:$0x3FB7];
	_ =	sdelay $0x3  }
0x33: {  	p0 =	seq.s32 s10, $0x1;
	s10 =	sld [smem:$0x3FB9];
	_ =	sdelay $0x3  }
0x34: {  	[smem:$0x3FB9] =	sst s10  }
0x35: {  	s10 =	sld [smem:$0x3FB8];
	_ =	sdelay $0x3  }
0x36: {  	p1 =	seq.s32 s10, $0x1;
	s10 =	sld [smem:$0x3FB9];
	_ =	sdelay $0x3  }
0x37: {  	[smem:$0x3FB9] =	sst s10  }
0x38: {  	s10 =	sld [smem:$0x3FBA]  }
0x39: {  	_ = 	snop;
	(pc) =	sbr.ind lr, $3  }
0x3a: {  	_ = 	snop  }
0x3b: {  	_ = 	snop  }
0x3c: {  	p2 =	seq.s32 s10, $0x1;
	s10 =	sld [smem:$0x3FB9]  }
0x3d: {  	_ =	shalt  }
0x3e: {  	_ =	shalt  }
0x3f: {  	_ =	shalt  }
0x40: {  	_ =	shalt  }
0x41: {  	_ =	shalt  }
0x42: {  	_ =	shalt  }
0x43: {  	_ =	shalt  }
0x44: {  	_ =	shalt  }
0x45: {  	_ =	shalt  }
0x46: {  	_ =	shalt  }
0x47: {  	_ =	shalt  }
0x48: {  	_ =	shalt  }
0x49: {  	_ =	shalt  }
0x4a: {  	_ =	shalt  }
0x4b: {  	_ =	shalt  }
0x4c: {  	_ =	shalt  }
0x4d: {  	_ =	shalt  }
0x4e: {  	_ =	shalt  }
0x4f: {  	_ =	shalt  }
0x50: {  	_ =	shalt  }
0x51: {  	_ =	shalt  }
0x52: {  	_ =	shalt  }
0x53: {  	_ =	shalt  }
0x54: {  	_ =	shalt  }
0x55: {  	_ =	shalt  }
0x56: {  	_ =	shalt  }
0x57: {  	_ =	shalt  }
0x58: {  	_ =	shalt  }
0x59: {  	_ =	shalt  }
0x5a: {  	_ =	shalt  }
0x5b: {  	_ =	shalt  }
0x5c: {  	_ =	shalt  }
0x5d: {  	_ =	shalt  }
0x5e: {  	_ =	shalt  }
0x5f: {  	_ =	shalt  }
0x60: {  	_ =	shalt  }
0x61: {  	_ =	shalt  }
0x62: {  	_ =	shalt  }
0x63: {  	_ =	shalt  }
0x64: {  	_ =	shalt  }
0x65: {  	_ =	shalt  }
0x66: {  	_ =	shalt  }
0x67: {  	_ =	shalt  }
0x68: {  	_ =	shalt  }
0x69: {  	_ =	shalt  }
0x6a: {  	_ =	shalt  }
0x6b: {  	_ =	shalt  }
0x6c: {  	_ =	shalt  }
0x6d: {  	_ =	shalt  }
0x6e: {  	_ =	shalt  }
0x6f: {  	_ =	shalt  }
0x70: {  	_ =	shalt  }
0x71: {  	_ =	shalt  }
0x72: {  	_ =	shalt  }
0x73: {  	_ =	shalt  }
0x74: {  	_ =	shalt  }
0x75: {  	_ =	shalt  }
0x76: {  	_ =	shalt  }
0x77: {  	_ =	shalt  }
0x78: {  	_ =	shalt  }
0x79: {  	_ =	shalt  }
0x7a: {  	_ =	shalt  }
0x7b: {  	_ =	shalt  }
0x7c: {  	_ =	shalt  }
0x7d: {  	_ =	shalt  }
0x7e: {  	_ =	shalt  }
0x7f: {  	_ =	shalt  }
0x80: {  	_ =	shalt  }
0x81: {  	_ =	shalt  }
0x82: {  	_ =	shalt  }
0x83: {  	_ =	shalt  }
0x84: {  	_ =	shalt  }
0x85: {  	_ =	shalt  }
0x86: {  	_ =	shalt  }
0x87: {  	_ =	shalt  }
.Lfunc_end0:
.L_simem_size_0:
called_computation_lowered:
.L_overlay_start_0:
0x88: {  	s2 =	sld [smem:$0x3FD9]  }
0x89: {  	s3 =	sld [smem:$0x3FFE];
	_ =	sdelay $0x1  }
0x8a: {  	s1 =	srdreg.scid  }
0x8b: {  	s0 =	sand.u32 $0x1, s1  }
0x8c: {  	s17 =	sshll.u32 s0, $0xA;
	s2 =	sadd.s32 s3, s2  }
0x8d: {  	s2 =	sadd.s32 s2, s17  }
0x8e: {  	[smem:$0x3FC5] =	sst s2  }
0x8f: {  	_ = 	snop  }
0x90: {  	s2 =	sld [smem:$0x3FD0];
	(tm) =	ssettm $0x1  }
0x91: {  	s18 =	sld [smem:$0x3FFB];
	_ =	sdelay $0x3  }
0x92: {  	_ =	strace s18  }
0x93: {  	s3 =	sld [smem:$0x3FFC];
	_ =	sdelay $0x3  }
0x94: {  	_ =	strace s3  }
0x95: {  	s3 =	sld [smem:$0x3FFD];
	_ =	sdelay $0x3  }
0x96: {  	_ =	strace s3  }
0x97: {  	_ =	strace $0x8FFFFFFF  }
0x98: {  	s19 =	sld [smem:$0x3FDB];
	_ =	sdelay $0x1  }
0x99: {  	s4 =	simm.s32 $_scs_section_size  }
0x9a: {  	s5 =	simm.s32 $_size__tile_overlayer_lowered;
	s6 =	simm.s32 $_tile_overlayer_lowered  }
0x9b: {  	s22 =	simm.s32 $0x1BFF;
	s21 =	sshll.u32 s6, $0x1;
	s3 =	sadd.s32 s4, s19  }
0x9c: {  	s7 =	simm.s32 $0x0;
	s20 =	sshll.u32 s5, $0x1;
	s5 =	sadd.s32 s21, s3  }
0x9d: {  	[timem:s7], [sflag:s22] =	dma.local [hbm:s5], s20  }
0x9e: {  	_ =	swait.ge [sflag:s22], s20  }
0x9f: {  	s4 =	ssub.s32 $0x0, s20;
	[sflag:s22] =	ssyncset.done $0x0  }
0xa0: {  	[sflag:s22] =	ssyncadd.s32 s4;
	_ =	sdelay $0x1  }
0xa1: {  	s23 =	simm.s32 $0x1B8B  }
0xa2: {  	_ =	swait.ge [sflag:s23], $0x1  }
0xa3: {  	[sflag:s23] =	ssyncset.done $0x0  }
0xa4: {  	s25 =	simm.s32 $0x1B8E;
	s24 =	sld [smem:$0x3FFE];
	[sflag:s23] =	ssyncadd.s32 $0xFFFFFFFF  }
0xa5: {  	s26 =	simm.s32 $execute0_lowered;
	[smem:$0x3FD2] =	sst s25  }
0xa6: {  	s5 =	sshll.u32 s26, $0x1;
	_ =	strace $0x80000046;
	[dreg:$0x1] =	wrdreg $0xFFFFFFFF  }
0xa7: {  	s28 =	simm.s32 $_size_execute0_lowered;
	s3 =	sadd.s32 s3, s5;
	[dreg:$0x0] =	wrdreg $0x0  }
0xa8: {  	s5 =	sshll.u32 s28, $0x1;
	[dreg:$0x2] =	wrdreg s3  }
0xa9: {  	[dreg:$0x3] =	wrdreg s5  }
0xaa: {  	[dreg:$0x4] =	wrdreg $0xC0  }
0xab: {  	_ =	task [dreg:s7], $0x5FFFF  }
0xac: {  	[dreg:$0x1] =	wrdreg $0xFFFFFFFF  }
0xad: {  	[dreg:$0x0] =	wrdreg $0x60  }
0xae: {  	[dreg:$0x2] =	wrdreg s24  }
0xaf: {  	[dreg:$0x3] =	wrdreg s2  }
0xb0: {  	[dreg:$0x4] =	wrdreg $0x9  }
0xb1: {  	_ =	task.clear_ibuf [dreg:s7], $0x5FFFF;
	_ =	strace $0x90000046  }
0xb2: {  	s29 =	simm.s32 $0x9;
	_ =	strace $0x80000048  }
0xb3: {  	_ =	swait.ge [sflag:s29], $0x1  }
0xb4: {  	[sflag:s29] =	ssyncadd.s32 $0xFFFFFFFF  }
0xb5: {  	_ =	strace $0x90000048  }
0xb6: {  	_ =	sfence  }
0xb7: {  	s30 =	sld [smem:$0x0];
	_ =	sdelay $0x2  }
0xb8: {  	s31 =	sshll.u32 s1, $0xD;
	s1 =	sshrl.u32 s1, $0x2  }
0xb9: {  	s3 =	sand.u32 $0x4000, s31;
	s1 =	sadd.s32 s1, s30  }
0xba: {  	s0 =	sor.u32 s3, s0;
	s1 =	sshll.u32 s1, $0x11  }
0xbb: {  	s0 =	sor.u32 s1, s0  }
0xbc: {  	s0 =	sadd.s32 $0x8F2B, s0  }
0xbd: {  	[sflag:s0] =	ssyncadd.remote.s32 $0x1  }
0xbe: {  	_ =	sfence.sel $0xFFFF  }
0xbf: {  	[dreg:$0x0] =	wrdreg $0xFFFFFFFF;
	(pc) =	sbr.abs _section_cstart, $3  }
0xc0: {  	[dreg:$0x1] =	wrdreg $0xFFFFFFFF  }
0xc1: {  	_ =	task.clear_ibuf [dreg:s7], $0x2FFFF;
	_ =	strace $0x9FFFFFFF  }
0xc2: {  	(tm) =	ssettm $0x7FFFFFFF  }
0xc3: {  	_ =	shalt  }
tec
execute0_lowered:
.L_overlay_start_1:
0x0: {  	(tag) =	ssettag $0x1  }
0x1: {  	s3 =	rddreg [dreg:$0x0];
	s1 =	srdreg.scid  }
0x2: {  	s0 =	stileid.u32;
	s6 =	rddreg [dreg:$0x1]  }
0x3: {  	s2 =	simm.s32 $0x0;
	s9 =	simm.s32 $0x80;
	s10 =	simm.s32 $0xD000  }
0x4: {  	s11 =	simm.s32 $0x50;
	s12 =	simm.s32 $0x11000;
	s13 =	simm.s32 $0xF000  }
0x5: {  	s14 =	simm.s32 $0x12400;
	s15 =	simm.s32 $0x1;
	s16 =	simm.s32 $0x3  }
0x6: {  	s17 =	simm.s32 $0x2;
	s18 =	simm.s32 $0x4;
	s19 =	simm.s32 $0x13820  }
0x7: {  	s20 =	simm.s32 $0x0;
	s4 =	sand.u32 $0x1, s1;
	s5 =	sshll.u32 s0, $0x1  }
0x8: {  	[smem:$0x7FF] =	sst s2;
	s7 =	sor.u32 s4, s5;
	s4 =	ssub.s32 $0x2, s4  }
0x9: {  	s5 =	smul.u32 $0xD00, s7;
	s8 =	sshrl.u32 s4, $0x1;
	s7 =	sshll.u32 s7, $0xA  }
0xa: {  	_ =	strace $0x80000047;
	s8 =	ssub.s32 s4, s8;
	s6 =	sadd.s32 s6, s7  }
0xb: {  	s5 =	sadd.s32 s5, s3;
	s3 =	sadd.s32 $0xF42E00, s3;
	s7 =	smax.u32 s8, $0x1  }
0xc: {  	s8 =	simm.s32 $0x5;
	s4 =	sadd.s32 $0x1AA00, s5;
	s5 =	sadd.s32 $0xA00, s5  }
.LBB2_1:
0xd: {  	[tilespmem:s2], [sflag:$0x5] =	stream.linear.gather [hbm4b:s4+s2], $0x6800, $0x38;
	[tilespmem:$0x15820] =	vst v63  }
0xe: {  	_ =	swait.ge [sflag:s8], $0x6800  }
0xf: {  	[sflag:s8] =	ssyncset.done $0x0  }
0x10: {  	s21 =	simm.s32 $0x6800;
	[sflag:s8] =	ssyncadd.s32 $0xFFFF9800  }
0x11: {  	[tilespmem:s21], [sflag:$0x5] =	stream.linear.gather [hbm4b:s5+s2], $0x6800, $0x38;
	[tilespmem:$0x15820] =	vst v63  }
0x12: {  	_ =	swait.ge [sflag:s8], $0x6800  }
0x13: {  	[sflag:s8] =	ssyncset.done $0x0  }
0x14: {  	[sflag:s8] =	ssyncadd.s32 $0xFFFF9800  }
0x15: {  	v0 =	vld [tilespmem:$0x6800]  }
0x16: {  	v1 =	vld [tilespmem:$0x6810]  }
0x17: {  	v2 =	vld [tilespmem:$0x6820]  }
0x18: {  	v3 =	vld [tilespmem:$0x6830]  }
0x19: {  	v4 =	vld [tilespmem:$0x6840]  }
0x1a: {  	v5 =	vld [tilespmem:$0x6850]  }
0x1b: {  	v56 =	vld [tilespmem:$0x6860];
	v0 =	vadd.s32 v0, v1  }
0x1c: {  	v57 =	vld [tilespmem:$0x6870];
	v0 =	vadd.s32 v2, v0  }
0x1d: {  	v58 =	vld [tilespmem:$0x6880];
	v0 =	vadd.s32 v3, v0  }
0x1e: {  	v59 =	vld [tilespmem:$0x6890];
	v0 =	vadd.s32 v4, v0  }
0x1f: {  	v60 =	vld [tilespmem:$0x68A0];
	v0 =	vadd.s32 v5, v0  }
0x20: {  	v61 =	vld [tilespmem:$0x68B0];
	v0 =	vadd.s32 v56, v0  }
0x21: {  	v62 =	vld [tilespmem:$0x68C0];
	v0 =	vadd.s32 v57, v0  }
0x22: {  	v0 =	vadd.s32 v58, v0  }
0x23: {  	v0 =	vadd.s32 v59, v0  }
0x24: {  	v0 =	vadd.s32 v60, v0  }
0x25: {  	v0 =	vadd.s32 v61, v0  }
0x26: {  	v0 =	vadd.s32 v62, v0  }
0x27: {  	(xrf0) =	vadd.scan.msk.s32 $0xffff, v0;
	_ =	sdelay $0x5  }
0x28: {  	v0, _, _ =	vpop (xrf0)  }
0x29: {  	(v2sf) =	vpush v0, $0xF;
	_ =	sdelay $0xe  }
0x2a: {  	s22 =	spop (v2sf)  }
0x2b: {  	s22 =	scvt.s32.f32 s22;
	_ =	sdelay $0x1  }
0x2c: {  	v63 =	vmov s22  }
0x2d: {  	v0 =	vmax.f32 v63, $1.000000000e+00  }
0x2e: {  	v0 =	vbroadcast v0, $0x0;
	_ =	sdelay $0x1  }
0x2f: {  	s23 =	simm.s32 $0x68D0;
	[tilespmem:$0x13800] =	vst v0  }
0x30: {  	[tilespmem:s10], [sflag:$0x1] =	stream.indirect.gather [hbm4b:s3+s9], $0x40, s2, s9, $0xb8;
	[tilespmem:$0x15820] =	vst v63  }
0x31: {  	s24 =	simm.s32 $0x6950;
	s25 =	simm.s32 $0x0;
	s22 =	simm.s32 $0x6880  }
0x32: {  	[tilespmem:s12], [sflag:$0x3] =	stream.indirect.gather [hbm4b:s3+s11], $0x40, s9, s11, $0xb8;
	[tilespmem:$0x15820] =	vst v63  }
.LBB2_2:
0x33: {  	s26 =	sshllo.u32 s25, $0x1  }
0x34: {  	s28 =	smul.u32 $0xD0, s26;
	_ =	sdelay $0x1  }
0x35: {  	v0 =	vld [tilespmem:s28+$0x6800]  }
0x36: {  	v1 =	vld [tilespmem:s28+$0x6810]  }
0x37: {  	v2 =	vld [tilespmem:s28+$0x6820]  }
0x38: {  	v3 =	vld [tilespmem:s28+$0x6830]  }
0x39: {  	v4 =	vld [tilespmem:s28+$0x6840]  }
0x3a: {  	v5 =	vld [tilespmem:s28+$0x6850]  }
0x3b: {  	v0 =	vadd.s32 v0, v1;
	v1 =	vld [tilespmem:s28+$0x6860]  }
0x3c: {  	v0 =	vadd.s32 v2, v0;
	v2 =	vld [tilespmem:s28+$0x6870]  }
0x3d: {  	v0 =	vadd.s32 v3, v0;
	v3 =	vld [tilespmem:s28+$0x6880]  }
0x3e: {  	v0 =	vadd.s32 v4, v0;
	v4 =	vld [tilespmem:s28+$0x6890]  }
0x3f: {  	v0 =	vadd.s32 v5, v0;
	v5 =	vld [tilespmem:s28+$0x68A0]  }
0x40: {  	v0 =	vadd.s32 v1, v0;
	v1 =	vld [tilespmem:s28+$0x68B0]  }
0x41: {  	v0 =	vadd.s32 v2, v0;
	v2 =	vld [tilespmem:s28+$0x68C0]  }
0x42: {  	v0 =	vadd.s32 v3, v0  }
0x43: {  	v0 =	vadd.s32 v4, v0  }
0x44: {  	v0 =	vadd.s32 v5, v0  }
0x45: {  	v0 =	vadd.s32 v1, v0  }
0x46: {  	v0 =	vadd.s32 v2, v0  }
0x47: {  	(xrf0) =	vadd.scan.msk.s32 $0xffff, v0;
	_ =	sdelay $0x5  }
0x48: {  	v0, _, _ =	vpop (xrf0)  }
0x49: {  	(v2sf) =	vpush v0, $0xF;
	_ =	sdelay $0xe  }
0x4a: {  	s29 =	spop (v2sf)  }
0x4b: {  	s29 =	scvt.s32.f32 s29;
	_ =	sdelay $0x1  }
0x4c: {  	v0 =	vmov s29  }
0x4d: {  	v0 =	vmax.f32 v0, $1.000000000e+00  }
0x4e: {  	v0 =	vbroadcast v0, $0x0;
	_ =	sdelay $0x1  }
0x4f: {  	[tilespmem:$0x13810] =	vst v0  }
0x50: {  	[tilespmem:s13], [sflag:$0x2] =	stream.indirect.gather [hbm4b:s3+s9], $0x40, s28, s9, $0xb8;
	[tilespmem:$0x15820] =	vst v63  }
0x51: {  	s28 =	sadd.s32 $0x80, s28  }
0x52: {  	[tilespmem:s14], [sflag:$0x4] =	stream.indirect.gather [hbm4b:s3+s11], $0x40, s28, s11, $0xb8;
	[tilespmem:$0x15820] =	vst v63  }
0x53: {  	_ =	swait.ge [sflag:s15], $0x2000  }
0x54: {  	[sflag:s15] =	ssyncset.done $0x0  }
0x55: {  	[sflag:s15] =	ssyncadd.s32 $0xFFFFE000  }
0x56: {  	_ =	swait.ge [sflag:s16], $0x1400  }
0x57: {  	[sflag:s16] =	ssyncset.done $0x0  }
0x58: {  	s29 =	simm.s32 $0xD200;
	[sflag:s16] =	ssyncadd.s32 $0xFFFFEC00  }
0x59: {  	v1 =	vld [tilespmem:s29+$0x1C0]  }
0x5a: {  	v5 =	vld [tilespmem:s29+$0x1D0]  }
0x5b: {  	v8 =	vmov s21;
	v6 =	vld [tilespmem:s29+$0x180]  }
0x5c: {  	v9 =	vld [tilespmem:s29+$0x190]  }
0x5d: {  	v10 =	vld [tilespmem:s29+$0x140]  }
0x5e: {  	v13 =	vld [tilespmem:s29+$0x150]  }
0x5f: {  	s30 =	simm.s32 $0x0;
	v14 =	vld [tilespmem:s29+$0x100]  }
0x60: {  	v0 =	vld.idx.msk [tilespmem:v8+s30+$0x0 ss:$0x1], $0xffff  }
0x61: {  	v17 =	vld [tilespmem:s29+$0x110]  }
0x62: {  	v18 =	vld [tilespmem:s29+$0xC0]  }
0x63: {  	v20 =	vld [tilespmem:s29+$0xD0]  }
0x64: {  	v21 =	vld [tilespmem:s29+$0x80]  }
0x65: {  	v29 =	vld [tilespmem:s29+$0x90]  }
0x66: {  	v30 =	vld [tilespmem:s29+$0x40];
	v2 =	vcvt.s32.f32 v0  }
0x67: {  	v33 =	vld [tilespmem:s29+$0x50]  }
0x68: {  	v31 =	vld [tilespmem:s29+$0x0];
	v3 =	vbroadcast v2, $0xE;
	v0 =	vbroadcast v2, $0xF  }
0x69: {  	v37 =	vld [tilespmem:s29+$0x10];
	v7 =	vbroadcast v2, $0xC;
	v4 =	vbroadcast v2, $0xD  }
0x6a: {  	v27 =	vld [tilespmem:s29+$0xFFFFFFC0];
	v12 =	vbroadcast v2, $0xA;
	v11 =	vbroadcast v2, $0xB  }
0x6b: {  	v35 =	vld [tilespmem:s29+$0xFFFFFFD0];
	v16 =	vbroadcast v2, $0x8;
	v15 =	vbroadcast v2, $0x9  }
0x6c: {  	v38 =	vld [tilespmem:s29+$0xFFFFFF80];
	v22 =	vbroadcast v2, $0x6;
	v19 =	vbroadcast v2, $0x7  }
0x6d: {  	v40 =	vld [tilespmem:s29+$0xFFFFFF90];
	v24 =	vbroadcast v2, $0x4;
	v23 =	vbroadcast v2, $0x5  }
0x6e: {  	v36 =	vld [tilespmem:s29+$0xFFFFFF40];
	v26 =	vbroadcast v2, $0x2;
	v25 =	vbroadcast v2, $0x3  }
0x6f: {  	v39 =	vld [tilespmem:s29+$0xFFFFFF50];
	v44 =	vbroadcast v2, $0x0;
	v41 =	vbroadcast v2, $0x1  }
0x70: {  	v42 =	vld [tilespmem:s29+$0xFFFFFF00];
	v2 =	vmul.f32 v1, v0;
	v1 =	vmul.f32 v5, v0  }
0x71: {  	v43 =	vld [tilespmem:s29+$0xFFFFFF10];
	v6 =	vmul.f32 v6, v3;
	v5 =	vmul.f32 v9, v3  }
0x72: {  	v28 =	vimm.f32 $0.0e+00;
	v45 =	vld [tilespmem:s29+$0xFFFFFEC0];
	v10 =	vmul.f32 v10, v4;
	v9 =	vmul.f32 v13, v4  }
0x73: {  	v34 =	vimm.f32 $0.0e+00;
	v46 =	vld [tilespmem:s29+$0xFFFFFED0];
	v14 =	vmul.f32 v14, v7;
	v13 =	vmul.f32 v17, v7  }
0x74: {  	v32 =	vimm.f32 $0.0e+00;
	v47 =	vld [tilespmem:s29+$0xFFFFFE80];
	v17 =	vmul.f32 v18, v11;
	v18 =	vmul.f32 v20, v11  }
0x75: {  	s31 =	simm.s32 $0x40;
	s28 =	smul.u32 $0x1A0, s25;
	v48 =	vld [tilespmem:s29+$0xFFFFFE90];
	v20 =	vmul.f32 v21, v12;
	v21 =	vmul.f32 v29, v12;
	v29 =	vimm.f32 $0.0e+00  }
.LBB2_3:
0x76: {  	p0 =	sne.s32 s31, $0x1C0;
	v49 =	vld [tilespmem:s29+$0xFFFFFE40];
	v30 =	vmul.f32 v30, v15;
	v33 =	vmul.f32 v33, v15  }
0x77: {  	v31 =	vmul.f32 v31, v16;
	v37 =	vmul.f32 v37, v16;
	v50 =	vld [tilespmem:s29+$0xFFFFFE50]  }
0x78: {  	v27 =	vmul.f32 v27, v19;
	v35 =	vmul.f32 v35, v19;
	v51 =	vld [tilespmem:s29+$0xFFFFFE00]  }
0x79: {  	v38 =	vmul.f32 v38, v22;
	v40 =	vmul.f32 v40, v22;
	v52 =	vld [tilespmem:s29+$0xFFFFFE10]  }
0x7a: {  	v36 =	vmul.f32 v36, v23;
	v39 =	vmul.f32 v39, v23;
	v53 =	vld [tilespmem:s29+$0xFFFFFE20]  }
0x7b: {  	v42 =	vmul.f32 v42, v24;
	v43 =	vmul.f32 v43, v24;
	v54 =	vld [tilespmem:s29+$0xFFFFFE30]  }
0x7c: {  	v45 =	vmul.f32 v45, v25;
	v46 =	vmul.f32 v46, v25;
	v55 =	vld [tilespmem:s29+$0xFFFFFE60]  }
0x7d: {  	v47 =	vmul.f32 v47, v26;
	v48 =	vmul.f32 v48, v26;
	v56 =	vld [tilespmem:s29+$0xFFFFFE70]  }
0x7e: {  	v49 =	vmul.f32 v49, v41;
	v50 =	vmul.f32 v50, v41;
	v57 =	vld [tilespmem:s29+$0xFFFFFEA0]  }
0x7f: {  	v51 =	vmul.f32 v44, v51;
	v52 =	vmul.f32 v44, v52;
	v58 =	vld [tilespmem:s29+$0xFFFFFEB0]  }
0x80: {  	v53 =	vmul.f32 v53, v44;
	v44 =	vmul.f32 v54, v44;
	v54 =	vld [tilespmem:s29+$0xFFFFFEE0]  }
0x81: {  	v28 =	vadd.f32 v51, v28;
	v34 =	vadd.f32 v52, v34;
	v51 =	vmul.f32 v55, v41;
	v52 =	vld [tilespmem:s29+$0xFFFFFEF0]  }
0x82: {  	v32 =	vadd.f32 v53, v32;
	v29 =	vadd.f32 v44, v29;
	v41 =	vmul.f32 v56, v41;
	v44 =	vld [tilespmem:s29+$0xFFFFFF20]  }
0x83: {  	v28 =	vadd.f32 v49, v28;
	v34 =	vadd.f32 v50, v34;
	v49 =	vmul.f32 v57, v26;
	v50 =	vld [tilespmem:s29+$0xFFFFFF30]  }
0x84: {  	v32 =	vadd.f32 v51, v32;
	v29 =	vadd.f32 v41, v29;
	v26 =	vmul.f32 v58, v26;
	v41 =	vld [tilespmem:s29+$0xFFFFFF60]  }
0x85: {  	v28 =	vadd.f32 v47, v28;
	v34 =	vadd.f32 v48, v34;
	v47 =	vmul.f32 v54, v25;
	v48 =	vld [tilespmem:s29+$0xFFFFFF70]  }
0x86: {  	v32 =	vadd.f32 v49, v32;
	v26 =	vadd.f32 v26, v29;
	v25 =	vmul.f32 v52, v25;
	v29 =	vld [tilespmem:s29+$0xFFFFFFA0]  }
0x87: {  	v28 =	vadd.f32 v45, v28;
	v34 =	vadd.f32 v46, v34;
	v44 =	vmul.f32 v44, v24;
	v45 =	vld [tilespmem:s29+$0xFFFFFFB0]  }
0x88: {  	v32 =	vadd.f32 v47, v32;
	v25 =	vadd.f32 v25, v26;
	v24 =	vmul.f32 v50, v24;
	v26 =	vld [tilespmem:s29+$0xFFFFFFE0]  }
0x89: {  	v28 =	vadd.f32 v42, v28;
	v34 =	vadd.f32 v43, v34;
	v41 =	vmul.f32 v41, v23;
	v42 =	vld [tilespmem:s29+$0xFFFFFFF0]  }
0x8a: {  	v32 =	vadd.f32 v44, v32;
	v24 =	vadd.f32 v24, v25;
	v23 =	vmul.f32 v48, v23;
	v25 =	vld [tilespmem:s29+$0x20]  }
0x8b: {  	v28 =	vadd.f32 v36, v28;
	v34 =	vadd.f32 v39, v34;
	v29 =	vmul.f32 v29, v22;
	v36 =	vld [tilespmem:s29+$0x30]  }
0x8c: {  	v32 =	vadd.f32 v41, v32;
	v23 =	vadd.f32 v23, v24;
	v22 =	vmul.f32 v45, v22;
	v24 =	vld [tilespmem:s29+$0x60]  }
0x8d: {  	v28 =	vadd.f32 v38, v28;
	v34 =	vadd.f32 v40, v34;
	v26 =	vmul.f32 v26, v19;
	v38 =	vld [tilespmem:s29+$0x70]  }
0x8e: {  	v29 =	vadd.f32 v29, v32;
	v22 =	vadd.f32 v22, v23;
	v19 =	vmul.f32 v42, v19;
	v23 =	vld [tilespmem:s29+$0xA0]  }
0x8f: {  	v27 =	vadd.f32 v27, v28;
	v28 =	vadd.f32 v35, v34;
	v25 =	vmul.f32 v25, v16;
	v32 =	vld [tilespmem:s29+$0xB0]  }
0x90: {  	v26 =	vadd.f32 v26, v29;
	v19 =	vadd.f32 v19, v22;
	v16 =	vmul.f32 v36, v16;
	v22 =	vld [tilespmem:s29+$0xE0]  }
0x91: {  	v27 =	vadd.f32 v31, v27;
	v28 =	vadd.f32 v37, v28;
	v24 =	vmul.f32 v24, v15;
	v29 =	vld [tilespmem:s29+$0xF0]  }
0x92: {  	v25 =	vadd.f32 v25, v26;
	v16 =	vadd.f32 v16, v19;
	v15 =	vmul.f32 v38, v15;
	v19 =	vld [tilespmem:s29+$0x120]  }
0x93: {  	v26 =	vadd.f32 v30, v27;
	v27 =	vadd.f32 v33, v28;
	v23 =	vmul.f32 v23, v12;
	v28 =	vld [tilespmem:s29+$0x130]  }
0x94: {  	v24 =	vadd.f32 v24, v25;
	v15 =	vadd.f32 v15, v16;
	v12 =	vmul.f32 v32, v12;
	v16 =	vld [tilespmem:s29+$0x160]  }
0x95: {  	v20 =	vadd.f32 v20, v26;
	v21 =	vadd.f32 v21, v27;
	v22 =	vmul.f32 v22, v11;
	v25 =	vld [tilespmem:s29+$0x170]  }
0x96: {  	v23 =	vadd.f32 v23, v24;
	v12 =	vadd.f32 v12, v15;
	v11 =	vmul.f32 v29, v11;
	v15 =	vld [tilespmem:s29+$0x1A0]  }
0x97: {  	v17 =	vadd.f32 v17, v20;
	v18 =	vadd.f32 v18, v21;
	v19 =	vmul.f32 v19, v7;
	v20 =	vld [tilespmem:s29+$0x1B0]  }
0x98: {  	v21 =	vadd.f32 v22, v23;
	v11 =	vadd.f32 v11, v12;
	v7 =	vmul.f32 v28, v7;
	v12 =	vld [tilespmem:s29+$0x1E0]  }
0x99: {  	v14 =	vadd.f32 v14, v17;
	v13 =	vadd.f32 v13, v18;
	v16 =	vmul.f32 v16, v4;
	v17 =	vld [tilespmem:s29+$0x1F0];
	s29 =	sadd.s32 $0x400, s29  }
0x9a: {  	v19 =	vadd.f32 v19, v21;
	v18 =	vld [tilespmem:s29+$0x1C0];
	v7 =	vadd.f32 v7, v11;
	v4 =	vmul.f32 v25, v4  }
0x9b: {  	v10 =	vadd.f32 v10, v14;
	v9 =	vadd.f32 v9, v13;
	v21 =	vld [tilespmem:s29+$0x1D0];
	v11 =	vmul.f32 v15, v3  }
0x9c: {  	v14 =	vadd.f32 v16, v19;
	v13 =	vld [tilespmem:s29+$0x180];
	v4 =	vadd.f32 v4, v7;
	v3 =	vmul.f32 v20, v3  }
0x9d: {  	v6 =	vadd.f32 v6, v10;
	v5 =	vadd.f32 v5, v9;
	v20 =	vld [tilespmem:s29+$0x190];
	v7 =	vmul.f32 v12, v0  }
0x9e: {  	v10 =	vadd.f32 v11, v14;
	v9 =	vld [tilespmem:s29+$0x140];
	v3 =	vadd.f32 v3, v4;
	v0 =	vmul.f32 v17, v0  }
0x9f: {  	v28 =	vadd.f32 v2, v6;
	v34 =	vadd.f32 v1, v5;
	v14 =	vld [tilespmem:s29+$0x150]  }
0xa0: {  	s1 =	sshra.s32 s31, $0x2;
	v32 =	vadd.f32 v7, v10;
	v17 =	vld [tilespmem:s29+$0x100];
	v29 =	vadd.f32 v0, v3  }
0xa1: {  	v0 =	vld.idx.msk [tilespmem:v8+s1+$0x0 ss:$0x1], $0xffff  }
0xa2: {  	v47 =	vld [tilespmem:s29+$0x110]  }
0xa3: {  	v48 =	vld [tilespmem:s29+$0xC0]  }
0xa4: {  	v49 =	vld [tilespmem:s29+$0xD0]  }
0xa5: {  	v50 =	vld [tilespmem:s29+$0x80]  }
0xa6: {  	v51 =	vld [tilespmem:s29+$0x90]  }
0xa7: {  	v1 =	vcvt.s32.f32 v0;
	v30 =	vld [tilespmem:s29+$0x40]  }
0xa8: {  	v33 =	vld [tilespmem:s29+$0x50]  }
0xa9: {  	v3 =	vbroadcast v1, $0xE;
	v0 =	vbroadcast v1, $0xF;
	v31 =	vld [tilespmem:s29+$0x0]  }
0xaa: {  	v7 =	vbroadcast v1, $0xC;
	v4 =	vbroadcast v1, $0xD;
	v37 =	vld [tilespmem:s29+$0x10]  }
0xab: {  	v12 =	vbroadcast v1, $0xA;
	v11 =	vbroadcast v1, $0xB;
	v27 =	vld [tilespmem:s29+$0xFFFFFFC0]  }
0xac: {  	v16 =	vbroadcast v1, $0x8;
	v15 =	vbroadcast v1, $0x9;
	v35 =	vld [tilespmem:s29+$0xFFFFFFD0]  }
0xad: {  	v22 =	vbroadcast v1, $0x6;
	v19 =	vbroadcast v1, $0x7;
	v38 =	vld [tilespmem:s29+$0xFFFFFF80]  }
0xae: {  	v24 =	vbroadcast v1, $0x4;
	v23 =	vbroadcast v1, $0x5;
	v40 =	vld [tilespmem:s29+$0xFFFFFF90]  }
0xaf: {  	v26 =	vbroadcast v1, $0x2;
	v25 =	vbroadcast v1, $0x3;
	v36 =	vld [tilespmem:s29+$0xFFFFFF40]  }
0xb0: {  	v44 =	vbroadcast v1, $0x0;
	v41 =	vbroadcast v1, $0x1;
	v39 =	vld [tilespmem:s29+$0xFFFFFF50]  }
0xb1: {  	v2 =	vmul.f32 v18, v0;
	v1 =	vmul.f32 v21, v0;
	v42 =	vld [tilespmem:s29+$0xFFFFFF00]  }
.Ltmp0:
0xb2: {  	v6 =	vmul.f32 v13, v3;
	v5 =	vmul.f32 v20, v3;
	v43 =	vld [tilespmem:s29+$0xFFFFFF10];
	(pc) =	sbr.rel @p0 .LBB2_3-.Ltmp0, $4  }
0xb3: {  	v10 =	vmul.f32 v9, v4;
	v9 =	vmul.f32 v14, v4;
	v45 =	vld [tilespmem:s29+$0xFFFFFEC0]  }
0xb4: {  	v14 =	vmul.f32 v17, v7;
	v13 =	vmul.f32 v47, v7;
	v46 =	vld [tilespmem:s29+$0xFFFFFED0]  }
0xb5: {  	v17 =	vmul.f32 v48, v11;
	v18 =	vmul.f32 v49, v11;
	v47 =	vld [tilespmem:s29+$0xFFFFFE80]  }
0xb6: {  	s31 =	sadd.s32 $0x40, s31;
	v20 =	vmul.f32 v50, v12;
	v21 =	vmul.f32 v51, v12;
	v48 =	vld [tilespmem:s29+$0xFFFFFE90]  }
0xb7: {  	v8 =	vld [tilespmem:s29+$0xFFFFFE40]  }
0xb8: {  	v49 =	vld [tilespmem:s29+$0xFFFFFE50]  }
0xb9: {  	v50 =	vld [tilespmem:s29+$0xFFFFFE00]  }
0xba: {  	v51 =	vld [tilespmem:s29+$0xFFFFFE10]  }
0xbb: {  	v52 =	vld [tilespmem:s29+$0xFFFFFE20]  }
0xbc: {  	v53 =	vld [tilespmem:s29+$0xFFFFFE30]  }
0xbd: {  	v54 =	vld [tilespmem:s29+$0xFFFFFE60]  }
0xbe: {  	v55 =	vld [tilespmem:s29+$0xFFFFFE70]  }
0xbf: {  	v56 =	vld [tilespmem:s29+$0xFFFFFEA0]  }
0xc0: {  	v63 =	vld [tilespmem:s29+$0xFFFFFF70]  }
0xc1: {  	v57 =	vld [tilespmem:s29+$0xFFFFFEB0]  }
0xc2: {  	v58 =	vld [tilespmem:s29+$0xFFFFFEE0]  }
0xc3: {  	v59 =	vld [tilespmem:s29+$0xFFFFFEF0]  }
0xc4: {  	v60 =	vld [tilespmem:s29+$0xFFFFFF20]  }
0xc5: {  	[tilespmem:$0x1FFE0] =	vst v63;
	v63 =	vld [tilespmem:s29+$0xFFFFFFA0]  }
0xc6: {  	v61 =	vld [tilespmem:s29+$0xFFFFFF30];
	v47 =	vmul.f32 v47, v26;
	v48 =	vmul.f32 v48, v26  }
0xc7: {  	v62 =	vld [tilespmem:s29+$0xFFFFFF60];
	v50 =	vmul.f32 v44, v50;
	v51 =	vmul.f32 v44, v51  }
0xc8: {  	v56 =	vmul.f32 v56, v26;
	v26 =	vmul.f32 v57, v26;
	v57 =	vld [tilespmem:s29+$0xE0]  }
0xc9: {  	v52 =	vmul.f32 v52, v44;
	v8 =	vmul.f32 v8, v41;
	v28 =	vadd.f32 v50, v28;
	v50 =	vld [tilespmem:s29+$0xFFFFFFB0]  }
0xca: {  	v49 =	vmul.f32 v49, v41;
	v34 =	vadd.f32 v51, v34;
	v51 =	vld [tilespmem:s29+$0xFFFFFFE0];
	[tilespmem:$0x1FFF0] =	vst v63;
	v63 =	vmul.f32 v53, v44  }
0xcb: {  	v55 =	vmul.f32 v55, v41;
	v32 =	vadd.f32 v52, v32;
	v52 =	vmul.f32 v54, v41;
	v41 =	vld [tilespmem:s29+$0xB0]  }
0xcc: {  	v54 =	vld [tilespmem:s29+$0x160];
	v29 =	vadd.f32 v63, v29  }
0xcd: {  	v8 =	vadd.f32 v8, v28;
	v28 =	vadd.f32 v49, v34;
	v34 =	vld [tilespmem:s29+$0x20]  }
0xce: {  	v42 =	vmul.f32 v42, v24;
	v45 =	vmul.f32 v45, v25;
	v49 =	vld [tilespmem:s29+$0x30];
	v29 =	vadd.f32 v55, v29  }
0xcf: {  	v46 =	vmul.f32 v46, v25;
	v32 =	vadd.f32 v52, v32;
	v52 =	vld [tilespmem:s29+$0x60];
	v8 =	vadd.f32 v47, v8  }
0xd0: {  	v47 =	vld [tilespmem:s29+$0x70];
	v26 =	vadd.f32 v26, v29;
	v29 =	vmul.f32 v58, v25;
	v25 =	vmul.f32 v59, v25  }
0xd1: {  	v43 =	vmul.f32 v43, v24;
	v28 =	vadd.f32 v48, v28;
	v48 =	vld [tilespmem:s29+$0xA0];
	v32 =	vadd.f32 v56, v32  }
0xd2: {  	v56 =	vld [tilespmem:s29+$0x170];
	v25 =	vadd.f32 v25, v26;
	v26 =	vmul.f32 v60, v24;
	v24 =	vmul.f32 v61, v24  }
0xd3: {  	v30 =	vmul.f32 v30, v15;
	v33 =	vmul.f32 v33, v15;
	v60 =	vld [tilespmem:$0x1FFF0]  }
0xd4: {  	v31 =	vmul.f32 v31, v16;
	v8 =	vadd.f32 v45, v8;
	v24 =	vadd.f32 v24, v25;
	v25 =	vld [tilespmem:$0x1FFE0]  }
0xd5: {  	v37 =	vmul.f32 v37, v16;
	v27 =	vmul.f32 v27, v19;
	v63 =	vld [tilespmem:s29+$0xFFFFFFF0];
	v29 =	vadd.f32 v29, v32  }
0xd6: {  	v36 =	vmul.f32 v36, v23;
	v28 =	vadd.f32 v46, v28;
	v46 =	vld [tilespmem:s29+$0x120];
	v8 =	vadd.f32 v42, v8  }
0xd7: {  	v38 =	vmul.f32 v38, v22;
	v58 =	vld [tilespmem:s29+$0xF0];
	v59 =	vmul.f32 v62, v23;
	v26 =	vadd.f32 v26, v29  }
0xd8: {  	v39 =	vmul.f32 v39, v23;
	v28 =	vadd.f32 v43, v28;
	v8 =	vadd.f32 v36, v8;
	v32 =	vld [tilespmem:s29+$0x130]  }
0xd9: {  	v61 =	vld [tilespmem:s29+$0x1E0];
	v26 =	vadd.f32 v59, v26;
	v36 =	vmul.f32 v60, v22;
	v23 =	vmul.f32 v25, v23  }
0xda: {  	v40 =	vmul.f32 v40, v22;
	v62 =	vmul.f32 v51, v19;
	v28 =	vadd.f32 v39, v28;
	v29 =	vld [tilespmem:s29+$0x1A0]  }
0xdb: {  	v22 =	vmul.f32 v50, v22;
	v25 =	vld [tilespmem:s29+$0x1B0];
	v26 =	vadd.f32 v36, v26;
	v23 =	vadd.f32 v23, v24  }
0xdc: {  	v35 =	vmul.f32 v35, v19;
	v8 =	vadd.f32 v38, v8;
	v28 =	vadd.f32 v40, v28;
	v24 =	vld [tilespmem:s29+$0x1F0];
	s29 =	simm.s32 $0x11200  }
0xdd: {  	v19 =	vmul.f32 v63, v19;
	v26 =	vadd.f32 v62, v26;
	v50 =	vld [tilespmem:s29+$0x1C0];
	v22 =	vadd.f32 v22, v23  }
0xde: {  	v63 =	vld [tilespmem:s29+$0x1D0];
	v23 =	vadd.f32 v27, v8;
	v27 =	vadd.f32 v35, v28;
	v28 =	vmul.f32 v34, v16  }
0xdf: {  	v51 =	vld [tilespmem:s29+$0x180];
	v8 =	vmov s22;
	v16 =	vmul.f32 v49, v16;
	v19 =	vadd.f32 v19, v22  }
0xe0: {  	v59 =	vld [tilespmem:s29+$0x80];
	v22 =	vadd.f32 v31, v23;
	v23 =	vadd.f32 v37, v27;
	v27 =	vmul.f32 v52, v15  }
0xe1: {  	v60 =	vld [tilespmem:s29+$0x90];
	v26 =	vadd.f32 v28, v26;
	v15 =	vmul.f32 v47, v15;
	v16 =	vadd.f32 v16, v19  }
0xe2: {  	v36 =	vld [tilespmem:s29+$0x10];
	v19 =	vadd.f32 v30, v22;
	v22 =	vadd.f32 v33, v23  }
0xe3: {  	v38 =	vld [tilespmem:s29+$0xFFFFFFD0];
	v23 =	vmul.f32 v48, v12;
	v26 =	vadd.f32 v27, v26;
	v15 =	vadd.f32 v15, v16  }
0xe4: {  	v12 =	vmul.f32 v41, v12;
	v16 =	vld.idx.msk [tilespmem:v8+s30+$0x0 ss:$0x1], $0xffff;
	v19 =	vadd.f32 v20, v19;
	v20 =	vadd.f32 v21, v22  }
0xe5: {  	v39 =	vld [tilespmem:s29+$0xFFFFFF80];
	v21 =	vmul.f32 v57, v11;
	v22 =	vadd.f32 v23, v26;
	v11 =	vmul.f32 v58, v11  }
0xe6: {  	v40 =	vld [tilespmem:s29+$0xFFFFFF90];
	v23 =	vmul.f32 v56, v4;
	v26 =	vmul.f32 v29, v3;
	v12 =	vadd.f32 v12, v15  }
0xe7: {  	v43 =	vld [tilespmem:s29+$0xFFFFFF50];
	v15 =	vadd.f32 v17, v19;
	v17 =	vadd.f32 v18, v20;
	v18 =	vmul.f32 v46, v7  }
0xe8: {  	v42 =	vld [tilespmem:s29+$0xFFFFFF00];
	v19 =	vadd.f32 v21, v22;
	v7 =	vmul.f32 v32, v7;
	v21 =	vmul.f32 v54, v4  }
0xe9: {  	v44 =	vld [tilespmem:s29+$0xFFFFFF10];
	v11 =	vadd.f32 v11, v12;
	v12 =	vadd.f32 v14, v15;
	v29 =	vcvt.s32.f32 v16  }
0xea: {  	v45 =	vld [tilespmem:s29+$0xFFFFFEC0];
	v15 =	vmul.f32 v25, v3;
	v13 =	vadd.f32 v13, v17;
	v17 =	vmul.f32 v61, v0  }
0xeb: {  	v49 =	vld [tilespmem:s29+$0x190];
	v61 =	vmul.f32 v24, v0;
	v3 =	vbroadcast v29, $0xE  }
0xec: {  	v34 =	vld [tilespmem:s29+$0x50];
	v24 =	vadd.f32 v7, v11;
	v0 =	vbroadcast v29, $0xF;
	v7 =	vbroadcast v29, $0xC  }
0xed: {  	v35 =	vld [tilespmem:s29+$0x0];
	v10 =	vadd.f32 v10, v12;
	v4 =	vbroadcast v29, $0xD;
	v12 =	vbroadcast v29, $0xA  }
0xee: {  	v52 =	vld [tilespmem:s29+$0x140];
	v11 =	vbroadcast v29, $0xB;
	v16 =	vbroadcast v29, $0x8  }
0xef: {  	v28 =	vld [tilespmem:s29+$0x150];
	v18 =	vadd.f32 v18, v19;
	v14 =	vbroadcast v29, $0x9;
	v22 =	vbroadcast v29, $0x6  }
0xf0: {  	v30 =	vld [tilespmem:s29+$0x100];
	v9 =	vadd.f32 v9, v13;
	v19 =	vbroadcast v29, $0x7;
	v27 =	vbroadcast v29, $0x2  }
0xf1: {  	v57 =	vld [tilespmem:s29+$0x110];
	v13 =	vadd.f32 v21, v18;
	v25 =	vbroadcast v29, $0x3;
	v32 =	vbroadcast v29, $0x0  }
0xf2: {  	v58 =	vld [tilespmem:s29+$0xC0];
	v31 =	vbroadcast v29, $0x1;
	v18 =	vadd.f32 v23, v24;
	v24 =	vbroadcast v29, $0x4  }
0xf3: {  	v20 =	vld [tilespmem:s29+$0xD0];
	v23 =	vbroadcast v29, $0x5;
	v21 =	vadd.f32 v6, v10;
	v6 =	vmul.f32 v50, v0  }
0xf4: {  	v37 =	vld [tilespmem:s29+$0xFFFFFFC0];
	v62 =	vadd.f32 v5, v9;
	v5 =	vmul.f32 v63, v0;
	v10 =	vmul.f32 v51, v3  }
0xf5: {  	v33 =	vld [tilespmem:s29+$0x40];
	v29 =	vadd.f32 v26, v13;
	v9 =	vmul.f32 v49, v3;
	v13 =	vmul.f32 v52, v4  }
0xf6: {  	v47 =	vld [tilespmem:s29+$0xFFFFFE80];
	v63 =	vadd.f32 v15, v18;
	v26 =	vadd.f32 v2, v21;
	v2 =	vmul.f32 v28, v4  }
0xf7: {  	v41 =	vld [tilespmem:s29+$0xFFFFFF40];
	v28 =	vadd.f32 v1, v62;
	v15 =	vmul.f32 v30, v7;
	v1 =	vmul.f32 v57, v7  }
0xf8: {  	v48 =	vld [tilespmem:s29+$0xFFFFFE90];
	v29 =	vadd.f32 v17, v29;
	v18 =	vmul.f32 v58, v11;
	v17 =	vmul.f32 v20, v11  }
0xf9: {  	s30 =	simm.s32 $0x40;
	v46 =	vld [tilespmem:s29+$0xFFFFFED0];
	v21 =	vmul.f32 v59, v12;
	v20 =	vmul.f32 v60, v12;
	v30 =	vadd.f32 v61, v63  }
.LBB2_5:
0xfa: {  	p0 =	sne.s32 s30, $0x100;
	v49 =	vld [tilespmem:s29+$0xFFFFFE40];
	v33 =	vmul.f32 v33, v14;
	v34 =	vmul.f32 v34, v14  }
0xfb: {  	v35 =	vmul.f32 v35, v16;
	v36 =	vmul.f32 v36, v16;
	v50 =	vld [tilespmem:s29+$0xFFFFFE50]  }
0xfc: {  	v37 =	vmul.f32 v37, v19;
	v38 =	vmul.f32 v38, v19;
	v51 =	vld [tilespmem:s29+$0xFFFFFE00]  }
0xfd: {  	v39 =	vmul.f32 v39, v22;
	v40 =	vmul.f32 v40, v22;
	v52 =	vld [tilespmem:s29+$0xFFFFFE10]  }
0xfe: {  	v41 =	vmul.f32 v41, v23;
	v43 =	vmul.f32 v43, v23;
	v53 =	vld [tilespmem:s29+$0xFFFFFE20]  }
0xff: {  	v42 =	vmul.f32 v42, v24;
	v44 =	vmul.f32 v44, v24;
	v54 =	vld [tilespmem:s29+$0xFFFFFE30]  }
0x100: {  	v45 =	vmul.f32 v45, v25;
	v46 =	vmul.f32 v46, v25;
	v55 =	vld [tilespmem:s29+$0xFFFFFE60]  }
0x101: {  	v47 =	vmul.f32 v47, v27;
	v48 =	vmul.f32 v48, v27;
	v56 =	vld [tilespmem:s29+$0xFFFFFE70]  }
0x102: {  	v49 =	vmul.f32 v49, v31;
	v50 =	vmul.f32 v50, v31;
	v57 =	vld [tilespmem:s29+$0xFFFFFEA0]  }
0x103: {  	v51 =	vmul.f32 v32, v51;
	v52 =	vmul.f32 v32, v52;
	v58 =	vld [tilespmem:s29+$0xFFFFFEB0]  }
0x104: {  	v53 =	vmul.f32 v53, v32;
	v32 =	vmul.f32 v54, v32;
	v54 =	vld [tilespmem:s29+$0xFFFFFEE0]  }
0x105: {  	v26 =	vadd.f32 v51, v26;
	v28 =	vadd.f32 v52, v28;
	v51 =	vmul.f32 v55, v31;
	v52 =	vld [tilespmem:s29+$0xFFFFFEF0]  }
0x106: {  	v29 =	vadd.f32 v53, v29;
	v30 =	vadd.f32 v32, v30;
	v31 =	vmul.f32 v56, v31;
	v32 =	vld [tilespmem:s29+$0xFFFFFF20]  }
0x107: {  	v26 =	vadd.f32 v49, v26;
	v28 =	vadd.f32 v50, v28;
	v49 =	vmul.f32 v57, v27;
	v50 =	vld [tilespmem:s29+$0xFFFFFF30]  }
0x108: {  	v29 =	vadd.f32 v51, v29;
	v30 =	vadd.f32 v31, v30;
	v27 =	vmul.f32 v58, v27;
	v31 =	vld [tilespmem:s29+$0xFFFFFF60]  }
0x109: {  	v26 =	vadd.f32 v47, v26;
	v28 =	vadd.f32 v48, v28;
	v47 =	vmul.f32 v54, v25;
	v48 =	vld [tilespmem:s29+$0xFFFFFF70]  }
0x10a: {  	v29 =	vadd.f32 v49, v29;
	v27 =	vadd.f32 v27, v30;
	v25 =	vmul.f32 v52, v25;
	v30 =	vld [tilespmem:s29+$0xFFFFFFA0]  }
0x10b: {  	v26 =	vadd.f32 v45, v26;
	v28 =	vadd.f32 v46, v28;
	v32 =	vmul.f32 v32, v24;
	v45 =	vld [tilespmem:s29+$0xFFFFFFB0]  }
0x10c: {  	v29 =	vadd.f32 v47, v29;
	v25 =	vadd.f32 v25, v27;
	v24 =	vmul.f32 v50, v24;
	v27 =	vld [tilespmem:s29+$0xFFFFFFE0]  }
0x10d: {  	v26 =	vadd.f32 v42, v26;
	v28 =	vadd.f32 v44, v28;
	v31 =	vmul.f32 v31, v23;
	v42 =	vld [tilespmem:s29+$0xFFFFFFF0]  }
0x10e: {  	v29 =	vadd.f32 v32, v29;
	v24 =	vadd.f32 v24, v25;
	v23 =	vmul.f32 v48, v23;
	v25 =	vld [tilespmem:s29+$0x20]  }
0x10f: {  	v26 =	vadd.f32 v41, v26;
	v28 =	vadd.f32 v43, v28;
	v30 =	vmul.f32 v30, v22;
	v32 =	vld [tilespmem:s29+$0x30]  }
0x110: {  	v29 =	vadd.f32 v31, v29;
	v23 =	vadd.f32 v23, v24;
	v22 =	vmul.f32 v45, v22;
	v24 =	vld [tilespmem:s29+$0x60]  }
0x111: {  	v26 =	vadd.f32 v39, v26;
	v28 =	vadd.f32 v40, v28;
	v27 =	vmul.f32 v27, v19;
	v31 =	vld [tilespmem:s29+$0x70]  }
0x112: {  	v29 =	vadd.f32 v30, v29;
	v22 =	vadd.f32 v22, v23;
	v19 =	vmul.f32 v42, v19;
	v23 =	vld [tilespmem:s29+$0xA0]  }
0x113: {  	v26 =	vadd.f32 v37, v26;
	v28 =	vadd.f32 v38, v28;
	v25 =	vmul.f32 v25, v16;
	v30 =	vld [tilespmem:s29+$0xB0]  }
0x114: {  	v27 =	vadd.f32 v27, v29;
	v19 =	vadd.f32 v19, v22;
	v16 =	vmul.f32 v32, v16;
	v22 =	vld [tilespmem:s29+$0xE0]  }
0x115: {  	v26 =	vadd.f32 v35, v26;
	v28 =	vadd.f32 v36, v28;
	v24 =	vmul.f32 v24, v14;
	v29 =	vld [tilespmem:s29+$0xF0]  }
0x116: {  	v25 =	vadd.f32 v25, v27;
	v16 =	vadd.f32 v16, v19;
	v14 =	vmul.f32 v31, v14;
	v19 =	vld [tilespmem:s29+$0x120]  }
0x117: {  	v26 =	vadd.f32 v33, v26;
	v27 =	vadd.f32 v34, v28;
	v23 =	vmul.f32 v23, v12;
	v28 =	vld [tilespmem:s29+$0x130]  }
0x118: {  	v24 =	vadd.f32 v24, v25;
	v14 =	vadd.f32 v14, v16;
	v12 =	vmul.f32 v30, v12;
	v16 =	vld [tilespmem:s29+$0x160]  }
0x119: {  	v21 =	vadd.f32 v21, v26;
	v20 =	vadd.f32 v20, v27;
	v22 =	vmul.f32 v22, v11;
	v25 =	vld [tilespmem:s29+$0x170]  }
0x11a: {  	v23 =	vadd.f32 v23, v24;
	v12 =	vadd.f32 v12, v14;
	v11 =	vmul.f32 v29, v11;
	v14 =	vld [tilespmem:s29+$0x1A0]  }
0x11b: {  	v18 =	vadd.f32 v18, v21;
	v17 =	vadd.f32 v17, v20;
	v19 =	vmul.f32 v19, v7;
	v20 =	vld [tilespmem:s29+$0x1B0]  }
0x11c: {  	v21 =	vadd.f32 v22, v23;
	v11 =	vadd.f32 v11, v12;
	v7 =	vmul.f32 v28, v7;
	v12 =	vld [tilespmem:s29+$0x1E0]  }
0x11d: {  	v15 =	vadd.f32 v15, v18;
	v1 =	vadd.f32 v1, v17;
	v16 =	vmul.f32 v16, v4;
	v17 =	vld [tilespmem:s29+$0x1F0];
	s29 =	sadd.s32 $0x400, s29  }
0x11e: {  	v19 =	vadd.f32 v19, v21;
	v18 =	vld [tilespmem:s29+$0x1C0];
	v7 =	vadd.f32 v7, v11;
	v4 =	vmul.f32 v25, v4  }
0x11f: {  	v11 =	vadd.f32 v13, v15;
	v1 =	vadd.f32 v2, v1;
	v21 =	vld [tilespmem:s29+$0x1D0];
	v2 =	vmul.f32 v14, v3  }
0x120: {  	v14 =	vadd.f32 v16, v19;
	v13 =	vld [tilespmem:s29+$0x180];
	v4 =	vadd.f32 v4, v7;
	v3 =	vmul.f32 v20, v3  }
0x121: {  	v7 =	vadd.f32 v10, v11;
	v1 =	vadd.f32 v9, v1;
	v15 =	vld [tilespmem:s29+$0x190];
	v9 =	vmul.f32 v12, v0  }
0x122: {  	v2 =	vadd.f32 v2, v14;
	v20 =	vld [tilespmem:s29+$0x140];
	v3 =	vadd.f32 v3, v4;
	v0 =	vmul.f32 v17, v0  }
0x123: {  	v26 =	vadd.f32 v6, v7;
	v28 =	vadd.f32 v5, v1;
	v17 =	vld [tilespmem:s29+$0x150]  }
0x124: {  	s1 =	sshra.s32 s30, $0x2;
	v29 =	vadd.f32 v9, v2;
	v1 =	vld [tilespmem:s29+$0x100];
	v30 =	vadd.f32 v0, v3  }
0x125: {  	v0 =	vld.idx.msk [tilespmem:v8+s1+$0x0 ss:$0x1], $0xffff  }
0x126: {  	v47 =	vld [tilespmem:s29+$0x110]  }
0x127: {  	v48 =	vld [tilespmem:s29+$0xC0]  }
0x128: {  	v49 =	vld [tilespmem:s29+$0xD0]  }
0x129: {  	v50 =	vld [tilespmem:s29+$0x80]  }
0x12a: {  	v51 =	vld [tilespmem:s29+$0x90]  }
0x12b: {  	v2 =	vcvt.s32.f32 v0;
	v33 =	vld [tilespmem:s29+$0x40]  }
0x12c: {  	v34 =	vld [tilespmem:s29+$0x50]  }
0x12d: {  	v3 =	vbroadcast v2, $0xE;
	v0 =	vbroadcast v2, $0xF;
	v35 =	vld [tilespmem:s29+$0x0]  }
0x12e: {  	v7 =	vbroadcast v2, $0xC;
	v4 =	vbroadcast v2, $0xD;
	v36 =	vld [tilespmem:s29+$0x10]  }
0x12f: {  	v12 =	vbroadcast v2, $0xA;
	v11 =	vbroadcast v2, $0xB;
	v37 =	vld [tilespmem:s29+$0xFFFFFFC0]  }
0x130: {  	v16 =	vbroadcast v2, $0x8;
	v14 =	vbroadcast v2, $0x9;
	v38 =	vld [tilespmem:s29+$0xFFFFFFD0]  }
0x131: {  	v22 =	vbroadcast v2, $0x6;
	v19 =	vbroadcast v2, $0x7;
	v39 =	vld [tilespmem:s29+$0xFFFFFF80]  }
0x132: {  	v24 =	vbroadcast v2, $0x4;
	v23 =	vbroadcast v2, $0x5;
	v40 =	vld [tilespmem:s29+$0xFFFFFF90]  }
0x133: {  	v27 =	vbroadcast v2, $0x2;
	v25 =	vbroadcast v2, $0x3;
	v41 =	vld [tilespmem:s29+$0xFFFFFF40]  }
0x134: {  	v32 =	vbroadcast v2, $0x0;
	v31 =	vbroadcast v2, $0x1;
	v43 =	vld [tilespmem:s29+$0xFFFFFF50]  }
0x135: {  	v6 =	vmul.f32 v18, v0;
	v5 =	vmul.f32 v21, v0;
	v42 =	vld [tilespmem:s29+$0xFFFFFF00]  }
.Ltmp1:
0x136: {  	v10 =	vmul.f32 v13, v3;
	v9 =	vmul.f32 v15, v3;
	v44 =	vld [tilespmem:s29+$0xFFFFFF10];
	(pc) =	sbr.rel @p0 .LBB2_5-.Ltmp1, $4  }
0x137: {  	v13 =	vmul.f32 v20, v4;
	v2 =	vmul.f32 v17, v4;
	v45 =	vld [tilespmem:s29+$0xFFFFFEC0]  }
0x138: {  	v15 =	vmul.f32 v1, v7;
	v1 =	vmul.f32 v47, v7;
	v46 =	vld [tilespmem:s29+$0xFFFFFED0]  }
0x139: {  	v18 =	vmul.f32 v48, v11;
	v17 =	vmul.f32 v49, v11;
	v47 =	vld [tilespmem:s29+$0xFFFFFE80]  }
0x13a: {  	s30 =	sadd.s32 $0x40, s30;
	v21 =	vmul.f32 v50, v12;
	v20 =	vmul.f32 v51, v12;
	v48 =	vld [tilespmem:s29+$0xFFFFFE90]  }
0x13b: {  	v8 =	vld [tilespmem:s29+$0xFFFFFE40]  }
0x13c: {  	v33 =	vmul.f32 v33, v14;
	v49 =	vld [tilespmem:s29+$0xFFFFFE50];
	v35 =	vmul.f32 v35, v16  }
0x13d: {  	v50 =	vld [tilespmem:s29+$0xFFFFFE00];
	v37 =	vmul.f32 v37, v19;
	v38 =	vmul.f32 v38, v19  }
0x13e: {  	v51 =	vld [tilespmem:s29+$0xFFFFFE10];
	v39 =	vmul.f32 v39, v22;
	v40 =	vmul.f32 v40, v22  }
0x13f: {  	v52 =	vld [tilespmem:s29+$0xFFFFFE20];
	v41 =	vmul.f32 v41, v23;
	v43 =	vmul.f32 v43, v23  }
0x140: {  	v53 =	vld [tilespmem:s29+$0xFFFFFE30];
	v42 =	vmul.f32 v42, v24;
	v44 =	vmul.f32 v44, v24  }
0x141: {  	v54 =	vld [tilespmem:s29+$0xFFFFFE60];
	v45 =	vmul.f32 v45, v25;
	v46 =	vmul.f32 v46, v25  }
0x142: {  	v55 =	vld [tilespmem:s29+$0xFFFFFE70];
	v47 =	vmul.f32 v47, v27;
	v48 =	vmul.f32 v48, v27  }
0x143: {  	v56 =	vld [tilespmem:s29+$0xFFFFFEA0];
	v8 =	vmul.f32 v8, v31;
	v50 =	vmul.f32 v32, v50  }
0x144: {  	v57 =	vld [tilespmem:s29+$0xFFFFFEB0];
	v51 =	vmul.f32 v32, v51;
	v52 =	vmul.f32 v52, v32  }
0x145: {  	v62 =	vld [tilespmem:s29+$0xFFFFFEE0];
	v49 =	vmul.f32 v49, v31;
	v61 =	vmul.f32 v53, v32  }
0x146: {  	v63 =	vmul.f32 v54, v31;
	v54 =	vld [tilespmem:s29+$0xFFFFFEF0];
	v26 =	vadd.f32 v50, v26;
	v28 =	vadd.f32 v51, v28  }
0x147: {  	v58 =	vld [tilespmem:s29+$0xFFFFFF20];
	v31 =	vmul.f32 v55, v31;
	v29 =	vadd.f32 v52, v29;
	v30 =	vadd.f32 v61, v30  }
0x148: {  	v59 =	vld [tilespmem:s29+$0xFFFFFF30];
	v8 =	vadd.f32 v8, v26;
	v26 =	vadd.f32 v49, v28;
	v28 =	vmul.f32 v56, v27  }
0x149: {  	v29 =	vadd.f32 v63, v29;
	v30 =	vadd.f32 v31, v30;
	v27 =	vmul.f32 v57, v27;
	v31 =	vld [tilespmem:s29+$0xFFFFFF60]  }
0x14a: {  	v60 =	vmul.f32 v62, v25;
	v61 =	vld [tilespmem:s29+$0xFFFFFF70];
	v8 =	vadd.f32 v47, v8;
	v26 =	vadd.f32 v48, v26  }
0x14b: {  	v25 =	vmul.f32 v54, v25;
	v28 =	vadd.f32 v28, v29;
	v27 =	vadd.f32 v27, v30;
	v29 =	vld [tilespmem:s29+$0xFFFFFFA0]  }
0x14c: {  	v62 =	vld [tilespmem:s29+$0xFFFFFFB0];
	v30 =	vmul.f32 v58, v24;
	v8 =	vadd.f32 v45, v8;
	v26 =	vadd.f32 v46, v26  }
0x14d: {  	v24 =	vmul.f32 v59, v24;
	v28 =	vadd.f32 v60, v28;
	v25 =	vadd.f32 v25, v27;
	v27 =	vld [tilespmem:s29+$0xFFFFFFE0]  }
0x14e: {  	v63 =	vld [tilespmem:s29+$0xFFFFFFF0];
	v31 =	vmul.f32 v31, v23;
	v8 =	vadd.f32 v42, v8;
	v26 =	vadd.f32 v44, v26  }
0x14f: {  	v23 =	vmul.f32 v61, v23;
	v28 =	vadd.f32 v30, v28;
	v24 =	vadd.f32 v24, v25;
	v25 =	vld [tilespmem:s29+$0x20]  }
0x150: {  	v30 =	vld [tilespmem:s29+$0x30];
	v29 =	vmul.f32 v29, v22;
	v8 =	vadd.f32 v41, v8;
	v26 =	vadd.f32 v43, v26  }
0x151: {  	v22 =	vmul.f32 v62, v22;
	v28 =	vadd.f32 v31, v28;
	v23 =	vadd.f32 v23, v24;
	v24 =	vld [tilespmem:s29+$0x60]  }
0x152: {  	v31 =	vld [tilespmem:s29+$0x70];
	v27 =	vmul.f32 v27, v19;
	v8 =	vadd.f32 v39, v8;
	v26 =	vadd.f32 v40, v26  }
0x153: {  	v19 =	vmul.f32 v63, v19;
	v28 =	vadd.f32 v29, v28;
	v22 =	vadd.f32 v22, v23;
	v23 =	vld [tilespmem:s29+$0xA0]  }
0x154: {  	v36 =	vmul.f32 v36, v16;
	v29 =	vld [tilespmem:s29+$0xB0];
	v8 =	vadd.f32 v37, v8;
	v26 =	vadd.f32 v38, v26  }
0x155: {  	v25 =	vmul.f32 v25, v16;
	v27 =	vadd.f32 v27, v28;
	v19 =	vadd.f32 v19, v22;
	v22 =	vld [tilespmem:s29+$0xE0]  }
0x156: {  	v34 =	vmul.f32 v34, v14;
	v16 =	vmul.f32 v30, v16;
	v28 =	vld [tilespmem:s29+$0xF0];
	v8 =	vadd.f32 v35, v8  }
0x157: {  	v24 =	vmul.f32 v24, v14;
	v26 =	vadd.f32 v36, v26;
	v25 =	vadd.f32 v25, v27;
	v27 =	vld [tilespmem:$0x13800]  }
0x158: {  	v14 =	vmul.f32 v31, v14;
	v16 =	vadd.f32 v16, v19;
	v19 =	vld [tilespmem:s29+$0x120];
	v8 =	vadd.f32 v33, v8  }
0x159: {  	v23 =	vmul.f32 v23, v12;
	v26 =	vadd.f32 v34, v26;
	v24 =	vadd.f32 v24, v25;
	v25 =	vld [tilespmem:s29+$0x130]  }
0x15a: {  	v12 =	vmul.f32 v29, v12;
	v14 =	vadd.f32 v14, v16;
	v16 =	vld [tilespmem:s29+$0x160];
	v8 =	vadd.f32 v21, v8  }
0x15b: {  	v20 =	vadd.f32 v20, v26;
	v21 =	vmul.f32 v22, v11;
	v22 =	vld [tilespmem:s29+$0x170];
	v23 =	vadd.f32 v23, v24  }
0x15c: {  	v12 =	vadd.f32 v12, v14;
	v11 =	vmul.f32 v28, v11;
	(erf) = vrcp.f32 v27  }
0x15d: {  	v8 =	vadd.f32 v18, v8;
	v17 =	vadd.f32 v17, v20;
	v18 =	vmul.f32 v19, v7  }
0x15e: {  	v14 =	vld [tilespmem:s29+$0x1A0];
	v20 =	vadd.f32 v21, v23;
	v11 =	vadd.f32 v11, v12;
	v7 =	vmul.f32 v25, v7  }
0x15f: {  	v19 =	vld [tilespmem:s29+$0x1B0];
	v8 =	vadd.f32 v15, v8;
	v1 =	vadd.f32 v1, v17  }
0x160: {  	v12 =	vld [tilespmem:s29+$0x1E0];
	v15 =	vmul.f32 v16, v4;
	v7 =	vadd.f32 v7, v11;
	v4 =	vmul.f32 v22, v4  }
0x161: {  	v16 =	vld [tilespmem:s29+$0x1F0];
	v17 =	vadd.f32 v18, v20;
	v8 =	vadd.f32 v13, v8  }
0x162: {  	v1 =	vadd.f32 v2, v1;
	v4 =	vadd.f32 v4, v7  }
0x163: {  	v2 =	vmul.f32 v14, v3;
	v11 =	vadd.f32 v15, v17;
	v8 =	vadd.f32 v10, v8  }
0x164: {  	v3 =	vmul.f32 v19, v3;
	v1 =	vadd.f32 v9, v1  }
0x165: {  	v7 =	vmul.f32 v12, v0;
	v2 =	vadd.f32 v2, v11;
	v6 =	vadd.f32 v6, v8  }
0x166: {  	v3 =	vadd.f32 v3, v4;
	v0 =	vmul.f32 v16, v0;
	v1 =	vadd.f32 v5, v1;
	v4 =	vpop (erf)  }
0x167: {  	s1 =	sshll.u32 s25, $0x7;
	v2 =	vadd.f32 v7, v2;
	v5 =	vmul.f32 v4, v6  }
0x168: {  	s1 =	sand.u32 $0x3FFFFF80, s1;
	v0 =	vadd.f32 v0, v3;
	v1 =	vmul.f32 v4, v1  }
0x169: {  	v2 =	vmul.f32 v4, v2;
	[tilespmem:s1+$0x13820] =	vst v5  }
0x16a: {  	v0 =	vmul.f32 v4, v0;
	[tilespmem:s1+$0x13830] =	vst v1  }
0x16b: {  	[tilespmem:s1+$0x13840] =	vst v2  }
0x16c: {  	p0 =	seq.s32 s25, $0x3F;
	[tilespmem:s1+$0x13850] =	vst v0  }
0x16d: {  	v0 =	vld @!p0 [tilespmem:s28+$0x69A0]  }
0x16e: {  	v1 =	vld @!p0 [tilespmem:s28+$0x69B0]  }
0x16f: {  	v2 =	vld @!p0 [tilespmem:s28+$0x69C0]  }
0x170: {  	v3 =	vld @!p0 [tilespmem:s28+$0x69D0]  }
0x171: {  	v4 =	vld @!p0 [tilespmem:s28+$0x69E0]  }
0x172: {  	v5 =	vld @!p0 [tilespmem:s28+$0x69F0]  }
0x173: {  	v0 =	vadd.s32 @!p0 v0, v1;
	v1 =	vld @!p0 [tilespmem:s28+$0x6A00]  }
0x174: {  	v0 =	vadd.s32 @!p0 v2, v0;
	v2 =	vld @!p0 [tilespmem:s28+$0x6A10]  }
0x175: {  	v0 =	vadd.s32 @!p0 v3, v0;
	v3 =	vld @!p0 [tilespmem:s28+$0x6A20]  }
0x176: {  	v0 =	vadd.s32 @!p0 v4, v0;
	v4 =	vld @!p0 [tilespmem:s28+$0x6A30]  }
0x177: {  	v0 =	vadd.s32 @!p0 v5, v0;
	v5 =	vld @!p0 [tilespmem:s28+$0x6A40]  }
0x178: {  	v0 =	vadd.s32 @!p0 v1, v0;
	v1 =	vld @!p0 [tilespmem:s28+$0x6A50]  }
0x179: {  	v0 =	vadd.s32 @!p0 v2, v0;
	v2 =	vld @!p0 [tilespmem:s28+$0x6A60]  }
0x17a: {  	v0 =	vadd.s32 @!p0 v3, v0  }
0x17b: {  	v0 =	vadd.s32 @!p0 v4, v0  }
0x17c: {  	v0 =	vadd.s32 @!p0 v5, v0  }
0x17d: {  	v0 =	vadd.s32 @!p0 v1, v0  }
0x17e: {  	v0 =	vadd.s32 @!p0 v2, v0  }
0x17f: {  	(xrf0) =	vadd.scan.msk.s32 @!p0 $0xffff, v0;
	_ =	sdelay $0x5  }
0x180: {  	v0, _, _ =	vpop @!p0 (xrf0)  }
0x181: {  	(v2sf) =	vpush @!p0 v0, $0xF;
	_ =	sdelay $0xe  }
0x182: {  	s1 =	spop @!p0 (v2sf)  }
0x183: {  	s1 =	scvt.s32.f32 @!p0 s1;
	_ =	sdelay $0x1  }
0x184: {  	v0 =	vmov @!p0 s1  }
0x185: {  	v0 =	vmax.f32 @!p0 v0, $1.000000000e+00  }
0x186: {  	v0 =	vbroadcast @!p0 v0, $0x0;
	_ =	sdelay $0x1  }
0x187: {  	s30 =	simm.s32 @!p0 $0xD000;
	s29 =	simm.s32 @!p0 $0x80;
	s1 =	sadd.s32 @!p0 $0x1A0, s28;
	[tilespmem:$0x13800] =	vst @!p0 v0  }
0x188: {  	[tilespmem:s30], [sflag:$0x1] =	stream.indirect.gather @!p0 [hbm4b:s3+s29], $0x40, s1, s29, $0xb8;
	[tilespmem:$0x15820] =	vst v63  }
0x189: {  	s1 =	sadd.s32 @!p0 $0x220, s28;
	s28 =	simm.s32 @!p0 $0x50;
	s29 =	simm.s32 @!p0 $0x11000  }
0x18a: {  	[tilespmem:s29], [sflag:$0x3] =	stream.indirect.gather @!p0 [hbm4b:s3+s28], $0x40, s1, s28, $0xb8;
	[tilespmem:$0x15820] =	vst v63  }
0x18b: {  	_ =	swait.ge [sflag:s17], $0x2000  }
0x18c: {  	[sflag:s17] =	ssyncset.done $0x0  }
0x18d: {  	[sflag:s17] =	ssyncadd.s32 $0xFFFFE000  }
0x18e: {  	_ =	swait.ge [sflag:s18], $0x1400  }
0x18f: {  	[sflag:s18] =	ssyncset.done $0x0  }
0x190: {  	s28 =	simm.s32 $0xF3F0;
	[sflag:s18] =	ssyncadd.s32 $0xFFFFEC00  }
0x191: {  	v1 =	vld [tilespmem:s28+$0xFFFFFFD0]  }
0x192: {  	v5 =	vld [tilespmem:s28+$0xFFFFFFE0]  }
0x193: {  	v8 =	vmov s23;
	v6 =	vld [tilespmem:s28+$0xFFFFFF90]  }
0x194: {  	v9 =	vld [tilespmem:s28+$0xFFFFFFA0]  }
0x195: {  	v10 =	vld [tilespmem:s28+$0xFFFFFF50]  }
0x196: {  	v13 =	vld [tilespmem:s28+$0xFFFFFF60]  }
0x197: {  	s29 =	simm.s32 $0x0;
	v14 =	vld [tilespmem:s28+$0xFFFFFF10]  }
0x198: {  	v0 =	vld.idx.msk [tilespmem:v8+s29+$0x0 ss:$0x1], $0xffff  }
0x199: {  	v17 =	vld [tilespmem:s28+$0xFFFFFF20]  }
0x19a: {  	v18 =	vld [tilespmem:s28+$0xFFFFFED0]  }
0x19b: {  	v20 =	vld [tilespmem:s28+$0xFFFFFEE0]  }
0x19c: {  	v21 =	vld [tilespmem:s28+$0xFFFFFE90]  }
0x19d: {  	v29 =	vld [tilespmem:s28+$0xFFFFFEA0]  }
0x19e: {  	v31 =	vld [tilespmem:s28+$0xFFFFFE50];
	v2 =	vcvt.s32.f32 v0  }
0x19f: {  	v34 =	vld [tilespmem:s28+$0xFFFFFE60]  }
0x1a0: {  	v32 =	vld [tilespmem:s28+$0xFFFFFE10];
	v3 =	vbroadcast v2, $0xE;
	v0 =	vbroadcast v2, $0xF  }
0x1a1: {  	v37 =	vld [tilespmem:s28+$0xFFFFFE20];
	v7 =	vbroadcast v2, $0xC;
	v4 =	vbroadcast v2, $0xD  }
0x1a2: {  	v27 =	vld [tilespmem:s28+$0xFFFFFDD0];
	v12 =	vbroadcast v2, $0xA;
	v11 =	vbroadcast v2, $0xB  }
0x1a3: {  	v35 =	vld [tilespmem:s28+$0xFFFFFDE0];
	v16 =	vbroadcast v2, $0x8;
	v15 =	vbroadcast v2, $0x9  }
0x1a4: {  	v38 =	vld [tilespmem:s28+$0xFFFFFD90];
	v22 =	vbroadcast v2, $0x6;
	v19 =	vbroadcast v2, $0x7  }
0x1a5: {  	v40 =	vld [tilespmem:s28+$0xFFFFFDA0];
	v24 =	vbroadcast v2, $0x4;
	v23 =	vbroadcast v2, $0x5  }
0x1a6: {  	v36 =	vld [tilespmem:s28+$0xFFFFFD50];
	v26 =	vbroadcast v2, $0x2;
	v25 =	vbroadcast v2, $0x3  }
0x1a7: {  	v39 =	vld [tilespmem:s28+$0xFFFFFD60];
	v44 =	vbroadcast v2, $0x0;
	v41 =	vbroadcast v2, $0x1  }
0x1a8: {  	v42 =	vld [tilespmem:s28+$0xFFFFFD10];
	v2 =	vmul.f32 v1, v0;
	v1 =	vmul.f32 v5, v0  }
0x1a9: {  	v43 =	vld [tilespmem:s28+$0xFFFFFD20];
	v6 =	vmul.f32 v6, v3;
	v5 =	vmul.f32 v9, v3  }
0x1aa: {  	v30 =	vimm.f32 $0.0e+00;
	v45 =	vld [tilespmem:s28+$0xFFFFFCD0];
	v10 =	vmul.f32 v10, v4;
	v9 =	vmul.f32 v13, v4  }
0x1ab: {  	v33 =	vimm.f32 $0.0e+00;
	v46 =	vld [tilespmem:s28+$0xFFFFFCE0];
	v14 =	vmul.f32 v14, v7;
	v13 =	vmul.f32 v17, v7  }
0x1ac: {  	v28 =	vimm.f32 $0.0e+00;
	v47 =	vld [tilespmem:s28+$0xFFFFFC90];
	v17 =	vmul.f32 v18, v11;
	v18 =	vmul.f32 v20, v11  }
0x1ad: {  	s30 =	simm.s32 $0x40;
	v48 =	vld [tilespmem:s28+$0xFFFFFCA0];
	v20 =	vmul.f32 v21, v12;
	v21 =	vmul.f32 v29, v12;
	v29 =	vimm.f32 $0.0e+00  }
.LBB2_7:
0x1ae: {  	p0 =	sne.s32 s30, $0x1C0;
	v49 =	vld [tilespmem:s28+$0xFFFFFC50];
	v31 =	vmul.f32 v31, v15;
	v34 =	vmul.f32 v34, v15  }
0x1af: {  	v32 =	vmul.f32 v32, v16;
	v37 =	vmul.f32 v37, v16;
	v50 =	vld [tilespmem:s28+$0xFFFFFC60]  }
0x1b0: {  	v27 =	vmul.f32 v27, v19;
	v35 =	vmul.f32 v35, v19;
	v51 =	vld [tilespmem:s28+$0xFFFFFC10]  }
0x1b1: {  	v38 =	vmul.f32 v38, v22;
	v40 =	vmul.f32 v40, v22;
	v52 =	vld [tilespmem:s28+$0xFFFFFC20]  }
0x1b2: {  	v36 =	vmul.f32 v36, v23;
	v39 =	vmul.f32 v39, v23;
	v53 =	vld [tilespmem:s28+$0xFFFFFC30]  }
0x1b3: {  	v42 =	vmul.f32 v42, v24;
	v43 =	vmul.f32 v43, v24;
	v54 =	vld [tilespmem:s28+$0xFFFFFC40]  }
0x1b4: {  	v45 =	vmul.f32 v45, v25;
	v46 =	vmul.f32 v46, v25;
	v55 =	vld [tilespmem:s28+$0xFFFFFC70]  }
0x1b5: {  	v47 =	vmul.f32 v47, v26;
	v48 =	vmul.f32 v48, v26;
	v56 =	vld [tilespmem:s28+$0xFFFFFC80]  }
0x1b6: {  	v49 =	vmul.f32 v49, v41;
	v50 =	vmul.f32 v50, v41;
	v57 =	vld [tilespmem:s28+$0xFFFFFCB0]  }
0x1b7: {  	v51 =	vmul.f32 v44, v51;
	v52 =	vmul.f32 v44, v52;
	v58 =	vld [tilespmem:s28+$0xFFFFFCC0]  }
0x1b8: {  	v53 =	vmul.f32 v53, v44;
	v44 =	vmul.f32 v54, v44;
	v54 =	vld [tilespmem:s28+$0xFFFFFCF0]  }
0x1b9: {  	v28 =	vadd.f32 v51, v28;
	v33 =	vadd.f32 v52, v33;
	v51 =	vmul.f32 v55, v41;
	v52 =	vld [tilespmem:s28+$0xFFFFFD00]  }
0x1ba: {  	v30 =	vadd.f32 v53, v30;
	v29 =	vadd.f32 v44, v29;
	v41 =	vmul.f32 v56, v41;
	v44 =	vld [tilespmem:s28+$0xFFFFFD30]  }
0x1bb: {  	v28 =	vadd.f32 v49, v28;
	v33 =	vadd.f32 v50, v33;
	v49 =	vmul.f32 v57, v26;
	v50 =	vld [tilespmem:s28+$0xFFFFFD40]  }
0x1bc: {  	v30 =	vadd.f32 v51, v30;
	v29 =	vadd.f32 v41, v29;
	v26 =	vmul.f32 v58, v26;
	v41 =	vld [tilespmem:s28+$0xFFFFFD70]  }
0x1bd: {  	v28 =	vadd.f32 v47, v28;
	v33 =	vadd.f32 v48, v33;
	v47 =	vmul.f32 v54, v25;
	v48 =	vld [tilespmem:s28+$0xFFFFFD80]  }
0x1be: {  	v30 =	vadd.f32 v49, v30;
	v26 =	vadd.f32 v26, v29;
	v25 =	vmul.f32 v52, v25;
	v29 =	vld [tilespmem:s28+$0xFFFFFDB0]  }
0x1bf: {  	v28 =	vadd.f32 v45, v28;
	v33 =	vadd.f32 v46, v33;
	v44 =	vmul.f32 v44, v24;
	v45 =	vld [tilespmem:s28+$0xFFFFFDC0]  }
0x1c0: {  	v30 =	vadd.f32 v47, v30;
	v25 =	vadd.f32 v25, v26;
	v24 =	vmul.f32 v50, v24;
	v26 =	vld [tilespmem:s28+$0xFFFFFDF0]  }
0x1c1: {  	v28 =	vadd.f32 v42, v28;
	v33 =	vadd.f32 v43, v33;
	v41 =	vmul.f32 v41, v23;
	v42 =	vld [tilespmem:s28+$0xFFFFFE00]  }
0x1c2: {  	v30 =	vadd.f32 v44, v30;
	v24 =	vadd.f32 v24, v25;
	v23 =	vmul.f32 v48, v23;
	v25 =	vld [tilespmem:s28+$0xFFFFFE30]  }
0x1c3: {  	v28 =	vadd.f32 v36, v28;
	v33 =	vadd.f32 v39, v33;
	v29 =	vmul.f32 v29, v22;
	v36 =	vld [tilespmem:s28+$0xFFFFFE40]  }
0x1c4: {  	v30 =	vadd.f32 v41, v30;
	v23 =	vadd.f32 v23, v24;
	v22 =	vmul.f32 v45, v22;
	v24 =	vld [tilespmem:s28+$0xFFFFFE70]  }
0x1c5: {  	v28 =	vadd.f32 v38, v28;
	v33 =	vadd.f32 v40, v33;
	v26 =	vmul.f32 v26, v19;
	v38 =	vld [tilespmem:s28+$0xFFFFFE80]  }
0x1c6: {  	v29 =	vadd.f32 v29, v30;
	v22 =	vadd.f32 v22, v23;
	v19 =	vmul.f32 v42, v19;
	v23 =	vld [tilespmem:s28+$0xFFFFFEB0]  }
0x1c7: {  	v27 =	vadd.f32 v27, v28;
	v28 =	vadd.f32 v35, v33;
	v25 =	vmul.f32 v25, v16;
	v30 =	vld [tilespmem:s28+$0xFFFFFEC0]  }
0x1c8: {  	v26 =	vadd.f32 v26, v29;
	v19 =	vadd.f32 v19, v22;
	v16 =	vmul.f32 v36, v16;
	v22 =	vld [tilespmem:s28+$0xFFFFFEF0]  }
0x1c9: {  	v27 =	vadd.f32 v32, v27;
	v28 =	vadd.f32 v37, v28;
	v24 =	vmul.f32 v24, v15;
	v29 =	vld [tilespmem:s28+$0xFFFFFF00]  }
0x1ca: {  	v25 =	vadd.f32 v25, v26;
	v16 =	vadd.f32 v16, v19;
	v15 =	vmul.f32 v38, v15;
	v19 =	vld [tilespmem:s28+$0xFFFFFF30]  }
0x1cb: {  	v26 =	vadd.f32 v31, v27;
	v27 =	vadd.f32 v34, v28;
	v23 =	vmul.f32 v23, v12;
	v28 =	vld [tilespmem:s28+$0xFFFFFF40]  }
0x1cc: {  	v24 =	vadd.f32 v24, v25;
	v15 =	vadd.f32 v15, v16;
	v12 =	vmul.f32 v30, v12;
	v16 =	vld [tilespmem:s28+$0xFFFFFF70]  }
0x1cd: {  	v20 =	vadd.f32 v20, v26;
	v21 =	vadd.f32 v21, v27;
	v22 =	vmul.f32 v22, v11;
	v25 =	vld [tilespmem:s28+$0xFFFFFF80]  }
0x1ce: {  	v23 =	vadd.f32 v23, v24;
	v12 =	vadd.f32 v12, v15;
	v11 =	vmul.f32 v29, v11;
	v15 =	vld [tilespmem:s28+$0xFFFFFFB0]  }
0x1cf: {  	v17 =	vadd.f32 v17, v20;
	v18 =	vadd.f32 v18, v21;
	v19 =	vmul.f32 v19, v7;
	v20 =	vld [tilespmem:s28+$0xFFFFFFC0]  }
0x1d0: {  	v21 =	vadd.f32 v22, v23;
	v11 =	vadd.f32 v11, v12;
	v7 =	vmul.f32 v28, v7;
	v12 =	vld [tilespmem:s28+$0xFFFFFFF0]  }
0x1d1: {  	v14 =	vadd.f32 v14, v17;
	v13 =	vadd.f32 v13, v18;
	v16 =	vmul.f32 v16, v4;
	v17 =	vld [tilespmem:s28+$0x0];
	s28 =	sadd.s32 $0x400, s28  }
0x1d2: {  	v19 =	vadd.f32 v19, v21;
	v18 =	vld [tilespmem:s28+$0xFFFFFFD0];
	v7 =	vadd.f32 v7, v11;
	v4 =	vmul.f32 v25, v4  }
0x1d3: {  	v10 =	vadd.f32 v10, v14;
	v9 =	vadd.f32 v9, v13;
	v21 =	vld [tilespmem:s28+$0xFFFFFFE0];
	v11 =	vmul.f32 v15, v3  }
0x1d4: {  	v14 =	vadd.f32 v16, v19;
	v13 =	vld [tilespmem:s28+$0xFFFFFF90];
	v4 =	vadd.f32 v4, v7;
	v3 =	vmul.f32 v20, v3  }
0x1d5: {  	v6 =	vadd.f32 v6, v10;
	v5 =	vadd.f32 v5, v9;
	v20 =	vld [tilespmem:s28+$0xFFFFFFA0];
	v7 =	vmul.f32 v12, v0  }
0x1d6: {  	v10 =	vadd.f32 v11, v14;
	v9 =	vld [tilespmem:s28+$0xFFFFFF50];
	v3 =	vadd.f32 v3, v4;
	v0 =	vmul.f32 v17, v0  }
0x1d7: {  	v28 =	vadd.f32 v2, v6;
	v33 =	vadd.f32 v1, v5;
	v14 =	vld [tilespmem:s28+$0xFFFFFF60]  }
0x1d8: {  	s1 =	sshra.s32 s30, $0x2;
	v30 =	vadd.f32 v7, v10;
	v17 =	vld [tilespmem:s28+$0xFFFFFF10];
	v29 =	vadd.f32 v0, v3  }
0x1d9: {  	v0 =	vld.idx.msk [tilespmem:v8+s1+$0x0 ss:$0x1], $0xffff  }
0x1da: {  	v47 =	vld [tilespmem:s28+$0xFFFFFF20]  }
0x1db: {  	v48 =	vld [tilespmem:s28+$0xFFFFFED0]  }
0x1dc: {  	v49 =	vld [tilespmem:s28+$0xFFFFFEE0]  }
0x1dd: {  	v50 =	vld [tilespmem:s28+$0xFFFFFE90]  }
0x1de: {  	v51 =	vld [tilespmem:s28+$0xFFFFFEA0]  }
0x1df: {  	v1 =	vcvt.s32.f32 v0;
	v31 =	vld [tilespmem:s28+$0xFFFFFE50]  }
0x1e0: {  	v34 =	vld [tilespmem:s28+$0xFFFFFE60]  }
0x1e1: {  	v3 =	vbroadcast v1, $0xE;
	v0 =	vbroadcast v1, $0xF;
	v32 =	vld [tilespmem:s28+$0xFFFFFE10]  }
0x1e2: {  	v7 =	vbroadcast v1, $0xC;
	v4 =	vbroadcast v1, $0xD;
	v37 =	vld [tilespmem:s28+$0xFFFFFE20]  }
0x1e3: {  	v12 =	vbroadcast v1, $0xA;
	v11 =	vbroadcast v1, $0xB;
	v27 =	vld [tilespmem:s28+$0xFFFFFDD0]  }
0x1e4: {  	v16 =	vbroadcast v1, $0x8;
	v15 =	vbroadcast v1, $0x9;
	v35 =	vld [tilespmem:s28+$0xFFFFFDE0]  }
0x1e5: {  	v22 =	vbroadcast v1, $0x6;
	v19 =	vbroadcast v1, $0x7;
	v38 =	vld [tilespmem:s28+$0xFFFFFD90]  }
0x1e6: {  	v24 =	vbroadcast v1, $0x4;
	v23 =	vbroadcast v1, $0x5;
	v40 =	vld [tilespmem:s28+$0xFFFFFDA0]  }
0x1e7: {  	v26 =	vbroadcast v1, $0x2;
	v25 =	vbroadcast v1, $0x3;
	v36 =	vld [tilespmem:s28+$0xFFFFFD50]  }
0x1e8: {  	v44 =	vbroadcast v1, $0x0;
	v41 =	vbroadcast v1, $0x1;
	v39 =	vld [tilespmem:s28+$0xFFFFFD60]  }
0x1e9: {  	v2 =	vmul.f32 v18, v0;
	v1 =	vmul.f32 v21, v0;
	v42 =	vld [tilespmem:s28+$0xFFFFFD10]  }
.Ltmp2:
0x1ea: {  	v6 =	vmul.f32 v13, v3;
	v5 =	vmul.f32 v20, v3;
	v43 =	vld [tilespmem:s28+$0xFFFFFD20];
	(pc) =	sbr.rel @p0 .LBB2_7-.Ltmp2, $4  }
0x1eb: {  	v10 =	vmul.f32 v9, v4;
	v9 =	vmul.f32 v14, v4;
	v45 =	vld [tilespmem:s28+$0xFFFFFCD0]  }
0x1ec: {  	v14 =	vmul.f32 v17, v7;
	v13 =	vmul.f32 v47, v7;
	v46 =	vld [tilespmem:s28+$0xFFFFFCE0]  }
0x1ed: {  	v17 =	vmul.f32 v48, v11;
	v18 =	vmul.f32 v49, v11;
	v47 =	vld [tilespmem:s28+$0xFFFFFC90]  }
0x1ee: {  	s30 =	sadd.s32 $0x40, s30;
	v20 =	vmul.f32 v50, v12;
	v21 =	vmul.f32 v51, v12;
	v48 =	vld [tilespmem:s28+$0xFFFFFCA0]  }
0x1ef: {  	v8 =	vld [tilespmem:s28+$0xFFFFFC50]  }
0x1f0: {  	v49 =	vld [tilespmem:s28+$0xFFFFFC60]  }
0x1f1: {  	v50 =	vld [tilespmem:s28+$0xFFFFFC10]  }
0x1f2: {  	v51 =	vld [tilespmem:s28+$0xFFFFFC20]  }
0x1f3: {  	v52 =	vld [tilespmem:s28+$0xFFFFFC30]  }
0x1f4: {  	v53 =	vld [tilespmem:s28+$0xFFFFFC40]  }
0x1f5: {  	v54 =	vld [tilespmem:s28+$0xFFFFFC70]  }
0x1f6: {  	v55 =	vld [tilespmem:s28+$0xFFFFFC80]  }
0x1f7: {  	v56 =	vld [tilespmem:s28+$0xFFFFFCB0]  }
0x1f8: {  	v63 =	vld [tilespmem:s28+$0xFFFFFD80]  }
0x1f9: {  	v57 =	vld [tilespmem:s28+$0xFFFFFCC0]  }
0x1fa: {  	v58 =	vld [tilespmem:s28+$0xFFFFFCF0]  }
0x1fb: {  	v59 =	vld [tilespmem:s28+$0xFFFFFD00]  }
0x1fc: {  	v60 =	vld [tilespmem:s28+$0xFFFFFD30]  }
0x1fd: {  	[tilespmem:$0x1FFC0] =	vst v63;
	v63 =	vld [tilespmem:s28+$0xFFFFFDB0]  }
0x1fe: {  	v61 =	vld [tilespmem:s28+$0xFFFFFD40];
	v47 =	vmul.f32 v47, v26;
	v48 =	vmul.f32 v48, v26  }
0x1ff: {  	v62 =	vld [tilespmem:s28+$0xFFFFFD70];
	v50 =	vmul.f32 v44, v50;
	v51 =	vmul.f32 v44, v51  }
0x200: {  	v56 =	vmul.f32 v56, v26;
	v26 =	vmul.f32 v57, v26;
	v57 =	vld [tilespmem:s28+$0xFFFFFEB0]  }
0x201: {  	v52 =	vmul.f32 v52, v44;
	v8 =	vmul.f32 v8, v41;
	v28 =	vadd.f32 v50, v28;
	v50 =	vld [tilespmem:s28+$0xFFFFFDC0]  }
0x202: {  	v49 =	vmul.f32 v49, v41;
	v33 =	vadd.f32 v51, v33;
	v51 =	vld [tilespmem:s28+$0xFFFFFDF0];
	[tilespmem:$0x1FFD0] =	vst v63;
	v63 =	vmul.f32 v53, v44  }
0x203: {  	v55 =	vmul.f32 v55, v41;
	v30 =	vadd.f32 v52, v30;
	v52 =	vmul.f32 v54, v41;
	v41 =	vld [tilespmem:s28+$0xFFFFFEC0]  }
0x204: {  	v54 =	vld [tilespmem:s28+$0xFFFFFF70];
	v29 =	vadd.f32 v63, v29  }
0x205: {  	v8 =	vadd.f32 v8, v28;
	v28 =	vadd.f32 v49, v33;
	v33 =	vld [tilespmem:s28+$0xFFFFFE30]  }
0x206: {  	v45 =	vmul.f32 v45, v25;
	v30 =	vadd.f32 v52, v30;
	v49 =	vld [tilespmem:s28+$0xFFFFFE40];
	v29 =	vadd.f32 v55, v29  }
0x207: {  	v46 =	vmul.f32 v46, v25;
	v52 =	vld [tilespmem:s28+$0xFFFFFE70];
	v8 =	vadd.f32 v47, v8;
	v28 =	vadd.f32 v48, v28  }
0x208: {  	v47 =	vld [tilespmem:s28+$0xFFFFFE80];
	v26 =	vadd.f32 v26, v29;
	v29 =	vmul.f32 v58, v25;
	v25 =	vmul.f32 v59, v25  }
0x209: {  	v42 =	vmul.f32 v42, v24;
	v43 =	vmul.f32 v43, v24;
	v63 =	vld [tilespmem:s28+$0xFFFFFE00];
	v28 =	vadd.f32 v46, v28  }
0x20a: {  	v46 =	vld [tilespmem:s28+$0xFFFFFF30];
	v25 =	vadd.f32 v25, v26;
	v26 =	vmul.f32 v60, v24;
	v24 =	vmul.f32 v61, v24  }
0x20b: {  	v31 =	vmul.f32 v31, v15;
	v30 =	vadd.f32 v56, v30;
	v8 =	vadd.f32 v45, v8;
	v61 =	vld [tilespmem:$0x1FFD0]  }
0x20c: {  	v34 =	vmul.f32 v34, v15;
	v32 =	vmul.f32 v32, v16;
	v24 =	vadd.f32 v24, v25;
	v25 =	vld [tilespmem:$0x1FFC0]  }
0x20d: {  	v37 =	vmul.f32 v37, v16;
	v8 =	vadd.f32 v42, v8;
	v42 =	vld [tilespmem:s28+$0xFFFFFF80];
	v29 =	vadd.f32 v29, v30  }
0x20e: {  	v36 =	vmul.f32 v36, v23;
	v39 =	vmul.f32 v39, v23;
	v28 =	vadd.f32 v43, v28;
	v58 =	vld [tilespmem:s28+$0xFFFFFEF0]  }
0x20f: {  	v27 =	vmul.f32 v27, v19;
	v59 =	vld [tilespmem:s28+$0xFFFFFF00];
	v60 =	vmul.f32 v62, v23;
	v26 =	vadd.f32 v26, v29  }
0x210: {  	v38 =	vmul.f32 v38, v22;
	v8 =	vadd.f32 v36, v8;
	v28 =	vadd.f32 v39, v28;
	v39 =	vld [tilespmem:s28+$0xFFFFFFF0]  }
0x211: {  	v30 =	vld [tilespmem:s28+$0xFFFFFF40];
	v26 =	vadd.f32 v60, v26;
	v36 =	vmul.f32 v61, v22;
	v23 =	vmul.f32 v25, v23  }
0x212: {  	v40 =	vmul.f32 v40, v22;
	v62 =	vmul.f32 v51, v19;
	v29 =	vld [tilespmem:s28+$0xFFFFFFB0]  }
0x213: {  	v22 =	vmul.f32 v50, v22;
	v25 =	vld [tilespmem:s28+$0xFFFFFFC0];
	v26 =	vadd.f32 v36, v26;
	v23 =	vadd.f32 v23, v24  }
0x214: {  	v35 =	vmul.f32 v35, v19;
	v8 =	vadd.f32 v38, v8;
	v28 =	vadd.f32 v40, v28;
	v24 =	vld [tilespmem:s28+$0x0];
	s28 =	simm.s32 $0x127F0  }
0x215: {  	v19 =	vmul.f32 v63, v19;
	v26 =	vadd.f32 v62, v26;
	v50 =	vld [tilespmem:s28+$0xFFFFFFD0];
	v22 =	vadd.f32 v22, v23  }
0x216: {  	v63 =	vld [tilespmem:s28+$0xFFFFFFE0];
	v23 =	vadd.f32 v27, v8;
	v27 =	vadd.f32 v35, v28;
	v28 =	vmul.f32 v33, v16  }
0x217: {  	v51 =	vld [tilespmem:s28+$0xFFFFFF90];
	v8 =	vmov s24;
	v16 =	vmul.f32 v49, v16;
	v19 =	vadd.f32 v19, v22  }
0x218: {  	v60 =	vld [tilespmem:s28+$0xFFFFFE90];
	v22 =	vadd.f32 v32, v23;
	v23 =	vadd.f32 v37, v27;
	v27 =	vmul.f32 v52, v15  }
0x219: {  	v61 =	vld [tilespmem:s28+$0xFFFFFEA0];
	v26 =	vadd.f32 v28, v26;
	v15 =	vmul.f32 v47, v15;
	v16 =	vadd.f32 v16, v19  }
0x21a: {  	v36 =	vld [tilespmem:s28+$0xFFFFFE20];
	v19 =	vadd.f32 v31, v22;
	v22 =	vadd.f32 v34, v23  }
0x21b: {  	v38 =	vld [tilespmem:s28+$0xFFFFFDE0];
	v23 =	vmul.f32 v57, v12;
	v26 =	vadd.f32 v27, v26;
	v15 =	vadd.f32 v15, v16  }
0x21c: {  	v12 =	vmul.f32 v41, v12;
	v16 =	vld.idx.msk [tilespmem:v8+s29+$0x0 ss:$0x1], $0xffff;
	v19 =	vadd.f32 v20, v19;
	v20 =	vadd.f32 v21, v22  }
0x21d: {  	v40 =	vld [tilespmem:s28+$0xFFFFFDA0];
	v21 =	vmul.f32 v58, v11;
	v22 =	vadd.f32 v23, v26;
	v11 =	vmul.f32 v59, v11  }
0x21e: {  	v43 =	vld [tilespmem:s28+$0xFFFFFD60];
	v23 =	vmul.f32 v42, v4;
	v26 =	vmul.f32 v29, v3;
	v12 =	vadd.f32 v12, v15  }
0x21f: {  	v44 =	vld [tilespmem:s28+$0xFFFFFD20];
	v15 =	vadd.f32 v17, v19;
	v17 =	vadd.f32 v18, v20;
	v18 =	vmul.f32 v46, v7  }
0x220: {  	v45 =	vld [tilespmem:s28+$0xFFFFFCD0];
	v19 =	vadd.f32 v21, v22;
	v7 =	vmul.f32 v30, v7;
	v21 =	vmul.f32 v54, v4  }
0x221: {  	v48 =	vld [tilespmem:s28+$0xFFFFFCA0];
	v30 =	vmul.f32 v24, v0;
	v29 =	vcvt.s32.f32 v16  }
0x222: {  	v49 =	vld [tilespmem:s28+$0xFFFFFFA0];
	v11 =	vadd.f32 v11, v12;
	v12 =	vadd.f32 v14, v15;
	v15 =	vmul.f32 v25, v3  }
0x223: {  	v33 =	vld [tilespmem:s28+$0xFFFFFE50];
	v13 =	vadd.f32 v13, v17;
	v17 =	vmul.f32 v39, v0;
	v3 =	vbroadcast v29, $0xE  }
0x224: {  	v35 =	vld [tilespmem:s28+$0xFFFFFE10];
	v24 =	vadd.f32 v7, v11;
	v0 =	vbroadcast v29, $0xF;
	v7 =	vbroadcast v29, $0xC  }
0x225: {  	v52 =	vld [tilespmem:s28+$0xFFFFFF50];
	v10 =	vadd.f32 v10, v12;
	v4 =	vbroadcast v29, $0xD;
	v12 =	vbroadcast v29, $0xA  }
0x226: {  	v28 =	vld [tilespmem:s28+$0xFFFFFF60];
	v11 =	vbroadcast v29, $0xB;
	v16 =	vbroadcast v29, $0x8  }
0x227: {  	v37 =	vld [tilespmem:s28+$0xFFFFFDD0];
	v18 =	vadd.f32 v18, v19;
	v14 =	vbroadcast v29, $0x9;
	v22 =	vbroadcast v29, $0x6  }
0x228: {  	v57 =	vld [tilespmem:s28+$0xFFFFFF10];
	v9 =	vadd.f32 v9, v13;
	v19 =	vbroadcast v29, $0x7;
	v27 =	vbroadcast v29, $0x2  }
0x229: {  	v58 =	vld [tilespmem:s28+$0xFFFFFF20];
	v13 =	vadd.f32 v21, v18;
	v25 =	vbroadcast v29, $0x3;
	v32 =	vbroadcast v29, $0x0  }
0x22a: {  	v59 =	vld [tilespmem:s28+$0xFFFFFED0];
	v31 =	vbroadcast v29, $0x1;
	v18 =	vadd.f32 v23, v24;
	v24 =	vbroadcast v29, $0x4  }
0x22b: {  	v20 =	vld [tilespmem:s28+$0xFFFFFEE0];
	v23 =	vbroadcast v29, $0x5;
	v21 =	vadd.f32 v6, v10;
	v6 =	vmul.f32 v50, v0  }
0x22c: {  	v47 =	vld [tilespmem:s28+$0xFFFFFC90];
	v62 =	vadd.f32 v5, v9;
	v5 =	vmul.f32 v63, v0;
	v10 =	vmul.f32 v51, v3  }
0x22d: {  	v34 =	vld [tilespmem:s28+$0xFFFFFE60];
	v29 =	vadd.f32 v26, v13;
	v9 =	vmul.f32 v49, v3;
	v13 =	vmul.f32 v52, v4  }
0x22e: {  	v41 =	vld [tilespmem:s28+$0xFFFFFD50];
	v63 =	vadd.f32 v15, v18;
	v26 =	vadd.f32 v2, v21;
	v2 =	vmul.f32 v28, v4  }
0x22f: {  	v42 =	vld [tilespmem:s28+$0xFFFFFD10];
	v28 =	vadd.f32 v1, v62;
	v15 =	vmul.f32 v57, v7;
	v1 =	vmul.f32 v58, v7  }
0x230: {  	v39 =	vld [tilespmem:s28+$0xFFFFFD90];
	v29 =	vadd.f32 v17, v29;
	v18 =	vmul.f32 v59, v11;
	v17 =	vmul.f32 v20, v11  }
0x231: {  	s29 =	simm.s32 $0x40;
	v46 =	vld [tilespmem:s28+$0xFFFFFCE0];
	v21 =	vmul.f32 v60, v12;
	v20 =	vmul.f32 v61, v12;
	v30 =	vadd.f32 v30, v63  }
.LBB2_9:
0x232: {  	p0 =	sne.s32 s29, $0x100;
	v49 =	vld [tilespmem:s28+$0xFFFFFC50];
	v33 =	vmul.f32 v33, v14;
	v34 =	vmul.f32 v34, v14  }
0x233: {  	v35 =	vmul.f32 v35, v16;
	v36 =	vmul.f32 v36, v16;
	v50 =	vld [tilespmem:s28+$0xFFFFFC60]  }
0x234: {  	v37 =	vmul.f32 v37, v19;
	v38 =	vmul.f32 v38, v19;
	v51 =	vld [tilespmem:s28+$0xFFFFFC10]  }
0x235: {  	v39 =	vmul.f32 v39, v22;
	v40 =	vmul.f32 v40, v22;
	v52 =	vld [tilespmem:s28+$0xFFFFFC20]  }
0x236: {  	v41 =	vmul.f32 v41, v23;
	v43 =	vmul.f32 v43, v23;
	v53 =	vld [tilespmem:s28+$0xFFFFFC30]  }
0x237: {  	v42 =	vmul.f32 v42, v24;
	v44 =	vmul.f32 v44, v24;
	v54 =	vld [tilespmem:s28+$0xFFFFFC40]  }
0x238: {  	v45 =	vmul.f32 v45, v25;
	v46 =	vmul.f32 v46, v25;
	v55 =	vld [tilespmem:s28+$0xFFFFFC70]  }
0x239: {  	v47 =	vmul.f32 v47, v27;
	v48 =	vmul.f32 v48, v27;
	v56 =	vld [tilespmem:s28+$0xFFFFFC80]  }
0x23a: {  	v49 =	vmul.f32 v49, v31;
	v50 =	vmul.f32 v50, v31;
	v57 =	vld [tilespmem:s28+$0xFFFFFCB0]  }
0x23b: {  	v51 =	vmul.f32 v32, v51;
	v52 =	vmul.f32 v32, v52;
	v58 =	vld [tilespmem:s28+$0xFFFFFCC0]  }
0x23c: {  	v53 =	vmul.f32 v53, v32;
	v32 =	vmul.f32 v54, v32;
	v54 =	vld [tilespmem:s28+$0xFFFFFCF0]  }
0x23d: {  	v26 =	vadd.f32 v51, v26;
	v28 =	vadd.f32 v52, v28;
	v51 =	vmul.f32 v55, v31;
	v52 =	vld [tilespmem:s28+$0xFFFFFD00]  }
0x23e: {  	v29 =	vadd.f32 v53, v29;
	v30 =	vadd.f32 v32, v30;
	v31 =	vmul.f32 v56, v31;
	v32 =	vld [tilespmem:s28+$0xFFFFFD30]  }
0x23f: {  	v26 =	vadd.f32 v49, v26;
	v28 =	vadd.f32 v50, v28;
	v49 =	vmul.f32 v57, v27;
	v50 =	vld [tilespmem:s28+$0xFFFFFD40]  }
0x240: {  	v29 =	vadd.f32 v51, v29;
	v30 =	vadd.f32 v31, v30;
	v27 =	vmul.f32 v58, v27;
	v31 =	vld [tilespmem:s28+$0xFFFFFD70]  }
0x241: {  	v26 =	vadd.f32 v47, v26;
	v28 =	vadd.f32 v48, v28;
	v47 =	vmul.f32 v54, v25;
	v48 =	vld [tilespmem:s28+$0xFFFFFD80]  }
0x242: {  	v29 =	vadd.f32 v49, v29;
	v27 =	vadd.f32 v27, v30;
	v25 =	vmul.f32 v52, v25;
	v30 =	vld [tilespmem:s28+$0xFFFFFDB0]  }
0x243: {  	v26 =	vadd.f32 v45, v26;
	v28 =	vadd.f32 v46, v28;
	v32 =	vmul.f32 v32, v24;
	v45 =	vld [tilespmem:s28+$0xFFFFFDC0]  }
0x244: {  	v29 =	vadd.f32 v47, v29;
	v25 =	vadd.f32 v25, v27;
	v24 =	vmul.f32 v50, v24;
	v27 =	vld [tilespmem:s28+$0xFFFFFDF0]  }
0x245: {  	v26 =	vadd.f32 v42, v26;
	v28 =	vadd.f32 v44, v28;
	v31 =	vmul.f32 v31, v23;
	v42 =	vld [tilespmem:s28+$0xFFFFFE00]  }
0x246: {  	v29 =	vadd.f32 v32, v29;
	v24 =	vadd.f32 v24, v25;
	v23 =	vmul.f32 v48, v23;
	v25 =	vld [tilespmem:s28+$0xFFFFFE30]  }
0x247: {  	v26 =	vadd.f32 v41, v26;
	v28 =	vadd.f32 v43, v28;
	v30 =	vmul.f32 v30, v22;
	v32 =	vld [tilespmem:s28+$0xFFFFFE40]  }
0x248: {  	v29 =	vadd.f32 v31, v29;
	v23 =	vadd.f32 v23, v24;
	v22 =	vmul.f32 v45, v22;
	v24 =	vld [tilespmem:s28+$0xFFFFFE70]  }
0x249: {  	v26 =	vadd.f32 v39, v26;
	v28 =	vadd.f32 v40, v28;
	v27 =	vmul.f32 v27, v19;
	v31 =	vld [tilespmem:s28+$0xFFFFFE80]  }
0x24a: {  	v29 =	vadd.f32 v30, v29;
	v22 =	vadd.f32 v22, v23;
	v19 =	vmul.f32 v42, v19;
	v23 =	vld [tilespmem:s28+$0xFFFFFEB0]  }
0x24b: {  	v26 =	vadd.f32 v37, v26;
	v28 =	vadd.f32 v38, v28;
	v25 =	vmul.f32 v25, v16;
	v30 =	vld [tilespmem:s28+$0xFFFFFEC0]  }
0x24c: {  	v27 =	vadd.f32 v27, v29;
	v19 =	vadd.f32 v19, v22;
	v16 =	vmul.f32 v32, v16;
	v22 =	vld [tilespmem:s28+$0xFFFFFEF0]  }
0x24d: {  	v26 =	vadd.f32 v35, v26;
	v28 =	vadd.f32 v36, v28;
	v24 =	vmul.f32 v24, v14;
	v29 =	vld [tilespmem:s28+$0xFFFFFF00]  }
0x24e: {  	v25 =	vadd.f32 v25, v27;
	v16 =	vadd.f32 v16, v19;
	v14 =	vmul.f32 v31, v14;
	v19 =	vld [tilespmem:s28+$0xFFFFFF30]  }
0x24f: {  	v26 =	vadd.f32 v33, v26;
	v27 =	vadd.f32 v34, v28;
	v23 =	vmul.f32 v23, v12;
	v28 =	vld [tilespmem:s28+$0xFFFFFF40]  }
0x250: {  	v24 =	vadd.f32 v24, v25;
	v14 =	vadd.f32 v14, v16;
	v12 =	vmul.f32 v30, v12;
	v16 =	vld [tilespmem:s28+$0xFFFFFF70]  }
0x251: {  	v21 =	vadd.f32 v21, v26;
	v20 =	vadd.f32 v20, v27;
	v22 =	vmul.f32 v22, v11;
	v25 =	vld [tilespmem:s28+$0xFFFFFF80]  }
0x252: {  	v23 =	vadd.f32 v23, v24;
	v12 =	vadd.f32 v12, v14;
	v11 =	vmul.f32 v29, v11;
	v14 =	vld [tilespmem:s28+$0xFFFFFFB0]  }
0x253: {  	v18 =	vadd.f32 v18, v21;
	v17 =	vadd.f32 v17, v20;
	v19 =	vmul.f32 v19, v7;
	v20 =	vld [tilespmem:s28+$0xFFFFFFC0]  }
0x254: {  	v21 =	vadd.f32 v22, v23;
	v11 =	vadd.f32 v11, v12;
	v7 =	vmul.f32 v28, v7;
	v12 =	vld [tilespmem:s28+$0xFFFFFFF0]  }
0x255: {  	v15 =	vadd.f32 v15, v18;
	v1 =	vadd.f32 v1, v17;
	v16 =	vmul.f32 v16, v4;
	v17 =	vld [tilespmem:s28+$0x0];
	s28 =	sadd.s32 $0x400, s28  }
0x256: {  	v19 =	vadd.f32 v19, v21;
	v18 =	vld [tilespmem:s28+$0xFFFFFFD0];
	v7 =	vadd.f32 v7, v11;
	v4 =	vmul.f32 v25, v4  }
0x257: {  	v11 =	vadd.f32 v13, v15;
	v1 =	vadd.f32 v2, v1;
	v21 =	vld [tilespmem:s28+$0xFFFFFFE0];
	v2 =	vmul.f32 v14, v3  }
0x258: {  	v14 =	vadd.f32 v16, v19;
	v13 =	vld [tilespmem:s28+$0xFFFFFF90];
	v4 =	vadd.f32 v4, v7;
	v3 =	vmul.f32 v20, v3  }
0x259: {  	v7 =	vadd.f32 v10, v11;
	v1 =	vadd.f32 v9, v1;
	v15 =	vld [tilespmem:s28+$0xFFFFFFA0];
	v9 =	vmul.f32 v12, v0  }
0x25a: {  	v2 =	vadd.f32 v2, v14;
	v20 =	vld [tilespmem:s28+$0xFFFFFF50];
	v3 =	vadd.f32 v3, v4;
	v0 =	vmul.f32 v17, v0  }
0x25b: {  	v26 =	vadd.f32 v6, v7;
	v28 =	vadd.f32 v5, v1;
	v17 =	vld [tilespmem:s28+$0xFFFFFF60]  }
0x25c: {  	s1 =	sshra.s32 s29, $0x2;
	v29 =	vadd.f32 v9, v2;
	v1 =	vld [tilespmem:s28+$0xFFFFFF10];
	v30 =	vadd.f32 v0, v3  }
0x25d: {  	v0 =	vld.idx.msk [tilespmem:v8+s1+$0x0 ss:$0x1], $0xffff  }
0x25e: {  	v47 =	vld [tilespmem:s28+$0xFFFFFF20]  }
0x25f: {  	v48 =	vld [tilespmem:s28+$0xFFFFFED0]  }
0x260: {  	v49 =	vld [tilespmem:s28+$0xFFFFFEE0]  }
0x261: {  	v50 =	vld [tilespmem:s28+$0xFFFFFE90]  }
0x262: {  	v51 =	vld [tilespmem:s28+$0xFFFFFEA0]  }
0x263: {  	v2 =	vcvt.s32.f32 v0;
	v33 =	vld [tilespmem:s28+$0xFFFFFE50]  }
0x264: {  	v34 =	vld [tilespmem:s28+$0xFFFFFE60]  }
0x265: {  	v3 =	vbroadcast v2, $0xE;
	v0 =	vbroadcast v2, $0xF;
	v35 =	vld [tilespmem:s28+$0xFFFFFE10]  }
0x266: {  	v7 =	vbroadcast v2, $0xC;
	v4 =	vbroadcast v2, $0xD;
	v36 =	vld [tilespmem:s28+$0xFFFFFE20]  }
0x267: {  	v12 =	vbroadcast v2, $0xA;
	v11 =	vbroadcast v2, $0xB;
	v37 =	vld [tilespmem:s28+$0xFFFFFDD0]  }
0x268: {  	v16 =	vbroadcast v2, $0x8;
	v14 =	vbroadcast v2, $0x9;
	v38 =	vld [tilespmem:s28+$0xFFFFFDE0]  }
0x269: {  	v22 =	vbroadcast v2, $0x6;
	v19 =	vbroadcast v2, $0x7;
	v39 =	vld [tilespmem:s28+$0xFFFFFD90]  }
0x26a: {  	v24 =	vbroadcast v2, $0x4;
	v23 =	vbroadcast v2, $0x5;
	v40 =	vld [tilespmem:s28+$0xFFFFFDA0]  }
0x26b: {  	v27 =	vbroadcast v2, $0x2;
	v25 =	vbroadcast v2, $0x3;
	v41 =	vld [tilespmem:s28+$0xFFFFFD50]  }
0x26c: {  	v32 =	vbroadcast v2, $0x0;
	v31 =	vbroadcast v2, $0x1;
	v43 =	vld [tilespmem:s28+$0xFFFFFD60]  }
0x26d: {  	v6 =	vmul.f32 v18, v0;
	v5 =	vmul.f32 v21, v0;
	v42 =	vld [tilespmem:s28+$0xFFFFFD10]  }
.Ltmp3:
0x26e: {  	v10 =	vmul.f32 v13, v3;
	v9 =	vmul.f32 v15, v3;
	v44 =	vld [tilespmem:s28+$0xFFFFFD20];
	(pc) =	sbr.rel @p0 .LBB2_9-.Ltmp3, $4  }
0x26f: {  	v13 =	vmul.f32 v20, v4;
	v2 =	vmul.f32 v17, v4;
	v45 =	vld [tilespmem:s28+$0xFFFFFCD0]  }
0x270: {  	v15 =	vmul.f32 v1, v7;
	v1 =	vmul.f32 v47, v7;
	v46 =	vld [tilespmem:s28+$0xFFFFFCE0]  }
0x271: {  	v18 =	vmul.f32 v48, v11;
	v17 =	vmul.f32 v49, v11;
	v47 =	vld [tilespmem:s28+$0xFFFFFC90]  }
0x272: {  	s29 =	sadd.s32 $0x40, s29;
	v21 =	vmul.f32 v50, v12;
	v20 =	vmul.f32 v51, v12;
	v48 =	vld [tilespmem:s28+$0xFFFFFCA0]  }
0x273: {  	v8 =	vld [tilespmem:s28+$0xFFFFFC50]  }
0x274: {  	v33 =	vmul.f32 v33, v14;
	v49 =	vld [tilespmem:s28+$0xFFFFFC60]  }
0x275: {  	v34 =	vmul.f32 v34, v14;
	v35 =	vmul.f32 v35, v16;
	v50 =	vld [tilespmem:s28+$0xFFFFFC10]  }
0x276: {  	v36 =	vmul.f32 v36, v16;
	v37 =	vmul.f32 v37, v19;
	v51 =	vld [tilespmem:s28+$0xFFFFFC20]  }
0x277: {  	v38 =	vmul.f32 v38, v19;
	v39 =	vmul.f32 v39, v22;
	v52 =	vld [tilespmem:s28+$0xFFFFFC30]  }
0x278: {  	v40 =	vmul.f32 v40, v22;
	v41 =	vmul.f32 v41, v23;
	v53 =	vld [tilespmem:s28+$0xFFFFFC40]  }
0x279: {  	v43 =	vmul.f32 v43, v23;
	v42 =	vmul.f32 v42, v24;
	v54 =	vld [tilespmem:s28+$0xFFFFFC70]  }
0x27a: {  	v44 =	vmul.f32 v44, v24;
	v55 =	vld [tilespmem:s28+$0xFFFFFC80];
	v45 =	vmul.f32 v45, v25  }
0x27b: {  	v56 =	vld [tilespmem:s28+$0xFFFFFCB0];
	v46 =	vmul.f32 v46, v25;
	v47 =	vmul.f32 v47, v27  }
0x27c: {  	v8 =	vmul.f32 v8, v31;
	v50 =	vmul.f32 v32, v50  }
0x27d: {  	v57 =	vld [tilespmem:s28+$0xFFFFFCC0];
	v51 =	vmul.f32 v32, v51;
	v52 =	vmul.f32 v52, v32  }
0x27e: {  	v60 =	vld [tilespmem:s28+$0xFFFFFCF0];
	v49 =	vmul.f32 v49, v31;
	v59 =	vmul.f32 v53, v32;
	v26 =	vadd.f32 v50, v26  }
0x27f: {  	v62 =	vld [tilespmem:s28+$0xFFFFFD00];
	v61 =	vmul.f32 v54, v31;
	v63 =	vmul.f32 v55, v31;
	v28 =	vadd.f32 v51, v28  }
0x280: {  	v55 =	vmul.f32 v56, v27;
	v56 =	vld [tilespmem:s28+$0xFFFFFD40];
	v29 =	vadd.f32 v52, v29;
	v8 =	vadd.f32 v8, v26  }
0x281: {  	v48 =	vmul.f32 v48, v27;
	v30 =	vadd.f32 v59, v30;
	v52 =	vld [tilespmem:s28+$0xFFFFFD30];
	v54 =	vadd.f32 v49, v28  }
0x282: {  	v58 =	vmul.f32 v57, v27;
	v59 =	vld [tilespmem:s28+$0xFFFFFD70];
	v29 =	vadd.f32 v61, v29;
	v8 =	vadd.f32 v47, v8  }
0x283: {  	v60 =	vmul.f32 v60, v25;
	v50 =	vld [tilespmem:s28+$0xFFFFFDC0];
	v30 =	vadd.f32 v63, v30;
	v26 =	vadd.f32 v48, v54  }
0x284: {  	v62 =	vmul.f32 v62, v25;
	v61 =	vld [tilespmem:s28+$0xFFFFFD80];
	v28 =	vadd.f32 v55, v29;
	v8 =	vadd.f32 v45, v8  }
0x285: {  	v63 =	vld [tilespmem:s28+$0xFFFFFDB0];
	v51 =	vmul.f32 v56, v24;
	v27 =	vadd.f32 v58, v30;
	v26 =	vadd.f32 v46, v26  }
0x286: {  	v53 =	vld [tilespmem:s28+$0xFFFFFE00];
	v46 =	vmul.f32 v52, v24;
	v28 =	vadd.f32 v60, v28;
	v8 =	vadd.f32 v42, v8  }
0x287: {  	v31 =	vmul.f32 v59, v23;
	v25 =	vadd.f32 v62, v27;
	v52 =	vld [tilespmem:s28+$0xFFFFFDF0];
	v26 =	vadd.f32 v44, v26  }
0x288: {  	v56 =	vld [tilespmem:s28+$0xFFFFFE40];
	v57 =	vmul.f32 v50, v22;
	v28 =	vadd.f32 v46, v28;
	v8 =	vadd.f32 v41, v8  }
0x289: {  	v55 =	vld [tilespmem:s28+$0xFFFFFE30];
	v54 =	vmul.f32 v61, v23;
	v24 =	vadd.f32 v51, v25;
	v26 =	vadd.f32 v43, v26  }
0x28a: {  	v32 =	vld [tilespmem:s28+$0xFFFFFEF0];
	v29 =	vmul.f32 v63, v22;
	v28 =	vadd.f32 v31, v28;
	v8 =	vadd.f32 v39, v8  }
0x28b: {  	v58 =	vld [tilespmem:s28+$0xFFFFFE70];
	v60 =	vmul.f32 v53, v19;
	v23 =	vadd.f32 v54, v24;
	v26 =	vadd.f32 v40, v26  }
0x28c: {  	v59 =	vld [tilespmem:s28+$0xFFFFFE80];
	v27 =	vmul.f32 v52, v19;
	v28 =	vadd.f32 v29, v28;
	v8 =	vadd.f32 v37, v8  }
0x28d: {  	v61 =	vld [tilespmem:s28+$0xFFFFFEB0];
	v63 =	vmul.f32 v56, v16;
	v22 =	vadd.f32 v57, v23;
	v26 =	vadd.f32 v38, v26  }
0x28e: {  	v62 =	vld [tilespmem:s28+$0xFFFFFEC0];
	v25 =	vmul.f32 v55, v16;
	v27 =	vadd.f32 v27, v28;
	v8 =	vadd.f32 v35, v8  }
0x28f: {  	v44 =	vmul.f32 v32, v11;
	v19 =	vadd.f32 v60, v22;
	v37 =	vld [tilespmem:$0x13810];
	v26 =	vadd.f32 v36, v26  }
0x290: {  	v24 =	vmul.f32 v58, v14;
	v38 =	vld [tilespmem:s28+$0xFFFFFF00];
	v25 =	vadd.f32 v25, v27;
	v8 =	vadd.f32 v33, v8  }
0x291: {  	v39 =	vmul.f32 v59, v14;
	v40 =	vld [tilespmem:s28+$0xFFFFFF30];
	v16 =	vadd.f32 v63, v19;
	v26 =	vadd.f32 v34, v26  }
0x292: {  	v41 =	vld [tilespmem:s28+$0xFFFFFF40];
	v23 =	vmul.f32 v61, v12;
	v24 =	vadd.f32 v24, v25;
	v8 =	vadd.f32 v21, v8  }
0x293: {  	v43 =	vld [tilespmem:s28+$0xFFFFFF70];
	v42 =	vmul.f32 v62, v12;
	v14 =	vadd.f32 v39, v16;
	v20 =	vadd.f32 v20, v26  }
0x294: {  	v45 =	vld [tilespmem:s28+$0xFFFFFF80];
	(erf) = vrcp.f32 v37;
	v23 =	vadd.f32 v23, v24;
	v8 =	vadd.f32 v18, v8  }
0x295: {  	v47 =	vld [tilespmem:s28+$0xFFFFFFB0];
	v46 =	vmul.f32 v38, v11;
	v12 =	vadd.f32 v42, v14;
	v17 =	vadd.f32 v17, v20  }
0x296: {  	v49 =	vld [tilespmem:s28+$0xFFFFFFC0];
	v48 =	vmul.f32 v40, v7;
	v50 =	vadd.f32 v44, v23;
	v8 =	vadd.f32 v15, v8  }
0x297: {  	v52 =	vld [tilespmem:s28+$0xFFFFFFF0];
	v51 =	vmul.f32 v41, v7;
	v11 =	vadd.f32 v46, v12;
	v1 =	vadd.f32 v1, v17  }
0x298: {  	v54 =	vld [tilespmem:s28+$0x0];
	v53 =	vmul.f32 v43, v4;
	v55 =	vadd.f32 v48, v50;
	v8 =	vadd.f32 v13, v8  }
0x299: {  	v56 =	vmul.f32 v45, v4;
	v7 =	vadd.f32 v51, v11;
	v1 =	vadd.f32 v2, v1  }
0x29a: {  	v57 =	vmul.f32 v47, v3;
	v58 =	vadd.f32 v53, v55;
	v8 =	vadd.f32 v10, v8  }
0x29b: {  	v59 =	vmul.f32 v49, v3;
	v4 =	vadd.f32 v56, v7;
	v1 =	vadd.f32 v9, v1  }
0x29c: {  	v60 =	vmul.f32 v52, v0;
	v2 =	vadd.f32 v57, v58;
	v6 =	vadd.f32 v6, v8  }
0x29d: {  	s25 =	sadd.s32 $0x1, s25;
	v61 =	vmul.f32 v54, v0;
	v3 =	vadd.f32 v59, v4;
	v62 =	vpop (erf);
	v1 =	vadd.f32 v5, v1  }
0x29e: {  	s1 =	sshll.u32 s26, $0x6;
	p0 =	sne.s32 s25, $0x40;
	v2 =	vadd.f32 v60, v2;
	v63 =	vmul.f32 v62, v6  }
.Ltmp4:
0x29f: {  	s1 =	sand.u32 $0x3FFFFFC0, s1;
	v0 =	vadd.f32 v61, v3;
	v1 =	vmul.f32 v62, v1;
	(pc) =	sbr.rel @p0 .LBB2_2-.Ltmp4, $4  }
0x2a0: {  	v2 =	vmul.f32 v62, v2;
	[tilespmem:s1+$0x13820] =	vst v63  }
0x2a1: {  	v0 =	vmul.f32 v62, v0;
	[tilespmem:s1+$0x13830] =	vst v1  }
0x2a2: {  	s21 =	sadd.s32 $0x1A0, s21;
	[tilespmem:s1+$0x13840] =	vst v2  }
0x2a3: {  	s22 =	sadd.s32 $0x1A0, s22;
	s23 =	sadd.s32 $0x1A0, s23;
	s24 =	sadd.s32 $0x1A0, s24;
	[tilespmem:s1+$0x13850] =	vst v0  }
0x2a4: {  	s20 =	sadd.s32 $0x1, s20  }
0x2a5: {  	p0 =	sne.s32 s20, s7  }
.Ltmp5:
0x2a6: {  	_ = 	snop;
	(pc) =	sbr.rel @p0 .LBB2_1-.Ltmp5, $4  }
0x2a7: {  	[hbm4b:s6+s2] =	stream.linear.scatter [tilespmem:s19], [sflag:$0x5], $0x2000, $0x38;
	[tilespmem:$0x15820] =	vst v63  }
0x2a8: {  	_ =	swait.ge [sflag:s8], $0x2000  }
0x2a9: {  	[sflag:s8] =	ssyncset.done $0x0  }
0x2aa: {  	[sflag:s8] =	ssyncadd.s32 $0xFFFFE000  }
0x2ab: {  	_ =	sfence.sel $0x180000  }
0x2ac: {  	[bflag:$0x0] =	sbarrier.arrive $0xFFFF  }
0x2ad: {  	_ =	strace $0x90000047  }
0x2ae: {  	[bflag:$0x2] =	sbarrier.arrive $0xFFFF  }
0x2af: {  	p0 =	sne.s32 s0, $0x0;
	s0 =	rddreg [dreg:$0x2]  }
0x2b0: {  	s0 =	sadd.s32 @!p0 $0x100000, s0  }
0x2b1: {  	[sflag:s0] =	ssyncadd.tile.s32 @!p0 $0x1;
	_ =	shalt  }
.Lfunc_end2:
_tile_overlayer_lowered:
.L_overlay_start_2:
0x2b2: {  	(tag) =	ssettag $0x2  }
0x2b3: {  	s0 =	rddreg [dreg:$0x0];
	s2 =	stileid.u32  }
0x2b4: {  	s1 =	rddreg [dreg:$0x1];
	p0 =	sne.s32 s2, $0x0  }
0x2b5: {  	s3 =	rddreg [dreg:$0x2];
	[bflag:$0x3] =	sbarrier.arrive $0xFFFF;
	s2 =	simm.s32 @!p0 $0x1C05  }
0x2b6: {  	[timem:s3], [sflag:s2] =	dma.local @!p0 [hbm:s0], s1  }
0x2b7: {  	s0 =	simm.s32 @!p0 $0x5  }
0x2b8: {  	_ =	swait.ge @!p0 [sflag:s0], s1  }
0x2b9: {  	s1 =	ssub.s32 @!p0 $0x0, s1;
	[sflag:s0] =	ssyncset.done @!p0 $0x0  }
0x2ba: {  	[sflag:s0] =	ssyncadd.s32 @!p0 s1  }
0x2bb: {  	[bflag:$0x3] =	sbarrier.arrive $0xFFFF  }
0x2bc: {  	_ =	shalt  }

</sc_bundles>
